<compile_context>
chip_gen: v7x
topology: tpu7x:2x2x1
jax: 0.10.2.dev20260603
libtpu: 0.0.44.dev20260713+nightly
codegen_flags: <defaults>
</compile_context>

<pallas_src>
import jax
import jax.numpy as jnp
from jax import lax
from jax.experimental import pallas as pl
from jax.experimental.pallas import tpu as pltpu
from jax.experimental.pallas import tpu_sc as plsc

N = 320000
D = 128
C = 10000

NC = 2
NS = 16
HALF = D // NC
ROWS_PER_SUB = N // NS
CHUNK = 80
NCHUNK = ROWS_PER_SUB // CHUNK
GROUPS = CHUNK // 16
STAGE = CHUNK
W = 2 * HALF + 16
CROWS = C // NS


def _ds16(c):
    return pl.ds(16 * c, 16)


def _tree(vals):
    while len(vals) > 1:
        nxt = [a + b for a, b in zip(vals[::2], vals[1::2])]
        if len(vals) % 2:
            nxt[-1] = nxt[-1] + vals[-1]
        vals = nxt
    return vals[0]


def _sc_body(inputs_hbm, labels_hbm, total_hbm, total2_hbm, counts_hbm,
             idx0, idx1, x0, x1, stage0, stage1, sidx0, sidx1,
             sem_x0, sem_x1, sem_i0, sem_i1, sem_s0, sem_s1, acc):
    ci = lax.axis_index("c")
    si = lax.axis_index("s")

    zeros16 = jnp.zeros((16,), jnp.float32)
    lane0 = lax.iota(jnp.int32, 16) == 0
    one_pat = jnp.where(lane0, 1.0, 0.0)
    sixteen_pat = jnp.where(lane0, 16.0, 0.0)
    trash_base = jnp.full((16,), C, jnp.int32) + lax.iota(jnp.int32, 16)

    def sidx_trash(sidx_v):
        for k in range(STAGE // 16):
            sidx_v[_ds16(k)] = trash_base + 16 * k

    @plsc.parallel_loop(0, STAGE, unroll=8)
    def _zs(r):
        for c in range(W // 16):
            stage0[r, _ds16(c)] = zeros16

    sidx_trash(sidx0)
    sidx_trash(sidx1)

    base = si * CROWS
    for z in range(CROWS // STAGE):
        pltpu.sync_copy(stage0, acc.at[pl.ds(base + z * STAGE, STAGE)])
    rem = CROWS - (CROWS // STAGE) * STAGE
    zb = base + (CROWS // STAGE) * STAGE
    pltpu.sync_copy(stage0.at[pl.ds(0, rem)], acc.at[pl.ds(zb, rem)])

    @pl.when(si == NS - 1)
    def _():
        pltpu.sync_copy(stage0, acc.at[pl.ds(C, STAGE)])

    plsc.subcore_barrier()

    pltpu.async_copy(stage0, acc.at[sidx0], sem_s0, add=True)
    pltpu.async_copy(stage1, acc.at[sidx1], sem_s1, add=True)

    def x_src(j):
        row0 = si * ROWS_PER_SUB + j * CHUNK
        return inputs_hbm.at[pl.ds(row0, CHUNK), pl.ds(ci * HALF, HALF)]

    def issue(j, x_v, idx_v, sem_x, sem_i):
        pltpu.async_copy(x_src(j), x_v, sem_x)
        pltpu.async_copy(labels_hbm.at[si, j], idx_v, sem_i)

    def wait(j, x_v, idx_v, sem_x, sem_i):
        pltpu.make_async_copy(x_src(j), x_v, sem_x).wait()
        pltpu.make_async_copy(labels_hbm.at[si, j], idx_v, sem_i).wait()

    def process(x_v, idx_v, stage, sidx):
        def group(g, fc):
            r0 = 16 * g
            lv = idx_v[pl.ds(r0, 16)]

            def uniform(fc):
                for c in range(HALF // 16):
                    vs = [x_v[r0 + r, _ds16(c)] for r in range(16)]
                    sq = [v * v for v in vs]
                    stage[fc, _ds16(c)] = _tree(vs)
                    stage[fc, _ds16(4 + c)] = _tree(sq)
                stage[fc, _ds16(8)] = sixteen_pat
                old = sidx[pl.ds(fc, 16)]
                sidx[pl.ds(fc, 16)] = jnp.where(lane0, lv, old)
                return fc + 1

            def mixed(fc):
                for r in range(16):
                    k = fc + r
                    for c in range(HALF // 16):
                        v = x_v[r0 + r, _ds16(c)]
                        stage[k, _ds16(c)] = v
                        stage[k, _ds16(4 + c)] = v * v
                    stage[k, _ds16(8)] = one_pat
                sidx[pl.ds(fc, 16)] = lv
                return fc + 16

            return lax.cond(lv[0] == lv[15], uniform, mixed, fc)

        lax.fori_loop(0, GROUPS, group, jnp.int32(0))

    issue(0, x0, idx0, sem_x0, sem_i0)
    issue(1, x1, idx1, sem_x1, sem_i1)

    def step(j, x_v, idx_v, stage, sidx, sem_x, sem_i, sem_s):
        wait(j, x_v, idx_v, sem_x, sem_i)
        pltpu.make_async_copy(stage, acc.at[sidx], sem_s).wait()
        sidx_trash(sidx)
        process(x_v, idx_v, stage, sidx)
        pltpu.async_copy(stage, acc.at[sidx], sem_s, add=True)

        @pl.when(j + 2 < NCHUNK)
        def _():
            issue(j + 2, x_v, idx_v, sem_x, sem_i)

    def pair(p, carry):
        j0 = 2 * p
        step(j0, x0, idx0, stage0, sidx0, sem_x0, sem_i0, sem_s0)
        step(j0 + 1, x1, idx1, stage1, sidx1, sem_x1, sem_i1, sem_s1)
        return carry

    lax.fori_loop(0, NCHUNK // 2, pair, jnp.int32(0))
    pltpu.make_async_copy(stage0, acc.at[sidx0], sem_s0).wait()
    pltpu.make_async_copy(stage1, acc.at[sidx1], sem_s1).wait()
    plsc.subcore_barrier()

    pltpu.sync_copy(acc.at[pl.ds(base, CROWS), pl.ds(0, HALF)],
                    total_hbm.at[pl.ds(base, CROWS), pl.ds(ci * HALF, HALF)])
    pltpu.sync_copy(acc.at[pl.ds(base, CROWS), pl.ds(HALF, HALF)],
                    total2_hbm.at[pl.ds(base, CROWS), pl.ds(ci * HALF, HALF)])

    @pl.when(ci == 0)
    def _():
        pltpu.sync_copy(acc.at[pl.ds(base, CROWS), pl.ds(2 * HALF, 16)],
                        counts_hbm.at[pl.ds(base, CROWS)])


@jax.jit
def _sc_segment_stats(inputs, labels3):
    mesh = plsc.VectorSubcoreMesh(core_axis_name="c", subcore_axis_name="s")
    f = pl.kernel(
        _sc_body,
        out_type=(
            jax.ShapeDtypeStruct((C, D), jnp.float32),
            jax.ShapeDtypeStruct((C, D), jnp.float32),
            jax.ShapeDtypeStruct((C, 16), jnp.float32),
        ),
        mesh=mesh,
        compiler_params=pltpu.CompilerParams(use_tc_tiling_on_sc=False),
        scratch_types=[
            pltpu.VMEM((CHUNK,), jnp.int32),
            pltpu.VMEM((CHUNK,), jnp.int32),
            pltpu.VMEM((CHUNK, HALF), jnp.float32),
            pltpu.VMEM((CHUNK, HALF), jnp.float32),
            pltpu.VMEM((STAGE, W), jnp.float32),
            pltpu.VMEM((STAGE, W), jnp.float32),
            pltpu.VMEM((STAGE,), jnp.int32),
            pltpu.VMEM((STAGE,), jnp.int32),
            pltpu.SemaphoreType.DMA,
            pltpu.SemaphoreType.DMA,
            pltpu.SemaphoreType.DMA,
            pltpu.SemaphoreType.DMA,
            pltpu.SemaphoreType.DMA,
            pltpu.SemaphoreType.DMA,
            pltpu.VMEM_SHARED((C + STAGE, W), jnp.float32),
        ],
    )
    return f(inputs, labels3)


def _update_body(total_ref, total2_ref, counts_ref, mean_ref, var_ref, cc_ref,
                 new_mean_ref, new_var_ref, new_cc_ref):
    cnt = counts_ref[:, 0:1]
    cc_f = cc_ref[...].astype(jnp.float32)
    inv = 1.0 / (cc_f + cnt)
    keep = cc_f * inv
    new_mean = mean_ref[...] * keep + total_ref[...] * inv
    new_mean_ref[...] = new_mean
    new_var_ref[...] = var_ref[...] * keep + (
        total2_ref[...] - cnt * new_mean * new_mean) * inv
    new_cc_ref[...] = cc_ref[...] + cnt.astype(jnp.int32)


@jax.jit
def _tc_update(total, total2, counts, running_mean, running_var, class_count):
    BC = 1000
    grid = C // BC
    return pl.pallas_call(
        _update_body,
        grid=(grid,),
        in_specs=[
            pl.BlockSpec((BC, D), lambda i: (i, 0)),
            pl.BlockSpec((BC, D), lambda i: (i, 0)),
            pl.BlockSpec((BC, 16), lambda i: (i, 0)),
            pl.BlockSpec((BC, D), lambda i: (i, 0)),
            pl.BlockSpec((BC, D), lambda i: (i, 0)),
            pl.BlockSpec((BC, 1), lambda i: (i, 0)),
        ],
        out_specs=[
            pl.BlockSpec((BC, D), lambda i: (i, 0)),
            pl.BlockSpec((BC, D), lambda i: (i, 0)),
            pl.BlockSpec((BC, 1), lambda i: (i, 0)),
        ],
        out_shape=[
            jax.ShapeDtypeStruct((C, D), jnp.float32),
            jax.ShapeDtypeStruct((C, D), jnp.float32),
            jax.ShapeDtypeStruct((C, 1), jnp.int32),
        ],
    )(total, total2, counts, running_mean, running_var, class_count)


def kernel(inputs, labels, running_mean, running_var, class_count):
    labels3 = labels.reshape(NS, NCHUNK, CHUNK)
    total, total2, counts = _sc_segment_stats(inputs, labels3)
    new_mean, new_var, new_cc = _tc_update(
        total, total2, counts, running_mean, running_var, class_count)
    return new_mean, new_var, new_cc

# --- scband reference (transcript-rebuilt; emitter-appended) ---
"""Pipeline reference for scband-stats-hook-15281493639587 (READ-ONLY COPY).

The authoritative reference and input builder live on the scoring server;
editing this copy changes nothing except your own understanding.
"""

import jax, jax.numpy as jnp
import numpy as np

N = 320000
D = 128
C = 10000


def setup_inputs(seed: int = 0) -> dict:
    key = jax.random.key(seed)
    k1, k2, k3, k4 = jax.random.split(key, 4)
    inputs = jax.random.normal(k1, (N, D), dtype=jnp.float32)
    labels = jnp.sort(jax.random.randint(k2, (N,), 0, C, dtype=jnp.int32))
    running_mean = jax.random.normal(k3, (C, D), dtype=jnp.float32) * 0.1
    running_var = jax.random.uniform(k4, (C, D), dtype=jnp.float32)
    class_count = jnp.ones((C, 1), dtype=jnp.int32)
    return {
        'inputs': inputs,
        'labels': labels,
        'running_mean': running_mean,
        'running_var': running_var,
        'class_count': class_count,
    }


def reference(inputs, labels, running_mean, running_var, class_count):
    # Faithful translation of cat_cond_mean_ (class_conditional=True branch),
    # as invoked by StatsHook.hook_fn with tracking_stats=True.
    n_classes = running_mean.shape[0]
    # total = zeros.index_add_(0, labels, inputs)  -> segment_sum (scatter-add)
    total = jax.ops.segment_sum(inputs, labels, num_segments=n_classes)
    # N_class = bincount(labels, minlength=n_classes).unsqueeze(-1)
    N_class = jnp.bincount(labels, length=n_classes)[:, None]
    cc_f = class_count.astype(jnp.float32)
    new_cc = class_count + N_class.astype(class_count.dtype)
    new_cc_f = new_cc.astype(jnp.float32)
    # mean.mul_(cc_f / cc); mean.add_(total / cc)
    new_mean = running_mean * (cc_f / new_cc_f) + total / new_cc_f
    # total_2: per-class sum of squares (loop in torch == scatter-add of x**2)
    total_2 = jax.ops.segment_sum(inputs ** 2, labels, num_segments=n_classes)
    # var.mul_(cc_f / cc); var.add_((total_2 - N_class * mean**2) / cc)
    new_var = running_var * (cc_f / new_cc_f) + (
        total_2 - N_class.astype(jnp.float32) * new_mean ** 2
    ) / new_cc_f
    return new_mean, new_var, new_cc

if __name__ == "__main__":
    import jax
    _d = setup_inputs()
    print(jax.jit(kernel)(*tuple(_d.values())))

</pallas_src>

<mosaic_0001>
#map = affine_map<(d0, d1) -> (0, 0)>
#map1 = affine_map<(d0, d1) -> (0, 0, 0)>
module attributes {stable_mosaic.version = 14 : i64} {
  func.func @_sc_body(%arg0: i32, %arg1: i32, %arg2: memref<320000x128xf32, #tpu.memory_space<hbm>>, %arg3: memref<16x250x80xi32, #tpu.memory_space<hbm>>, %arg4: memref<10000x128xf32, #tpu.memory_space<hbm>>, %arg5: memref<10000x128xf32, #tpu.memory_space<hbm>>, %arg6: memref<10000x16xf32, #tpu.memory_space<hbm>>, %arg7: memref<80xi32, #tpu.memory_space<vmem>>, %arg8: memref<80xi32, #tpu.memory_space<vmem>>, %arg9: memref<80x64xf32, #tpu.memory_space<vmem>>, %arg10: memref<80x64xf32, #tpu.memory_space<vmem>>, %arg11: memref<80x144xf32, #tpu.memory_space<vmem>>, %arg12: memref<80x144xf32, #tpu.memory_space<vmem>>, %arg13: memref<80xi32, #tpu.memory_space<vmem>>, %arg14: memref<80xi32, #tpu.memory_space<vmem>>, %arg15: memref<!tpu.dma_semaphore, #tpu.memory_space<semaphore_mem>>, %arg16: memref<!tpu.dma_semaphore, #tpu.memory_space<semaphore_mem>>, %arg17: memref<!tpu.dma_semaphore, #tpu.memory_space<semaphore_mem>>, %arg18: memref<!tpu.dma_semaphore, #tpu.memory_space<semaphore_mem>>, %arg19: memref<!tpu.dma_semaphore, #tpu.memory_space<semaphore_mem>>, %arg20: memref<!tpu.dma_semaphore, #tpu.memory_space<semaphore_mem>>, %arg21: memref<10080x144xf32, #tpu.memory_space<vmem_shared>>) attributes {dimension_semantics = [#tpu.dimension_semantics<core_parallel>, #tpu.dimension_semantics<subcore_parallel>], iteration_bounds = array<i64: 2, 16>, scalar_prefetch = 0 : i64, scratch_operands = 15 : i64, tpu.core_type = #tpu.core_type<sc_vector_subcore>, window_params = [{transform_indices = #map}, {transform_indices = #map1}, {transform_indices = #map}, {transform_indices = #map}, {transform_indices = #map}]} {
    %broadcast_in_dim3A = arith.constant 0.000000e+00 : f32
    %broadcast_in_dim3A_0 = vector.broadcast %broadcast_in_dim3A : f32 to vector<16xf32>
    %iota3A = tpu.iota {dimensions = array<i32: 0>} : vector<16xi32>
    %eq3A = arith.constant 0 : i32
    %eq3A_1 = vector.broadcast %eq3A : i32 to vector<16xi32>
    %eq3A_2 = arith.cmpi eq, %iota3A, %eq3A_1 : vector<16xi32>
    %jit3A = arith.constant 1.000000e+00 : f32
    %jit3A_3 = arith.constant 0.000000e+00 : f32
    %broadcast_in_dim3A_4 = vector.broadcast %jit3A : f32 to vector<16xf32>
    %broadcast_in_dim3A_5 = vector.broadcast %jit3A_3 : f32 to vector<16xf32>
    %select_n3A = arith.select %eq3A_2, %broadcast_in_dim3A_4, %broadcast_in_dim3A_5 : vector<16xi1>, vector<16xf32>
    %jit3A_6 = arith.constant 1.600000e+01 : f32
    %jit3A_7 = arith.constant 0.000000e+00 : f32
    %broadcast_in_dim3A_8 = vector.broadcast %jit3A_6 : f32 to vector<16xf32>
    %broadcast_in_dim3A_9 = vector.broadcast %jit3A_7 : f32 to vector<16xf32>
    %select_n3A_10 = arith.select %eq3A_2, %broadcast_in_dim3A_8, %broadcast_in_dim3A_9 : vector<16xi1>, vector<16xf32>
    %broadcast_in_dim3A_11 = arith.constant 10000 : i32
    %broadcast_in_dim3A_12 = vector.broadcast %broadcast_in_dim3A_11 : i32 to vector<16xi32>
    %iota3A_13 = tpu.iota {dimensions = array<i32: 0>} : vector<16xi32>
    %add3A = arith.addi %broadcast_in_dim3A_12, %iota3A_13 : vector<16xi32>
    %parallel_loop3A = arith.constant 0 : i32
    %parallel_loop3A_14 = arith.constant 80 : i32
    %parallel_loop3A_15 = arith.constant 1 : i32
    scf.for %parallel_loop3A_160 = %parallel_loop3A to %parallel_loop3A_14 step %parallel_loop3A_15  : i32 {
      %parallel_loop3A_161 = arith.index_cast %parallel_loop3A_160 : i32 to index
      %parallel_loop3A_162 = arith.constant 0 : index
      %parallel_loop3A_163 = tpu.vector_load %arg11[%parallel_loop3A_161, %parallel_loop3A_162] {strides = array<i32>} : memref<80x144xf32, #tpu.memory_space<vmem>>, vector<1x16xf32>,
      %parallel_loop3A_164 = vector.shape_cast %parallel_loop3A_163 : vector<1x16xf32> to vector<16xf32>
      %parallel_loop3A_165 = vector.shape_cast %broadcast_in_dim3A_0 : vector<16xf32> to vector<1x16xf32>
      tpu.vector_store %arg11[%parallel_loop3A_161, %parallel_loop3A_162], %parallel_loop3A_165 {strides = array<i32>} : memref<80x144xf32, #tpu.memory_space<vmem>>, vector<1x16xf32>,
      %parallel_loop3A_166 = arith.index_cast %parallel_loop3A_160 : i32 to index
      %parallel_loop3A_167 = arith.constant 16 : index
      %parallel_loop3A_168 = tpu.vector_load %arg11[%parallel_loop3A_166, %parallel_loop3A_167] {strides = array<i32>} : memref<80x144xf32, #tpu.memory_space<vmem>>, vector<1x16xf32>,
      %parallel_loop3A_169 = vector.shape_cast %parallel_loop3A_168 : vector<1x16xf32> to vector<16xf32>
      %parallel_loop3A_170 = vector.shape_cast %broadcast_in_dim3A_0 : vector<16xf32> to vector<1x16xf32>
      tpu.vector_store %arg11[%parallel_loop3A_166, %parallel_loop3A_167], %parallel_loop3A_170 {strides = array<i32>} : memref<80x144xf32, #tpu.memory_space<vmem>>, vector<1x16xf32>,
      %parallel_loop3A_171 = arith.index_cast %parallel_loop3A_160 : i32 to index
      %parallel_loop3A_172 = arith.constant 32 : index
      %parallel_loop3A_173 = tpu.vector_load %arg11[%parallel_loop3A_171, %parallel_loop3A_172] {strides = array<i32>} : memref<80x144xf32, #tpu.memory_space<vmem>>, vector<1x16xf32>,
      %parallel_loop3A_174 = vector.shape_cast %parallel_loop3A_173 : vector<1x16xf32> to vector<16xf32>
      %parallel_loop3A_175 = vector.shape_cast %broadcast_in_dim3A_0 : vector<16xf32> to vector<1x16xf32>
      tpu.vector_store %arg11[%parallel_loop3A_171, %parallel_loop3A_172], %parallel_loop3A_175 {strides = array<i32>} : memref<80x144xf32, #tpu.memory_space<vmem>>, vector<1x16xf32>,
      %parallel_loop3A_176 = arith.index_cast %parallel_loop3A_160 : i32 to index
      %parallel_loop3A_177 = arith.constant 48 : index
      %parallel_loop3A_178 = tpu.vector_load %arg11[%parallel_loop3A_176, %parallel_loop3A_177] {strides = array<i32>} : memref<80x144xf32, #tpu.memory_space<vmem>>, vector<1x16xf32>,
      %parallel_loop3A_179 = vector.shape_cast %parallel_loop3A_178 : vector<1x16xf32> to vector<16xf32>
      %parallel_loop3A_180 = vector.shape_cast %broadcast_in_dim3A_0 : vector<16xf32> to vector<1x16xf32>
      tpu.vector_store %arg11[%parallel_loop3A_176, %parallel_loop3A_177], %parallel_loop3A_180 {strides = array<i32>} : memref<80x144xf32, #tpu.memory_space<vmem>>, vector<1x16xf32>,
      %parallel_loop3A_181 = arith.index_cast %parallel_loop3A_160 : i32 to index
      %parallel_loop3A_182 = arith.constant 64 : index
      %parallel_loop3A_183 = tpu.vector_load %arg11[%parallel_loop3A_181, %parallel_loop3A_182] {strides = array<i32>} : memref<80x144xf32, #tpu.memory_space<vmem>>, vector<1x16xf32>,
      %parallel_loop3A_184 = vector.shape_cast %parallel_loop3A_183 : vector<1x16xf32> to vector<16xf32>
      %parallel_loop3A_185 = vector.shape_cast %broadcast_in_dim3A_0 : vector<16xf32> to vector<1x16xf32>
      tpu.vector_store %arg11[%parallel_loop3A_181, %parallel_loop3A_182], %parallel_loop3A_185 {strides = array<i32>} : memref<80x144xf32, #tpu.memory_space<vmem>>, vector<1x16xf32>,
      %parallel_loop3A_186 = arith.index_cast %parallel_loop3A_160 : i32 to index
      %parallel_loop3A_187 = arith.constant 80 : index
      %parallel_loop3A_188 = tpu.vector_load %arg11[%parallel_loop3A_186, %parallel_loop3A_187] {strides = array<i32>} : memref<80x144xf32, #tpu.memory_space<vmem>>, vector<1x16xf32>,
      %parallel_loop3A_189 = vector.shape_cast %parallel_loop3A_188 : vector<1x16xf32> to vector<16xf32>
      %parallel_loop3A_190 = vector.shape_cast %broadcast_in_dim3A_0 : vector<16xf32> to vector<1x16xf32>
      tpu.vector_store %arg11[%parallel_loop3A_186, %parallel_loop3A_187], %parallel_loop3A_190 {strides = array<i32>} : memref<80x144xf32, #tpu.memory_space<vmem>>, vector<1x16xf32>,
      %parallel_loop3A_191 = arith.index_cast %parallel_loop3A_160 : i32 to index
      %parallel_loop3A_192 = arith.constant 96 : index
      %parallel_loop3A_193 = tpu.vector_load %arg11[%parallel_loop3A_191, %parallel_loop3A_192] {strides = array<i32>} : memref<80x144xf32, #tpu.memory_space<vmem>>, vector<1x16xf32>,
      %parallel_loop3A_194 = vector.shape_cast %parallel_loop3A_193 : vector<1x16xf32> to vector<16xf32>
      %parallel_loop3A_195 = vector.shape_cast %broadcast_in_dim3A_0 : vector<16xf32> to vector<1x16xf32>
      tpu.vector_store %arg11[%parallel_loop3A_191, %parallel_loop3A_192], %parallel_loop3A_195 {strides = array<i32>} : memref<80x144xf32, #tpu.memory_space<vmem>>, vector<1x16xf32>,
      %parallel_loop3A_196 = arith.index_cast %parallel_loop3A_160 : i32 to index
      %parallel_loop3A_197 = arith.constant 112 : index
      %parallel_loop3A_198 = tpu.vector_load %arg11[%parallel_loop3A_196, %parallel_loop3A_197] {strides = array<i32>} : memref<80x144xf32, #tpu.memory_space<vmem>>, vector<1x16xf32>,
      %parallel_loop3A_199 = vector.shape_cast %parallel_loop3A_198 : vector<1x16xf32> to vector<16xf32>
      %parallel_loop3A_200 = vector.shape_cast %broadcast_in_dim3A_0 : vector<16xf32> to vector<1x16xf32>
      tpu.vector_store %arg11[%parallel_loop3A_196, %parallel_loop3A_197], %parallel_loop3A_200 {strides = array<i32>} : memref<80x144xf32, #tpu.memory_space<vmem>>, vector<1x16xf32>,
      %parallel_loop3A_201 = arith.index_cast %parallel_loop3A_160 : i32 to index
      %parallel_loop3A_202 = arith.constant 128 : index
      %parallel_loop3A_203 = tpu.vector_load %arg11[%parallel_loop3A_201, %parallel_loop3A_202] {strides = array<i32>} : memref<80x144xf32, #tpu.memory_space<vmem>>, vector<1x16xf32>,
      %parallel_loop3A_204 = vector.shape_cast %parallel_loop3A_203 : vector<1x16xf32> to vector<16xf32>
      %parallel_loop3A_205 = vector.shape_cast %broadcast_in_dim3A_0 : vector<16xf32> to vector<1x16xf32>
      tpu.vector_store %arg11[%parallel_loop3A_201, %parallel_loop3A_202], %parallel_loop3A_205 {strides = array<i32>} : memref<80x144xf32, #tpu.memory_space<vmem>>, vector<1x16xf32>,
    } {sc.loop_unroll_factor = 8 : i64, sc.parallel_access}
    %add3A_16 = arith.constant 0 : i32
    %add3A_17 = vector.broadcast %add3A_16 : i32 to vector<16xi32>
    %add3A_18 = arith.addi %add3A, %add3A_17 : vector<16xi32>
    %swap3A = arith.constant 0 : index
    %swap3A_19 = tpu.vector_load %arg13[%swap3A] {strides = array<i32>} : memref<80xi32, #tpu.memory_space<vmem>>, vector<16xi32>,
    %swap3A_20 = vector.shape_cast %swap3A_19 : vector<16xi32> to vector<16xi32>
    %swap3A_21 = vector.shape_cast %add3A_18 : vector<16xi32> to vector<16xi32>
    tpu.vector_store %arg13[%swap3A], %swap3A_21 {strides = array<i32>} : memref<80xi32, #tpu.memory_space<vmem>>, vector<16xi32>,
    %add3A_22 = arith.constant 16 : i32
    %add3A_23 = vector.broadcast %add3A_22 : i32 to vector<16xi32>
    %add3A_24 = arith.addi %add3A, %add3A_23 : vector<16xi32>
    %swap3A_25 = arith.constant 16 : index
    %swap3A_26 = tpu.vector_load %arg13[%swap3A_25] {strides = array<i32>} : memref<80xi32, #tpu.memory_space<vmem>>, vector<16xi32>,
    %swap3A_27 = vector.shape_cast %swap3A_26 : vector<16xi32> to vector<16xi32>
    %swap3A_28 = vector.shape_cast %add3A_24 : vector<16xi32> to vector<16xi32>
    tpu.vector_store %arg13[%swap3A_25], %swap3A_28 {strides = array<i32>} : memref<80xi32, #tpu.memory_space<vmem>>, vector<16xi32>,
    %add3A_29 = arith.constant 32 : i32
    %add3A_30 = vector.broadcast %add3A_29 : i32 to vector<16xi32>
    %add3A_31 = arith.addi %add3A, %add3A_30 : vector<16xi32>
    %swap3A_32 = arith.constant 32 : index
    %swap3A_33 = tpu.vector_load %arg13[%swap3A_32] {strides = array<i32>} : memref<80xi32, #tpu.memory_space<vmem>>, vector<16xi32>,
    %swap3A_34 = vector.shape_cast %swap3A_33 : vector<16xi32> to vector<16xi32>
    %swap3A_35 = vector.shape_cast %add3A_31 : vector<16xi32> to vector<16xi32>
    tpu.vector_store %arg13[%swap3A_32], %swap3A_35 {strides = array<i32>} : memref<80xi32, #tpu.memory_space<vmem>>, vector<16xi32>,
    %add3A_36 = arith.constant 48 : i32
    %add3A_37 = vector.broadcast %add3A_36 : i32 to vector<16xi32>
    %add3A_38 = arith.addi %add3A, %add3A_37 : vector<16xi32>
    %swap3A_39 = arith.constant 48 : index
    %swap3A_40 = tpu.vector_load %arg13[%swap3A_39] {strides = array<i32>} : memref<80xi32, #tpu.memory_space<vmem>>, vector<16xi32>,
    %swap3A_41 = vector.shape_cast %swap3A_40 : vector<16xi32> to vector<16xi32>
    %swap3A_42 = vector.shape_cast %add3A_38 : vector<16xi32> to vector<16xi32>
    tpu.vector_store %arg13[%swap3A_39], %swap3A_42 {strides = array<i32>} : memref<80xi32, #tpu.memory_space<vmem>>, vector<16xi32>,
    %add3A_43 = arith.constant 64 : i32
    %add3A_44 = vector.broadcast %add3A_43 : i32 to vector<16xi32>
    %add3A_45 = arith.addi %add3A, %add3A_44 : vector<16xi32>
    %swap3A_46 = arith.constant 64 : index
    %swap3A_47 = tpu.vector_load %arg13[%swap3A_46] {strides = array<i32>} : memref<80xi32, #tpu.memory_space<vmem>>, vector<16xi32>,
    %swap3A_48 = vector.shape_cast %swap3A_47 : vector<16xi32> to vector<16xi32>
    %swap3A_49 = vector.shape_cast %add3A_45 : vector<16xi32> to vector<16xi32>
    tpu.vector_store %arg13[%swap3A_46], %swap3A_49 {strides = array<i32>} : memref<80xi32, #tpu.memory_space<vmem>>, vector<16xi32>,
    %add3A_50 = arith.constant 0 : i32
    %add3A_51 = vector.broadcast %add3A_50 : i32 to vector<16xi32>
    %add3A_52 = arith.addi %add3A, %add3A_51 : vector<16xi32>
    %swap3A_53 = arith.constant 0 : index
    %swap3A_54 = tpu.vector_load %arg14[%swap3A_53] {strides = array<i32>} : memref<80xi32, #tpu.memory_space<vmem>>, vector<16xi32>,
    %swap3A_55 = vector.shape_cast %swap3A_54 : vector<16xi32> to vector<16xi32>
    %swap3A_56 = vector.shape_cast %add3A_52 : vector<16xi32> to vector<16xi32>
    tpu.vector_store %arg14[%swap3A_53], %swap3A_56 {strides = array<i32>} : memref<80xi32, #tpu.memory_space<vmem>>, vector<16xi32>,
    %add3A_57 = arith.constant 16 : i32
    %add3A_58 = vector.broadcast %add3A_57 : i32 to vector<16xi32>
    %add3A_59 = arith.addi %add3A, %add3A_58 : vector<16xi32>
    %swap3A_60 = arith.constant 16 : index
    %swap3A_61 = tpu.vector_load %arg14[%swap3A_60] {strides = array<i32>} : memref<80xi32, #tpu.memory_space<vmem>>, vector<16xi32>,
    %swap3A_62 = vector.shape_cast %swap3A_61 : vector<16xi32> to vector<16xi32>
    %swap3A_63 = vector.shape_cast %add3A_59 : vector<16xi32> to vector<16xi32>
    tpu.vector_store %arg14[%swap3A_60], %swap3A_63 {strides = array<i32>} : memref<80xi32, #tpu.memory_space<vmem>>, vector<16xi32>,
    %add3A_64 = arith.constant 32 : i32
    %add3A_65 = vector.broadcast %add3A_64 : i32 to vector<16xi32>
    %add3A_66 = arith.addi %add3A, %add3A_65 : vector<16xi32>
    %swap3A_67 = arith.constant 32 : index
    %swap3A_68 = tpu.vector_load %arg14[%swap3A_67] {strides = array<i32>} : memref<80xi32, #tpu.memory_space<vmem>>, vector<16xi32>,
    %swap3A_69 = vector.shape_cast %swap3A_68 : vector<16xi32> to vector<16xi32>
    %swap3A_70 = vector.shape_cast %add3A_66 : vector<16xi32> to vector<16xi32>
    tpu.vector_store %arg14[%swap3A_67], %swap3A_70 {strides = array<i32>} : memref<80xi32, #tpu.memory_space<vmem>>, vector<16xi32>,
    %add3A_71 = arith.constant 48 : i32
    %add3A_72 = vector.broadcast %add3A_71 : i32 to vector<16xi32>
    %add3A_73 = arith.addi %add3A, %add3A_72 : vector<16xi32>
    %swap3A_74 = arith.constant 48 : index
    %swap3A_75 = tpu.vector_load %arg14[%swap3A_74] {strides = array<i32>} : memref<80xi32, #tpu.memory_space<vmem>>, vector<16xi32>,
    %swap3A_76 = vector.shape_cast %swap3A_75 : vector<16xi32> to vector<16xi32>
    %swap3A_77 = vector.shape_cast %add3A_73 : vector<16xi32> to vector<16xi32>
    tpu.vector_store %arg14[%swap3A_74], %swap3A_77 {strides = array<i32>} : memref<80xi32, #tpu.memory_space<vmem>>, vector<16xi32>,
    %add3A_78 = arith.constant 64 : i32
    %add3A_79 = vector.broadcast %add3A_78 : i32 to vector<16xi32>
    %add3A_80 = arith.addi %add3A, %add3A_79 : vector<16xi32>
    %swap3A_81 = arith.constant 64 : index
    %swap3A_82 = tpu.vector_load %arg14[%swap3A_81] {strides = array<i32>} : memref<80xi32, #tpu.memory_space<vmem>>, vector<16xi32>,
    %swap3A_83 = vector.shape_cast %swap3A_82 : vector<16xi32> to vector<16xi32>
    %swap3A_84 = vector.shape_cast %add3A_80 : vector<16xi32> to vector<16xi32>
    tpu.vector_store %arg14[%swap3A_81], %swap3A_84 {strides = array<i32>} : memref<80xi32, #tpu.memory_space<vmem>>, vector<16xi32>,
    %mul3A = arith.constant 625 : i32
    %mul3A_85 = arith.muli %arg1, %mul3A : i32
    %add3A_86 = arith.constant 0 : i32
    %add3A_87 = arith.addi %mul3A_85, %add3A_86 : i32
    "tpu.region"() ({
      %run_scoped3A = tpu.sem_alloc : memref<!tpu.dma_semaphore, #tpu.memory_space<semaphore_mem>>
      %dma_start3A_160 = arith.constant 0 : i32
      %dma_start3A_161 = tpu.memref_slice %arg21[%add3A_87, %dma_start3A_160] : memref<10080x144xf32, #tpu.memory_space<vmem_shared>> -> memref<80x144xf32, #tpu.memory_space<vmem_shared>>
      %dma_start3A_162 = arith.constant 0 : i32
      %dma_start3A_163 = tpu.memref_slice %arg21[%add3A_87, %dma_start3A_162] : memref<10080x144xf32, #tpu.memory_space<vmem_shared>> -> memref<80x144xf32, #tpu.memory_space<vmem_shared>>
      tpu.enqueue_dma source(%arg11 : memref<80x144xf32, #tpu.memory_space<vmem>>) target(%dma_start3A_163 : memref<80x144xf32, #tpu.memory_space<vmem_shared>>) target_semaphore(%run_scoped3A : memref<!tpu.dma_semaphore, #tpu.memory_space<semaphore_mem>>)
      %dma_wait3A_164 = arith.constant 0 : i32
      %dma_wait3A_165 = tpu.memref_slice %arg21[%add3A_87, %dma_wait3A_164] : memref<10080x144xf32, #tpu.memory_space<vmem_shared>> -> memref<80x144xf32, #tpu.memory_space<vmem_shared>>
      %dma_wait3A_166 = arith.constant 0 : i32
      %dma_wait3A_167 = tpu.memref_slice %arg21[%add3A_87, %dma_wait3A_166] : memref<10080x144xf32, #tpu.memory_space<vmem_shared>> -> memref<80x144xf32, #tpu.memory_space<vmem_shared>>
      tpu.wait_dma2 semaphore(%run_scoped3A : memref<!tpu.dma_semaphore, #tpu.memory_space<semaphore_mem>>) src(%arg11 : memref<80x144xf32, #tpu.memory_space<vmem>>) dst(%dma_wait3A_167 : memref<80x144xf32, #tpu.memory_space<vmem_shared>>)
      tpu.yield
    }) : () -> ()
    %add3A_88 = arith.constant 80 : i32
    %add3A_89 = arith.addi %mul3A_85, %add3A_88 : i32
    "tpu.region"() ({
      %run_scoped3A = tpu.sem_alloc : memref<!tpu.dma_semaphore, #tpu.memory_space<semaphore_mem>>
      %dma_start3A_160 = arith.constant 0 : i32
      %dma_start3A_161 = tpu.memref_slice %arg21[%add3A_89, %dma_start3A_160] : memref<10080x144xf32, #tpu.memory_space<vmem_shared>> -> memref<80x144xf32, #tpu.memory_space<vmem_shared>>
      %dma_start3A_162 = arith.constant 0 : i32
      %dma_start3A_163 = tpu.memref_slice %arg21[%add3A_89, %dma_start3A_162] : memref<10080x144xf32, #tpu.memory_space<vmem_shared>> -> memref<80x144xf32, #tpu.memory_space<vmem_shared>>
      tpu.enqueue_dma source(%arg11 : memref<80x144xf32, #tpu.memory_space<vmem>>) target(%dma_start3A_163 : memref<80x144xf32, #tpu.memory_space<vmem_shared>>) target_semaphore(%run_scoped3A : memref<!tpu.dma_semaphore, #tpu.memory_space<semaphore_mem>>)
      %dma_wait3A_164 = arith.constant 0 : i32
      %dma_wait3A_165 = tpu.memref_slice %arg21[%add3A_89, %dma_wait3A_164] : memref<10080x144xf32, #tpu.memory_space<vmem_shared>> -> memref<80x144xf32, #tpu.memory_space<vmem_shared>>
      %dma_wait3A_166 = arith.constant 0 : i32
      %dma_wait3A_167 = tpu.memref_slice %arg21[%add3A_89, %dma_wait3A_166] : memref<10080x144xf32, #tpu.memory_space<vmem_shared>> -> memref<80x144xf32, #tpu.memory_space<vmem_shared>>
      tpu.wait_dma2 semaphore(%run_scoped3A : memref<!tpu.dma_semaphore, #tpu.memory_space<semaphore_mem>>) src(%arg11 : memref<80x144xf32, #tpu.memory_space<vmem>>) dst(%dma_wait3A_167 : memref<80x144xf32, #tpu.memory_space<vmem_shared>>)
      tpu.yield
    }) : () -> ()
    %add3A_90 = arith.constant 160 : i32
    %add3A_91 = arith.addi %mul3A_85, %add3A_90 : i32
    "tpu.region"() ({
      %run_scoped3A = tpu.sem_alloc : memref<!tpu.dma_semaphore, #tpu.memory_space<semaphore_mem>>
      %dma_start3A_160 = arith.constant 0 : i32
      %dma_start3A_161 = tpu.memref_slice %arg21[%add3A_91, %dma_start3A_160] : memref<10080x144xf32, #tpu.memory_space<vmem_shared>> -> memref<80x144xf32, #tpu.memory_space<vmem_shared>>
      %dma_start3A_162 = arith.constant 0 : i32
      %dma_start3A_163 = tpu.memref_slice %arg21[%add3A_91, %dma_start3A_162] : memref<10080x144xf32, #tpu.memory_space<vmem_shared>> -> memref<80x144xf32, #tpu.memory_space<vmem_shared>>
      tpu.enqueue_dma source(%arg11 : memref<80x144xf32, #tpu.memory_space<vmem>>) target(%dma_start3A_163 : memref<80x144xf32, #tpu.memory_space<vmem_shared>>) target_semaphore(%run_scoped3A : memref<!tpu.dma_semaphore, #tpu.memory_space<semaphore_mem>>)
      %dma_wait3A_164 = arith.constant 0 : i32
      %dma_wait3A_165 = tpu.memref_slice %arg21[%add3A_91, %dma_wait3A_164] : memref<10080x144xf32, #tpu.memory_space<vmem_shared>> -> memref<80x144xf32, #tpu.memory_space<vmem_shared>>
      %dma_wait3A_166 = arith.constant 0 : i32
      %dma_wait3A_167 = tpu.memref_slice %arg21[%add3A_91, %dma_wait3A_166] : memref<10080x144xf32, #tpu.memory_space<vmem_shared>> -> memref<80x144xf32, #tpu.memory_space<vmem_shared>>
      tpu.wait_dma2 semaphore(%run_scoped3A : memref<!tpu.dma_semaphore, #tpu.memory_space<semaphore_mem>>) src(%arg11 : memref<80x144xf32, #tpu.memory_space<vmem>>) dst(%dma_wait3A_167 : memref<80x144xf32, #tpu.memory_space<vmem_shared>>)
      tpu.yield
    }) : () -> ()
    %add3A_92 = arith.constant 240 : i32
    %add3A_93 = arith.addi %mul3A_85, %add3A_92 : i32
    "tpu.region"() ({
      %run_scoped3A = tpu.sem_alloc : memref<!tpu.dma_semaphore, #tpu.memory_space<semaphore_mem>>
      %dma_start3A_160 = arith.constant 0 : i32
      %dma_start3A_161 = tpu.memref_slice %arg21[%add3A_93, %dma_start3A_160] : memref<10080x144xf32, #tpu.memory_space<vmem_shared>> -> memref<80x144xf32, #tpu.memory_space<vmem_shared>>
      %dma_start3A_162 = arith.constant 0 : i32
      %dma_start3A_163 = tpu.memref_slice %arg21[%add3A_93, %dma_start3A_162] : memref<10080x144xf32, #tpu.memory_space<vmem_shared>> -> memref<80x144xf32, #tpu.memory_space<vmem_shared>>
      tpu.enqueue_dma source(%arg11 : memref<80x144xf32, #tpu.memory_space<vmem>>) target(%dma_start3A_163 : memref<80x144xf32, #tpu.memory_space<vmem_shared>>) target_semaphore(%run_scoped3A : memref<!tpu.dma_semaphore, #tpu.memory_space<semaphore_mem>>)
      %dma_wait3A_164 = arith.constant 0 : i32
      %dma_wait3A_165 = tpu.memref_slice %arg21[%add3A_93, %dma_wait3A_164] : memref<10080x144xf32, #tpu.memory_space<vmem_shared>> -> memref<80x144xf32, #tpu.memory_space<vmem_shared>>
      %dma_wait3A_166 = arith.constant 0 : i32
      %dma_wait3A_167 = tpu.memref_slice %arg21[%add3A_93, %dma_wait3A_166] : memref<10080x144xf32, #tpu.memory_space<vmem_shared>> -> memref<80x144xf32, #tpu.memory_space<vmem_shared>>
      tpu.wait_dma2 semaphore(%run_scoped3A : memref<!tpu.dma_semaphore, #tpu.memory_space<semaphore_mem>>) src(%arg11 : memref<80x144xf32, #tpu.memory_space<vmem>>) dst(%dma_wait3A_167 : memref<80x144xf32, #tpu.memory_space<vmem_shared>>)
      tpu.yield
    }) : () -> ()
    %add3A_94 = arith.constant 320 : i32
    %add3A_95 = arith.addi %mul3A_85, %add3A_94 : i32
    "tpu.region"() ({
      %run_scoped3A = tpu.sem_alloc : memref<!tpu.dma_semaphore, #tpu.memory_space<semaphore_mem>>
      %dma_start3A_160 = arith.constant 0 : i32
      %dma_start3A_161 = tpu.memref_slice %arg21[%add3A_95, %dma_start3A_160] : memref<10080x144xf32, #tpu.memory_space<vmem_shared>> -> memref<80x144xf32, #tpu.memory_space<vmem_shared>>
      %dma_start3A_162 = arith.constant 0 : i32
      %dma_start3A_163 = tpu.memref_slice %arg21[%add3A_95, %dma_start3A_162] : memref<10080x144xf32, #tpu.memory_space<vmem_shared>> -> memref<80x144xf32, #tpu.memory_space<vmem_shared>>
      tpu.enqueue_dma source(%arg11 : memref<80x144xf32, #tpu.memory_space<vmem>>) target(%dma_start3A_163 : memref<80x144xf32, #tpu.memory_space<vmem_shared>>) target_semaphore(%run_scoped3A : memref<!tpu.dma_semaphore, #tpu.memory_space<semaphore_mem>>)
      %dma_wait3A_164 = arith.constant 0 : i32
      %dma_wait3A_165 = tpu.memref_slice %arg21[%add3A_95, %dma_wait3A_164] : memref<10080x144xf32, #tpu.memory_space<vmem_shared>> -> memref<80x144xf32, #tpu.memory_space<vmem_shared>>
      %dma_wait3A_166 = arith.constant 0 : i32
      %dma_wait3A_167 = tpu.memref_slice %arg21[%add3A_95, %dma_wait3A_166] : memref<10080x144xf32, #tpu.memory_space<vmem_shared>> -> memref<80x144xf32, #tpu.memory_space<vmem_shared>>
      tpu.wait_dma2 semaphore(%run_scoped3A : memref<!tpu.dma_semaphore, #tpu.memory_space<semaphore_mem>>) src(%arg11 : memref<80x144xf32, #tpu.memory_space<vmem>>) dst(%dma_wait3A_167 : memref<80x144xf32, #tpu.memory_space<vmem_shared>>)
      tpu.yield
    }) : () -> ()
    %add3A_96 = arith.constant 400 : i32
    %add3A_97 = arith.addi %mul3A_85, %add3A_96 : i32
    "tpu.region"() ({
      %run_scoped3A = tpu.sem_alloc : memref<!tpu.dma_semaphore, #tpu.memory_space<semaphore_mem>>
      %dma_start3A_160 = arith.constant 0 : i32
      %dma_start3A_161 = tpu.memref_slice %arg21[%add3A_97, %dma_start3A_160] : memref<10080x144xf32, #tpu.memory_space<vmem_shared>> -> memref<80x144xf32, #tpu.memory_space<vmem_shared>>
      %dma_start3A_162 = arith.constant 0 : i32
      %dma_start3A_163 = tpu.memref_slice %arg21[%add3A_97, %dma_start3A_162] : memref<10080x144xf32, #tpu.memory_space<vmem_shared>> -> memref<80x144xf32, #tpu.memory_space<vmem_shared>>
      tpu.enqueue_dma source(%arg11 : memref<80x144xf32, #tpu.memory_space<vmem>>) target(%dma_start3A_163 : memref<80x144xf32, #tpu.memory_space<vmem_shared>>) target_semaphore(%run_scoped3A : memref<!tpu.dma_semaphore, #tpu.memory_space<semaphore_mem>>)
      %dma_wait3A_164 = arith.constant 0 : i32
      %dma_wait3A_165 = tpu.memref_slice %arg21[%add3A_97, %dma_wait3A_164] : memref<10080x144xf32, #tpu.memory_space<vmem_shared>> -> memref<80x144xf32, #tpu.memory_space<vmem_shared>>
      %dma_wait3A_166 = arith.constant 0 : i32
      %dma_wait3A_167 = tpu.memref_slice %arg21[%add3A_97, %dma_wait3A_166] : memref<10080x144xf32, #tpu.memory_space<vmem_shared>> -> memref<80x144xf32, #tpu.memory_space<vmem_shared>>
      tpu.wait_dma2 semaphore(%run_scoped3A : memref<!tpu.dma_semaphore, #tpu.memory_space<semaphore_mem>>) src(%arg11 : memref<80x144xf32, #tpu.memory_space<vmem>>) dst(%dma_wait3A_167 : memref<80x144xf32, #tpu.memory_space<vmem_shared>>)
      tpu.yield
    }) : () -> ()
    %add3A_98 = arith.constant 480 : i32
    %add3A_99 = arith.addi %mul3A_85, %add3A_98 : i32
    "tpu.region"() ({
      %run_scoped3A = tpu.sem_alloc : memref<!tpu.dma_semaphore, #tpu.memory_space<semaphore_mem>>
      %dma_start3A_160 = arith.constant 0 : i32
      %dma_start3A_161 = tpu.memref_slice %arg21[%add3A_99, %dma_start3A_160] : memref<10080x144xf32, #tpu.memory_space<vmem_shared>> -> memref<80x144xf32, #tpu.memory_space<vmem_shared>>
      %dma_start3A_162 = arith.constant 0 : i32
      %dma_start3A_163 = tpu.memref_slice %arg21[%add3A_99, %dma_start3A_162] : memref<10080x144xf32, #tpu.memory_space<vmem_shared>> -> memref<80x144xf32, #tpu.memory_space<vmem_shared>>
      tpu.enqueue_dma source(%arg11 : memref<80x144xf32, #tpu.memory_space<vmem>>) target(%dma_start3A_163 : memref<80x144xf32, #tpu.memory_space<vmem_shared>>) target_semaphore(%run_scoped3A : memref<!tpu.dma_semaphore, #tpu.memory_space<semaphore_mem>>)
      %dma_wait3A_164 = arith.constant 0 : i32
      %dma_wait3A_165 = tpu.memref_slice %arg21[%add3A_99, %dma_wait3A_164] : memref<10080x144xf32, #tpu.memory_space<vmem_shared>> -> memref<80x144xf32, #tpu.memory_space<vmem_shared>>
      %dma_wait3A_166 = arith.constant 0 : i32
      %dma_wait3A_167 = tpu.memref_slice %arg21[%add3A_99, %dma_wait3A_166] : memref<10080x144xf32, #tpu.memory_space<vmem_shared>> -> memref<80x144xf32, #tpu.memory_space<vmem_shared>>
      tpu.wait_dma2 semaphore(%run_scoped3A : memref<!tpu.dma_semaphore, #tpu.memory_space<semaphore_mem>>) src(%arg11 : memref<80x144xf32, #tpu.memory_space<vmem>>) dst(%dma_wait3A_167 : memref<80x144xf32, #tpu.memory_space<vmem_shared>>)
      tpu.yield
    }) : () -> ()
    %add3A_100 = arith.constant 560 : i32
    %add3A_101 = arith.addi %mul3A_85, %add3A_100 : i32
    "tpu.region"() ({
      %run_scoped3A = tpu.sem_alloc : memref<!tpu.dma_semaphore, #tpu.memory_space<semaphore_mem>>
      %dma_start3A_160 = arith.constant 0 : i32
      %dma_start3A_161 = arith.constant 0 : i32
      %dma_start3A_162 = tpu.memref_slice %arg11[%dma_start3A_160, %dma_start3A_161] : memref<80x144xf32, #tpu.memory_space<vmem>> -> memref<65x144xf32, #tpu.memory_space<vmem>>
      %dma_start3A_163 = arith.constant 0 : i32
      %dma_start3A_164 = tpu.memref_slice %arg21[%add3A_101, %dma_start3A_163] : memref<10080x144xf32, #tpu.memory_space<vmem_shared>> -> memref<65x144xf32, #tpu.memory_space<vmem_shared>>
      %dma_start3A_165 = arith.constant 0 : i32
      %dma_start3A_166 = tpu.memref_slice %arg21[%add3A_101, %dma_start3A_165] : memref<10080x144xf32, #tpu.memory_space<vmem_shared>> -> memref<65x144xf32, #tpu.memory_space<vmem_shared>>
      %dma_start3A_167 = arith.constant 0 : i32
      %dma_start3A_168 = arith.constant 0 : i32
      %dma_start3A_169 = tpu.memref_slice %arg11[%dma_start3A_167, %dma_start3A_168] : memref<80x144xf32, #tpu.memory_space<vmem>> -> memref<65x144xf32, #tpu.memory_space<vmem>>
      tpu.enqueue_dma source(%dma_start3A_169 : memref<65x144xf32, #tpu.memory_space<vmem>>) target(%dma_start3A_166 : memref<65x144xf32, #tpu.memory_space<vmem_shared>>) target_semaphore(%run_scoped3A : memref<!tpu.dma_semaphore, #tpu.memory_space<semaphore_mem>>)
      %dma_wait3A_170 = arith.constant 0 : i32
      %dma_wait3A_171 = arith.constant 0 : i32
      %dma_wait3A_172 = tpu.memref_slice %arg11[%dma_wait3A_170, %dma_wait3A_171] : memref<80x144xf32, #tpu.memory_space<vmem>> -> memref<65x144xf32, #tpu.memory_space<vmem>>
      %dma_wait3A_173 = arith.constant 0 : i32
      %dma_wait3A_174 = tpu.memref_slice %arg21[%add3A_101, %dma_wait3A_173] : memref<10080x144xf32, #tpu.memory_space<vmem_shared>> -> memref<65x144xf32, #tpu.memory_space<vmem_shared>>
      %dma_wait3A_175 = arith.constant 0 : i32
      %dma_wait3A_176 = tpu.memref_slice %arg21[%add3A_101, %dma_wait3A_175] : memref<10080x144xf32, #tpu.memory_space<vmem_shared>> -> memref<65x144xf32, #tpu.memory_space<vmem_shared>>
      %dma_wait3A_177 = arith.constant 0 : i32
      %dma_wait3A_178 = arith.constant 0 : i32
      %dma_wait3A_179 = tpu.memref_slice %arg11[%dma_wait3A_177, %dma_wait3A_178] : memref<80x144xf32, #tpu.memory_space<vmem>> -> memref<65x144xf32, #tpu.memory_space<vmem>>
      tpu.wait_dma2 semaphore(%run_scoped3A : memref<!tpu.dma_semaphore, #tpu.memory_space<semaphore_mem>>) src(%dma_wait3A_179 : memref<65x144xf32, #tpu.memory_space<vmem>>) dst(%dma_wait3A_176 : memref<65x144xf32, #tpu.memory_space<vmem_shared>>)
      tpu.yield
    }) : () -> ()
    %eq3A_102 = arith.constant 15 : i32
    %eq3A_103 = arith.cmpi eq, %arg1, %eq3A_102 : i32
    %convert_element_type3A = arith.extui %eq3A_103 : i1 to i32
    %cond3A = arith.constant 0 : i32
    %cond3A_104 = arith.cmpi ne, %convert_element_type3A, %cond3A : i32
    scf.if %cond3A_104 {
      "tpu.region"() ({
        %run_scoped3A = tpu.sem_alloc : memref<!tpu.dma_semaphore, #tpu.memory_space<semaphore_mem>>
        %dma_start3A_160 = arith.constant 10000 : i32
        %dma_start3A_161 = arith.constant 0 : i32
        %dma_start3A_162 = tpu.memref_slice %arg21[%dma_start3A_160, %dma_start3A_161] : memref<10080x144xf32, #tpu.memory_space<vmem_shared>> -> memref<80x144xf32, #tpu.memory_space<vmem_shared>>
        %dma_start3A_163 = arith.constant 10000 : i32
        %dma_start3A_164 = arith.constant 0 : i32
        %dma_start3A_165 = tpu.memref_slice %arg21[%dma_start3A_163, %dma_start3A_164] : memref<10080x144xf32, #tpu.memory_space<vmem_shared>> -> memref<80x144xf32, #tpu.memory_space<vmem_shared>>
        tpu.enqueue_dma source(%arg11 : memref<80x144xf32, #tpu.memory_space<vmem>>) target(%dma_start3A_165 : memref<80x144xf32, #tpu.memory_space<vmem_shared>>) target_semaphore(%run_scoped3A : memref<!tpu.dma_semaphore, #tpu.memory_space<semaphore_mem>>)
        %dma_wait3A_166 = arith.constant 10000 : i32
        %dma_wait3A_167 = arith.constant 0 : i32
        %dma_wait3A_168 = tpu.memref_slice %arg21[%dma_wait3A_166, %dma_wait3A_167] : memref<10080x144xf32, #tpu.memory_space<vmem_shared>> -> memref<80x144xf32, #tpu.memory_space<vmem_shared>>
        %dma_wait3A_169 = arith.constant 10000 : i32
        %dma_wait3A_170 = arith.constant 0 : i32
        %dma_wait3A_171 = tpu.memref_slice %arg21[%dma_wait3A_169, %dma_wait3A_170] : memref<10080x144xf32, #tpu.memory_space<vmem_shared>> -> memref<80x144xf32, #tpu.memory_space<vmem_shared>>
        tpu.wait_dma2 semaphore(%run_scoped3A : memref<!tpu.dma_semaphore, #tpu.memory_space<semaphore_mem>>) src(%arg11 : memref<80x144xf32, #tpu.memory_space<vmem>>) dst(%dma_wait3A_171 : memref<80x144xf32, #tpu.memory_space<vmem_shared>>)
        tpu.yield
      }) : () -> ()
    } else {
    }
    %barrier3A = arith.constant 0 : index
    tpu.barrier barrier_id(%barrier3A)
    %dma_start3A = arith.constant 0 : i32
    %dma_start3A_105 = arith.constant 0 : i32
    %dma_start3A_106 = tpu.memref_slice %arg21[%dma_start3A, %dma_start3A_105] : memref<10080x144xf32, #tpu.memory_space<vmem_shared>> -> memref<10080x144xf32, #tpu.memory_space<vmem_shared>>
    tpu.enqueue_indirect_dma source(%arg11 : memref<80x144xf32, #tpu.memory_space<vmem>>) target(%dma_start3A_106 : memref<10080x144xf32, #tpu.memory_space<vmem_shared>>) offsets(%arg13 : memref<80xi32, #tpu.memory_space<vmem>>) semaphore(%arg19 : memref<!tpu.dma_semaphore, #tpu.memory_space<semaphore_mem>>) {add = true}
    %dma_start3A_107 = arith.constant 0 : i32
    %dma_start3A_108 = arith.constant 0 : i32
    %dma_start3A_109 = tpu.memref_slice %arg21[%dma_start3A_107, %dma_start3A_108] : memref<10080x144xf32, #tpu.memory_space<vmem_shared>> -> memref<10080x144xf32, #tpu.memory_space<vmem_shared>>
    tpu.enqueue_indirect_dma source(%arg12 : memref<80x144xf32, #tpu.memory_space<vmem>>) target(%dma_start3A_109 : memref<10080x144xf32, #tpu.memory_space<vmem_shared>>) offsets(%arg14 : memref<80xi32, #tpu.memory_space<vmem>>) semaphore(%arg20 : memref<!tpu.dma_semaphore, #tpu.memory_space<semaphore_mem>>) {add = true}
    %mul3A_110 = arith.constant 20000 : i32
    %mul3A_111 = arith.muli %arg1, %mul3A_110 : i32
    %add3A_112 = arith.constant 0 : i32
    %add3A_113 = arith.addi %mul3A_111, %add3A_112 : i32
    %mul3A_114 = arith.constant 64 : i32
    %mul3A_115 = arith.muli %arg0, %mul3A_114 : i32
    %dma_start3A_116 = tpu.memref_slice %arg2[%add3A_113, %mul3A_115] : memref<320000x128xf32, #tpu.memory_space<hbm>> -> memref<80x64xf32, #tpu.memory_space<hbm>>
    %dma_start3A_117 = tpu.memref_slice %arg2[%add3A_113, %mul3A_115] : memref<320000x128xf32, #tpu.memory_space<hbm>> -> memref<80x64xf32, #tpu.memory_space<hbm>>
    tpu.enqueue_dma source(%dma_start3A_117 : memref<80x64xf32, #tpu.memory_space<hbm>>) target(%arg9 : memref<80x64xf32, #tpu.memory_space<vmem>>) target_semaphore(%arg15 : memref<!tpu.dma_semaphore, #tpu.memory_space<semaphore_mem>>)
    %dma_start3A_118 = arith.constant 0 : i32
    %dma_start3A_119 = arith.constant 0 : i32
    %dma_start3A_120 = tpu.memref_slice %arg3[%arg1, %dma_start3A_118, %dma_start3A_119] : memref<16x250x80xi32, #tpu.memory_space<hbm>> -> memref<1x1x80xi32, #tpu.memory_space<hbm>>
    %dma_start3A_121 = tpu.memref_squeeze %dma_start3A_120 : memref<1x1x80xi32, #tpu.memory_space<hbm>> -> memref<80xi32, #tpu.memory_space<hbm>>
    %dma_start3A_122 = arith.constant 0 : i32
    %dma_start3A_123 = tpu.memref_slice %arg3[%arg1, %dma_start3A_118, %dma_start3A_122] : memref<16x250x80xi32, #tpu.memory_space<hbm>> -> memref<1x1x80xi32, #tpu.memory_space<hbm>>
    %dma_start3A_124 = tpu.memref_squeeze %dma_start3A_123 : memref<1x1x80xi32, #tpu.memory_space<hbm>> -> memref<80xi32, #tpu.memory_space<hbm>>
    tpu.enqueue_dma source(%dma_start3A_124 : memref<80xi32, #tpu.memory_space<hbm>>) target(%arg7 : memref<80xi32, #tpu.memory_space<vmem>>) target_semaphore(%arg17 : memref<!tpu.dma_semaphore, #tpu.memory_space<semaphore_mem>>)
    %mul3A_125 = arith.constant 20000 : i32
    %mul3A_126 = arith.muli %arg1, %mul3A_125 : i32
    %add3A_127 = arith.constant 80 : i32
    %add3A_128 = arith.addi %mul3A_126, %add3A_127 : i32
    %mul3A_129 = arith.constant 64 : i32
    %mul3A_130 = arith.muli %arg0, %mul3A_129 : i32
    %dma_start3A_131 = tpu.memref_slice %arg2[%add3A_128, %mul3A_130] : memref<320000x128xf32, #tpu.memory_space<hbm>> -> memref<80x64xf32, #tpu.memory_space<hbm>>
    %dma_start3A_132 = tpu.memref_slice %arg2[%add3A_128, %mul3A_130] : memref<320000x128xf32, #tpu.memory_space<hbm>> -> memref<80x64xf32, #tpu.memory_space<hbm>>
    tpu.enqueue_dma source(%dma_start3A_132 : memref<80x64xf32, #tpu.memory_space<hbm>>) target(%arg10 : memref<80x64xf32, #tpu.memory_space<vmem>>) target_semaphore(%arg16 : memref<!tpu.dma_semaphore, #tpu.memory_space<semaphore_mem>>)
    %dma_start3A_133 = arith.constant 1 : i32
    %dma_start3A_134 = arith.constant 0 : i32
    %dma_start3A_135 = tpu.memref_slice %arg3[%arg1, %dma_start3A_133, %dma_start3A_134] : memref<16x250x80xi32, #tpu.memory_space<hbm>> -> memref<1x1x80xi32, #tpu.memory_space<hbm>>
    %dma_start3A_136 = tpu.memref_squeeze %dma_start3A_135 : memref<1x1x80xi32, #tpu.memory_space<hbm>> -> memref<80xi32, #tpu.memory_space<hbm>>
    %dma_start3A_137 = arith.constant 0 : i32
    %dma_start3A_138 = tpu.memref_slice %arg3[%arg1, %dma_start3A_133, %dma_start3A_137] : memref<16x250x80xi32, #tpu.memory_space<hbm>> -> memref<1x1x80xi32, #tpu.memory_space<hbm>>
    %dma_start3A_139 = tpu.memref_squeeze %dma_start3A_138 : memref<1x1x80xi32, #tpu.memory_space<hbm>> -> memref<80xi32, #tpu.memory_space<hbm>>
    tpu.enqueue_dma source(%dma_start3A_139 : memref<80xi32, #tpu.memory_space<hbm>>) target(%arg8 : memref<80xi32, #tpu.memory_space<vmem>>) target_semaphore(%arg18 : memref<!tpu.dma_semaphore, #tpu.memory_space<semaphore_mem>>)
    %scan3A = arith.constant 0 : i32
    %scan3A_140 = arith.constant 0 : i32
    %scan3A_141 = arith.constant 125 : i32
    %scan3A_142 = arith.addi %scan3A_140, %scan3A_141 : i32
    %scan3A_143 = arith.constant 1 : i32
    scf.for %scan3A_160 = %scan3A_140 to %scan3A_142 step %scan3A_143  : i32 {
      %mul3A_161 = arith.constant 2 : i32
      %mul3A_162 = arith.muli %mul3A_161, %scan3A_160 : i32
      %mul3A_163 = arith.constant 20000 : i32
      %mul3A_164 = arith.muli %arg1, %mul3A_163 : i32
      %mul3A_165 = arith.constant 80 : i32
      %mul3A_166 = arith.muli %mul3A_162, %mul3A_165 : i32
      %add3A_167 = arith.addi %mul3A_164, %mul3A_166 : i32
      %mul3A_168 = arith.constant 64 : i32
      %mul3A_169 = arith.muli %arg0, %mul3A_168 : i32
      %dma_wait3A_170 = tpu.memref_slice %arg2[%add3A_167, %mul3A_169] : memref<320000x128xf32, #tpu.memory_space<hbm>> -> memref<80x64xf32, #tpu.memory_space<hbm>>
      %dma_wait3A_171 = tpu.memref_slice %arg2[%add3A_167, %mul3A_169] : memref<320000x128xf32, #tpu.memory_space<hbm>> -> memref<80x64xf32, #tpu.memory_space<hbm>>
      tpu.wait_dma2 semaphore(%arg15 : memref<!tpu.dma_semaphore, #tpu.memory_space<semaphore_mem>>) src(%dma_wait3A_171 : memref<80x64xf32, #tpu.memory_space<hbm>>) dst(%arg9 : memref<80x64xf32, #tpu.memory_space<vmem>>)
      %dma_wait3A_172 = arith.constant 0 : i32
      %dma_wait3A_173 = tpu.memref_slice %arg3[%arg1, %mul3A_162, %dma_wait3A_172] : memref<16x250x80xi32, #tpu.memory_space<hbm>> -> memref<1x1x80xi32, #tpu.memory_space<hbm>>
      %dma_wait3A_174 = tpu.memref_squeeze %dma_wait3A_173 : memref<1x1x80xi32, #tpu.memory_space<hbm>> -> memref<80xi32, #tpu.memory_space<hbm>>
      %dma_wait3A_175 = arith.constant 0 : i32
      %dma_wait3A_176 = tpu.memref_slice %arg3[%arg1, %mul3A_162, %dma_wait3A_175] : memref<16x250x80xi32, #tpu.memory_space<hbm>> -> memref<1x1x80xi32, #tpu.memory_space<hbm>>
      %dma_wait3A_177 = tpu.memref_squeeze %dma_wait3A_176 : memref<1x1x80xi32, #tpu.memory_space<hbm>> -> memref<80xi32, #tpu.memory_space<hbm>>
      tpu.wait_dma2 semaphore(%arg17 : memref<!tpu.dma_semaphore, #tpu.memory_space<semaphore_mem>>) src(%dma_wait3A_177 : memref<80xi32, #tpu.memory_space<hbm>>) dst(%arg7 : memref<80xi32, #tpu.memory_space<vmem>>)
      %dma_wait3A_178 = arith.constant 0 : i32
      %dma_wait3A_179 = arith.constant 0 : i32
      %dma_wait3A_180 = tpu.memref_slice %arg21[%dma_wait3A_178, %dma_wait3A_179] : memref<10080x144xf32, #tpu.memory_space<vmem_shared>> -> memref<10080x144xf32, #tpu.memory_space<vmem_shared>>
      tpu.wait_indirect_dma semaphore(%arg19 : memref<!tpu.dma_semaphore, #tpu.memory_space<semaphore_mem>>) src(%arg11 : memref<80x144xf32, #tpu.memory_space<vmem>>) dst(%dma_wait3A_180 : memref<10080x144xf32, #tpu.memory_space<vmem_shared>>)
      %add3A_181 = arith.constant 0 : i32
      %add3A_182 = vector.broadcast %add3A_181 : i32 to vector<16xi32>
      %add3A_183 = arith.addi %add3A, %add3A_182 : vector<16xi32>
      %swap3A_184 = arith.constant 0 : index
      %swap3A_185 = tpu.vector_load %arg13[%swap3A_184] {strides = array<i32>} : memref<80xi32, #tpu.memory_space<vmem>>, vector<16xi32>,
      %swap3A_186 = vector.shape_cast %swap3A_185 : vector<16xi32> to vector<16xi32>
      %swap3A_187 = vector.shape_cast %add3A_183 : vector<16xi32> to vector<16xi32>
      tpu.vector_store %arg13[%swap3A_184], %swap3A_187 {strides = array<i32>} : memref<80xi32, #tpu.memory_space<vmem>>, vector<16xi32>,
      %add3A_188 = arith.constant 16 : i32
      %add3A_189 = vector.broadcast %add3A_188 : i32 to vector<16xi32>
      %add3A_190 = arith.addi %add3A, %add3A_189 : vector<16xi32>
      %swap3A_191 = arith.constant 16 : index
      %swap3A_192 = tpu.vector_load %arg13[%swap3A_191] {strides = array<i32>} : memref<80xi32, #tpu.memory_space<vmem>>, vector<16xi32>,
      %swap3A_193 = vector.shape_cast %swap3A_192 : vector<16xi32> to vector<16xi32>
      %swap3A_194 = vector.shape_cast %add3A_190 : vector<16xi32> to vector<16xi32>
      tpu.vector_store %arg13[%swap3A_191], %swap3A_194 {strides = array<i32>} : memref<80xi32, #tpu.memory_space<vmem>>, vector<16xi32>,
      %add3A_195 = arith.constant 32 : i32
      %add3A_196 = vector.broadcast %add3A_195 : i32 to vector<16xi32>
      %add3A_197 = arith.addi %add3A, %add3A_196 : vector<16xi32>
      %swap3A_198 = arith.constant 32 : index
      %swap3A_199 = tpu.vector_load %arg13[%swap3A_198] {strides = array<i32>} : memref<80xi32, #tpu.memory_space<vmem>>, vector<16xi32>,
      %swap3A_200 = vector.shape_cast %swap3A_199 : vector<16xi32> to vector<16xi32>
      %swap3A_201 = vector.shape_cast %add3A_197 : vector<16xi32> to vector<16xi32>
      tpu.vector_store %arg13[%swap3A_198], %swap3A_201 {strides = array<i32>} : memref<80xi32, #tpu.memory_space<vmem>>, vector<16xi32>,
      %add3A_202 = arith.constant 48 : i32
      %add3A_203 = vector.broadcast %add3A_202 : i32 to vector<16xi32>
      %add3A_204 = arith.addi %add3A, %add3A_203 : vector<16xi32>
      %swap3A_205 = arith.constant 48 : index
      %swap3A_206 = tpu.vector_load %arg13[%swap3A_205] {strides = array<i32>} : memref<80xi32, #tpu.memory_space<vmem>>, vector<16xi32>,
      %swap3A_207 = vector.shape_cast %swap3A_206 : vector<16xi32> to vector<16xi32>
      %swap3A_208 = vector.shape_cast %add3A_204 : vector<16xi32> to vector<16xi32>
      tpu.vector_store %arg13[%swap3A_205], %swap3A_208 {strides = array<i32>} : memref<80xi32, #tpu.memory_space<vmem>>, vector<16xi32>,
      %add3A_209 = arith.constant 64 : i32
      %add3A_210 = vector.broadcast %add3A_209 : i32 to vector<16xi32>
      %add3A_211 = arith.addi %add3A, %add3A_210 : vector<16xi32>
      %swap3A_212 = arith.constant 64 : index
      %swap3A_213 = tpu.vector_load %arg13[%swap3A_212] {strides = array<i32>} : memref<80xi32, #tpu.memory_space<vmem>>, vector<16xi32>,
      %swap3A_214 = vector.shape_cast %swap3A_213 : vector<16xi32> to vector<16xi32>
      %swap3A_215 = vector.shape_cast %add3A_211 : vector<16xi32> to vector<16xi32>
      tpu.vector_store %arg13[%swap3A_212], %swap3A_215 {strides = array<i32>} : memref<80xi32, #tpu.memory_space<vmem>>, vector<16xi32>,
      %scan3A_216 = arith.constant 0 : i32
      %scan3A_217 = arith.constant 0 : i32
      %scan3A_218 = arith.constant 5 : i32
      %scan3A_219 = arith.addi %scan3A_217, %scan3A_218 : i32
      %scan3A_220 = arith.constant 1 : i32
      %scan3A_221 = scf.for %scan3A_304 = %scan3A_217 to %scan3A_219 step %scan3A_220 iter_args(%scan3A_305 = %scan3A_216) -> (i32)  : i32 {
        %mul3A_306 = arith.constant 16 : i32
        %mul3A_307 = arith.muli %mul3A_306, %scan3A_304 : i32
        %get3A = arith.index_cast %mul3A_307 : i32 to index
        %get3A_308 = tpu.vector_load %arg7[%get3A] {strides = array<i32>} : memref<80xi32, #tpu.memory_space<vmem>>, vector<16xi32>,
        %get3A_309 = vector.shape_cast %get3A_308 : vector<16xi32> to vector<16xi32>
        %slice3A = vector.extract_strided_slice %get3A_309 {offsets = [0], sizes = [1], strides = [1]} : vector<16xi32> to vector<1xi32>
        %squeeze3A = vector.extract %slice3A[0] : i32 from vector<1xi32>
        %slice3A_310 = vector.extract_strided_slice %get3A_309 {offsets = [15], sizes = [1], strides = [1]} : vector<16xi32> to vector<1xi32>
        %squeeze3A_311 = vector.extract %slice3A_310[0] : i32 from vector<1xi32>
        %eq3A_312 = arith.cmpi eq, %squeeze3A, %squeeze3A_311 : i32
        %convert_element_type3A_313 = arith.extui %eq3A_312 : i1 to i32
        %cond3A_314 = arith.constant 0 : i32
        %cond3A_315 = arith.cmpi ne, %convert_element_type3A_313, %cond3A_314 : i32
        %cond3A_316 = scf.if %cond3A_315 -> (i32) {
          %add3A_317 = arith.constant 0 : i32
          %add3A_318 = arith.addi %mul3A_307, %add3A_317 : i32
          %get3A_319 = arith.index_cast %add3A_318 : i32 to index
          %get3A_320 = arith.constant 0 : index
          %get3A_321 = tpu.vector_load %arg9[%get3A_319, %get3A_320] {strides = array<i32>} : memref<80x64xf32, #tpu.memory_space<vmem>>, vector<1x16xf32>,
          %get3A_322 = vector.shape_cast %get3A_321 : vector<1x16xf32> to vector<16xf32>
          %add3A_323 = arith.constant 1 : i32
          %add3A_324 = arith.addi %mul3A_307, %add3A_323 : i32
          %get3A_325 = arith.index_cast %add3A_324 : i32 to index
          %get3A_326 = arith.constant 0 : index
          %get3A_327 = tpu.vector_load %arg9[%get3A_325, %get3A_326] {strides = array<i32>} : memref<80x64xf32, #tpu.memory_space<vmem>>, vector<1x16xf32>,
          %get3A_328 = vector.shape_cast %get3A_327 : vector<1x16xf32> to vector<16xf32>
          %add3A_329 = arith.constant 2 : i32
          %add3A_330 = arith.addi %mul3A_307, %add3A_329 : i32
          %get3A_331 = arith.index_cast %add3A_330 : i32 to index
          %get3A_332 = arith.constant 0 : index
          %get3A_333 = tpu.vector_load %arg9[%get3A_331, %get3A_332] {strides = array<i32>} : memref<80x64xf32, #tpu.memory_space<vmem>>, vector<1x16xf32>,
          %get3A_334 = vector.shape_cast %get3A_333 : vector<1x16xf32> to vector<16xf32>
          %add3A_335 = arith.constant 3 : i32
          %add3A_336 = arith.addi %mul3A_307, %add3A_335 : i32
          %get3A_337 = arith.index_cast %add3A_336 : i32 to index
          %get3A_338 = arith.constant 0 : index
          %get3A_339 = tpu.vector_load %arg9[%get3A_337, %get3A_338] {strides = array<i32>} : memref<80x64xf32, #tpu.memory_space<vmem>>, vector<1x16xf32>,
          %get3A_340 = vector.shape_cast %get3A_339 : vector<1x16xf32> to vector<16xf32>
          %add3A_341 = arith.constant 4 : i32
          %add3A_342 = arith.addi %mul3A_307, %add3A_341 : i32
          %get3A_343 = arith.index_cast %add3A_342 : i32 to index
          %get3A_344 = arith.constant 0 : index
          %get3A_345 = tpu.vector_load %arg9[%get3A_343, %get3A_344] {strides = array<i32>} : memref<80x64xf32, #tpu.memory_space<vmem>>, vector<1x16xf32>,
          %get3A_346 = vector.shape_cast %get3A_345 : vector<1x16xf32> to vector<16xf32>
          %add3A_347 = arith.constant 5 : i32
          %add3A_348 = arith.addi %mul3A_307, %add3A_347 : i32
          %get3A_349 = arith.index_cast %add3A_348 : i32 to index
          %get3A_350 = arith.constant 0 : index
          %get3A_351 = tpu.vector_load %arg9[%get3A_349, %get3A_350] {strides = array<i32>} : memref<80x64xf32, #tpu.memory_space<vmem>>, vector<1x16xf32>,
          %get3A_352 = vector.shape_cast %get3A_351 : vector<1x16xf32> to vector<16xf32>
          %add3A_353 = arith.constant 6 : i32
          %add3A_354 = arith.addi %mul3A_307, %add3A_353 : i32
          %get3A_355 = arith.index_cast %add3A_354 : i32 to index
          %get3A_356 = arith.constant 0 : index
          %get3A_357 = tpu.vector_load %arg9[%get3A_355, %get3A_356] {strides = array<i32>} : memref<80x64xf32, #tpu.memory_space<vmem>>, vector<1x16xf32>,
          %get3A_358 = vector.shape_cast %get3A_357 : vector<1x16xf32> to vector<16xf32>
          %add3A_359 = arith.constant 7 : i32
          %add3A_360 = arith.addi %mul3A_307, %add3A_359 : i32
          %get3A_361 = arith.index_cast %add3A_360 : i32 to index
          %get3A_362 = arith.constant 0 : index
          %get3A_363 = tpu.vector_load %arg9[%get3A_361, %get3A_362] {strides = array<i32>} : memref<80x64xf32, #tpu.memory_space<vmem>>, vector<1x16xf32>,
          %get3A_364 = vector.shape_cast %get3A_363 : vector<1x16xf32> to vector<16xf32>
          %add3A_365 = arith.constant 8 : i32
          %add3A_366 = arith.addi %mul3A_307, %add3A_365 : i32
          %get3A_367 = arith.index_cast %add3A_366 : i32 to index
          %get3A_368 = arith.constant 0 : index
          %get3A_369 = tpu.vector_load %arg9[%get3A_367, %get3A_368] {strides = array<i32>} : memref<80x64xf32, #tpu.memory_space<vmem>>, vector<1x16xf32>,
          %get3A_370 = vector.shape_cast %get3A_369 : vector<1x16xf32> to vector<16xf32>
          %add3A_371 = arith.constant 9 : i32
          %add3A_372 = arith.addi %mul3A_307, %add3A_371 : i32
          %get3A_373 = arith.index_cast %add3A_372 : i32 to index
          %get3A_374 = arith.constant 0 : index
          %get3A_375 = tpu.vector_load %arg9[%get3A_373, %get3A_374] {strides = array<i32>} : memref<80x64xf32, #tpu.memory_space<vmem>>, vector<1x16xf32>,
          %get3A_376 = vector.shape_cast %get3A_375 : vector<1x16xf32> to vector<16xf32>
          %add3A_377 = arith.constant 10 : i32
          %add3A_378 = arith.addi %mul3A_307, %add3A_377 : i32
          %get3A_379 = arith.index_cast %add3A_378 : i32 to index
          %get3A_380 = arith.constant 0 : index
          %get3A_381 = tpu.vector_load %arg9[%get3A_379, %get3A_380] {strides = array<i32>} : memref<80x64xf32, #tpu.memory_space<vmem>>, vector<1x16xf32>,
          %get3A_382 = vector.shape_cast %get3A_381 : vector<1x16xf32> to vector<16xf32>
          %add3A_383 = arith.constant 11 : i32
          %add3A_384 = arith.addi %mul3A_307, %add3A_383 : i32
          %get3A_385 = arith.index_cast %add3A_384 : i32 to index
          %get3A_386 = arith.constant 0 : index
          %get3A_387 = tpu.vector_load %arg9[%get3A_385, %get3A_386] {strides = array<i32>} : memref<80x64xf32, #tpu.memory_space<vmem>>, vector<1x16xf32>,
          %get3A_388 = vector.shape_cast %get3A_387 : vector<1x16xf32> to vector<16xf32>
          %add3A_389 = arith.constant 12 : i32
          %add3A_390 = arith.addi %mul3A_307, %add3A_389 : i32
          %get3A_391 = arith.index_cast %add3A_390 : i32 to index
          %get3A_392 = arith.constant 0 : index
          %get3A_393 = tpu.vector_load %arg9[%get3A_391, %get3A_392] {strides = array<i32>} : memref<80x64xf32, #tpu.memory_space<vmem>>, vector<1x16xf32>,
          %get3A_394 = vector.shape_cast %get3A_393 : vector<1x16xf32> to vector<16xf32>
          %add3A_395 = arith.constant 13 : i32
          %add3A_396 = arith.addi %mul3A_307, %add3A_395 : i32
          %get3A_397 = arith.index_cast %add3A_396 : i32 to index
          %get3A_398 = arith.constant 0 : index
          %get3A_399 = tpu.vector_load %arg9[%get3A_397, %get3A_398] {strides = array<i32>} : memref<80x64xf32, #tpu.memory_space<vmem>>, vector<1x16xf32>,
          %get3A_400 = vector.shape_cast %get3A_399 : vector<1x16xf32> to vector<16xf32>
          %add3A_401 = arith.constant 14 : i32
          %add3A_402 = arith.addi %mul3A_307, %add3A_401 : i32
          %get3A_403 = arith.index_cast %add3A_402 : i32 to index
          %get3A_404 = arith.constant 0 : index
          %get3A_405 = tpu.vector_load %arg9[%get3A_403, %get3A_404] {strides = array<i32>} : memref<80x64xf32, #tpu.memory_space<vmem>>, vector<1x16xf32>,
          %get3A_406 = vector.shape_cast %get3A_405 : vector<1x16xf32> to vector<16xf32>
          %add3A_407 = arith.constant 15 : i32
          %add3A_408 = arith.addi %mul3A_307, %add3A_407 : i32
          %get3A_409 = arith.index_cast %add3A_408 : i32 to index
          %get3A_410 = arith.constant 0 : index
          %get3A_411 = tpu.vector_load %arg9[%get3A_409, %get3A_410] {strides = array<i32>} : memref<80x64xf32, #tpu.memory_space<vmem>>, vector<1x16xf32>,
          %get3A_412 = vector.shape_cast %get3A_411 : vector<1x16xf32> to vector<16xf32>
          %mul3A_413 = arith.mulf %get3A_322, %get3A_322 : vector<16xf32>
          %mul3A_414 = arith.mulf %get3A_328, %get3A_328 : vector<16xf32>
          %mul3A_415 = arith.mulf %get3A_334, %get3A_334 : vector<16xf32>
          %mul3A_416 = arith.mulf %get3A_340, %get3A_340 : vector<16xf32>
          %mul3A_417 = arith.mulf %get3A_346, %get3A_346 : vector<16xf32>
          %mul3A_418 = arith.mulf %get3A_352, %get3A_352 : vector<16xf32>
          %mul3A_419 = arith.mulf %get3A_358, %get3A_358 : vector<16xf32>
          %mul3A_420 = arith.mulf %get3A_364, %get3A_364 : vector<16xf32>
          %mul3A_421 = arith.mulf %get3A_370, %get3A_370 : vector<16xf32>
          %mul3A_422 = arith.mulf %get3A_376, %get3A_376 : vector<16xf32>
          %mul3A_423 = arith.mulf %get3A_382, %get3A_382 : vector<16xf32>
          %mul3A_424 = arith.mulf %get3A_388, %get3A_388 : vector<16xf32>
          %mul3A_425 = arith.mulf %get3A_394, %get3A_394 : vector<16xf32>
          %mul3A_426 = arith.mulf %get3A_400, %get3A_400 : vector<16xf32>
          %mul3A_427 = arith.mulf %get3A_406, %get3A_406 : vector<16xf32>
          %mul3A_428 = arith.mulf %get3A_412, %get3A_412 : vector<16xf32>
          %add3A_429 = arith.addf %get3A_322, %get3A_328 : vector<16xf32>
          %add3A_430 = arith.addf %get3A_334, %get3A_340 : vector<16xf32>
          %add3A_431 = arith.addf %get3A_346, %get3A_352 : vector<16xf32>
          %add3A_432 = arith.addf %get3A_358, %get3A_364 : vector<16xf32>
          %add3A_433 = arith.addf %get3A_370, %get3A_376 : vector<16xf32>
          %add3A_434 = arith.addf %get3A_382, %get3A_388 : vector<16xf32>
          %add3A_435 = arith.addf %get3A_394, %get3A_400 : vector<16xf32>
          %add3A_436 = arith.addf %get3A_406, %get3A_412 : vector<16xf32>
          %add3A_437 = arith.addf %add3A_429, %add3A_430 : vector<16xf32>
          %add3A_438 = arith.addf %add3A_431, %add3A_432 : vector<16xf32>
          %add3A_439 = arith.addf %add3A_433, %add3A_434 : vector<16xf32>
          %add3A_440 = arith.addf %add3A_435, %add3A_436 : vector<16xf32>
          %add3A_441 = arith.addf %add3A_437, %add3A_438 : vector<16xf32>
          %add3A_442 = arith.addf %add3A_439, %add3A_440 : vector<16xf32>
          %add3A_443 = arith.addf %add3A_441, %add3A_442 : vector<16xf32>
          %swap3A_444 = arith.index_cast %scan3A_305 : i32 to index
          %swap3A_445 = arith.constant 0 : index
          %swap3A_446 = tpu.vector_load %arg11[%swap3A_444, %swap3A_445] {strides = array<i32>} : memref<80x144xf32, #tpu.memory_space<vmem>>, vector<1x16xf32>,
          %swap3A_447 = vector.shape_cast %swap3A_446 : vector<1x16xf32> to vector<16xf32>
          %swap3A_448 = vector.shape_cast %add3A_443 : vector<16xf32> to vector<1x16xf32>
          tpu.vector_store %arg11[%swap3A_444, %swap3A_445], %swap3A_448 {strides = array<i32>} : memref<80x144xf32, #tpu.memory_space<vmem>>, vector<1x16xf32>,
          %add3A_449 = arith.addf %mul3A_413, %mul3A_414 : vector<16xf32>
          %add3A_450 = arith.addf %mul3A_415, %mul3A_416 : vector<16xf32>
          %add3A_451 = arith.addf %mul3A_417, %mul3A_418 : vector<16xf32>
          %add3A_452 = arith.addf %mul3A_419, %mul3A_420 : vector<16xf32>
          %add3A_453 = arith.addf %mul3A_421, %mul3A_422 : vector<16xf32>
          %add3A_454 = arith.addf %mul3A_423, %mul3A_424 : vector<16xf32>
          %add3A_455 = arith.addf %mul3A_425, %mul3A_426 : vector<16xf32>
          %add3A_456 = arith.addf %mul3A_427, %mul3A_428 : vector<16xf32>
          %add3A_457 = arith.addf %add3A_449, %add3A_450 : vector<16xf32>
          %add3A_458 = arith.addf %add3A_451, %add3A_452 : vector<16xf32>
          %add3A_459 = arith.addf %add3A_453, %add3A_454 : vector<16xf32>
          %add3A_460 = arith.addf %add3A_455, %add3A_456 : vector<16xf32>
          %add3A_461 = arith.addf %add3A_457, %add3A_458 : vector<16xf32>
          %add3A_462 = arith.addf %add3A_459, %add3A_460 : vector<16xf32>
          %add3A_463 = arith.addf %add3A_461, %add3A_462 : vector<16xf32>
          %swap3A_464 = arith.index_cast %scan3A_305 : i32 to index
          %swap3A_465 = arith.constant 64 : index
          %swap3A_466 = tpu.vector_load %arg11[%swap3A_464, %swap3A_465] {strides = array<i32>} : memref<80x144xf32, #tpu.memory_space<vmem>>, vector<1x16xf32>,
          %swap3A_467 = vector.shape_cast %swap3A_466 : vector<1x16xf32> to vector<16xf32>
          %swap3A_468 = vector.shape_cast %add3A_463 : vector<16xf32> to vector<1x16xf32>
          tpu.vector_store %arg11[%swap3A_464, %swap3A_465], %swap3A_468 {strides = array<i32>} : memref<80x144xf32, #tpu.memory_space<vmem>>, vector<1x16xf32>,
          %add3A_469 = arith.constant 0 : i32
          %add3A_470 = arith.addi %mul3A_307, %add3A_469 : i32
          %get3A_471 = arith.index_cast %add3A_470 : i32 to index
          %get3A_472 = arith.constant 16 : index
          %get3A_473 = tpu.vector_load %arg9[%get3A_471, %get3A_472] {strides = array<i32>} : memref<80x64xf32, #tpu.memory_space<vmem>>, vector<1x16xf32>,
          %get3A_474 = vector.shape_cast %get3A_473 : vector<1x16xf32> to vector<16xf32>
          %add3A_475 = arith.constant 1 : i32
          %add3A_476 = arith.addi %mul3A_307, %add3A_475 : i32
          %get3A_477 = arith.index_cast %add3A_476 : i32 to index
          %get3A_478 = arith.constant 16 : index
          %get3A_479 = tpu.vector_load %arg9[%get3A_477, %get3A_478] {strides = array<i32>} : memref<80x64xf32, #tpu.memory_space<vmem>>, vector<1x16xf32>,
          %get3A_480 = vector.shape_cast %get3A_479 : vector<1x16xf32> to vector<16xf32>
          %add3A_481 = arith.constant 2 : i32
          %add3A_482 = arith.addi %mul3A_307, %add3A_481 : i32
          %get3A_483 = arith.index_cast %add3A_482 : i32 to index
          %get3A_484 = arith.constant 16 : index
          %get3A_485 = tpu.vector_load %arg9[%get3A_483, %get3A_484] {strides = array<i32>} : memref<80x64xf32, #tpu.memory_space<vmem>>, vector<1x16xf32>,
          %get3A_486 = vector.shape_cast %get3A_485 : vector<1x16xf32> to vector<16xf32>
          %add3A_487 = arith.constant 3 : i32
          %add3A_488 = arith.addi %mul3A_307, %add3A_487 : i32
          %get3A_489 = arith.index_cast %add3A_488 : i32 to index
          %get3A_490 = arith.constant 16 : index
          %get3A_491 = tpu.vector_load %arg9[%get3A_489, %get3A_490] {strides = array<i32>} : memref<80x64xf32, #tpu.memory_space<vmem>>, vector<1x16xf32>,
          %get3A_492 = vector.shape_cast %get3A_491 : vector<1x16xf32> to vector<16xf32>
          %add3A_493 = arith.constant 4 : i32
          %add3A_494 = arith.addi %mul3A_307, %add3A_493 : i32
          %get3A_495 = arith.index_cast %add3A_494 : i32 to index
          %get3A_496 = arith.constant 16 : index
          %get3A_497 = tpu.vector_load %arg9[%get3A_495, %get3A_496] {strides = array<i32>} : memref<80x64xf32, #tpu.memory_space<vmem>>, vector<1x16xf32>,
          %get3A_498 = vector.shape_cast %get3A_497 : vector<1x16xf32> to vector<16xf32>
          %add3A_499 = arith.constant 5 : i32
          %add3A_500 = arith.addi %mul3A_307, %add3A_499 : i32
          %get3A_501 = arith.index_cast %add3A_500 : i32 to index
          %get3A_502 = arith.constant 16 : index
          %get3A_503 = tpu.vector_load %arg9[%get3A_501, %get3A_502] {strides = array<i32>} : memref<80x64xf32, #tpu.memory_space<vmem>>, vector<1x16xf32>,
          %get3A_504 = vector.shape_cast %get3A_503 : vector<1x16xf32> to vector<16xf32>
          %add3A_505 = arith.constant 6 : i32
          %add3A_506 = arith.addi %mul3A_307, %add3A_505 : i32
          %get3A_507 = arith.index_cast %add3A_506 : i32 to index
          %get3A_508 = arith.constant 16 : index
          %get3A_509 = tpu.vector_load %arg9[%get3A_507, %get3A_508] {strides = array<i32>} : memref<80x64xf32, #tpu.memory_space<vmem>>, vector<1x16xf32>,
          %get3A_510 = vector.shape_cast %get3A_509 : vector<1x16xf32> to vector<16xf32>
          %add3A_511 = arith.constant 7 : i32
          %add3A_512 = arith.addi %mul3A_307, %add3A_511 : i32
          %get3A_513 = arith.index_cast %add3A_512 : i32 to index
          %get3A_514 = arith.constant 16 : index
          %get3A_515 = tpu.vector_load %arg9[%get3A_513, %get3A_514] {strides = array<i32>} : memref<80x64xf32, #tpu.memory_space<vmem>>, vector<1x16xf32>,
          %get3A_516 = vector.shape_cast %get3A_515 : vector<1x16xf32> to vector<16xf32>
          %add3A_517 = arith.constant 8 : i32
          %add3A_518 = arith.addi %mul3A_307, %add3A_517 : i32
          %get3A_519 = arith.index_cast %add3A_518 : i32 to index
          %get3A_520 = arith.constant 16 : index
          %get3A_521 = tpu.vector_load %arg9[%get3A_519, %get3A_520] {strides = array<i32>} : memref<80x64xf32, #tpu.memory_space<vmem>>, vector<1x16xf32>,
          %get3A_522 = vector.shape_cast %get3A_521 : vector<1x16xf32> to vector<16xf32>
          %add3A_523 = arith.constant 9 : i32
          %add3A_524 = arith.addi %mul3A_307, %add3A_523 : i32
          %get3A_525 = arith.index_cast %add3A_524 : i32 to index
          %get3A_526 = arith.constant 16 : index
          %get3A_527 = tpu.vector_load %arg9[%get3A_525, %get3A_526] {strides = array<i32>} : memref<80x64xf32, #tpu.memory_space<vmem>>, vector<1x16xf32>,
          %get3A_528 = vector.shape_cast %get3A_527 : vector<1x16xf32> to vector<16xf32>
          %add3A_529 = arith.constant 10 : i32
          %add3A_530 = arith.addi %mul3A_307, %add3A_529 : i32
          %get3A_531 = arith.index_cast %add3A_530 : i32 to index
          %get3A_532 = arith.constant 16 : index
          %get3A_533 = tpu.vector_load %arg9[%get3A_531, %get3A_532] {strides = array<i32>} : memref<80x64xf32, #tpu.memory_space<vmem>>, vector<1x16xf32>,
          %get3A_534 = vector.shape_cast %get3A_533 : vector<1x16xf32> to vector<16xf32>
          %add3A_535 = arith.constant 11 : i32
          %add3A_536 = arith.addi %mul3A_307, %add3A_535 : i32
          %get3A_537 = arith.index_cast %add3A_536 : i32 to index
          %get3A_538 = arith.constant 16 : index
          %get3A_539 = tpu.vector_load %arg9[%get3A_537, %get3A_538] {strides = array<i32>} : memref<80x64xf32, #tpu.memory_space<vmem>>, vector<1x16xf32>,
          %get3A_540 = vector.shape_cast %get3A_539 : vector<1x16xf32> to vector<16xf32>
          %add3A_541 = arith.constant 12 : i32
          %add3A_542 = arith.addi %mul3A_307, %add3A_541 : i32
          %get3A_543 = arith.index_cast %add3A_542 : i32 to index
          %get3A_544 = arith.constant 16 : index
          %get3A_545 = tpu.vector_load %arg9[%get3A_543, %get3A_544] {strides = array<i32>} : memref<80x64xf32, #tpu.memory_space<vmem>>, vector<1x16xf32>,
          %get3A_546 = vector.shape_cast %get3A_545 : vector<1x16xf32> to vector<16xf32>
          %add3A_547 = arith.constant 13 : i32
          %add3A_548 = arith.addi %mul3A_307, %add3A_547 : i32
          %get3A_549 = arith.index_cast %add3A_548 : i32 to index
          %get3A_550 = arith.constant 16 : index
          %get3A_551 = tpu.vector_load %arg9[%get3A_549, %get3A_550] {strides = array<i32>} : memref<80x64xf32, #tpu.memory_space<vmem>>, vector<1x16xf32>,
          %get3A_552 = vector.shape_cast %get3A_551 : vector<1x16xf32> to vector<16xf32>
          %add3A_553 = arith.constant 14 : i32
          %add3A_554 = arith.addi %mul3A_307, %add3A_553 : i32
          %get3A_555 = arith.index_cast %add3A_554 : i32 to index
          %get3A_556 = arith.constant 16 : index
          %get3A_557 = tpu.vector_load %arg9[%get3A_555, %get3A_556] {strides = array<i32>} : memref<80x64xf32, #tpu.memory_space<vmem>>, vector<1x16xf32>,
          %get3A_558 = vector.shape_cast %get3A_557 : vector<1x16xf32> to vector<16xf32>
          %add3A_559 = arith.constant 15 : i32
          %add3A_560 = arith.addi %mul3A_307, %add3A_559 : i32
          %get3A_561 = arith.index_cast %add3A_560 : i32 to index
          %get3A_562 = arith.constant 16 : index
          %get3A_563 = tpu.vector_load %arg9[%get3A_561, %get3A_562] {strides = array<i32>} : memref<80x64xf32, #tpu.memory_space<vmem>>, vector<1x16xf32>,
          %get3A_564 = vector.shape_cast %get3A_563 : vector<1x16xf32> to vector<16xf32>
          %mul3A_565 = arith.mulf %get3A_474, %get3A_474 : vector<16xf32>
          %mul3A_566 = arith.mulf %get3A_480, %get3A_480 : vector<16xf32>
          %mul3A_567 = arith.mulf %get3A_486, %get3A_486 : vector<16xf32>
          %mul3A_568 = arith.mulf %get3A_492, %get3A_492 : vector<16xf32>
          %mul3A_569 = arith.mulf %get3A_498, %get3A_498 : vector<16xf32>
          %mul3A_570 = arith.mulf %get3A_504, %get3A_504 : vector<16xf32>
          %mul3A_571 = arith.mulf %get3A_510, %get3A_510 : vector<16xf32>
          %mul3A_572 = arith.mulf %get3A_516, %get3A_516 : vector<16xf32>
          %mul3A_573 = arith.mulf %get3A_522, %get3A_522 : vector<16xf32>
          %mul3A_574 = arith.mulf %get3A_528, %get3A_528 : vector<16xf32>
          %mul3A_575 = arith.mulf %get3A_534, %get3A_534 : vector<16xf32>
          %mul3A_576 = arith.mulf %get3A_540, %get3A_540 : vector<16xf32>
          %mul3A_577 = arith.mulf %get3A_546, %get3A_546 : vector<16xf32>
          %mul3A_578 = arith.mulf %get3A_552, %get3A_552 : vector<16xf32>
          %mul3A_579 = arith.mulf %get3A_558, %get3A_558 : vector<16xf32>
          %mul3A_580 = arith.mulf %get3A_564, %get3A_564 : vector<16xf32>
          %add3A_581 = arith.addf %get3A_474, %get3A_480 : vector<16xf32>
          %add3A_582 = arith.addf %get3A_486, %get3A_492 : vector<16xf32>
          %add3A_583 = arith.addf %get3A_498, %get3A_504 : vector<16xf32>
          %add3A_584 = arith.addf %get3A_510, %get3A_516 : vector<16xf32>
          %add3A_585 = arith.addf %get3A_522, %get3A_528 : vector<16xf32>
          %add3A_586 = arith.addf %get3A_534, %get3A_540 : vector<16xf32>
          %add3A_587 = arith.addf %get3A_546, %get3A_552 : vector<16xf32>
          %add3A_588 = arith.addf %get3A_558, %get3A_564 : vector<16xf32>
          %add3A_589 = arith.addf %add3A_581, %add3A_582 : vector<16xf32>
          %add3A_590 = arith.addf %add3A_583, %add3A_584 : vector<16xf32>
          %add3A_591 = arith.addf %add3A_585, %add3A_586 : vector<16xf32>
          %add3A_592 = arith.addf %add3A_587, %add3A_588 : vector<16xf32>
          %add3A_593 = arith.addf %add3A_589, %add3A_590 : vector<16xf32>
          %add3A_594 = arith.addf %add3A_591, %add3A_592 : vector<16xf32>
          %add3A_595 = arith.addf %add3A_593, %add3A_594 : vector<16xf32>
          %swap3A_596 = arith.index_cast %scan3A_305 : i32 to index
          %swap3A_597 = arith.constant 16 : index
          %swap3A_598 = tpu.vector_load %arg11[%swap3A_596, %swap3A_597] {strides = array<i32>} : memref<80x144xf32, #tpu.memory_space<vmem>>, vector<1x16xf32>,
          %swap3A_599 = vector.shape_cast %swap3A_598 : vector<1x16xf32> to vector<16xf32>
          %swap3A_600 = vector.shape_cast %add3A_595 : vector<16xf32> to vector<1x16xf32>
          tpu.vector_store %arg11[%swap3A_596, %swap3A_597], %swap3A_600 {strides = array<i32>} : memref<80x144xf32, #tpu.memory_space<vmem>>, vector<1x16xf32>,
          %add3A_601 = arith.addf %mul3A_565, %mul3A_566 : vector<16xf32>
          %add3A_602 = arith.addf %mul3A_567, %mul3A_568 : vector<16xf32>
          %add3A_603 = arith.addf %mul3A_569, %mul3A_570 : vector<16xf32>
          %add3A_604 = arith.addf %mul3A_571, %mul3A_572 : vector<16xf32>
          %add3A_605 = arith.addf %mul3A_573, %mul3A_574 : vector<16xf32>
          %add3A_606 = arith.addf %mul3A_575, %mul3A_576 : vector<16xf32>
          %add3A_607 = arith.addf %mul3A_577, %mul3A_578 : vector<16xf32>
          %add3A_608 = arith.addf %mul3A_579, %mul3A_580 : vector<16xf32>
          %add3A_609 = arith.addf %add3A_601, %add3A_602 : vector<16xf32>
          %add3A_610 = arith.addf %add3A_603, %add3A_604 : vector<16xf32>
          %add3A_611 = arith.addf %add3A_605, %add3A_606 : vector<16xf32>
          %add3A_612 = arith.addf %add3A_607, %add3A_608 : vector<16xf32>
          %add3A_613 = arith.addf %add3A_609, %add3A_610 : vector<16xf32>
          %add3A_614 = arith.addf %add3A_611, %add3A_612 : vector<16xf32>
          %add3A_615 = arith.addf %add3A_613, %add3A_614 : vector<16xf32>
          %swap3A_616 = arith.index_cast %scan3A_305 : i32 to index
          %swap3A_617 = arith.constant 80 : index
          %swap3A_618 = tpu.vector_load %arg11[%swap3A_616, %swap3A_617] {strides = array<i32>} : memref<80x144xf32, #tpu.memory_space<vmem>>, vector<1x16xf32>,
          %swap3A_619 = vector.shape_cast %swap3A_618 : vector<1x16xf32> to vector<16xf32>
          %swap3A_620 = vector.shape_cast %add3A_615 : vector<16xf32> to vector<1x16xf32>
          tpu.vector_store %arg11[%swap3A_616, %swap3A_617], %swap3A_620 {strides = array<i32>} : memref<80x144xf32, #tpu.memory_space<vmem>>, vector<1x16xf32>,
          %add3A_621 = arith.constant 0 : i32
          %add3A_622 = arith.addi %mul3A_307, %add3A_621 : i32
          %get3A_623 = arith.index_cast %add3A_622 : i32 to index
          %get3A_624 = arith.constant 32 : index
          %get3A_625 = tpu.vector_load %arg9[%get3A_623, %get3A_624] {strides = array<i32>} : memref<80x64xf32, #tpu.memory_space<vmem>>, vector<1x16xf32>,
          %get3A_626 = vector.shape_cast %get3A_625 : vector<1x16xf32> to vector<16xf32>
          %add3A_627 = arith.constant 1 : i32
          %add3A_628 = arith.addi %mul3A_307, %add3A_627 : i32
          %get3A_629 = arith.index_cast %add3A_628 : i32 to index
          %get3A_630 = arith.constant 32 : index
          %get3A_631 = tpu.vector_load %arg9[%get3A_629, %get3A_630] {strides = array<i32>} : memref<80x64xf32, #tpu.memory_space<vmem>>, vector<1x16xf32>,
          %get3A_632 = vector.shape_cast %get3A_631 : vector<1x16xf32> to vector<16xf32>
          %add3A_633 = arith.constant 2 : i32
          %add3A_634 = arith.addi %mul3A_307, %add3A_633 : i32
          %get3A_635 = arith.index_cast %add3A_634 : i32 to index
          %get3A_636 = arith.constant 32 : index
          %get3A_637 = tpu.vector_load %arg9[%get3A_635, %get3A_636] {strides = array<i32>} : memref<80x64xf32, #tpu.memory_space<vmem>>, vector<1x16xf32>,
          %get3A_638 = vector.shape_cast %get3A_637 : vector<1x16xf32> to vector<16xf32>
          %add3A_639 = arith.constant 3 : i32
          %add3A_640 = arith.addi %mul3A_307, %add3A_639 : i32
          %get3A_641 = arith.index_cast %add3A_640 : i32 to index
          %get3A_642 = arith.constant 32 : index
          %get3A_643 = tpu.vector_load %arg9[%get3A_641, %get3A_642] {strides = array<i32>} : memref<80x64xf32, #tpu.memory_space<vmem>>, vector<1x16xf32>,
          %get3A_644 = vector.shape_cast %get3A_643 : vector<1x16xf32> to vector<16xf32>
          %add3A_645 = arith.constant 4 : i32
          %add3A_646 = arith.addi %mul3A_307, %add3A_645 : i32
          %get3A_647 = arith.index_cast %add3A_646 : i32 to index
          %get3A_648 = arith.constant 32 : index
          %get3A_649 = tpu.vector_load %arg9[%get3A_647, %get3A_648] {strides = array<i32>} : memref<80x64xf32, #tpu.memory_space<vmem>>, vector<1x16xf32>,
          %get3A_650 = vector.shape_cast %get3A_649 : vector<1x16xf32> to vector<16xf32>
          %add3A_651 = arith.constant 5 : i32
          %add3A_652 = arith.addi %mul3A_307, %add3A_651 : i32
          %get3A_653 = arith.index_cast %add3A_652 : i32 to index
          %get3A_654 = arith.constant 32 : index
          %get3A_655 = tpu.vector_load %arg9[%get3A_653, %get3A_654] {strides = array<i32>} : memref<80x64xf32, #tpu.memory_space<vmem>>, vector<1x16xf32>,
          %get3A_656 = vector.shape_cast %get3A_655 : vector<1x16xf32> to vector<16xf32>
          %add3A_657 = arith.constant 6 : i32
          %add3A_658 = arith.addi %mul3A_307, %add3A_657 : i32
          %get3A_659 = arith.index_cast %add3A_658 : i32 to index
          %get3A_660 = arith.constant 32 : index
          %get3A_661 = tpu.vector_load %arg9[%get3A_659, %get3A_660] {strides = array<i32>} : memref<80x64xf32, #tpu.memory_space<vmem>>, vector<1x16xf32>,
          %get3A_662 = vector.shape_cast %get3A_661 : vector<1x16xf32> to vector<16xf32>
          %add3A_663 = arith.constant 7 : i32
          %add3A_664 = arith.addi %mul3A_307, %add3A_663 : i32
          %get3A_665 = arith.index_cast %add3A_664 : i32 to index
          %get3A_666 = arith.constant 32 : index
          %get3A_667 = tpu.vector_load %arg9[%get3A_665, %get3A_666] {strides = array<i32>} : memref<80x64xf32, #tpu.memory_space<vmem>>, vector<1x16xf32>,
          %get3A_668 = vector.shape_cast %get3A_667 : vector<1x16xf32> to vector<16xf32>
          %add3A_669 = arith.constant 8 : i32
          %add3A_670 = arith.addi %mul3A_307, %add3A_669 : i32
          %get3A_671 = arith.index_cast %add3A_670 : i32 to index
          %get3A_672 = arith.constant 32 : index
          %get3A_673 = tpu.vector_load %arg9[%get3A_671, %get3A_672] {strides = array<i32>} : memref<80x64xf32, #tpu.memory_space<vmem>>, vector<1x16xf32>,
          %get3A_674 = vector.shape_cast %get3A_673 : vector<1x16xf32> to vector<16xf32>
          %add3A_675 = arith.constant 9 : i32
          %add3A_676 = arith.addi %mul3A_307, %add3A_675 : i32
          %get3A_677 = arith.index_cast %add3A_676 : i32 to index
          %get3A_678 = arith.constant 32 : index
          %get3A_679 = tpu.vector_load %arg9[%get3A_677, %get3A_678] {strides = array<i32>} : memref<80x64xf32, #tpu.memory_space<vmem>>, vector<1x16xf32>,
          %get3A_680 = vector.shape_cast %get3A_679 : vector<1x16xf32> to vector<16xf32>
          %add3A_681 = arith.constant 10 : i32
          %add3A_682 = arith.addi %mul3A_307, %add3A_681 : i32
          %get3A_683 = arith.index_cast %add3A_682 : i32 to index
          %get3A_684 = arith.constant 32 : index
          %get3A_685 = tpu.vector_load %arg9[%get3A_683, %get3A_684] {strides = array<i32>} : memref<80x64xf32, #tpu.memory_space<vmem>>, vector<1x16xf32>,
          %get3A_686 = vector.shape_cast %get3A_685 : vector<1x16xf32> to vector<16xf32>
          %add3A_687 = arith.constant 11 : i32
          %add3A_688 = arith.addi %mul3A_307, %add3A_687 : i32
          %get3A_689 = arith.index_cast %add3A_688 : i32 to index
          %get3A_690 = arith.constant 32 : index
          %get3A_691 = tpu.vector_load %arg9[%get3A_689, %get3A_690] {strides = array<i32>} : memref<80x64xf32, #tpu.memory_space<vmem>>, vector<1x16xf32>,
          %get3A_692 = vector.shape_cast %get3A_691 : vector<1x16xf32> to vector<16xf32>
          %add3A_693 = arith.constant 12 : i32
          %add3A_694 = arith.addi %mul3A_307, %add3A_693 : i32
          %get3A_695 = arith.index_cast %add3A_694 : i32 to index
          %get3A_696 = arith.constant 32 : index
          %get3A_697 = tpu.vector_load %arg9[%get3A_695, %get3A_696] {strides = array<i32>} : memref<80x64xf32, #tpu.memory_space<vmem>>, vector<1x16xf32>,
          %get3A_698 = vector.shape_cast %get3A_697 : vector<1x16xf32> to vector<16xf32>
          %add3A_699 = arith.constant 13 : i32
          %add3A_700 = arith.addi %mul3A_307, %add3A_699 : i32
          %get3A_701 = arith.index_cast %add3A_700 : i32 to index
          %get3A_702 = arith.constant 32 : index
          %get3A_703 = tpu.vector_load %arg9[%get3A_701, %get3A_702] {strides = array<i32>} : memref<80x64xf32, #tpu.memory_space<vmem>>, vector<1x16xf32>,
          %get3A_704 = vector.shape_cast %get3A_703 : vector<1x16xf32> to vector<16xf32>
          %add3A_705 = arith.constant 14 : i32
          %add3A_706 = arith.addi %mul3A_307, %add3A_705 : i32
          %get3A_707 = arith.index_cast %add3A_706 : i32 to index
          %get3A_708 = arith.constant 32 : index
          %get3A_709 = tpu.vector_load %arg9[%get3A_707, %get3A_708] {strides = array<i32>} : memref<80x64xf32, #tpu.memory_space<vmem>>, vector<1x16xf32>,
          %get3A_710 = vector.shape_cast %get3A_709 : vector<1x16xf32> to vector<16xf32>
          %add3A_711 = arith.constant 15 : i32
          %add3A_712 = arith.addi %mul3A_307, %add3A_711 : i32
          %get3A_713 = arith.index_cast %add3A_712 : i32 to index
          %get3A_714 = arith.constant 32 : index
          %get3A_715 = tpu.vector_load %arg9[%get3A_713, %get3A_714] {strides = array<i32>} : memref<80x64xf32, #tpu.memory_space<vmem>>, vector<1x16xf32>,
          %get3A_716 = vector.shape_cast %get3A_715 : vector<1x16xf32> to vector<16xf32>
          %mul3A_717 = arith.mulf %get3A_626, %get3A_626 : vector<16xf32>
          %mul3A_718 = arith.mulf %get3A_632, %get3A_632 : vector<16xf32>
          %mul3A_719 = arith.mulf %get3A_638, %get3A_638 : vector<16xf32>
          %mul3A_720 = arith.mulf %get3A_644, %get3A_644 : vector<16xf32>
          %mul3A_721 = arith.mulf %get3A_650, %get3A_650 : vector<16xf32>
          %mul3A_722 = arith.mulf %get3A_656, %get3A_656 : vector<16xf32>
          %mul3A_723 = arith.mulf %get3A_662, %get3A_662 : vector<16xf32>
          %mul3A_724 = arith.mulf %get3A_668, %get3A_668 : vector<16xf32>
          %mul3A_725 = arith.mulf %get3A_674, %get3A_674 : vector<16xf32>
          %mul3A_726 = arith.mulf %get3A_680, %get3A_680 : vector<16xf32>
          %mul3A_727 = arith.mulf %get3A_686, %get3A_686 : vector<16xf32>
          %mul3A_728 = arith.mulf %get3A_692, %get3A_692 : vector<16xf32>
          %mul3A_729 = arith.mulf %get3A_698, %get3A_698 : vector<16xf32>
          %mul3A_730 = arith.mulf %get3A_704, %get3A_704 : vector<16xf32>
          %mul3A_731 = arith.mulf %get3A_710, %get3A_710 : vector<16xf32>
          %mul3A_732 = arith.mulf %get3A_716, %get3A_716 : vector<16xf32>
          %add3A_733 = arith.addf %get3A_626, %get3A_632 : vector<16xf32>
          %add3A_734 = arith.addf %get3A_638, %get3A_644 : vector<16xf32>
          %add3A_735 = arith.addf %get3A_650, %get3A_656 : vector<16xf32>
          %add3A_736 = arith.addf %get3A_662, %get3A_668 : vector<16xf32>
          %add3A_737 = arith.addf %get3A_674, %get3A_680 : vector<16xf32>
          %add3A_738 = arith.addf %get3A_686, %get3A_692 : vector<16xf32>
          %add3A_739 = arith.addf %get3A_698, %get3A_704 : vector<16xf32>
          %add3A_740 = arith.addf %get3A_710, %get3A_716 : vector<16xf32>
          %add3A_741 = arith.addf %add3A_733, %add3A_734 : vector<16xf32>
          %add3A_742 = arith.addf %add3A_735, %add3A_736 : vector<16xf32>
          %add3A_743 = arith.addf %add3A_737, %add3A_738 : vector<16xf32>
          %add3A_744 = arith.addf %add3A_739, %add3A_740 : vector<16xf32>
          %add3A_745 = arith.addf %add3A_741, %add3A_742 : vector<16xf32>
          %add3A_746 = arith.addf %add3A_743, %add3A_744 : vector<16xf32>
          %add3A_747 = arith.addf %add3A_745, %add3A_746 : vector<16xf32>
          %swap3A_748 = arith.index_cast %scan3A_305 : i32 to index
          %swap3A_749 = arith.constant 32 : index
          %swap3A_750 = tpu.vector_load %arg11[%swap3A_748, %swap3A_749] {strides = array<i32>} : memref<80x144xf32, #tpu.memory_space<vmem>>, vector<1x16xf32>,
          %swap3A_751 = vector.shape_cast %swap3A_750 : vector<1x16xf32> to vector<16xf32>
          %swap3A_752 = vector.shape_cast %add3A_747 : vector<16xf32> to vector<1x16xf32>
          tpu.vector_store %arg11[%swap3A_748, %swap3A_749], %swap3A_752 {strides = array<i32>} : memref<80x144xf32, #tpu.memory_space<vmem>>, vector<1x16xf32>,
          %add3A_753 = arith.addf %mul3A_717, %mul3A_718 : vector<16xf32>
          %add3A_754 = arith.addf %mul3A_719, %mul3A_720 : vector<16xf32>
          %add3A_755 = arith.addf %mul3A_721, %mul3A_722 : vector<16xf32>
          %add3A_756 = arith.addf %mul3A_723, %mul3A_724 : vector<16xf32>
          %add3A_757 = arith.addf %mul3A_725, %mul3A_726 : vector<16xf32>
          %add3A_758 = arith.addf %mul3A_727, %mul3A_728 : vector<16xf32>
          %add3A_759 = arith.addf %mul3A_729, %mul3A_730 : vector<16xf32>
          %add3A_760 = arith.addf %mul3A_731, %mul3A_732 : vector<16xf32>
          %add3A_761 = arith.addf %add3A_753, %add3A_754 : vector<16xf32>
          %add3A_762 = arith.addf %add3A_755, %add3A_756 : vector<16xf32>
          %add3A_763 = arith.addf %add3A_757, %add3A_758 : vector<16xf32>
          %add3A_764 = arith.addf %add3A_759, %add3A_760 : vector<16xf32>
          %add3A_765 = arith.addf %add3A_761, %add3A_762 : vector<16xf32>
          %add3A_766 = arith.addf %add3A_763, %add3A_764 : vector<16xf32>
          %add3A_767 = arith.addf %add3A_765, %add3A_766 : vector<16xf32>
          %swap3A_768 = arith.index_cast %scan3A_305 : i32 to index
          %swap3A_769 = arith.constant 96 : index
          %swap3A_770 = tpu.vector_load %arg11[%swap3A_768, %swap3A_769] {strides = array<i32>} : memref<80x144xf32, #tpu.memory_space<vmem>>, vector<1x16xf32>,
          %swap3A_771 = vector.shape_cast %swap3A_770 : vector<1x16xf32> to vector<16xf32>
          %swap3A_772 = vector.shape_cast %add3A_767 : vector<16xf32> to vector<1x16xf32>
          tpu.vector_store %arg11[%swap3A_768, %swap3A_769], %swap3A_772 {strides = array<i32>} : memref<80x144xf32, #tpu.memory_space<vmem>>, vector<1x16xf32>,
          %add3A_773 = arith.constant 0 : i32
          %add3A_774 = arith.addi %mul3A_307, %add3A_773 : i32
          %get3A_775 = arith.index_cast %add3A_774 : i32 to index
          %get3A_776 = arith.constant 48 : index
          %get3A_777 = tpu.vector_load %arg9[%get3A_775, %get3A_776] {strides = array<i32>} : memref<80x64xf32, #tpu.memory_space<vmem>>, vector<1x16xf32>,
          %get3A_778 = vector.shape_cast %get3A_777 : vector<1x16xf32> to vector<16xf32>
          %add3A_779 = arith.constant 1 : i32
          %add3A_780 = arith.addi %mul3A_307, %add3A_779 : i32
          %get3A_781 = arith.index_cast %add3A_780 : i32 to index
          %get3A_782 = arith.constant 48 : index
          %get3A_783 = tpu.vector_load %arg9[%get3A_781, %get3A_782] {strides = array<i32>} : memref<80x64xf32, #tpu.memory_space<vmem>>, vector<1x16xf32>,
          %get3A_784 = vector.shape_cast %get3A_783 : vector<1x16xf32> to vector<16xf32>
          %add3A_785 = arith.constant 2 : i32
          %add3A_786 = arith.addi %mul3A_307, %add3A_785 : i32
          %get3A_787 = arith.index_cast %add3A_786 : i32 to index
          %get3A_788 = arith.constant 48 : index
          %get3A_789 = tpu.vector_load %arg9[%get3A_787, %get3A_788] {strides = array<i32>} : memref<80x64xf32, #tpu.memory_space<vmem>>, vector<1x16xf32>,
          %get3A_790 = vector.shape_cast %get3A_789 : vector<1x16xf32> to vector<16xf32>
          %add3A_791 = arith.constant 3 : i32
          %add3A_792 = arith.addi %mul3A_307, %add3A_791 : i32
          %get3A_793 = arith.index_cast %add3A_792 : i32 to index
          %get3A_794 = arith.constant 48 : index
          %get3A_795 = tpu.vector_load %arg9[%get3A_793, %get3A_794] {strides = array<i32>} : memref<80x64xf32, #tpu.memory_space<vmem>>, vector<1x16xf32>,
          %get3A_796 = vector.shape_cast %get3A_795 : vector<1x16xf32> to vector<16xf32>
          %add3A_797 = arith.constant 4 : i32
          %add3A_798 = arith.addi %mul3A_307, %add3A_797 : i32
          %get3A_799 = arith.index_cast %add3A_798 : i32 to index
          %get3A_800 = arith.constant 48 : index
          %get3A_801 = tpu.vector_load %arg9[%get3A_799, %get3A_800] {strides = array<i32>} : memref<80x64xf32, #tpu.memory_space<vmem>>, vector<1x16xf32>,
          %get3A_802 = vector.shape_cast %get3A_801 : vector<1x16xf32> to vector<16xf32>
          %add3A_803 = arith.constant 5 : i32
          %add3A_804 = arith.addi %mul3A_307, %add3A_803 : i32
          %get3A_805 = arith.index_cast %add3A_804 : i32 to index
          %get3A_806 = arith.constant 48 : index
          %get3A_807 = tpu.vector_load %arg9[%get3A_805, %get3A_806] {strides = array<i32>} : memref<80x64xf32, #tpu.memory_space<vmem>>, vector<1x16xf32>,
          %get3A_808 = vector.shape_cast %get3A_807 : vector<1x16xf32> to vector<16xf32>
          %add3A_809 = arith.constant 6 : i32
          %add3A_810 = arith.addi %mul3A_307, %add3A_809 : i32
          %get3A_811 = arith.index_cast %add3A_810 : i32 to index
          %get3A_812 = arith.constant 48 : index
          %get3A_813 = tpu.vector_load %arg9[%get3A_811, %get3A_812] {strides = array<i32>} : memref<80x64xf32, #tpu.memory_space<vmem>>, vector<1x16xf32>,
          %get3A_814 = vector.shape_cast %get3A_813 : vector<1x16xf32> to vector<16xf32>
          %add3A_815 = arith.constant 7 : i32
          %add3A_816 = arith.addi %mul3A_307, %add3A_815 : i32
          %get3A_817 = arith.index_cast %add3A_816 : i32 to index
          %get3A_818 = arith.constant 48 : index
          %get3A_819 = tpu.vector_load %arg9[%get3A_817, %get3A_818] {strides = array<i32>} : memref<80x64xf32, #tpu.memory_space<vmem>>, vector<1x16xf32>,
          %get3A_820 = vector.shape_cast %get3A_819 : vector<1x16xf32> to vector<16xf32>
          %add3A_821 = arith.constant 8 : i32
          %add3A_822 = arith.addi %mul3A_307, %add3A_821 : i32
          %get3A_823 = arith.index_cast %add3A_822 : i32 to index
          %get3A_824 = arith.constant 48 : index
          %get3A_825 = tpu.vector_load %arg9[%get3A_823, %get3A_824] {strides = array<i32>} : memref<80x64xf32, #tpu.memory_space<vmem>>, vector<1x16xf32>,
          %get3A_826 = vector.shape_cast %get3A_825 : vector<1x16xf32> to vector<16xf32>
          %add3A_827 = arith.constant 9 : i32
          %add3A_828 = arith.addi %mul3A_307, %add3A_827 : i32
          %get3A_829 = arith.index_cast %add3A_828 : i32 to index
          %get3A_830 = arith.constant 48 : index
          %get3A_831 = tpu.vector_load %arg9[%get3A_829, %get3A_830] {strides = array<i32>} : memref<80x64xf32, #tpu.memory_space<vmem>>, vector<1x16xf32>,
          %get3A_832 = vector.shape_cast %get3A_831 : vector<1x16xf32> to vector<16xf32>
          %add3A_833 = arith.constant 10 : i32
          %add3A_834 = arith.addi %mul3A_307, %add3A_833 : i32
          %get3A_835 = arith.index_cast %add3A_834 : i32 to index
          %get3A_836 = arith.constant 48 : index
          %get3A_837 = tpu.vector_load %arg9[%get3A_835, %get3A_836] {strides = array<i32>} : memref<80x64xf32, #tpu.memory_space<vmem>>, vector<1x16xf32>,
          %get3A_838 = vector.shape_cast %get3A_837 : vector<1x16xf32> to vector<16xf32>
          %add3A_839 = arith.constant 11 : i32
          %add3A_840 = arith.addi %mul3A_307, %add3A_839 : i32
          %get3A_841 = arith.index_cast %add3A_840 : i32 to index
          %get3A_842 = arith.constant 48 : index
          %get3A_843 = tpu.vector_load %arg9[%get3A_841, %get3A_842] {strides = array<i32>} : memref<80x64xf32, #tpu.memory_space<vmem>>, vector<1x16xf32>,
          %get3A_844 = vector.shape_cast %get3A_843 : vector<1x16xf32> to vector<16xf32>
          %add3A_845 = arith.constant 12 : i32
          %add3A_846 = arith.addi %mul3A_307, %add3A_845 : i32
          %get3A_847 = arith.index_cast %add3A_846 : i32 to index
          %get3A_848 = arith.constant 48 : index
          %get3A_849 = tpu.vector_load %arg9[%get3A_847, %get3A_848] {strides = array<i32>} : memref<80x64xf32, #tpu.memory_space<vmem>>, vector<1x16xf32>,
          %get3A_850 = vector.shape_cast %get3A_849 : vector<1x16xf32> to vector<16xf32>
          %add3A_851 = arith.constant 13 : i32
          %add3A_852 = arith.addi %mul3A_307, %add3A_851 : i32
          %get3A_853 = arith.index_cast %add3A_852 : i32 to index
          %get3A_854 = arith.constant 48 : index
          %get3A_855 = tpu.vector_load %arg9[%get3A_853, %get3A_854] {strides = array<i32>} : memref<80x64xf32, #tpu.memory_space<vmem>>, vector<1x16xf32>,
          %get3A_856 = vector.shape_cast %get3A_855 : vector<1x16xf32> to vector<16xf32>
          %add3A_857 = arith.constant 14 : i32
          %add3A_858 = arith.addi %mul3A_307, %add3A_857 : i32
          %get3A_859 = arith.index_cast %add3A_858 : i32 to index
          %get3A_860 = arith.constant 48 : index
          %get3A_861 = tpu.vector_load %arg9[%get3A_859, %get3A_860] {strides = array<i32>} : memref<80x64xf32, #tpu.memory_space<vmem>>, vector<1x16xf32>,
          %get3A_862 = vector.shape_cast %get3A_861 : vector<1x16xf32> to vector<16xf32>
          %add3A_863 = arith.constant 15 : i32
          %add3A_864 = arith.addi %mul3A_307, %add3A_863 : i32
          %get3A_865 = arith.index_cast %add3A_864 : i32 to index
          %get3A_866 = arith.constant 48 : index
          %get3A_867 = tpu.vector_load %arg9[%get3A_865, %get3A_866] {strides = array<i32>} : memref<80x64xf32, #tpu.memory_space<vmem>>, vector<1x16xf32>,
          %get3A_868 = vector.shape_cast %get3A_867 : vector<1x16xf32> to vector<16xf32>
          %mul3A_869 = arith.mulf %get3A_778, %get3A_778 : vector<16xf32>
          %mul3A_870 = arith.mulf %get3A_784, %get3A_784 : vector<16xf32>
          %mul3A_871 = arith.mulf %get3A_790, %get3A_790 : vector<16xf32>
          %mul3A_872 = arith.mulf %get3A_796, %get3A_796 : vector<16xf32>
          %mul3A_873 = arith.mulf %get3A_802, %get3A_802 : vector<16xf32>
          %mul3A_874 = arith.mulf %get3A_808, %get3A_808 : vector<16xf32>
          %mul3A_875 = arith.mulf %get3A_814, %get3A_814 : vector<16xf32>
          %mul3A_876 = arith.mulf %get3A_820, %get3A_820 : vector<16xf32>
          %mul3A_877 = arith.mulf %get3A_826, %get3A_826 : vector<16xf32>
          %mul3A_878 = arith.mulf %get3A_832, %get3A_832 : vector<16xf32>
          %mul3A_879 = arith.mulf %get3A_838, %get3A_838 : vector<16xf32>
          %mul3A_880 = arith.mulf %get3A_844, %get3A_844 : vector<16xf32>
          %mul3A_881 = arith.mulf %get3A_850, %get3A_850 : vector<16xf32>
          %mul3A_882 = arith.mulf %get3A_856, %get3A_856 : vector<16xf32>
          %mul3A_883 = arith.mulf %get3A_862, %get3A_862 : vector<16xf32>
          %mul3A_884 = arith.mulf %get3A_868, %get3A_868 : vector<16xf32>
          %add3A_885 = arith.addf %get3A_778, %get3A_784 : vector<16xf32>
          %add3A_886 = arith.addf %get3A_790, %get3A_796 : vector<16xf32>
          %add3A_887 = arith.addf %get3A_802, %get3A_808 : vector<16xf32>
          %add3A_888 = arith.addf %get3A_814, %get3A_820 : vector<16xf32>
          %add3A_889 = arith.addf %get3A_826, %get3A_832 : vector<16xf32>
          %add3A_890 = arith.addf %get3A_838, %get3A_844 : vector<16xf32>
          %add3A_891 = arith.addf %get3A_850, %get3A_856 : vector<16xf32>
          %add3A_892 = arith.addf %get3A_862, %get3A_868 : vector<16xf32>
          %add3A_893 = arith.addf %add3A_885, %add3A_886 : vector<16xf32>
          %add3A_894 = arith.addf %add3A_887, %add3A_888 : vector<16xf32>
          %add3A_895 = arith.addf %add3A_889, %add3A_890 : vector<16xf32>
          %add3A_896 = arith.addf %add3A_891, %add3A_892 : vector<16xf32>
          %add3A_897 = arith.addf %add3A_893, %add3A_894 : vector<16xf32>
          %add3A_898 = arith.addf %add3A_895, %add3A_896 : vector<16xf32>
          %add3A_899 = arith.addf %add3A_897, %add3A_898 : vector<16xf32>
          %swap3A_900 = arith.index_cast %scan3A_305 : i32 to index
          %swap3A_901 = arith.constant 48 : index
          %swap3A_902 = tpu.vector_load %arg11[%swap3A_900, %swap3A_901] {strides = array<i32>} : memref<80x144xf32, #tpu.memory_space<vmem>>, vector<1x16xf32>,
          %swap3A_903 = vector.shape_cast %swap3A_902 : vector<1x16xf32> to vector<16xf32>
          %swap3A_904 = vector.shape_cast %add3A_899 : vector<16xf32> to vector<1x16xf32>
          tpu.vector_store %arg11[%swap3A_900, %swap3A_901], %swap3A_904 {strides = array<i32>} : memref<80x144xf32, #tpu.memory_space<vmem>>, vector<1x16xf32>,
          %add3A_905 = arith.addf %mul3A_869, %mul3A_870 : vector<16xf32>
          %add3A_906 = arith.addf %mul3A_871, %mul3A_872 : vector<16xf32>
          %add3A_907 = arith.addf %mul3A_873, %mul3A_874 : vector<16xf32>
          %add3A_908 = arith.addf %mul3A_875, %mul3A_876 : vector<16xf32>
          %add3A_909 = arith.addf %mul3A_877, %mul3A_878 : vector<16xf32>
          %add3A_910 = arith.addf %mul3A_879, %mul3A_880 : vector<16xf32>
          %add3A_911 = arith.addf %mul3A_881, %mul3A_882 : vector<16xf32>
          %add3A_912 = arith.addf %mul3A_883, %mul3A_884 : vector<16xf32>
          %add3A_913 = arith.addf %add3A_905, %add3A_906 : vector<16xf32>
          %add3A_914 = arith.addf %add3A_907, %add3A_908 : vector<16xf32>
          %add3A_915 = arith.addf %add3A_909, %add3A_910 : vector<16xf32>
          %add3A_916 = arith.addf %add3A_911, %add3A_912 : vector<16xf32>
          %add3A_917 = arith.addf %add3A_913, %add3A_914 : vector<16xf32>
          %add3A_918 = arith.addf %add3A_915, %add3A_916 : vector<16xf32>
          %add3A_919 = arith.addf %add3A_917, %add3A_918 : vector<16xf32>
          %swap3A_920 = arith.index_cast %scan3A_305 : i32 to index
          %swap3A_921 = arith.constant 112 : index
          %swap3A_922 = tpu.vector_load %arg11[%swap3A_920, %swap3A_921] {strides = array<i32>} : memref<80x144xf32, #tpu.memory_space<vmem>>, vector<1x16xf32>,
          %swap3A_923 = vector.shape_cast %swap3A_922 : vector<1x16xf32> to vector<16xf32>
          %swap3A_924 = vector.shape_cast %add3A_919 : vector<16xf32> to vector<1x16xf32>
          tpu.vector_store %arg11[%swap3A_920, %swap3A_921], %swap3A_924 {strides = array<i32>} : memref<80x144xf32, #tpu.memory_space<vmem>>, vector<1x16xf32>,
          %swap3A_925 = arith.index_cast %scan3A_305 : i32 to index
          %swap3A_926 = arith.constant 128 : index
          %swap3A_927 = tpu.vector_load %arg11[%swap3A_925, %swap3A_926] {strides = array<i32>} : memref<80x144xf32, #tpu.memory_space<vmem>>, vector<1x16xf32>,
          %swap3A_928 = vector.shape_cast %swap3A_927 : vector<1x16xf32> to vector<16xf32>
          %swap3A_929 = vector.shape_cast %select_n3A_10 : vector<16xf32> to vector<1x16xf32>
          tpu.vector_store %arg11[%swap3A_925, %swap3A_926], %swap3A_929 {strides = array<i32>} : memref<80x144xf32, #tpu.memory_space<vmem>>, vector<1x16xf32>,
          %get3A_930 = arith.index_cast %scan3A_305 : i32 to index
          %get3A_931 = tpu.vector_load %arg13[%get3A_930] {strides = array<i32>} : memref<80xi32, #tpu.memory_space<vmem>>, vector<16xi32>,
          %get3A_932 = vector.shape_cast %get3A_931 : vector<16xi32> to vector<16xi32>
          %select_n3A_933 = arith.select %eq3A_2, %get3A_309, %get3A_932 : vector<16xi1>, vector<16xi32>
          %swap3A_934 = arith.index_cast %scan3A_305 : i32 to index
          %swap3A_935 = tpu.vector_load %arg13[%swap3A_934] {strides = array<i32>} : memref<80xi32, #tpu.memory_space<vmem>>, vector<16xi32>,
          %swap3A_936 = vector.shape_cast %swap3A_935 : vector<16xi32> to vector<16xi32>
          %swap3A_937 = vector.shape_cast %select_n3A_933 : vector<16xi32> to vector<16xi32>
          tpu.vector_store %arg13[%swap3A_934], %swap3A_937 {strides = array<i32>} : memref<80xi32, #tpu.memory_space<vmem>>, vector<16xi32>,
          %add3A_938 = arith.constant 1 : i32
          %add3A_939 = arith.addi %scan3A_305, %add3A_938 : i32
          scf.yield %add3A_939 : i32
        } else {
          %add3A_317 = arith.constant 0 : i32
          %add3A_318 = arith.addi %scan3A_305, %add3A_317 : i32
          %add3A_319 = arith.constant 0 : i32
          %add3A_320 = arith.addi %mul3A_307, %add3A_319 : i32
          %get3A_321 = arith.index_cast %add3A_320 : i32 to index
          %get3A_322 = arith.constant 0 : index
          %get3A_323 = tpu.vector_load %arg9[%get3A_321, %get3A_322] {strides = array<i32>} : memref<80x64xf32, #tpu.memory_space<vmem>>, vector<1x16xf32>,
          %get3A_324 = vector.shape_cast %get3A_323 : vector<1x16xf32> to vector<16xf32>
          %swap3A_325 = arith.index_cast %add3A_318 : i32 to index
          %swap3A_326 = arith.constant 0 : index
          %swap3A_327 = tpu.vector_load %arg11[%swap3A_325, %swap3A_326] {strides = array<i32>} : memref<80x144xf32, #tpu.memory_space<vmem>>, vector<1x16xf32>,
          %swap3A_328 = vector.shape_cast %swap3A_327 : vector<1x16xf32> to vector<16xf32>
          %swap3A_329 = vector.shape_cast %get3A_324 : vector<16xf32> to vector<1x16xf32>
          tpu.vector_store %arg11[%swap3A_325, %swap3A_326], %swap3A_329 {strides = array<i32>} : memref<80x144xf32, #tpu.memory_space<vmem>>, vector<1x16xf32>,
          %mul3A_330 = arith.mulf %get3A_324, %get3A_324 : vector<16xf32>
          %swap3A_331 = arith.index_cast %add3A_318 : i32 to index
          %swap3A_332 = arith.constant 64 : index
          %swap3A_333 = tpu.vector_load %arg11[%swap3A_331, %swap3A_332] {strides = array<i32>} : memref<80x144xf32, #tpu.memory_space<vmem>>, vector<1x16xf32>,
          %swap3A_334 = vector.shape_cast %swap3A_333 : vector<1x16xf32> to vector<16xf32>
          %swap3A_335 = vector.shape_cast %mul3A_330 : vector<16xf32> to vector<1x16xf32>
          tpu.vector_store %arg11[%swap3A_331, %swap3A_332], %swap3A_335 {strides = array<i32>} : memref<80x144xf32, #tpu.memory_space<vmem>>, vector<1x16xf32>,
          %add3A_336 = arith.constant 0 : i32
          %add3A_337 = arith.addi %mul3A_307, %add3A_336 : i32
          %get3A_338 = arith.index_cast %add3A_337 : i32 to index
          %get3A_339 = arith.constant 16 : index
          %get3A_340 = tpu.vector_load %arg9[%get3A_338, %get3A_339] {strides = array<i32>} : memref<80x64xf32, #tpu.memory_space<vmem>>, vector<1x16xf32>,
          %get3A_341 = vector.shape_cast %get3A_340 : vector<1x16xf32> to vector<16xf32>
          %swap3A_342 = arith.index_cast %add3A_318 : i32 to index
          %swap3A_343 = arith.constant 16 : index
          %swap3A_344 = tpu.vector_load %arg11[%swap3A_342, %swap3A_343] {strides = array<i32>} : memref<80x144xf32, #tpu.memory_space<vmem>>, vector<1x16xf32>,
          %swap3A_345 = vector.shape_cast %swap3A_344 : vector<1x16xf32> to vector<16xf32>
          %swap3A_346 = vector.shape_cast %get3A_341 : vector<16xf32> to vector<1x16xf32>
          tpu.vector_store %arg11[%swap3A_342, %swap3A_343], %swap3A_346 {strides = array<i32>} : memref<80x144xf32, #tpu.memory_space<vmem>>, vector<1x16xf32>,
          %mul3A_347 = arith.mulf %get3A_341, %get3A_341 : vector<16xf32>
          %swap3A_348 = arith.index_cast %add3A_318 : i32 to index
          %swap3A_349 = arith.constant 80 : index
          %swap3A_350 = tpu.vector_load %arg11[%swap3A_348, %swap3A_349] {strides = array<i32>} : memref<80x144xf32, #tpu.memory_space<vmem>>, vector<1x16xf32>,
          %swap3A_351 = vector.shape_cast %swap3A_350 : vector<1x16xf32> to vector<16xf32>
          %swap3A_352 = vector.shape_cast %mul3A_347 : vector<16xf32> to vector<1x16xf32>
          tpu.vector_store %arg11[%swap3A_348, %swap3A_349], %swap3A_352 {strides = array<i32>} : memref<80x144xf32, #tpu.memory_space<vmem>>, vector<1x16xf32>,
          %add3A_353 = arith.constant 0 : i32
          %add3A_354 = arith.addi %mul3A_307, %add3A_353 : i32
          %get3A_355 = arith.index_cast %add3A_354 : i32 to index
          %get3A_356 = arith.constant 32 : index
          %get3A_357 = tpu.vector_load %arg9[%get3A_355, %get3A_356] {strides = array<i32>} : memref<80x64xf32, #tpu.memory_space<vmem>>, vector<1x16xf32>,
          %get3A_358 = vector.shape_cast %get3A_357 : vector<1x16xf32> to vector<16xf32>
          %swap3A_359 = arith.index_cast %add3A_318 : i32 to index
          %swap3A_360 = arith.constant 32 : index
          %swap3A_361 = tpu.vector_load %arg11[%swap3A_359, %swap3A_360] {strides = array<i32>} : memref<80x144xf32, #tpu.memory_space<vmem>>, vector<1x16xf32>,
          %swap3A_362 = vector.shape_cast %swap3A_361 : vector<1x16xf32> to vector<16xf32>
          %swap3A_363 = vector.shape_cast %get3A_358 : vector<16xf32> to vector<1x16xf32>
          tpu.vector_store %arg11[%swap3A_359, %swap3A_360], %swap3A_363 {strides = array<i32>} : memref<80x144xf32, #tpu.memory_space<vmem>>, vector<1x16xf32>,
          %mul3A_364 = arith.mulf %get3A_358, %get3A_358 : vector<16xf32>
          %swap3A_365 = arith.index_cast %add3A_318 : i32 to index
          %swap3A_366 = arith.constant 96 : index
          %swap3A_367 = tpu.vector_load %arg11[%swap3A_365, %swap3A_366] {strides = array<i32>} : memref<80x144xf32, #tpu.memory_space<vmem>>, vector<1x16xf32>,
          %swap3A_368 = vector.shape_cast %swap3A_367 : vector<1x16xf32> to vector<16xf32>
          %swap3A_369 = vector.shape_cast %mul3A_364 : vector<16xf32> to vector<1x16xf32>
          tpu.vector_store %arg11[%swap3A_365, %swap3A_366], %swap3A_369 {strides = array<i32>} : memref<80x144xf32, #tpu.memory_space<vmem>>, vector<1x16xf32>,
          %add3A_370 = arith.constant 0 : i32
          %add3A_371 = arith.addi %mul3A_307, %add3A_370 : i32
          %get3A_372 = arith.index_cast %add3A_371 : i32 to index
          %get3A_373 = arith.constant 48 : index
          %get3A_374 = tpu.vector_load %arg9[%get3A_372, %get3A_373] {strides = array<i32>} : memref<80x64xf32, #tpu.memory_space<vmem>>, vector<1x16xf32>,
          %get3A_375 = vector.shape_cast %get3A_374 : vector<1x16xf32> to vector<16xf32>
          %swap3A_376 = arith.index_cast %add3A_318 : i32 to index
          %swap3A_377 = arith.constant 48 : index
          %swap3A_378 = tpu.vector_load %arg11[%swap3A_376, %swap3A_377] {strides = array<i32>} : memref<80x144xf32, #tpu.memory_space<vmem>>, vector<1x16xf32>,
          %swap3A_379 = vector.shape_cast %swap3A_378 : vector<1x16xf32> to vector<16xf32>
          %swap3A_380 = vector.shape_cast %get3A_375 : vector<16xf32> to vector<1x16xf32>
          tpu.vector_store %arg11[%swap3A_376, %swap3A_377], %swap3A_380 {strides = array<i32>} : memref<80x144xf32, #tpu.memory_space<vmem>>, vector<1x16xf32>,
          %mul3A_381 = arith.mulf %get3A_375, %get3A_375 : vector<16xf32>
          %swap3A_382 = arith.index_cast %add3A_318 : i32 to index
          %swap3A_383 = arith.constant 112 : index
          %swap3A_384 = tpu.vector_load %arg11[%swap3A_382, %swap3A_383] {strides = array<i32>} : memref<80x144xf32, #tpu.memory_space<vmem>>, vector<1x16xf32>,
          %swap3A_385 = vector.shape_cast %swap3A_384 : vector<1x16xf32> to vector<16xf32>
          %swap3A_386 = vector.shape_cast %mul3A_381 : vector<16xf32> to vector<1x16xf32>
          tpu.vector_store %arg11[%swap3A_382, %swap3A_383], %swap3A_386 {strides = array<i32>} : memref<80x144xf32, #tpu.memory_space<vmem>>, vector<1x16xf32>,
          %swap3A_387 = arith.index_cast %add3A_318 : i32 to index
          %swap3A_388 = arith.constant 128 : index
          %swap3A_389 = tpu.vector_load %arg11[%swap3A_387, %swap3A_388] {strides = array<i32>} : memref<80x144xf32, #tpu.memory_space<vmem>>, vector<1x16xf32>,
          %swap3A_390 = vector.shape_cast %swap3A_389 : vector<1x16xf32> to vector<16xf32>
          %swap3A_391 = vector.shape_cast %select_n3A : vector<16xf32> to vector<1x16xf32>
          tpu.vector_store %arg11[%swap3A_387, %swap3A_388], %swap3A_391 {strides = array<i32>} : memref<80x144xf32, #tpu.memory_space<vmem>>, vector<1x16xf32>,
          %add3A_392 = arith.constant 1 : i32
          %add3A_393 = arith.addi %scan3A_305, %add3A_392 : i32
          %add3A_394 = arith.constant 1 : i32
          %add3A_395 = arith.addi %mul3A_307, %add3A_394 : i32
          %get3A_396 = arith.index_cast %add3A_395 : i32 to index
          %get3A_397 = arith.constant 0 : index
          %get3A_398 = tpu.vector_load %arg9[%get3A_396, %get3A_397] {strides = array<i32>} : memref<80x64xf32, #tpu.memory_space<vmem>>, vector<1x16xf32>,
          %get3A_399 = vector.shape_cast %get3A_398 : vector<1x16xf32> to vector<16xf32>
          %swap3A_400 = arith.index_cast %add3A_393 : i32 to index
          %swap3A_401 = arith.constant 0 : index
          %swap3A_402 = tpu.vector_load %arg11[%swap3A_400, %swap3A_401] {strides = array<i32>} : memref<80x144xf32, #tpu.memory_space<vmem>>, vector<1x16xf32>,
          %swap3A_403 = vector.shape_cast %swap3A_402 : vector<1x16xf32> to vector<16xf32>
          %swap3A_404 = vector.shape_cast %get3A_399 : vector<16xf32> to vector<1x16xf32>
          tpu.vector_store %arg11[%swap3A_400, %swap3A_401], %swap3A_404 {strides = array<i32>} : memref<80x144xf32, #tpu.memory_space<vmem>>, vector<1x16xf32>,
          %mul3A_405 = arith.mulf %get3A_399, %get3A_399 : vector<16xf32>
          %swap3A_406 = arith.index_cast %add3A_393 : i32 to index
          %swap3A_407 = arith.constant 64 : index
          %swap3A_408 = tpu.vector_load %arg11[%swap3A_406, %swap3A_407] {strides = array<i32>} : memref<80x144xf32, #tpu.memory_space<vmem>>, vector<1x16xf32>,
          %swap3A_409 = vector.shape_cast %swap3A_408 : vector<1x16xf32> to vector<16xf32>
          %swap3A_410 = vector.shape_cast %mul3A_405 : vector<16xf32> to vector<1x16xf32>
          tpu.vector_store %arg11[%swap3A_406, %swap3A_407], %swap3A_410 {strides = array<i32>} : memref<80x144xf32, #tpu.memory_space<vmem>>, vector<1x16xf32>,
          %add3A_411 = arith.constant 1 : i32
          %add3A_412 = arith.addi %mul3A_307, %add3A_411 : i32
          %get3A_413 = arith.index_cast %add3A_412 : i32 to index
          %get3A_414 = arith.constant 16 : index
          %get3A_415 = tpu.vector_load %arg9[%get3A_413, %get3A_414] {strides = array<i32>} : memref<80x64xf32, #tpu.memory_space<vmem>>, vector<1x16xf32>,
          %get3A_416 = vector.shape_cast %get3A_415 : vector<1x16xf32> to vector<16xf32>
          %swap3A_417 = arith.index_cast %add3A_393 : i32 to index
          %swap3A_418 = arith.constant 16 : index
          %swap3A_419 = tpu.vector_load %arg11[%swap3A_417, %swap3A_418] {strides = array<i32>} : memref<80x144xf32, #tpu.memory_space<vmem>>, vector<1x16xf32>,
          %swap3A_420 = vector.shape_cast %swap3A_419 : vector<1x16xf32> to vector<16xf32>
          %swap3A_421 = vector.shape_cast %get3A_416 : vector<16xf32> to vector<1x16xf32>
          tpu.vector_store %arg11[%swap3A_417, %swap3A_418], %swap3A_421 {strides = array<i32>} : memref<80x144xf32, #tpu.memory_space<vmem>>, vector<1x16xf32>,
          %mul3A_422 = arith.mulf %get3A_416, %get3A_416 : vector<16xf32>
          %swap3A_423 = arith.index_cast %add3A_393 : i32 to index
          %swap3A_424 = arith.constant 80 : index
          %swap3A_425 = tpu.vector_load %arg11[%swap3A_423, %swap3A_424] {strides = array<i32>} : memref<80x144xf32, #tpu.memory_space<vmem>>, vector<1x16xf32>,
          %swap3A_426 = vector.shape_cast %swap3A_425 : vector<1x16xf32> to vector<16xf32>
          %swap3A_427 = vector.shape_cast %mul3A_422 : vector<16xf32> to vector<1x16xf32>
          tpu.vector_store %arg11[%swap3A_423, %swap3A_424], %swap3A_427 {strides = array<i32>} : memref<80x144xf32, #tpu.memory_space<vmem>>, vector<1x16xf32>,
          %add3A_428 = arith.constant 1 : i32
          %add3A_429 = arith.addi %mul3A_307, %add3A_428 : i32
          %get3A_430 = arith.index_cast %add3A_429 : i32 to index
          %get3A_431 = arith.constant 32 : index
          %get3A_432 = tpu.vector_load %arg9[%get3A_430, %get3A_431] {strides = array<i32>} : memref<80x64xf32, #tpu.memory_space<vmem>>, vector<1x16xf32>,
          %get3A_433 = vector.shape_cast %get3A_432 : vector<1x16xf32> to vector<16xf32>
          %swap3A_434 = arith.index_cast %add3A_393 : i32 to index
          %swap3A_435 = arith.constant 32 : index
          %swap3A_436 = tpu.vector_load %arg11[%swap3A_434, %swap3A_435] {strides = array<i32>} : memref<80x144xf32, #tpu.memory_space<vmem>>, vector<1x16xf32>,
          %swap3A_437 = vector.shape_cast %swap3A_436 : vector<1x16xf32> to vector<16xf32>
          %swap3A_438 = vector.shape_cast %get3A_433 : vector<16xf32> to vector<1x16xf32>
          tpu.vector_store %arg11[%swap3A_434, %swap3A_435], %swap3A_438 {strides = array<i32>} : memref<80x144xf32, #tpu.memory_space<vmem>>, vector<1x16xf32>,
          %mul3A_439 = arith.mulf %get3A_433, %get3A_433 : vector<16xf32>
          %swap3A_440 = arith.index_cast %add3A_393 : i32 to index
          %swap3A_441 = arith.constant 96 : index
          %swap3A_442 = tpu.vector_load %arg11[%swap3A_440, %swap3A_441] {strides = array<i32>} : memref<80x144xf32, #tpu.memory_space<vmem>>, vector<1x16xf32>,
          %swap3A_443 = vector.shape_cast %swap3A_442 : vector<1x16xf32> to vector<16xf32>
          %swap3A_444 = vector.shape_cast %mul3A_439 : vector<16xf32> to vector<1x16xf32>
          tpu.vector_store %arg11[%swap3A_440, %swap3A_441], %swap3A_444 {strides = array<i32>} : memref<80x144xf32, #tpu.memory_space<vmem>>, vector<1x16xf32>,
          %add3A_445 = arith.constant 1 : i32
          %add3A_446 = arith.addi %mul3A_307, %add3A_445 : i32
          %get3A_447 = arith.index_cast %add3A_446 : i32 to index
          %get3A_448 = arith.constant 48 : index
          %get3A_449 = tpu.vector_load %arg9[%get3A_447, %get3A_448] {strides = array<i32>} : memref<80x64xf32, #tpu.memory_space<vmem>>, vector<1x16xf32>,
          %get3A_450 = vector.shape_cast %get3A_449 : vector<1x16xf32> to vector<16xf32>
          %swap3A_451 = arith.index_cast %add3A_393 : i32 to index
          %swap3A_452 = arith.constant 48 : index
          %swap3A_453 = tpu.vector_load %arg11[%swap3A_451, %swap3A_452] {strides = array<i32>} : memref<80x144xf32, #tpu.memory_space<vmem>>, vector<1x16xf32>,
          %swap3A_454 = vector.shape_cast %swap3A_453 : vector<1x16xf32> to vector<16xf32>
          %swap3A_455 = vector.shape_cast %get3A_450 : vector<16xf32> to vector<1x16xf32>
          tpu.vector_store %arg11[%swap3A_451, %swap3A_452], %swap3A_455 {strides = array<i32>} : memref<80x144xf32, #tpu.memory_space<vmem>>, vector<1x16xf32>,
          %mul3A_456 = arith.mulf %get3A_450, %get3A_450 : vector<16xf32>
          %swap3A_457 = arith.index_cast %add3A_393 : i32 to index
          %swap3A_458 = arith.constant 112 : index
          %swap3A_459 = tpu.vector_load %arg11[%swap3A_457, %swap3A_458] {strides = array<i32>} : memref<80x144xf32, #tpu.memory_space<vmem>>, vector<1x16xf32>,
          %swap3A_460 = vector.shape_cast %swap3A_459 : vector<1x16xf32> to vector<16xf32>
          %swap3A_461 = vector.shape_cast %mul3A_456 : vector<16xf32> to vector<1x16xf32>
          tpu.vector_store %arg11[%swap3A_457, %swap3A_458], %swap3A_461 {strides = array<i32>} : memref<80x144xf32, #tpu.memory_space<vmem>>, vector<1x16xf32>,
          %swap3A_462 = arith.index_cast %add3A_393 : i32 to index
          %swap3A_463 = arith.constant 128 : index
          %swap3A_464 = tpu.vector_load %arg11[%swap3A_462, %swap3A_463] {strides = array<i32>} : memref<80x144xf32, #tpu.memory_space<vmem>>, vector<1x16xf32>,
          %swap3A_465 = vector.shape_cast %swap3A_464 : vector<1x16xf32> to vector<16xf32>
          %swap3A_466 = vector.shape_cast %select_n3A : vector<16xf32> to vector<1x16xf32>
          tpu.vector_store %arg11[%swap3A_462, %swap3A_463], %swap3A_466 {strides = array<i32>} : memref<80x144xf32, #tpu.memory_space<vmem>>, vector<1x16xf32>,
          %add3A_467 = arith.constant 2 : i32
          %add3A_468 = arith.addi %scan3A_305, %add3A_467 : i32
          %add3A_469 = arith.constant 2 : i32
          %add3A_470 = arith.addi %mul3A_307, %add3A_469 : i32
          %get3A_471 = arith.index_cast %add3A_470 : i32 to index
          %get3A_472 = arith.constant 0 : index
          %get3A_473 = tpu.vector_load %arg9[%get3A_471, %get3A_472] {strides = array<i32>} : memref<80x64xf32, #tpu.memory_space<vmem>>, vector<1x16xf32>,
          %get3A_474 = vector.shape_cast %get3A_473 : vector<1x16xf32> to vector<16xf32>
          %swap3A_475 = arith.index_cast %add3A_468 : i32 to index
          %swap3A_476 = arith.constant 0 : index
          %swap3A_477 = tpu.vector_load %arg11[%swap3A_475, %swap3A_476] {strides = array<i32>} : memref<80x144xf32, #tpu.memory_space<vmem>>, vector<1x16xf32>,
          %swap3A_478 = vector.shape_cast %swap3A_477 : vector<1x16xf32> to vector<16xf32>
          %swap3A_479 = vector.shape_cast %get3A_474 : vector<16xf32> to vector<1x16xf32>
          tpu.vector_store %arg11[%swap3A_475, %swap3A_476], %swap3A_479 {strides = array<i32>} : memref<80x144xf32, #tpu.memory_space<vmem>>, vector<1x16xf32>,
          %mul3A_480 = arith.mulf %get3A_474, %get3A_474 : vector<16xf32>
          %swap3A_481 = arith.index_cast %add3A_468 : i32 to index
          %swap3A_482 = arith.constant 64 : index
          %swap3A_483 = tpu.vector_load %arg11[%swap3A_481, %swap3A_482] {strides = array<i32>} : memref<80x144xf32, #tpu.memory_space<vmem>>, vector<1x16xf32>,
          %swap3A_484 = vector.shape_cast %swap3A_483 : vector<1x16xf32> to vector<16xf32>
          %swap3A_485 = vector.shape_cast %mul3A_480 : vector<16xf32> to vector<1x16xf32>
          tpu.vector_store %arg11[%swap3A_481, %swap3A_482], %swap3A_485 {strides = array<i32>} : memref<80x144xf32, #tpu.memory_space<vmem>>, vector<1x16xf32>,
          %add3A_486 = arith.constant 2 : i32
          %add3A_487 = arith.addi %mul3A_307, %add3A_486 : i32
          %get3A_488 = arith.index_cast %add3A_487 : i32 to index
          %get3A_489 = arith.constant 16 : index
          %get3A_490 = tpu.vector_load %arg9[%get3A_488, %get3A_489] {strides = array<i32>} : memref<80x64xf32, #tpu.memory_space<vmem>>, vector<1x16xf32>,
          %get3A_491 = vector.shape_cast %get3A_490 : vector<1x16xf32> to vector<16xf32>
          %swap3A_492 = arith.index_cast %add3A_468 : i32 to index
          %swap3A_493 = arith.constant 16 : index
          %swap3A_494 = tpu.vector_load %arg11[%swap3A_492, %swap3A_493] {strides = array<i32>} : memref<80x144xf32, #tpu.memory_space<vmem>>, vector<1x16xf32>,
          %swap3A_495 = vector.shape_cast %swap3A_494 : vector<1x16xf32> to vector<16xf32>
          %swap3A_496 = vector.shape_cast %get3A_491 : vector<16xf32> to vector<1x16xf32>
          tpu.vector_store %arg11[%swap3A_492, %swap3A_493], %swap3A_496 {strides = array<i32>} : memref<80x144xf32, #tpu.memory_space<vmem>>, vector<1x16xf32>,
          %mul3A_497 = arith.mulf %get3A_491, %get3A_491 : vector<16xf32>
          %swap3A_498 = arith.index_cast %add3A_468 : i32 to index
          %swap3A_499 = arith.constant 80 : index
          %swap3A_500 = tpu.vector_load %arg11[%swap3A_498, %swap3A_499] {strides = array<i32>} : memref<80x144xf32, #tpu.memory_space<vmem>>, vector<1x16xf32>,
          %swap3A_501 = vector.shape_cast %swap3A_500 : vector<1x16xf32> to vector<16xf32>
          %swap3A_502 = vector.shape_cast %mul3A_497 : vector<16xf32> to vector<1x16xf32>
          tpu.vector_store %arg11[%swap3A_498, %swap3A_499], %swap3A_502 {strides = array<i32>} : memref<80x144xf32, #tpu.memory_space<vmem>>, vector<1x16xf32>,
          %add3A_503 = arith.constant 2 : i32
          %add3A_504 = arith.addi %mul3A_307, %add3A_503 : i32
          %get3A_505 = arith.index_cast %add3A_504 : i32 to index
          %get3A_506 = arith.constant 32 : index
          %get3A_507 = tpu.vector_load %arg9[%get3A_505, %get3A_506] {strides = array<i32>} : memref<80x64xf32, #tpu.memory_space<vmem>>, vector<1x16xf32>,
          %get3A_508 = vector.shape_cast %get3A_507 : vector<1x16xf32> to vector<16xf32>
          %swap3A_509 = arith.index_cast %add3A_468 : i32 to index
          %swap3A_510 = arith.constant 32 : index
          %swap3A_511 = tpu.vector_load %arg11[%swap3A_509, %swap3A_510] {strides = array<i32>} : memref<80x144xf32, #tpu.memory_space<vmem>>, vector<1x16xf32>,
          %swap3A_512 = vector.shape_cast %swap3A_511 : vector<1x16xf32> to vector<16xf32>
          %swap3A_513 = vector.shape_cast %get3A_508 : vector<16xf32> to vector<1x16xf32>
          tpu.vector_store %arg11[%swap3A_509, %swap3A_510], %swap3A_513 {strides = array<i32>} : memref<80x144xf32, #tpu.memory_space<vmem>>, vector<1x16xf32>,
          %mul3A_514 = arith.mulf %get3A_508, %get3A_508 : vector<16xf32>
          %swap3A_515 = arith.index_cast %add3A_468 : i32 to index
          %swap3A_516 = arith.constant 96 : index
          %swap3A_517 = tpu.vector_load %arg11[%swap3A_515, %swap3A_516] {strides = array<i32>} : memref<80x144xf32, #tpu.memory_space<vmem>>, vector<1x16xf32>,
          %swap3A_518 = vector.shape_cast %swap3A_517 : vector<1x16xf32> to vector<16xf32>
          %swap3A_519 = vector.shape_cast %mul3A_514 : vector<16xf32> to vector<1x16xf32>
          tpu.vector_store %arg11[%swap3A_515, %swap3A_516], %swap3A_519 {strides = array<i32>} : memref<80x144xf32, #tpu.memory_space<vmem>>, vector<1x16xf32>,
          %add3A_520 = arith.constant 2 : i32
          %add3A_521 = arith.addi %mul3A_307, %add3A_520 : i32
          %get3A_522 = arith.index_cast %add3A_521 : i32 to index
          %get3A_523 = arith.constant 48 : index
          %get3A_524 = tpu.vector_load %arg9[%get3A_522, %get3A_523] {strides = array<i32>} : memref<80x64xf32, #tpu.memory_space<vmem>>, vector<1x16xf32>,
          %get3A_525 = vector.shape_cast %get3A_524 : vector<1x16xf32> to vector<16xf32>
          %swap3A_526 = arith.index_cast %add3A_468 : i32 to index
          %swap3A_527 = arith.constant 48 : index
          %swap3A_528 = tpu.vector_load %arg11[%swap3A_526, %swap3A_527] {strides = array<i32>} : memref<80x144xf32, #tpu.memory_space<vmem>>, vector<1x16xf32>,
          %swap3A_529 = vector.shape_cast %swap3A_528 : vector<1x16xf32> to vector<16xf32>
          %swap3A_530 = vector.shape_cast %get3A_525 : vector<16xf32> to vector<1x16xf32>
          tpu.vector_store %arg11[%swap3A_526, %swap3A_527], %swap3A_530 {strides = array<i32>} : memref<80x144xf32, #tpu.memory_space<vmem>>, vector<1x16xf32>,
          %mul3A_531 = arith.mulf %get3A_525, %get3A_525 : vector<16xf32>
          %swap3A_532 = arith.index_cast %add3A_468 : i32 to index
          %swap3A_533 = arith.constant 112 : index
          %swap3A_534 = tpu.vector_load %arg11[%swap3A_532, %swap3A_533] {strides = array<i32>} : memref<80x144xf32, #tpu.memory_space<vmem>>, vector<1x16xf32>,
          %swap3A_535 = vector.shape_cast %swap3A_534 : vector<1x16xf32> to vector<16xf32>
          %swap3A_536 = vector.shape_cast %mul3A_531 : vector<16xf32> to vector<1x16xf32>
          tpu.vector_store %arg11[%swap3A_532, %swap3A_533], %swap3A_536 {strides = array<i32>} : memref<80x144xf32, #tpu.memory_space<vmem>>, vector<1x16xf32>,
          %swap3A_537 = arith.index_cast %add3A_468 : i32 to index
          %swap3A_538 = arith.constant 128 : index
          %swap3A_539 = tpu.vector_load %arg11[%swap3A_537, %swap3A_538] {strides = array<i32>} : memref<80x144xf32, #tpu.memory_space<vmem>>, vector<1x16xf32>,
          %swap3A_540 = vector.shape_cast %swap3A_539 : vector<1x16xf32> to vector<16xf32>
          %swap3A_541 = vector.shape_cast %select_n3A : vector<16xf32> to vector<1x16xf32>
          tpu.vector_store %arg11[%swap3A_537, %swap3A_538], %swap3A_541 {strides = array<i32>} : memref<80x144xf32, #tpu.memory_space<vmem>>, vector<1x16xf32>,
          %add3A_542 = arith.constant 3 : i32
          %add3A_543 = arith.addi %scan3A_305, %add3A_542 : i32
          %add3A_544 = arith.constant 3 : i32
          %add3A_545 = arith.addi %mul3A_307, %add3A_544 : i32
          %get3A_546 = arith.index_cast %add3A_545 : i32 to index
          %get3A_547 = arith.constant 0 : index
          %get3A_548 = tpu.vector_load %arg9[%get3A_546, %get3A_547] {strides = array<i32>} : memref<80x64xf32, #tpu.memory_space<vmem>>, vector<1x16xf32>,
          %get3A_549 = vector.shape_cast %get3A_548 : vector<1x16xf32> to vector<16xf32>
          %swap3A_550 = arith.index_cast %add3A_543 : i32 to index
          %swap3A_551 = arith.constant 0 : index
          %swap3A_552 = tpu.vector_load %arg11[%swap3A_550, %swap3A_551] {strides = array<i32>} : memref<80x144xf32, #tpu.memory_space<vmem>>, vector<1x16xf32>,
          %swap3A_553 = vector.shape_cast %swap3A_552 : vector<1x16xf32> to vector<16xf32>
          %swap3A_554 = vector.shape_cast %get3A_549 : vector<16xf32> to vector<1x16xf32>
          tpu.vector_store %arg11[%swap3A_550, %swap3A_551], %swap3A_554 {strides = array<i32>} : memref<80x144xf32, #tpu.memory_space<vmem>>, vector<1x16xf32>,
          %mul3A_555 = arith.mulf %get3A_549, %get3A_549 : vector<16xf32>
          %swap3A_556 = arith.index_cast %add3A_543 : i32 to index
          %swap3A_557 = arith.constant 64 : index
          %swap3A_558 = tpu.vector_load %arg11[%swap3A_556, %swap3A_557] {strides = array<i32>} : memref<80x144xf32, #tpu.memory_space<vmem>>, vector<1x16xf32>,
          %swap3A_559 = vector.shape_cast %swap3A_558 : vector<1x16xf32> to vector<16xf32>
          %swap3A_560 = vector.shape_cast %mul3A_555 : vector<16xf32> to vector<1x16xf32>
          tpu.vector_store %arg11[%swap3A_556, %swap3A_557], %swap3A_560 {strides = array<i32>} : memref<80x144xf32, #tpu.memory_space<vmem>>, vector<1x16xf32>,
          %add3A_561 = arith.constant 3 : i32
          %add3A_562 = arith.addi %mul3A_307, %add3A_561 : i32
          %get3A_563 = arith.index_cast %add3A_562 : i32 to index
          %get3A_564 = arith.constant 16 : index
          %get3A_565 = tpu.vector_load %arg9[%get3A_563, %get3A_564] {strides = array<i32>} : memref<80x64xf32, #tpu.memory_space<vmem>>, vector<1x16xf32>,
          %get3A_566 = vector.shape_cast %get3A_565 : vector<1x16xf32> to vector<16xf32>
          %swap3A_567 = arith.index_cast %add3A_543 : i32 to index
          %swap3A_568 = arith.constant 16 : index
          %swap3A_569 = tpu.vector_load %arg11[%swap3A_567, %swap3A_568] {strides = array<i32>} : memref<80x144xf32, #tpu.memory_space<vmem>>, vector<1x16xf32>,
          %swap3A_570 = vector.shape_cast %swap3A_569 : vector<1x16xf32> to vector<16xf32>
          %swap3A_571 = vector.shape_cast %get3A_566 : vector<16xf32> to vector<1x16xf32>
          tpu.vector_store %arg11[%swap3A_567, %swap3A_568], %swap3A_571 {strides = array<i32>} : memref<80x144xf32, #tpu.memory_space<vmem>>, vector<1x16xf32>,
          %mul3A_572 = arith.mulf %get3A_566, %get3A_566 : vector<16xf32>
          %swap3A_573 = arith.index_cast %add3A_543 : i32 to index
          %swap3A_574 = arith.constant 80 : index
          %swap3A_575 = tpu.vector_load %arg11[%swap3A_573, %swap3A_574] {strides = array<i32>} : memref<80x144xf32, #tpu.memory_space<vmem>>, vector<1x16xf32>,
          %swap3A_576 = vector.shape_cast %swap3A_575 : vector<1x16xf32> to vector<16xf32>
          %swap3A_577 = vector.shape_cast %mul3A_572 : vector<16xf32> to vector<1x16xf32>
          tpu.vector_store %arg11[%swap3A_573, %swap3A_574], %swap3A_577 {strides = array<i32>} : memref<80x144xf32, #tpu.memory_space<vmem>>, vector<1x16xf32>,
          %add3A_578 = arith.constant 3 : i32
          %add3A_579 = arith.addi %mul3A_307, %add3A_578 : i32
          %get3A_580 = arith.index_cast %add3A_579 : i32 to index
          %get3A_581 = arith.constant 32 : index
          %get3A_582 = tpu.vector_load %arg9[%get3A_580, %get3A_581] {strides = array<i32>} : memref<80x64xf32, #tpu.memory_space<vmem>>, vector<1x16xf32>,
          %get3A_583 = vector.shape_cast %get3A_582 : vector<1x16xf32> to vector<16xf32>
          %swap3A_584 = arith.index_cast %add3A_543 : i32 to index
          %swap3A_585 = arith.constant 32 : index
          %swap3A_586 = tpu.vector_load %arg11[%swap3A_584, %swap3A_585] {strides = array<i32>} : memref<80x144xf32, #tpu.memory_space<vmem>>, vector<1x16xf32>,
          %swap3A_587 = vector.shape_cast %swap3A_586 : vector<1x16xf32> to vector<16xf32>
          %swap3A_588 = vector.shape_cast %get3A_583 : vector<16xf32> to vector<1x16xf32>
          tpu.vector_store %arg11[%swap3A_584, %swap3A_585], %swap3A_588 {strides = array<i32>} : memref<80x144xf32, #tpu.memory_space<vmem>>, vector<1x16xf32>,
          %mul3A_589 = arith.mulf %get3A_583, %get3A_583 : vector<16xf32>
          %swap3A_590 = arith.index_cast %add3A_543 : i32 to index
          %swap3A_591 = arith.constant 96 : index
          %swap3A_592 = tpu.vector_load %arg11[%swap3A_590, %swap3A_591] {strides = array<i32>} : memref<80x144xf32, #tpu.memory_space<vmem>>, vector<1x16xf32>,
          %swap3A_593 = vector.shape_cast %swap3A_592 : vector<1x16xf32> to vector<16xf32>
          %swap3A_594 = vector.shape_cast %mul3A_589 : vector<16xf32> to vector<1x16xf32>
          tpu.vector_store %arg11[%swap3A_590, %swap3A_591], %swap3A_594 {strides = array<i32>} : memref<80x144xf32, #tpu.memory_space<vmem>>, vector<1x16xf32>,
          %add3A_595 = arith.constant 3 : i32
          %add3A_596 = arith.addi %mul3A_307, %add3A_595 : i32
          %get3A_597 = arith.index_cast %add3A_596 : i32 to index
          %get3A_598 = arith.constant 48 : index
          %get3A_599 = tpu.vector_load %arg9[%get3A_597, %get3A_598] {strides = array<i32>} : memref<80x64xf32, #tpu.memory_space<vmem>>, vector<1x16xf32>,
          %get3A_600 = vector.shape_cast %get3A_599 : vector<1x16xf32> to vector<16xf32>
          %swap3A_601 = arith.index_cast %add3A_543 : i32 to index
          %swap3A_602 = arith.constant 48 : index
          %swap3A_603 = tpu.vector_load %arg11[%swap3A_601, %swap3A_602] {strides = array<i32>} : memref<80x144xf32, #tpu.memory_space<vmem>>, vector<1x16xf32>,
          %swap3A_604 = vector.shape_cast %swap3A_603 : vector<1x16xf32> to vector<16xf32>
          %swap3A_605 = vector.shape_cast %get3A_600 : vector<16xf32> to vector<1x16xf32>
          tpu.vector_store %arg11[%swap3A_601, %swap3A_602], %swap3A_605 {strides = array<i32>} : memref<80x144xf32, #tpu.memory_space<vmem>>, vector<1x16xf32>,
          %mul3A_606 = arith.mulf %get3A_600, %get3A_600 : vector<16xf32>
          %swap3A_607 = arith.index_cast %add3A_543 : i32 to index
          %swap3A_608 = arith.constant 112 : index
          %swap3A_609 = tpu.vector_load %arg11[%swap3A_607, %swap3A_608] {strides = array<i32>} : memref<80x144xf32, #tpu.memory_space<vmem>>, vector<1x16xf32>,
          %swap3A_610 = vector.shape_cast %swap3A_609 : vector<1x16xf32> to vector<16xf32>
          %swap3A_611 = vector.shape_cast %mul3A_606 : vector<16xf32> to vector<1x16xf32>
          tpu.vector_store %arg11[%swap3A_607, %swap3A_608], %swap3A_611 {strides = array<i32>} : memref<80x144xf32, #tpu.memory_space<vmem>>, vector<1x16xf32>,
          %swap3A_612 = arith.index_cast %add3A_543 : i32 to index
          %swap3A_613 = arith.constant 128 : index
          %swap3A_614 = tpu.vector_load %arg11[%swap3A_612, %swap3A_613] {strides = array<i32>} : memref<80x144xf32, #tpu.memory_space<vmem>>, vector<1x16xf32>,
          %swap3A_615 = vector.shape_cast %swap3A_614 : vector<1x16xf32> to vector<16xf32>
          %swap3A_616 = vector.shape_cast %select_n3A : vector<16xf32> to vector<1x16xf32>
          tpu.vector_store %arg11[%swap3A_612, %swap3A_613], %swap3A_616 {strides = array<i32>} : memref<80x144xf32, #tpu.memory_space<vmem>>, vector<1x16xf32>,
          %add3A_617 = arith.constant 4 : i32
          %add3A_618 = arith.addi %scan3A_305, %add3A_617 : i32
          %add3A_619 = arith.constant 4 : i32
          %add3A_620 = arith.addi %mul3A_307, %add3A_619 : i32
          %get3A_621 = arith.index_cast %add3A_620 : i32 to index
          %get3A_622 = arith.constant 0 : index
          %get3A_623 = tpu.vector_load %arg9[%get3A_621, %get3A_622] {strides = array<i32>} : memref<80x64xf32, #tpu.memory_space<vmem>>, vector<1x16xf32>,
          %get3A_624 = vector.shape_cast %get3A_623 : vector<1x16xf32> to vector<16xf32>
          %swap3A_625 = arith.index_cast %add3A_618 : i32 to index
          %swap3A_626 = arith.constant 0 : index
          %swap3A_627 = tpu.vector_load %arg11[%swap3A_625, %swap3A_626] {strides = array<i32>} : memref<80x144xf32, #tpu.memory_space<vmem>>, vector<1x16xf32>,
          %swap3A_628 = vector.shape_cast %swap3A_627 : vector<1x16xf32> to vector<16xf32>
          %swap3A_629 = vector.shape_cast %get3A_624 : vector<16xf32> to vector<1x16xf32>
          tpu.vector_store %arg11[%swap3A_625, %swap3A_626], %swap3A_629 {strides = array<i32>} : memref<80x144xf32, #tpu.memory_space<vmem>>, vector<1x16xf32>,
          %mul3A_630 = arith.mulf %get3A_624, %get3A_624 : vector<16xf32>
          %swap3A_631 = arith.index_cast %add3A_618 : i32 to index
          %swap3A_632 = arith.constant 64 : index
          %swap3A_633 = tpu.vector_load %arg11[%swap3A_631, %swap3A_632] {strides = array<i32>} : memref<80x144xf32, #tpu.memory_space<vmem>>, vector<1x16xf32>,
          %swap3A_634 = vector.shape_cast %swap3A_633 : vector<1x16xf32> to vector<16xf32>
          %swap3A_635 = vector.shape_cast %mul3A_630 : vector<16xf32> to vector<1x16xf32>
          tpu.vector_store %arg11[%swap3A_631, %swap3A_632], %swap3A_635 {strides = array<i32>} : memref<80x144xf32, #tpu.memory_space<vmem>>, vector<1x16xf32>,
          %add3A_636 = arith.constant 4 : i32
          %add3A_637 = arith.addi %mul3A_307, %add3A_636 : i32
          %get3A_638 = arith.index_cast %add3A_637 : i32 to index
          %get3A_639 = arith.constant 16 : index
          %get3A_640 = tpu.vector_load %arg9[%get3A_638, %get3A_639] {strides = array<i32>} : memref<80x64xf32, #tpu.memory_space<vmem>>, vector<1x16xf32>,
          %get3A_641 = vector.shape_cast %get3A_640 : vector<1x16xf32> to vector<16xf32>
          %swap3A_642 = arith.index_cast %add3A_618 : i32 to index
          %swap3A_643 = arith.constant 16 : index
          %swap3A_644 = tpu.vector_load %arg11[%swap3A_642, %swap3A_643] {strides = array<i32>} : memref<80x144xf32, #tpu.memory_space<vmem>>, vector<1x16xf32>,
          %swap3A_645 = vector.shape_cast %swap3A_644 : vector<1x16xf32> to vector<16xf32>
          %swap3A_646 = vector.shape_cast %get3A_641 : vector<16xf32> to vector<1x16xf32>
          tpu.vector_store %arg11[%swap3A_642, %swap3A_643], %swap3A_646 {strides = array<i32>} : memref<80x144xf32, #tpu.memory_space<vmem>>, vector<1x16xf32>,
          %mul3A_647 = arith.mulf %get3A_641, %get3A_641 : vector<16xf32>
          %swap3A_648 = arith.index_cast %add3A_618 : i32 to index
          %swap3A_649 = arith.constant 80 : index
          %swap3A_650 = tpu.vector_load %arg11[%swap3A_648, %swap3A_649] {strides = array<i32>} : memref<80x144xf32, #tpu.memory_space<vmem>>, vector<1x16xf32>,
          %swap3A_651 = vector.shape_cast %swap3A_650 : vector<1x16xf32> to vector<16xf32>
          %swap3A_652 = vector.shape_cast %mul3A_647 : vector<16xf32> to vector<1x16xf32>
          tpu.vector_store %arg11[%swap3A_648, %swap3A_649], %swap3A_652 {strides = array<i32>} : memref<80x144xf32, #tpu.memory_space<vmem>>, vector<1x16xf32>,
          %add3A_653 = arith.constant 4 : i32
          %add3A_654 = arith.addi %mul3A_307, %add3A_653 : i32
          %get3A_655 = arith.index_cast %add3A_654 : i32 to index
          %get3A_656 = arith.constant 32 : index
          %get3A_657 = tpu.vector_load %arg9[%get3A_655, %get3A_656] {strides = array<i32>} : memref<80x64xf32, #tpu.memory_space<vmem>>, vector<1x16xf32>,
          %get3A_658 = vector.shape_cast %get3A_657 : vector<1x16xf32> to vector<16xf32>
          %swap3A_659 = arith.index_cast %add3A_618 : i32 to index
          %swap3A_660 = arith.constant 32 : index
          %swap3A_661 = tpu.vector_load %arg11[%swap3A_659, %swap3A_660] {strides = array<i32>} : memref<80x144xf32, #tpu.memory_space<vmem>>, vector<1x16xf32>,
          %swap3A_662 = vector.shape_cast %swap3A_661 : vector<1x16xf32> to vector<16xf32>
          %swap3A_663 = vector.shape_cast %get3A_658 : vector<16xf32> to vector<1x16xf32>
          tpu.vector_store %arg11[%swap3A_659, %swap3A_660], %swap3A_663 {strides = array<i32>} : memref<80x144xf32, #tpu.memory_space<vmem>>, vector<1x16xf32>,
          %mul3A_664 = arith.mulf %get3A_658, %get3A_658 : vector<16xf32>
          %swap3A_665 = arith.index_cast %add3A_618 : i32 to index
          %swap3A_666 = arith.constant 96 : index
          %swap3A_667 = tpu.vector_load %arg11[%swap3A_665, %swap3A_666] {strides = array<i32>} : memref<80x144xf32, #tpu.memory_space<vmem>>, vector<1x16xf32>,
          %swap3A_668 = vector.shape_cast %swap3A_667 : vector<1x16xf32> to vector<16xf32>
          %swap3A_669 = vector.shape_cast %mul3A_664 : vector<16xf32> to vector<1x16xf32>
          tpu.vector_store %arg11[%swap3A_665, %swap3A_666], %swap3A_669 {strides = array<i32>} : memref<80x144xf32, #tpu.memory_space<vmem>>, vector<1x16xf32>,
          %add3A_670 = arith.constant 4 : i32
          %add3A_671 = arith.addi %mul3A_307, %add3A_670 : i32
          %get3A_672 = arith.index_cast %add3A_671 : i32 to index
          %get3A_673 = arith.constant 48 : index
          %get3A_674 = tpu.vector_load %arg9[%get3A_672, %get3A_673] {strides = array<i32>} : memref<80x64xf32, #tpu.memory_space<vmem>>, vector<1x16xf32>,
          %get3A_675 = vector.shape_cast %get3A_674 : vector<1x16xf32> to vector<16xf32>
          %swap3A_676 = arith.index_cast %add3A_618 : i32 to index
          %swap3A_677 = arith.constant 48 : index
          %swap3A_678 = tpu.vector_load %arg11[%swap3A_676, %swap3A_677] {strides = array<i32>} : memref<80x144xf32, #tpu.memory_space<vmem>>, vector<1x16xf32>,
          %swap3A_679 = vector.shape_cast %swap3A_678 : vector<1x16xf32> to vector<16xf32>
          %swap3A_680 = vector.shape_cast %get3A_675 : vector<16xf32> to vector<1x16xf32>
          tpu.vector_store %arg11[%swap3A_676, %swap3A_677], %swap3A_680 {strides = array<i32>} : memref<80x144xf32, #tpu.memory_space<vmem>>, vector<1x16xf32>,
          %mul3A_681 = arith.mulf %get3A_675, %get3A_675 : vector<16xf32>
          %swap3A_682 = arith.index_cast %add3A_618 : i32 to index
          %swap3A_683 = arith.constant 112 : index
          %swap3A_684 = tpu.vector_load %arg11[%swap3A_682, %swap3A_683] {strides = array<i32>} : memref<80x144xf32, #tpu.memory_space<vmem>>, vector<1x16xf32>,
          %swap3A_685 = vector.shape_cast %swap3A_684 : vector<1x16xf32> to vector<16xf32>
          %swap3A_686 = vector.shape_cast %mul3A_681 : vector<16xf32> to vector<1x16xf32>
          tpu.vector_store %arg11[%swap3A_682, %swap3A_683], %swap3A_686 {strides = array<i32>} : memref<80x144xf32, #tpu.memory_space<vmem>>, vector<1x16xf32>,
          %swap3A_687 = arith.index_cast %add3A_618 : i32 to index
          %swap3A_688 = arith.constant 128 : index
          %swap3A_689 = tpu.vector_load %arg11[%swap3A_687, %swap3A_688] {strides = array<i32>} : memref<80x144xf32, #tpu.memory_space<vmem>>, vector<1x16xf32>,
          %swap3A_690 = vector.shape_cast %swap3A_689 : vector<1x16xf32> to vector<16xf32>
          %swap3A_691 = vector.shape_cast %select_n3A : vector<16xf32> to vector<1x16xf32>
          tpu.vector_store %arg11[%swap3A_687, %swap3A_688], %swap3A_691 {strides = array<i32>} : memref<80x144xf32, #tpu.memory_space<vmem>>, vector<1x16xf32>,
          %add3A_692 = arith.constant 5 : i32
          %add3A_693 = arith.addi %scan3A_305, %add3A_692 : i32
          %add3A_694 = arith.constant 5 : i32
          %add3A_695 = arith.addi %mul3A_307, %add3A_694 : i32
          %get3A_696 = arith.index_cast %add3A_695 : i32 to index
          %get3A_697 = arith.constant 0 : index
          %get3A_698 = tpu.vector_load %arg9[%get3A_696, %get3A_697] {strides = array<i32>} : memref<80x64xf32, #tpu.memory_space<vmem>>, vector<1x16xf32>,
          %get3A_699 = vector.shape_cast %get3A_698 : vector<1x16xf32> to vector<16xf32>
          %swap3A_700 = arith.index_cast %add3A_693 : i32 to index
          %swap3A_701 = arith.constant 0 : index
          %swap3A_702 = tpu.vector_load %arg11[%swap3A_700, %swap3A_701] {strides = array<i32>} : memref<80x144xf32, #tpu.memory_space<vmem>>, vector<1x16xf32>,
          %swap3A_703 = vector.shape_cast %swap3A_702 : vector<1x16xf32> to vector<16xf32>
          %swap3A_704 = vector.shape_cast %get3A_699 : vector<16xf32> to vector<1x16xf32>
          tpu.vector_store %arg11[%swap3A_700, %swap3A_701], %swap3A_704 {strides = array<i32>} : memref<80x144xf32, #tpu.memory_space<vmem>>, vector<1x16xf32>,
          %mul3A_705 = arith.mulf %get3A_699, %get3A_699 : vector<16xf32>
          %swap3A_706 = arith.index_cast %add3A_693 : i32 to index
          %swap3A_707 = arith.constant 64 : index
          %swap3A_708 = tpu.vector_load %arg11[%swap3A_706, %swap3A_707] {strides = array<i32>} : memref<80x144xf32, #tpu.memory_space<vmem>>, vector<1x16xf32>,
          %swap3A_709 = vector.shape_cast %swap3A_708 : vector<1x16xf32> to vector<16xf32>
          %swap3A_710 = vector.shape_cast %mul3A_705 : vector<16xf32> to vector<1x16xf32>
          tpu.vector_store %arg11[%swap3A_706, %swap3A_707], %swap3A_710 {strides = array<i32>} : memref<80x144xf32, #tpu.memory_space<vmem>>, vector<1x16xf32>,
          %add3A_711 = arith.constant 5 : i32
          %add3A_712 = arith.addi %mul3A_307, %add3A_711 : i32
          %get3A_713 = arith.index_cast %add3A_712 : i32 to index
          %get3A_714 = arith.constant 16 : index
          %get3A_715 = tpu.vector_load %arg9[%get3A_713, %get3A_714] {strides = array<i32>} : memref<80x64xf32, #tpu.memory_space<vmem>>, vector<1x16xf32>,
          %get3A_716 = vector.shape_cast %get3A_715 : vector<1x16xf32> to vector<16xf32>
          %swap3A_717 = arith.index_cast %add3A_693 : i32 to index
          %swap3A_718 = arith.constant 16 : index
          %swap3A_719 = tpu.vector_load %arg11[%swap3A_717, %swap3A_718] {strides = array<i32>} : memref<80x144xf32, #tpu.memory_space<vmem>>, vector<1x16xf32>,
          %swap3A_720 = vector.shape_cast %swap3A_719 : vector<1x16xf32> to vector<16xf32>
          %swap3A_721 = vector.shape_cast %get3A_716 : vector<16xf32> to vector<1x16xf32>
          tpu.vector_store %arg11[%swap3A_717, %swap3A_718], %swap3A_721 {strides = array<i32>} : memref<80x144xf32, #tpu.memory_space<vmem>>, vector<1x16xf32>,
          %mul3A_722 = arith.mulf %get3A_716, %get3A_716 : vector<16xf32>
          %swap3A_723 = arith.index_cast %add3A_693 : i32 to index
          %swap3A_724 = arith.constant 80 : index
          %swap3A_725 = tpu.vector_load %arg11[%swap3A_723, %swap3A_724] {strides = array<i32>} : memref<80x144xf32, #tpu.memory_space<vmem>>, vector<1x16xf32>,
          %swap3A_726 = vector.shape_cast %swap3A_725 : vector<1x16xf32> to vector<16xf32>
          %swap3A_727 = vector.shape_cast %mul3A_722 : vector<16xf32> to vector<1x16xf32>
          tpu.vector_store %arg11[%swap3A_723, %swap3A_724], %swap3A_727 {strides = array<i32>} : memref<80x144xf32, #tpu.memory_space<vmem>>, vector<1x16xf32>,
          %add3A_728 = arith.constant 5 : i32
          %add3A_729 = arith.addi %mul3A_307, %add3A_728 : i32
          %get3A_730 = arith.index_cast %add3A_729 : i32 to index
          %get3A_731 = arith.constant 32 : index
          %get3A_732 = tpu.vector_load %arg9[%get3A_730, %get3A_731] {strides = array<i32>} : memref<80x64xf32, #tpu.memory_space<vmem>>, vector<1x16xf32>,
          %get3A_733 = vector.shape_cast %get3A_732 : vector<1x16xf32> to vector<16xf32>
          %swap3A_734 = arith.index_cast %add3A_693 : i32 to index
          %swap3A_735 = arith.constant 32 : index
          %swap3A_736 = tpu.vector_load %arg11[%swap3A_734, %swap3A_735] {strides = array<i32>} : memref<80x144xf32, #tpu.memory_space<vmem>>, vector<1x16xf32>,
          %swap3A_737 = vector.shape_cast %swap3A_736 : vector<1x16xf32> to vector<16xf32>
          %swap3A_738 = vector.shape_cast %get3A_733 : vector<16xf32> to vector<1x16xf32>
          tpu.vector_store %arg11[%swap3A_734, %swap3A_735], %swap3A_738 {strides = array<i32>} : memref<80x144xf32, #tpu.memory_space<vmem>>, vector<1x16xf32>,
          %mul3A_739 = arith.mulf %get3A_733, %get3A_733 : vector<16xf32>
          %swap3A_740 = arith.index_cast %add3A_693 : i32 to index
          %swap3A_741 = arith.constant 96 : index
          %swap3A_742 = tpu.vector_load %arg11[%swap3A_740, %swap3A_741] {strides = array<i32>} : memref<80x144xf32, #tpu.memory_space<vmem>>, vector<1x16xf32>,
          %swap3A_743 = vector.shape_cast %swap3A_742 : vector<1x16xf32> to vector<16xf32>
          %swap3A_744 = vector.shape_cast %mul3A_739 : vector<16xf32> to vector<1x16xf32>
          tpu.vector_store %arg11[%swap3A_740, %swap3A_741], %swap3A_744 {strides = array<i32>} : memref<80x144xf32, #tpu.memory_space<vmem>>, vector<1x16xf32>,
          %add3A_745 = arith.constant 5 : i32
          %add3A_746 = arith.addi %mul3A_307, %add3A_745 : i32
          %get3A_747 = arith.index_cast %add3A_746 : i32 to index
          %get3A_748 = arith.constant 48 : index
          %get3A_749 = tpu.vector_load %arg9[%get3A_747, %get3A_748] {strides = array<i32>} : memref<80x64xf32, #tpu.memory_space<vmem>>, vector<1x16xf32>,
          %get3A_750 = vector.shape_cast %get3A_749 : vector<1x16xf32> to vector<16xf32>
          %swap3A_751 = arith.index_cast %add3A_693 : i32 to index
          %swap3A_752 = arith.constant 48 : index
          %swap3A_753 = tpu.vector_load %arg11[%swap3A_751, %swap3A_752] {strides = array<i32>} : memref<80x144xf32, #tpu.memory_space<vmem>>, vector<1x16xf32>,
          %swap3A_754 = vector.shape_cast %swap3A_753 : vector<1x16xf32> to vector<16xf32>
          %swap3A_755 = vector.shape_cast %get3A_750 : vector<16xf32> to vector<1x16xf32>
          tpu.vector_store %arg11[%swap3A_751, %swap3A_752], %swap3A_755 {strides = array<i32>} : memref<80x144xf32, #tpu.memory_space<vmem>>, vector<1x16xf32>,
          %mul3A_756 = arith.mulf %get3A_750, %get3A_750 : vector<16xf32>
          %swap3A_757 = arith.index_cast %add3A_693 : i32 to index
          %swap3A_758 = arith.constant 112 : index
          %swap3A_759 = tpu.vector_load %arg11[%swap3A_757, %swap3A_758] {strides = array<i32>} : memref<80x144xf32, #tpu.memory_space<vmem>>, vector<1x16xf32>,
          %swap3A_760 = vector.shape_cast %swap3A_759 : vector<1x16xf32> to vector<16xf32>
          %swap3A_761 = vector.shape_cast %mul3A_756 : vector<16xf32> to vector<1x16xf32>
          tpu.vector_store %arg11[%swap3A_757, %swap3A_758], %swap3A_761 {strides = array<i32>} : memref<80x144xf32, #tpu.memory_space<vmem>>, vector<1x16xf32>,
          %swap3A_762 = arith.index_cast %add3A_693 : i32 to index
          %swap3A_763 = arith.constant 128 : index
          %swap3A_764 = tpu.vector_load %arg11[%swap3A_762, %swap3A_763] {strides = array<i32>} : memref<80x144xf32, #tpu.memory_space<vmem>>, vector<1x16xf32>,
          %swap3A_765 = vector.shape_cast %swap3A_764 : vector<1x16xf32> to vector<16xf32>
          %swap3A_766 = vector.shape_cast %select_n3A : vector<16xf32> to vector<1x16xf32>
          tpu.vector_store %arg11[%swap3A_762, %swap3A_763], %swap3A_766 {strides = array<i32>} : memref<80x144xf32, #tpu.memory_space<vmem>>, vector<1x16xf32>,
          %add3A_767 = arith.constant 6 : i32
          %add3A_768 = arith.addi %scan3A_305, %add3A_767 : i32
          %add3A_769 = arith.constant 6 : i32
          %add3A_770 = arith.addi %mul3A_307, %add3A_769 : i32
          %get3A_771 = arith.index_cast %add3A_770 : i32 to index
          %get3A_772 = arith.constant 0 : index
          %get3A_773 = tpu.vector_load %arg9[%get3A_771, %get3A_772] {strides = array<i32>} : memref<80x64xf32, #tpu.memory_space<vmem>>, vector<1x16xf32>,
          %get3A_774 = vector.shape_cast %get3A_773 : vector<1x16xf32> to vector<16xf32>
          %swap3A_775 = arith.index_cast %add3A_768 : i32 to index
          %swap3A_776 = arith.constant 0 : index
          %swap3A_777 = tpu.vector_load %arg11[%swap3A_775, %swap3A_776] {strides = array<i32>} : memref<80x144xf32, #tpu.memory_space<vmem>>, vector<1x16xf32>,
          %swap3A_778 = vector.shape_cast %swap3A_777 : vector<1x16xf32> to vector<16xf32>
          %swap3A_779 = vector.shape_cast %get3A_774 : vector<16xf32> to vector<1x16xf32>
          tpu.vector_store %arg11[%swap3A_775, %swap3A_776], %swap3A_779 {strides = array<i32>} : memref<80x144xf32, #tpu.memory_space<vmem>>, vector<1x16xf32>,
          %mul3A_780 = arith.mulf %get3A_774, %get3A_774 : vector<16xf32>
          %swap3A_781 = arith.index_cast %add3A_768 : i32 to index
          %swap3A_782 = arith.constant 64 : index
          %swap3A_783 = tpu.vector_load %arg11[%swap3A_781, %swap3A_782] {strides = array<i32>} : memref<80x144xf32, #tpu.memory_space<vmem>>, vector<1x16xf32>,
          %swap3A_784 = vector.shape_cast %swap3A_783 : vector<1x16xf32> to vector<16xf32>
          %swap3A_785 = vector.shape_cast %mul3A_780 : vector<16xf32> to vector<1x16xf32>
          tpu.vector_store %arg11[%swap3A_781, %swap3A_782], %swap3A_785 {strides = array<i32>} : memref<80x144xf32, #tpu.memory_space<vmem>>, vector<1x16xf32>,
          %add3A_786 = arith.constant 6 : i32
          %add3A_787 = arith.addi %mul3A_307, %add3A_786 : i32
          %get3A_788 = arith.index_cast %add3A_787 : i32 to index
          %get3A_789 = arith.constant 16 : index
          %get3A_790 = tpu.vector_load %arg9[%get3A_788, %get3A_789] {strides = array<i32>} : memref<80x64xf32, #tpu.memory_space<vmem>>, vector<1x16xf32>,
          %get3A_791 = vector.shape_cast %get3A_790 : vector<1x16xf32> to vector<16xf32>
          %swap3A_792 = arith.index_cast %add3A_768 : i32 to index
          %swap3A_793 = arith.constant 16 : index
          %swap3A_794 = tpu.vector_load %arg11[%swap3A_792, %swap3A_793] {strides = array<i32>} : memref<80x144xf32, #tpu.memory_space<vmem>>, vector<1x16xf32>,
          %swap3A_795 = vector.shape_cast %swap3A_794 : vector<1x16xf32> to vector<16xf32>
          %swap3A_796 = vector.shape_cast %get3A_791 : vector<16xf32> to vector<1x16xf32>
          tpu.vector_store %arg11[%swap3A_792, %swap3A_793], %swap3A_796 {strides = array<i32>} : memref<80x144xf32, #tpu.memory_space<vmem>>, vector<1x16xf32>,
          %mul3A_797 = arith.mulf %get3A_791, %get3A_791 : vector<16xf32>
          %swap3A_798 = arith.index_cast %add3A_768 : i32 to index
          %swap3A_799 = arith.constant 80 : index
          %swap3A_800 = tpu.vector_load %arg11[%swap3A_798, %swap3A_799] {strides = array<i32>} : memref<80x144xf32, #tpu.memory_space<vmem>>, vector<1x16xf32>,
          %swap3A_801 = vector.shape_cast %swap3A_800 : vector<1x16xf32> to vector<16xf32>
          %swap3A_802 = vector.shape_cast %mul3A_797 : vector<16xf32> to vector<1x16xf32>
          tpu.vector_store %arg11[%swap3A_798, %swap3A_799], %swap3A_802 {strides = array<i32>} : memref<80x144xf32, #tpu.memory_space<vmem>>, vector<1x16xf32>,
          %add3A_803 = arith.constant 6 : i32
          %add3A_804 = arith.addi %mul3A_307, %add3A_803 : i32
          %get3A_805 = arith.index_cast %add3A_804 : i32 to index
          %get3A_806 = arith.constant 32 : index
          %get3A_807 = tpu.vector_load %arg9[%get3A_805, %get3A_806] {strides = array<i32>} : memref<80x64xf32, #tpu.memory_space<vmem>>, vector<1x16xf32>,
          %get3A_808 = vector.shape_cast %get3A_807 : vector<1x16xf32> to vector<16xf32>
          %swap3A_809 = arith.index_cast %add3A_768 : i32 to index
          %swap3A_810 = arith.constant 32 : index
          %swap3A_811 = tpu.vector_load %arg11[%swap3A_809, %swap3A_810] {strides = array<i32>} : memref<80x144xf32, #tpu.memory_space<vmem>>, vector<1x16xf32>,
          %swap3A_812 = vector.shape_cast %swap3A_811 : vector<1x16xf32> to vector<16xf32>
          %swap3A_813 = vector.shape_cast %get3A_808 : vector<16xf32> to vector<1x16xf32>
          tpu.vector_store %arg11[%swap3A_809, %swap3A_810], %swap3A_813 {strides = array<i32>} : memref<80x144xf32, #tpu.memory_space<vmem>>, vector<1x16xf32>,
          %mul3A_814 = arith.mulf %get3A_808, %get3A_808 : vector<16xf32>
          %swap3A_815 = arith.index_cast %add3A_768 : i32 to index
          %swap3A_816 = arith.constant 96 : index
          %swap3A_817 = tpu.vector_load %arg11[%swap3A_815, %swap3A_816] {strides = array<i32>} : memref<80x144xf32, #tpu.memory_space<vmem>>, vector<1x16xf32>,
          %swap3A_818 = vector.shape_cast %swap3A_817 : vector<1x16xf32> to vector<16xf32>
          %swap3A_819 = vector.shape_cast %mul3A_814 : vector<16xf32> to vector<1x16xf32>
          tpu.vector_store %arg11[%swap3A_815, %swap3A_816], %swap3A_819 {strides = array<i32>} : memref<80x144xf32, #tpu.memory_space<vmem>>, vector<1x16xf32>,
          %add3A_820 = arith.constant 6 : i32
          %add3A_821 = arith.addi %mul3A_307, %add3A_820 : i32
          %get3A_822 = arith.index_cast %add3A_821 : i32 to index
          %get3A_823 = arith.constant 48 : index
          %get3A_824 = tpu.vector_load %arg9[%get3A_822, %get3A_823] {strides = array<i32>} : memref<80x64xf32, #tpu.memory_space<vmem>>, vector<1x16xf32>,
          %get3A_825 = vector.shape_cast %get3A_824 : vector<1x16xf32> to vector<16xf32>
          %swap3A_826 = arith.index_cast %add3A_768 : i32 to index
          %swap3A_827 = arith.constant 48 : index
          %swap3A_828 = tpu.vector_load %arg11[%swap3A_826, %swap3A_827] {strides = array<i32>} : memref<80x144xf32, #tpu.memory_space<vmem>>, vector<1x16xf32>,
          %swap3A_829 = vector.shape_cast %swap3A_828 : vector<1x16xf32> to vector<16xf32>
          %swap3A_830 = vector.shape_cast %get3A_825 : vector<16xf32> to vector<1x16xf32>
          tpu.vector_store %arg11[%swap3A_826, %swap3A_827], %swap3A_830 {strides = array<i32>} : memref<80x144xf32, #tpu.memory_space<vmem>>, vector<1x16xf32>,
          %mul3A_831 = arith.mulf %get3A_825, %get3A_825 : vector<16xf32>
          %swap3A_832 = arith.index_cast %add3A_768 : i32 to index
          %swap3A_833 = arith.constant 112 : index
          %swap3A_834 = tpu.vector_load %arg11[%swap3A_832, %swap3A_833] {strides = array<i32>} : memref<80x144xf32, #tpu.memory_space<vmem>>, vector<1x16xf32>,
          %swap3A_835 = vector.shape_cast %swap3A_834 : vector<1x16xf32> to vector<16xf32>
          %swap3A_836 = vector.shape_cast %mul3A_831 : vector<16xf32> to vector<1x16xf32>
          tpu.vector_store %arg11[%swap3A_832, %swap3A_833], %swap3A_836 {strides = array<i32>} : memref<80x144xf32, #tpu.memory_space<vmem>>, vector<1x16xf32>,
          %swap3A_837 = arith.index_cast %add3A_768 : i32 to index
          %swap3A_838 = arith.constant 128 : index
          %swap3A_839 = tpu.vector_load %arg11[%swap3A_837, %swap3A_838] {strides = array<i32>} : memref<80x144xf32, #tpu.memory_space<vmem>>, vector<1x16xf32>,
          %swap3A_840 = vector.shape_cast %swap3A_839 : vector<1x16xf32> to vector<16xf32>
          %swap3A_841 = vector.shape_cast %select_n3A : vector<16xf32> to vector<1x16xf32>
          tpu.vector_store %arg11[%swap3A_837, %swap3A_838], %swap3A_841 {strides = array<i32>} : memref<80x144xf32, #tpu.memory_space<vmem>>, vector<1x16xf32>,
          %add3A_842 = arith.constant 7 : i32
          %add3A_843 = arith.addi %scan3A_305, %add3A_842 : i32
          %add3A_844 = arith.constant 7 : i32
          %add3A_845 = arith.addi %mul3A_307, %add3A_844 : i32
          %get3A_846 = arith.index_cast %add3A_845 : i32 to index
          %get3A_847 = arith.constant 0 : index
          %get3A_848 = tpu.vector_load %arg9[%get3A_846, %get3A_847] {strides = array<i32>} : memref<80x64xf32, #tpu.memory_space<vmem>>, vector<1x16xf32>,
          %get3A_849 = vector.shape_cast %get3A_848 : vector<1x16xf32> to vector<16xf32>
          %swap3A_850 = arith.index_cast %add3A_843 : i32 to index
          %swap3A_851 = arith.constant 0 : index
          %swap3A_852 = tpu.vector_load %arg11[%swap3A_850, %swap3A_851] {strides = array<i32>} : memref<80x144xf32, #tpu.memory_space<vmem>>, vector<1x16xf32>,
          %swap3A_853 = vector.shape_cast %swap3A_852 : vector<1x16xf32> to vector<16xf32>
          %swap3A_854 = vector.shape_cast %get3A_849 : vector<16xf32> to vector<1x16xf32>
          tpu.vector_store %arg11[%swap3A_850, %swap3A_851], %swap3A_854 {strides = array<i32>} : memref<80x144xf32, #tpu.memory_space<vmem>>, vector<1x16xf32>,
          %mul3A_855 = arith.mulf %get3A_849, %get3A_849 : vector<16xf32>
          %swap3A_856 = arith.index_cast %add3A_843 : i32 to index
          %swap3A_857 = arith.constant 64 : index
          %swap3A_858 = tpu.vector_load %arg11[%swap3A_856, %swap3A_857] {strides = array<i32>} : memref<80x144xf32, #tpu.memory_space<vmem>>, vector<1x16xf32>,
          %swap3A_859 = vector.shape_cast %swap3A_858 : vector<1x16xf32> to vector<16xf32>
          %swap3A_860 = vector.shape_cast %mul3A_855 : vector<16xf32> to vector<1x16xf32>
          tpu.vector_store %arg11[%swap3A_856, %swap3A_857], %swap3A_860 {strides = array<i32>} : memref<80x144xf32, #tpu.memory_space<vmem>>, vector<1x16xf32>,
          %add3A_861 = arith.constant 7 : i32
          %add3A_862 = arith.addi %mul3A_307, %add3A_861 : i32
          %get3A_863 = arith.index_cast %add3A_862 : i32 to index
          %get3A_864 = arith.constant 16 : index
          %get3A_865 = tpu.vector_load %arg9[%get3A_863, %get3A_864] {strides = array<i32>} : memref<80x64xf32, #tpu.memory_space<vmem>>, vector<1x16xf32>,
          %get3A_866 = vector.shape_cast %get3A_865 : vector<1x16xf32> to vector<16xf32>
          %swap3A_867 = arith.index_cast %add3A_843 : i32 to index
          %swap3A_868 = arith.constant 16 : index
          %swap3A_869 = tpu.vector_load %arg11[%swap3A_867, %swap3A_868] {strides = array<i32>} : memref<80x144xf32, #tpu.memory_space<vmem>>, vector<1x16xf32>,
          %swap3A_870 = vector.shape_cast %swap3A_869 : vector<1x16xf32> to vector<16xf32>
          %swap3A_871 = vector.shape_cast %get3A_866 : vector<16xf32> to vector<1x16xf32>
          tpu.vector_store %arg11[%swap3A_867, %swap3A_868], %swap3A_871 {strides = array<i32>} : memref<80x144xf32, #tpu.memory_space<vmem>>, vector<1x16xf32>,
          %mul3A_872 = arith.mulf %get3A_866, %get3A_866 : vector<16xf32>
          %swap3A_873 = arith.index_cast %add3A_843 : i32 to index
          %swap3A_874 = arith.constant 80 : index
          %swap3A_875 = tpu.vector_load %arg11[%swap3A_873, %swap3A_874] {strides = array<i32>} : memref<80x144xf32, #tpu.memory_space<vmem>>, vector<1x16xf32>,
          %swap3A_876 = vector.shape_cast %swap3A_875 : vector<1x16xf32> to vector<16xf32>
          %swap3A_877 = vector.shape_cast %mul3A_872 : vector<16xf32> to vector<1x16xf32>
          tpu.vector_store %arg11[%swap3A_873, %swap3A_874], %swap3A_877 {strides = array<i32>} : memref<80x144xf32, #tpu.memory_space<vmem>>, vector<1x16xf32>,
          %add3A_878 = arith.constant 7 : i32
          %add3A_879 = arith.addi %mul3A_307, %add3A_878 : i32
          %get3A_880 = arith.index_cast %add3A_879 : i32 to index
          %get3A_881 = arith.constant 32 : index
          %get3A_882 = tpu.vector_load %arg9[%get3A_880, %get3A_881] {strides = array<i32>} : memref<80x64xf32, #tpu.memory_space<vmem>>, vector<1x16xf32>,
          %get3A_883 = vector.shape_cast %get3A_882 : vector<1x16xf32> to vector<16xf32>
          %swap3A_884 = arith.index_cast %add3A_843 : i32 to index
          %swap3A_885 = arith.constant 32 : index
          %swap3A_886 = tpu.vector_load %arg11[%swap3A_884, %swap3A_885] {strides = array<i32>} : memref<80x144xf32, #tpu.memory_space<vmem>>, vector<1x16xf32>,
          %swap3A_887 = vector.shape_cast %swap3A_886 : vector<1x16xf32> to vector<16xf32>
          %swap3A_888 = vector.shape_cast %get3A_883 : vector<16xf32> to vector<1x16xf32>
          tpu.vector_store %arg11[%swap3A_884, %swap3A_885], %swap3A_888 {strides = array<i32>} : memref<80x144xf32, #tpu.memory_space<vmem>>, vector<1x16xf32>,
          %mul3A_889 = arith.mulf %get3A_883, %get3A_883 : vector<16xf32>
          %swap3A_890 = arith.index_cast %add3A_843 : i32 to index
          %swap3A_891 = arith.constant 96 : index
          %swap3A_892 = tpu.vector_load %arg11[%swap3A_890, %swap3A_891] {strides = array<i32>} : memref<80x144xf32, #tpu.memory_space<vmem>>, vector<1x16xf32>,
          %swap3A_893 = vector.shape_cast %swap3A_892 : vector<1x16xf32> to vector<16xf32>
          %swap3A_894 = vector.shape_cast %mul3A_889 : vector<16xf32> to vector<1x16xf32>
          tpu.vector_store %arg11[%swap3A_890, %swap3A_891], %swap3A_894 {strides = array<i32>} : memref<80x144xf32, #tpu.memory_space<vmem>>, vector<1x16xf32>,
          %add3A_895 = arith.constant 7 : i32
          %add3A_896 = arith.addi %mul3A_307, %add3A_895 : i32
          %get3A_897 = arith.index_cast %add3A_896 : i32 to index
          %get3A_898 = arith.constant 48 : index
          %get3A_899 = tpu.vector_load %arg9[%get3A_897, %get3A_898] {strides = array<i32>} : memref<80x64xf32, #tpu.memory_space<vmem>>, vector<1x16xf32>,
          %get3A_900 = vector.shape_cast %get3A_899 : vector<1x16xf32> to vector<16xf32>
          %swap3A_901 = arith.index_cast %add3A_843 : i32 to index
          %swap3A_902 = arith.constant 48 : index
          %swap3A_903 = tpu.vector_load %arg11[%swap3A_901, %swap3A_902] {strides = array<i32>} : memref<80x144xf32, #tpu.memory_space<vmem>>, vector<1x16xf32>,
          %swap3A_904 = vector.shape_cast %swap3A_903 : vector<1x16xf32> to vector<16xf32>
          %swap3A_905 = vector.shape_cast %get3A_900 : vector<16xf32> to vector<1x16xf32>
          tpu.vector_store %arg11[%swap3A_901, %swap3A_902], %swap3A_905 {strides = array<i32>} : memref<80x144xf32, #tpu.memory_space<vmem>>, vector<1x16xf32>,
          %mul3A_906 = arith.mulf %get3A_900, %get3A_900 : vector<16xf32>
          %swap3A_907 = arith.index_cast %add3A_843 : i32 to index
          %swap3A_908 = arith.constant 112 : index
          %swap3A_909 = tpu.vector_load %arg11[%swap3A_907, %swap3A_908] {strides = array<i32>} : memref<80x144xf32, #tpu.memory_space<vmem>>, vector<1x16xf32>,
          %swap3A_910 = vector.shape_cast %swap3A_909 : vector<1x16xf32> to vector<16xf32>
          %swap3A_911 = vector.shape_cast %mul3A_906 : vector<16xf32> to vector<1x16xf32>
          tpu.vector_store %arg11[%swap3A_907, %swap3A_908], %swap3A_911 {strides = array<i32>} : memref<80x144xf32, #tpu.memory_space<vmem>>, vector<1x16xf32>,
          %swap3A_912 = arith.index_cast %add3A_843 : i32 to index
          %swap3A_913 = arith.constant 128 : index
          %swap3A_914 = tpu.vector_load %arg11[%swap3A_912, %swap3A_913] {strides = array<i32>} : memref<80x144xf32, #tpu.memory_space<vmem>>, vector<1x16xf32>,
          %swap3A_915 = vector.shape_cast %swap3A_914 : vector<1x16xf32> to vector<16xf32>
          %swap3A_916 = vector.shape_cast %select_n3A : vector<16xf32> to vector<1x16xf32>
          tpu.vector_store %arg11[%swap3A_912, %swap3A_913], %swap3A_916 {strides = array<i32>} : memref<80x144xf32, #tpu.memory_space<vmem>>, vector<1x16xf32>,
          %add3A_917 = arith.constant 8 : i32
          %add3A_918 = arith.addi %scan3A_305, %add3A_917 : i32
          %add3A_919 = arith.constant 8 : i32
          %add3A_920 = arith.addi %mul3A_307, %add3A_919 : i32
          %get3A_921 = arith.index_cast %add3A_920 : i32 to index
          %get3A_922 = arith.constant 0 : index
          %get3A_923 = tpu.vector_load %arg9[%get3A_921, %get3A_922] {strides = array<i32>} : memref<80x64xf32, #tpu.memory_space<vmem>>, vector<1x16xf32>,
          %get3A_924 = vector.shape_cast %get3A_923 : vector<1x16xf32> to vector<16xf32>
          %swap3A_925 = arith.index_cast %add3A_918 : i32 to index
          %swap3A_926 = arith.constant 0 : index
          %swap3A_927 = tpu.vector_load %arg11[%swap3A_925, %swap3A_926] {strides = array<i32>} : memref<80x144xf32, #tpu.memory_space<vmem>>, vector<1x16xf32>,
          %swap3A_928 = vector.shape_cast %swap3A_927 : vector<1x16xf32> to vector<16xf32>
          %swap3A_929 = vector.shape_cast %get3A_924 : vector<16xf32> to vector<1x16xf32>
          tpu.vector_store %arg11[%swap3A_925, %swap3A_926], %swap3A_929 {strides = array<i32>} : memref<80x144xf32, #tpu.memory_space<vmem>>, vector<1x16xf32>,
          %mul3A_930 = arith.mulf %get3A_924, %get3A_924 : vector<16xf32>
          %swap3A_931 = arith.index_cast %add3A_918 : i32 to index
          %swap3A_932 = arith.constant 64 : index
          %swap3A_933 = tpu.vector_load %arg11[%swap3A_931, %swap3A_932] {strides = array<i32>} : memref<80x144xf32, #tpu.memory_space<vmem>>, vector<1x16xf32>,
          %swap3A_934 = vector.shape_cast %swap3A_933 : vector<1x16xf32> to vector<16xf32>
          %swap3A_935 = vector.shape_cast %mul3A_930 : vector<16xf32> to vector<1x16xf32>
          tpu.vector_store %arg11[%swap3A_931, %swap3A_932], %swap3A_935 {strides = array<i32>} : memref<80x144xf32, #tpu.memory_space<vmem>>, vector<1x16xf32>,
          %add3A_936 = arith.constant 8 : i32
          %add3A_937 = arith.addi %mul3A_307, %add3A_936 : i32
          %get3A_938 = arith.index_cast %add3A_937 : i32 to index
          %get3A_939 = arith.constant 16 : index
          %get3A_940 = tpu.vector_load %arg9[%get3A_938, %get3A_939] {strides = array<i32>} : memref<80x64xf32, #tpu.memory_space<vmem>>, vector<1x16xf32>,
          %get3A_941 = vector.shape_cast %get3A_940 : vector<1x16xf32> to vector<16xf32>
          %swap3A_942 = arith.index_cast %add3A_918 : i32 to index
          %swap3A_943 = arith.constant 16 : index
          %swap3A_944 = tpu.vector_load %arg11[%swap3A_942, %swap3A_943] {strides = array<i32>} : memref<80x144xf32, #tpu.memory_space<vmem>>, vector<1x16xf32>,
          %swap3A_945 = vector.shape_cast %swap3A_944 : vector<1x16xf32> to vector<16xf32>
          %swap3A_946 = vector.shape_cast %get3A_941 : vector<16xf32> to vector<1x16xf32>
          tpu.vector_store %arg11[%swap3A_942, %swap3A_943], %swap3A_946 {strides = array<i32>} : memref<80x144xf32, #tpu.memory_space<vmem>>, vector<1x16xf32>,
          %mul3A_947 = arith.mulf %get3A_941, %get3A_941 : vector<16xf32>
          %swap3A_948 = arith.index_cast %add3A_918 : i32 to index
          %swap3A_949 = arith.constant 80 : index
          %swap3A_950 = tpu.vector_load %arg11[%swap3A_948, %swap3A_949] {strides = array<i32>} : memref<80x144xf32, #tpu.memory_space<vmem>>, vector<1x16xf32>,
          %swap3A_951 = vector.shape_cast %swap3A_950 : vector<1x16xf32> to vector<16xf32>
          %swap3A_952 = vector.shape_cast %mul3A_947 : vector<16xf32> to vector<1x16xf32>
          tpu.vector_store %arg11[%swap3A_948, %swap3A_949], %swap3A_952 {strides = array<i32>} : memref<80x144xf32, #tpu.memory_space<vmem>>, vector<1x16xf32>,
          %add3A_953 = arith.constant 8 : i32
          %add3A_954 = arith.addi %mul3A_307, %add3A_953 : i32
          %get3A_955 = arith.index_cast %add3A_954 : i32 to index
          %get3A_956 = arith.constant 32 : index
          %get3A_957 = tpu.vector_load %arg9[%get3A_955, %get3A_956] {strides = array<i32>} : memref<80x64xf32, #tpu.memory_space<vmem>>, vector<1x16xf32>,
          %get3A_958 = vector.shape_cast %get3A_957 : vector<1x16xf32> to vector<16xf32>
          %swap3A_959 = arith.index_cast %add3A_918 : i32 to index
          %swap3A_960 = arith.constant 32 : index
          %swap3A_961 = tpu.vector_load %arg11[%swap3A_959, %swap3A_960] {strides = array<i32>} : memref<80x144xf32, #tpu.memory_space<vmem>>, vector<1x16xf32>,
          %swap3A_962 = vector.shape_cast %swap3A_961 : vector<1x16xf32> to vector<16xf32>
          %swap3A_963 = vector.shape_cast %get3A_958 : vector<16xf32> to vector<1x16xf32>
          tpu.vector_store %arg11[%swap3A_959, %swap3A_960], %swap3A_963 {strides = array<i32>} : memref<80x144xf32, #tpu.memory_space<vmem>>, vector<1x16xf32>,
          %mul3A_964 = arith.mulf %get3A_958, %get3A_958 : vector<16xf32>
          %swap3A_965 = arith.index_cast %add3A_918 : i32 to index
          %swap3A_966 = arith.constant 96 : index
          %swap3A_967 = tpu.vector_load %arg11[%swap3A_965, %swap3A_966] {strides = array<i32>} : memref<80x144xf32, #tpu.memory_space<vmem>>, vector<1x16xf32>,
          %swap3A_968 = vector.shape_cast %swap3A_967 : vector<1x16xf32> to vector<16xf32>
          %swap3A_969 = vector.shape_cast %mul3A_964 : vector<16xf32> to vector<1x16xf32>
          tpu.vector_store %arg11[%swap3A_965, %swap3A_966], %swap3A_969 {strides = array<i32>} : memref<80x144xf32, #tpu.memory_space<vmem>>, vector<1x16xf32>,
          %add3A_970 = arith.constant 8 : i32
          %add3A_971 = arith.addi %mul3A_307, %add3A_970 : i32
          %get3A_972 = arith.index_cast %add3A_971 : i32 to index
          %get3A_973 = arith.constant 48 : index
          %get3A_974 = tpu.vector_load %arg9[%get3A_972, %get3A_973] {strides = array<i32>} : memref<80x64xf32, #tpu.memory_space<vmem>>, vector<1x16xf32>,
          %get3A_975 = vector.shape_cast %get3A_974 : vector<1x16xf32> to vector<16xf32>
          %swap3A_976 = arith.index_cast %add3A_918 : i32 to index
          %swap3A_977 = arith.constant 48 : index
          %swap3A_978 = tpu.vector_load %arg11[%swap3A_976, %swap3A_977] {strides = array<i32>} : memref<80x144xf32, #tpu.memory_space<vmem>>, vector<1x16xf32>,
          %swap3A_979 = vector.shape_cast %swap3A_978 : vector<1x16xf32> to vector<16xf32>
          %swap3A_980 = vector.shape_cast %get3A_975 : vector<16xf32> to vector<1x16xf32>
          tpu.vector_store %arg11[%swap3A_976, %swap3A_977], %swap3A_980 {strides = array<i32>} : memref<80x144xf32, #tpu.memory_space<vmem>>, vector<1x16xf32>,
          %mul3A_981 = arith.mulf %get3A_975, %get3A_975 : vector<16xf32>
          %swap3A_982 = arith.index_cast %add3A_918 : i32 to index
          %swap3A_983 = arith.constant 112 : index
          %swap3A_984 = tpu.vector_load %arg11[%swap3A_982, %swap3A_983] {strides = array<i32>} : memref<80x144xf32, #tpu.memory_space<vmem>>, vector<1x16xf32>,
          %swap3A_985 = vector.shape_cast %swap3A_984 : vector<1x16xf32> to vector<16xf32>
          %swap3A_986 = vector.shape_cast %mul3A_981 : vector<16xf32> to vector<1x16xf32>
          tpu.vector_store %arg11[%swap3A_982, %swap3A_983], %swap3A_986 {strides = array<i32>} : memref<80x144xf32, #tpu.memory_space<vmem>>, vector<1x16xf32>,
          %swap3A_987 = arith.index_cast %add3A_918 : i32 to index
          %swap3A_988 = arith.constant 128 : index
          %swap3A_989 = tpu.vector_load %arg11[%swap3A_987, %swap3A_988] {strides = array<i32>} : memref<80x144xf32, #tpu.memory_space<vmem>>, vector<1x16xf32>,
          %swap3A_990 = vector.shape_cast %swap3A_989 : vector<1x16xf32> to vector<16xf32>
          %swap3A_991 = vector.shape_cast %select_n3A : vector<16xf32> to vector<1x16xf32>
          tpu.vector_store %arg11[%swap3A_987, %swap3A_988], %swap3A_991 {strides = array<i32>} : memref<80x144xf32, #tpu.memory_space<vmem>>, vector<1x16xf32>,
          %add3A_992 = arith.constant 9 : i32
          %add3A_993 = arith.addi %scan3A_305, %add3A_992 : i32
          %add3A_994 = arith.constant 9 : i32
          %add3A_995 = arith.addi %mul3A_307, %add3A_994 : i32
          %get3A_996 = arith.index_cast %add3A_995 : i32 to index
          %get3A_997 = arith.constant 0 : index
          %get3A_998 = tpu.vector_load %arg9[%get3A_996, %get3A_997] {strides = array<i32>} : memref<80x64xf32, #tpu.memory_space<vmem>>, vector<1x16xf32>,
          %get3A_999 = vector.shape_cast %get3A_998 : vector<1x16xf32> to vector<16xf32>
          %swap3A_1000 = arith.index_cast %add3A_993 : i32 to index
          %swap3A_1001 = arith.constant 0 : index
          %swap3A_1002 = tpu.vector_load %arg11[%swap3A_1000, %swap3A_1001] {strides = array<i32>} : memref<80x144xf32, #tpu.memory_space<vmem>>, vector<1x16xf32>,
          %swap3A_1003 = vector.shape_cast %swap3A_1002 : vector<1x16xf32> to vector<16xf32>
          %swap3A_1004 = vector.shape_cast %get3A_999 : vector<16xf32> to vector<1x16xf32>
          tpu.vector_store %arg11[%swap3A_1000, %swap3A_1001], %swap3A_1004 {strides = array<i32>} : memref<80x144xf32, #tpu.memory_space<vmem>>, vector<1x16xf32>,
          %mul3A_1005 = arith.mulf %get3A_999, %get3A_999 : vector<16xf32>
          %swap3A_1006 = arith.index_cast %add3A_993 : i32 to index
          %swap3A_1007 = arith.constant 64 : index
          %swap3A_1008 = tpu.vector_load %arg11[%swap3A_1006, %swap3A_1007] {strides = array<i32>} : memref<80x144xf32, #tpu.memory_space<vmem>>, vector<1x16xf32>,
          %swap3A_1009 = vector.shape_cast %swap3A_1008 : vector<1x16xf32> to vector<16xf32>
          %swap3A_1010 = vector.shape_cast %mul3A_1005 : vector<16xf32> to vector<1x16xf32>
          tpu.vector_store %arg11[%swap3A_1006, %swap3A_1007], %swap3A_1010 {strides = array<i32>} : memref<80x144xf32, #tpu.memory_space<vmem>>, vector<1x16xf32>,
          %add3A_1011 = arith.constant 9 : i32
          %add3A_1012 = arith.addi %mul3A_307, %add3A_1011 : i32
          %get3A_1013 = arith.index_cast %add3A_1012 : i32 to index
          %get3A_1014 = arith.constant 16 : index
          %get3A_1015 = tpu.vector_load %arg9[%get3A_1013, %get3A_1014] {strides = array<i32>} : memref<80x64xf32, #tpu.memory_space<vmem>>, vector<1x16xf32>,
          %get3A_1016 = vector.shape_cast %get3A_1015 : vector<1x16xf32> to vector<16xf32>
          %swap3A_1017 = arith.index_cast %add3A_993 : i32 to index
          %swap3A_1018 = arith.constant 16 : index
          %swap3A_1019 = tpu.vector_load %arg11[%swap3A_1017, %swap3A_1018] {strides = array<i32>} : memref<80x144xf32, #tpu.memory_space<vmem>>, vector<1x16xf32>,
          %swap3A_1020 = vector.shape_cast %swap3A_1019 : vector<1x16xf32> to vector<16xf32>
          %swap3A_1021 = vector.shape_cast %get3A_1016 : vector<16xf32> to vector<1x16xf32>
          tpu.vector_store %arg11[%swap3A_1017, %swap3A_1018], %swap3A_1021 {strides = array<i32>} : memref<80x144xf32, #tpu.memory_space<vmem>>, vector<1x16xf32>,
          %mul3A_1022 = arith.mulf %get3A_1016, %get3A_1016 : vector<16xf32>
          %swap3A_1023 = arith.index_cast %add3A_993 : i32 to index
          %swap3A_1024 = arith.constant 80 : index
          %swap3A_1025 = tpu.vector_load %arg11[%swap3A_1023, %swap3A_1024] {strides = array<i32>} : memref<80x144xf32, #tpu.memory_space<vmem>>, vector<1x16xf32>,
          %swap3A_1026 = vector.shape_cast %swap3A_1025 : vector<1x16xf32> to vector<16xf32>
          %swap3A_1027 = vector.shape_cast %mul3A_1022 : vector<16xf32> to vector<1x16xf32>
          tpu.vector_store %arg11[%swap3A_1023, %swap3A_1024], %swap3A_1027 {strides = array<i32>} : memref<80x144xf32, #tpu.memory_space<vmem>>, vector<1x16xf32>,
          %add3A_1028 = arith.constant 9 : i32
          %add3A_1029 = arith.addi %mul3A_307, %add3A_1028 : i32
          %get3A_1030 = arith.index_cast %add3A_1029 : i32 to index
          %get3A_1031 = arith.constant 32 : index
          %get3A_1032 = tpu.vector_load %arg9[%get3A_1030, %get3A_1031] {strides = array<i32>} : memref<80x64xf32, #tpu.memory_space<vmem>>, vector<1x16xf32>,
          %get3A_1033 = vector.shape_cast %get3A_1032 : vector<1x16xf32> to vector<16xf32>
          %swap3A_1034 = arith.index_cast %add3A_993 : i32 to index
          %swap3A_1035 = arith.constant 32 : index
          %swap3A_1036 = tpu.vector_load %arg11[%swap3A_1034, %swap3A_1035] {strides = array<i32>} : memref<80x144xf32, #tpu.memory_space<vmem>>, vector<1x16xf32>,
          %swap3A_1037 = vector.shape_cast %swap3A_1036 : vector<1x16xf32> to vector<16xf32>
          %swap3A_1038 = vector.shape_cast %get3A_1033 : vector<16xf32> to vector<1x16xf32>
          tpu.vector_store %arg11[%swap3A_1034, %swap3A_1035], %swap3A_1038 {strides = array<i32>} : memref<80x144xf32, #tpu.memory_space<vmem>>, vector<1x16xf32>,
          %mul3A_1039 = arith.mulf %get3A_1033, %get3A_1033 : vector<16xf32>
          %swap3A_1040 = arith.index_cast %add3A_993 : i32 to index
          %swap3A_1041 = arith.constant 96 : index
          %swap3A_1042 = tpu.vector_load %arg11[%swap3A_1040, %swap3A_1041] {strides = array<i32>} : memref<80x144xf32, #tpu.memory_space<vmem>>, vector<1x16xf32>,
          %swap3A_1043 = vector.shape_cast %swap3A_1042 : vector<1x16xf32> to vector<16xf32>
          %swap3A_1044 = vector.shape_cast %mul3A_1039 : vector<16xf32> to vector<1x16xf32>
          tpu.vector_store %arg11[%swap3A_1040, %swap3A_1041], %swap3A_1044 {strides = array<i32>} : memref<80x144xf32, #tpu.memory_space<vmem>>, vector<1x16xf32>,
          %add3A_1045 = arith.constant 9 : i32
          %add3A_1046 = arith.addi %mul3A_307, %add3A_1045 : i32
          %get3A_1047 = arith.index_cast %add3A_1046 : i32 to index
          %get3A_1048 = arith.constant 48 : index
          %get3A_1049 = tpu.vector_load %arg9[%get3A_1047, %get3A_1048] {strides = array<i32>} : memref<80x64xf32, #tpu.memory_space<vmem>>, vector<1x16xf32>,
          %get3A_1050 = vector.shape_cast %get3A_1049 : vector<1x16xf32> to vector<16xf32>
          %swap3A_1051 = arith.index_cast %add3A_993 : i32 to index
          %swap3A_1052 = arith.constant 48 : index
          %swap3A_1053 = tpu.vector_load %arg11[%swap3A_1051, %swap3A_1052] {strides = array<i32>} : memref<80x144xf32, #tpu.memory_space<vmem>>, vector<1x16xf32>,
          %swap3A_1054 = vector.shape_cast %swap3A_1053 : vector<1x16xf32> to vector<16xf32>
          %swap3A_1055 = vector.shape_cast %get3A_1050 : vector<16xf32> to vector<1x16xf32>
          tpu.vector_store %arg11[%swap3A_1051, %swap3A_1052], %swap3A_1055 {strides = array<i32>} : memref<80x144xf32, #tpu.memory_space<vmem>>, vector<1x16xf32>,
          %mul3A_1056 = arith.mulf %get3A_1050, %get3A_1050 : vector<16xf32>
          %swap3A_1057 = arith.index_cast %add3A_993 : i32 to index
          %swap3A_1058 = arith.constant 112 : index
          %swap3A_1059 = tpu.vector_load %arg11[%swap3A_1057, %swap3A_1058] {strides = array<i32>} : memref<80x144xf32, #tpu.memory_space<vmem>>, vector<1x16xf32>,
          %swap3A_1060 = vector.shape_cast %swap3A_1059 : vector<1x16xf32> to vector<16xf32>
          %swap3A_1061 = vector.shape_cast %mul3A_1056 : vector<16xf32> to vector<1x16xf32>
          tpu.vector_store %arg11[%swap3A_1057, %swap3A_1058], %swap3A_1061 {strides = array<i32>} : memref<80x144xf32, #tpu.memory_space<vmem>>, vector<1x16xf32>,
          %swap3A_1062 = arith.index_cast %add3A_993 : i32 to index
          %swap3A_1063 = arith.constant 128 : index
          %swap3A_1064 = tpu.vector_load %arg11[%swap3A_1062, %swap3A_1063] {strides = array<i32>} : memref<80x144xf32, #tpu.memory_space<vmem>>, vector<1x16xf32>,
          %swap3A_1065 = vector.shape_cast %swap3A_1064 : vector<1x16xf32> to vector<16xf32>
          %swap3A_1066 = vector.shape_cast %select_n3A : vector<16xf32> to vector<1x16xf32>
          tpu.vector_store %arg11[%swap3A_1062, %swap3A_1063], %swap3A_1066 {strides = array<i32>} : memref<80x144xf32, #tpu.memory_space<vmem>>, vector<1x16xf32>,
          %add3A_1067 = arith.constant 10 : i32
          %add3A_1068 = arith.addi %scan3A_305, %add3A_1067 : i32
          %add3A_1069 = arith.constant 10 : i32
          %add3A_1070 = arith.addi %mul3A_307, %add3A_1069 : i32
          %get3A_1071 = arith.index_cast %add3A_1070 : i32 to index
          %get3A_1072 = arith.constant 0 : index
          %get3A_1073 = tpu.vector_load %arg9[%get3A_1071, %get3A_1072] {strides = array<i32>} : memref<80x64xf32, #tpu.memory_space<vmem>>, vector<1x16xf32>,
          %get3A_1074 = vector.shape_cast %get3A_1073 : vector<1x16xf32> to vector<16xf32>
          %swap3A_1075 = arith.index_cast %add3A_1068 : i32 to index
          %swap3A_1076 = arith.constant 0 : index
          %swap3A_1077 = tpu.vector_load %arg11[%swap3A_1075, %swap3A_1076] {strides = array<i32>} : memref<80x144xf32, #tpu.memory_space<vmem>>, vector<1x16xf32>,
          %swap3A_1078 = vector.shape_cast %swap3A_1077 : vector<1x16xf32> to vector<16xf32>
          %swap3A_1079 = vector.shape_cast %get3A_1074 : vector<16xf32> to vector<1x16xf32>
          tpu.vector_store %arg11[%swap3A_1075, %swap3A_1076], %swap3A_1079 {strides = array<i32>} : memref<80x144xf32, #tpu.memory_space<vmem>>, vector<1x16xf32>,
          %mul3A_1080 = arith.mulf %get3A_1074, %get3A_1074 : vector<16xf32>
          %swap3A_1081 = arith.index_cast %add3A_1068 : i32 to index
          %swap3A_1082 = arith.constant 64 : index
          %swap3A_1083 = tpu.vector_load %arg11[%swap3A_1081, %swap3A_1082] {strides = array<i32>} : memref<80x144xf32, #tpu.memory_space<vmem>>, vector<1x16xf32>,
          %swap3A_1084 = vector.shape_cast %swap3A_1083 : vector<1x16xf32> to vector<16xf32>
          %swap3A_1085 = vector.shape_cast %mul3A_1080 : vector<16xf32> to vector<1x16xf32>
          tpu.vector_store %arg11[%swap3A_1081, %swap3A_1082], %swap3A_1085 {strides = array<i32>} : memref<80x144xf32, #tpu.memory_space<vmem>>, vector<1x16xf32>,
          %add3A_1086 = arith.constant 10 : i32
          %add3A_1087 = arith.addi %mul3A_307, %add3A_1086 : i32
          %get3A_1088 = arith.index_cast %add3A_1087 : i32 to index
          %get3A_1089 = arith.constant 16 : index
          %get3A_1090 = tpu.vector_load %arg9[%get3A_1088, %get3A_1089] {strides = array<i32>} : memref<80x64xf32, #tpu.memory_space<vmem>>, vector<1x16xf32>,
          %get3A_1091 = vector.shape_cast %get3A_1090 : vector<1x16xf32> to vector<16xf32>
          %swap3A_1092 = arith.index_cast %add3A_1068 : i32 to index
          %swap3A_1093 = arith.constant 16 : index
          %swap3A_1094 = tpu.vector_load %arg11[%swap3A_1092, %swap3A_1093] {strides = array<i32>} : memref<80x144xf32, #tpu.memory_space<vmem>>, vector<1x16xf32>,
          %swap3A_1095 = vector.shape_cast %swap3A_1094 : vector<1x16xf32> to vector<16xf32>
          %swap3A_1096 = vector.shape_cast %get3A_1091 : vector<16xf32> to vector<1x16xf32>
          tpu.vector_store %arg11[%swap3A_1092, %swap3A_1093], %swap3A_1096 {strides = array<i32>} : memref<80x144xf32, #tpu.memory_space<vmem>>, vector<1x16xf32>,
          %mul3A_1097 = arith.mulf %get3A_1091, %get3A_1091 : vector<16xf32>
          %swap3A_1098 = arith.index_cast %add3A_1068 : i32 to index
          %swap3A_1099 = arith.constant 80 : index
          %swap3A_1100 = tpu.vector_load %arg11[%swap3A_1098, %swap3A_1099] {strides = array<i32>} : memref<80x144xf32, #tpu.memory_space<vmem>>, vector<1x16xf32>,
          %swap3A_1101 = vector.shape_cast %swap3A_1100 : vector<1x16xf32> to vector<16xf32>
          %swap3A_1102 = vector.shape_cast %mul3A_1097 : vector<16xf32> to vector<1x16xf32>
          tpu.vector_store %arg11[%swap3A_1098, %swap3A_1099], %swap3A_1102 {strides = array<i32>} : memref<80x144xf32, #tpu.memory_space<vmem>>, vector<1x16xf32>,
          %add3A_1103 = arith.constant 10 : i32
          %add3A_1104 = arith.addi %mul3A_307, %add3A_1103 : i32
          %get3A_1105 = arith.index_cast %add3A_1104 : i32 to index
          %get3A_1106 = arith.constant 32 : index
          %get3A_1107 = tpu.vector_load %arg9[%get3A_1105, %get3A_1106] {strides = array<i32>} : memref<80x64xf32, #tpu.memory_space<vmem>>, vector<1x16xf32>,
          %get3A_1108 = vector.shape_cast %get3A_1107 : vector<1x16xf32> to vector<16xf32>
          %swap3A_1109 = arith.index_cast %add3A_1068 : i32 to index
          %swap3A_1110 = arith.constant 32 : index
          %swap3A_1111 = tpu.vector_load %arg11[%swap3A_1109, %swap3A_1110] {strides = array<i32>} : memref<80x144xf32, #tpu.memory_space<vmem>>, vector<1x16xf32>,
          %swap3A_1112 = vector.shape_cast %swap3A_1111 : vector<1x16xf32> to vector<16xf32>
          %swap3A_1113 = vector.shape_cast %get3A_1108 : vector<16xf32> to vector<1x16xf32>
          tpu.vector_store %arg11[%swap3A_1109, %swap3A_1110], %swap3A_1113 {strides = array<i32>} : memref<80x144xf32, #tpu.memory_space<vmem>>, vector<1x16xf32>,
          %mul3A_1114 = arith.mulf %get3A_1108, %get3A_1108 : vector<16xf32>
          %swap3A_1115 = arith.index_cast %add3A_1068 : i32 to index
          %swap3A_1116 = arith.constant 96 : index
          %swap3A_1117 = tpu.vector_load %arg11[%swap3A_1115, %swap3A_1116] {strides = array<i32>} : memref<80x144xf32, #tpu.memory_space<vmem>>, vector<1x16xf32>,
          %swap3A_1118 = vector.shape_cast %swap3A_1117 : vector<1x16xf32> to vector<16xf32>
          %swap3A_1119 = vector.shape_cast %mul3A_1114 : vector<16xf32> to vector<1x16xf32>
          tpu.vector_store %arg11[%swap3A_1115, %swap3A_1116], %swap3A_1119 {strides = array<i32>} : memref<80x144xf32, #tpu.memory_space<vmem>>, vector<1x16xf32>,
          %add3A_1120 = arith.constant 10 : i32
          %add3A_1121 = arith.addi %mul3A_307, %add3A_1120 : i32
          %get3A_1122 = arith.index_cast %add3A_1121 : i32 to index
          %get3A_1123 = arith.constant 48 : index
          %get3A_1124 = tpu.vector_load %arg9[%get3A_1122, %get3A_1123] {strides = array<i32>} : memref<80x64xf32, #tpu.memory_space<vmem>>, vector<1x16xf32>,
          %get3A_1125 = vector.shape_cast %get3A_1124 : vector<1x16xf32> to vector<16xf32>
          %swap3A_1126 = arith.index_cast %add3A_1068 : i32 to index
          %swap3A_1127 = arith.constant 48 : index
          %swap3A_1128 = tpu.vector_load %arg11[%swap3A_1126, %swap3A_1127] {strides = array<i32>} : memref<80x144xf32, #tpu.memory_space<vmem>>, vector<1x16xf32>,
          %swap3A_1129 = vector.shape_cast %swap3A_1128 : vector<1x16xf32> to vector<16xf32>
          %swap3A_1130 = vector.shape_cast %get3A_1125 : vector<16xf32> to vector<1x16xf32>
          tpu.vector_store %arg11[%swap3A_1126, %swap3A_1127], %swap3A_1130 {strides = array<i32>} : memref<80x144xf32, #tpu.memory_space<vmem>>, vector<1x16xf32>,
          %mul3A_1131 = arith.mulf %get3A_1125, %get3A_1125 : vector<16xf32>
          %swap3A_1132 = arith.index_cast %add3A_1068 : i32 to index
          %swap3A_1133 = arith.constant 112 : index
          %swap3A_1134 = tpu.vector_load %arg11[%swap3A_1132, %swap3A_1133] {strides = array<i32>} : memref<80x144xf32, #tpu.memory_space<vmem>>, vector<1x16xf32>,
          %swap3A_1135 = vector.shape_cast %swap3A_1134 : vector<1x16xf32> to vector<16xf32>
          %swap3A_1136 = vector.shape_cast %mul3A_1131 : vector<16xf32> to vector<1x16xf32>
          tpu.vector_store %arg11[%swap3A_1132, %swap3A_1133], %swap3A_1136 {strides = array<i32>} : memref<80x144xf32, #tpu.memory_space<vmem>>, vector<1x16xf32>,
          %swap3A_1137 = arith.index_cast %add3A_1068 : i32 to index
          %swap3A_1138 = arith.constant 128 : index
          %swap3A_1139 = tpu.vector_load %arg11[%swap3A_1137, %swap3A_1138] {strides = array<i32>} : memref<80x144xf32, #tpu.memory_space<vmem>>, vector<1x16xf32>,
          %swap3A_1140 = vector.shape_cast %swap3A_1139 : vector<1x16xf32> to vector<16xf32>
          %swap3A_1141 = vector.shape_cast %select_n3A : vector<16xf32> to vector<1x16xf32>
          tpu.vector_store %arg11[%swap3A_1137, %swap3A_1138], %swap3A_1141 {strides = array<i32>} : memref<80x144xf32, #tpu.memory_space<vmem>>, vector<1x16xf32>,
          %add3A_1142 = arith.constant 11 : i32
          %add3A_1143 = arith.addi %scan3A_305, %add3A_1142 : i32
          %add3A_1144 = arith.constant 11 : i32
          %add3A_1145 = arith.addi %mul3A_307, %add3A_1144 : i32
          %get3A_1146 = arith.index_cast %add3A_1145 : i32 to index
          %get3A_1147 = arith.constant 0 : index
          %get3A_1148 = tpu.vector_load %arg9[%get3A_1146, %get3A_1147] {strides = array<i32>} : memref<80x64xf32, #tpu.memory_space<vmem>>, vector<1x16xf32>,
          %get3A_1149 = vector.shape_cast %get3A_1148 : vector<1x16xf32> to vector<16xf32>
          %swap3A_1150 = arith.index_cast %add3A_1143 : i32 to index
          %swap3A_1151 = arith.constant 0 : index
          %swap3A_1152 = tpu.vector_load %arg11[%swap3A_1150, %swap3A_1151] {strides = array<i32>} : memref<80x144xf32, #tpu.memory_space<vmem>>, vector<1x16xf32>,
          %swap3A_1153 = vector.shape_cast %swap3A_1152 : vector<1x16xf32> to vector<16xf32>
          %swap3A_1154 = vector.shape_cast %get3A_1149 : vector<16xf32> to vector<1x16xf32>
          tpu.vector_store %arg11[%swap3A_1150, %swap3A_1151], %swap3A_1154 {strides = array<i32>} : memref<80x144xf32, #tpu.memory_space<vmem>>, vector<1x16xf32>,
          %mul3A_1155 = arith.mulf %get3A_1149, %get3A_1149 : vector<16xf32>
          %swap3A_1156 = arith.index_cast %add3A_1143 : i32 to index
          %swap3A_1157 = arith.constant 64 : index
          %swap3A_1158 = tpu.vector_load %arg11[%swap3A_1156, %swap3A_1157] {strides = array<i32>} : memref<80x144xf32, #tpu.memory_space<vmem>>, vector<1x16xf32>,
          %swap3A_1159 = vector.shape_cast %swap3A_1158 : vector<1x16xf32> to vector<16xf32>
          %swap3A_1160 = vector.shape_cast %mul3A_1155 : vector<16xf32> to vector<1x16xf32>
          tpu.vector_store %arg11[%swap3A_1156, %swap3A_1157], %swap3A_1160 {strides = array<i32>} : memref<80x144xf32, #tpu.memory_space<vmem>>, vector<1x16xf32>,
          %add3A_1161 = arith.constant 11 : i32
          %add3A_1162 = arith.addi %mul3A_307, %add3A_1161 : i32
          %get3A_1163 = arith.index_cast %add3A_1162 : i32 to index
          %get3A_1164 = arith.constant 16 : index
          %get3A_1165 = tpu.vector_load %arg9[%get3A_1163, %get3A_1164] {strides = array<i32>} : memref<80x64xf32, #tpu.memory_space<vmem>>, vector<1x16xf32>,
          %get3A_1166 = vector.shape_cast %get3A_1165 : vector<1x16xf32> to vector<16xf32>
          %swap3A_1167 = arith.index_cast %add3A_1143 : i32 to index
          %swap3A_1168 = arith.constant 16 : index
          %swap3A_1169 = tpu.vector_load %arg11[%swap3A_1167, %swap3A_1168] {strides = array<i32>} : memref<80x144xf32, #tpu.memory_space<vmem>>, vector<1x16xf32>,
          %swap3A_1170 = vector.shape_cast %swap3A_1169 : vector<1x16xf32> to vector<16xf32>
          %swap3A_1171 = vector.shape_cast %get3A_1166 : vector<16xf32> to vector<1x16xf32>
          tpu.vector_store %arg11[%swap3A_1167, %swap3A_1168], %swap3A_1171 {strides = array<i32>} : memref<80x144xf32, #tpu.memory_space<vmem>>, vector<1x16xf32>,
          %mul3A_1172 = arith.mulf %get3A_1166, %get3A_1166 : vector<16xf32>
          %swap3A_1173 = arith.index_cast %add3A_1143 : i32 to index
          %swap3A_1174 = arith.constant 80 : index
          %swap3A_1175 = tpu.vector_load %arg11[%swap3A_1173, %swap3A_1174] {strides = array<i32>} : memref<80x144xf32, #tpu.memory_space<vmem>>, vector<1x16xf32>,
          %swap3A_1176 = vector.shape_cast %swap3A_1175 : vector<1x16xf32> to vector<16xf32>
          %swap3A_1177 = vector.shape_cast %mul3A_1172 : vector<16xf32> to vector<1x16xf32>
          tpu.vector_store %arg11[%swap3A_1173, %swap3A_1174], %swap3A_1177 {strides = array<i32>} : memref<80x144xf32, #tpu.memory_space<vmem>>, vector<1x16xf32>,
          %add3A_1178 = arith.constant 11 : i32
          %add3A_1179 = arith.addi %mul3A_307, %add3A_1178 : i32
          %get3A_1180 = arith.index_cast %add3A_1179 : i32 to index
          %get3A_1181 = arith.constant 32 : index
          %get3A_1182 = tpu.vector_load %arg9[%get3A_1180, %get3A_1181] {strides = array<i32>} : memref<80x64xf32, #tpu.memory_space<vmem>>, vector<1x16xf32>,
          %get3A_1183 = vector.shape_cast %get3A_1182 : vector<1x16xf32> to vector<16xf32>
          %swap3A_1184 = arith.index_cast %add3A_1143 : i32 to index
          %swap3A_1185 = arith.constant 32 : index
          %swap3A_1186 = tpu.vector_load %arg11[%swap3A_1184, %swap3A_1185] {strides = array<i32>} : memref<80x144xf32, #tpu.memory_space<vmem>>, vector<1x16xf32>,
          %swap3A_1187 = vector.shape_cast %swap3A_1186 : vector<1x16xf32> to vector<16xf32>
          %swap3A_1188 = vector.shape_cast %get3A_1183 : vector<16xf32> to vector<1x16xf32>
          tpu.vector_store %arg11[%swap3A_1184, %swap3A_1185], %swap3A_1188 {strides = array<i32>} : memref<80x144xf32, #tpu.memory_space<vmem>>, vector<1x16xf32>,
          %mul3A_1189 = arith.mulf %get3A_1183, %get3A_1183 : vector<16xf32>
          %swap3A_1190 = arith.index_cast %add3A_1143 : i32 to index
          %swap3A_1191 = arith.constant 96 : index
          %swap3A_1192 = tpu.vector_load %arg11[%swap3A_1190, %swap3A_1191] {strides = array<i32>} : memref<80x144xf32, #tpu.memory_space<vmem>>, vector<1x16xf32>,
          %swap3A_1193 = vector.shape_cast %swap3A_1192 : vector<1x16xf32> to vector<16xf32>
          %swap3A_1194 = vector.shape_cast %mul3A_1189 : vector<16xf32> to vector<1x16xf32>
          tpu.vector_store %arg11[%swap3A_1190, %swap3A_1191], %swap3A_1194 {strides = array<i32>} : memref<80x144xf32, #tpu.memory_space<vmem>>, vector<1x16xf32>,
          %add3A_1195 = arith.constant 11 : i32
          %add3A_1196 = arith.addi %mul3A_307, %add3A_1195 : i32
          %get3A_1197 = arith.index_cast %add3A_1196 : i32 to index
          %get3A_1198 = arith.constant 48 : index
          %get3A_1199 = tpu.vector_load %arg9[%get3A_1197, %get3A_1198] {strides = array<i32>} : memref<80x64xf32, #tpu.memory_space<vmem>>, vector<1x16xf32>,
          %get3A_1200 = vector.shape_cast %get3A_1199 : vector<1x16xf32> to vector<16xf32>
          %swap3A_1201 = arith.index_cast %add3A_1143 : i32 to index
          %swap3A_1202 = arith.constant 48 : index
          %swap3A_1203 = tpu.vector_load %arg11[%swap3A_1201, %swap3A_1202] {strides = array<i32>} : memref<80x144xf32, #tpu.memory_space<vmem>>, vector<1x16xf32>,
          %swap3A_1204 = vector.shape_cast %swap3A_1203 : vector<1x16xf32> to vector<16xf32>
          %swap3A_1205 = vector.shape_cast %get3A_1200 : vector<16xf32> to vector<1x16xf32>
          tpu.vector_store %arg11[%swap3A_1201, %swap3A_1202], %swap3A_1205 {strides = array<i32>} : memref<80x144xf32, #tpu.memory_space<vmem>>, vector<1x16xf32>,
          %mul3A_1206 = arith.mulf %get3A_1200, %get3A_1200 : vector<16xf32>
          %swap3A_1207 = arith.index_cast %add3A_1143 : i32 to index
          %swap3A_1208 = arith.constant 112 : index
          %swap3A_1209 = tpu.vector_load %arg11[%swap3A_1207, %swap3A_1208] {strides = array<i32>} : memref<80x144xf32, #tpu.memory_space<vmem>>, vector<1x16xf32>,
          %swap3A_1210 = vector.shape_cast %swap3A_1209 : vector<1x16xf32> to vector<16xf32>
          %swap3A_1211 = vector.shape_cast %mul3A_1206 : vector<16xf32> to vector<1x16xf32>
          tpu.vector_store %arg11[%swap3A_1207, %swap3A_1208], %swap3A_1211 {strides = array<i32>} : memref<80x144xf32, #tpu.memory_space<vmem>>, vector<1x16xf32>,
          %swap3A_1212 = arith.index_cast %add3A_1143 : i32 to index
          %swap3A_1213 = arith.constant 128 : index
          %swap3A_1214 = tpu.vector_load %arg11[%swap3A_1212, %swap3A_1213] {strides = array<i32>} : memref<80x144xf32, #tpu.memory_space<vmem>>, vector<1x16xf32>,
          %swap3A_1215 = vector.shape_cast %swap3A_1214 : vector<1x16xf32> to vector<16xf32>
          %swap3A_1216 = vector.shape_cast %select_n3A : vector<16xf32> to vector<1x16xf32>
          tpu.vector_store %arg11[%swap3A_1212, %swap3A_1213], %swap3A_1216 {strides = array<i32>} : memref<80x144xf32, #tpu.memory_space<vmem>>, vector<1x16xf32>,
          %add3A_1217 = arith.constant 12 : i32
          %add3A_1218 = arith.addi %scan3A_305, %add3A_1217 : i32
          %add3A_1219 = arith.constant 12 : i32
          %add3A_1220 = arith.addi %mul3A_307, %add3A_1219 : i32
          %get3A_1221 = arith.index_cast %add3A_1220 : i32 to index
          %get3A_1222 = arith.constant 0 : index
          %get3A_1223 = tpu.vector_load %arg9[%get3A_1221, %get3A_1222] {strides = array<i32>} : memref<80x64xf32, #tpu.memory_space<vmem>>, vector<1x16xf32>,
          %get3A_1224 = vector.shape_cast %get3A_1223 : vector<1x16xf32> to vector<16xf32>
          %swap3A_1225 = arith.index_cast %add3A_1218 : i32 to index
          %swap3A_1226 = arith.constant 0 : index
          %swap3A_1227 = tpu.vector_load %arg11[%swap3A_1225, %swap3A_1226] {strides = array<i32>} : memref<80x144xf32, #tpu.memory_space<vmem>>, vector<1x16xf32>,
          %swap3A_1228 = vector.shape_cast %swap3A_1227 : vector<1x16xf32> to vector<16xf32>
          %swap3A_1229 = vector.shape_cast %get3A_1224 : vector<16xf32> to vector<1x16xf32>
          tpu.vector_store %arg11[%swap3A_1225, %swap3A_1226], %swap3A_1229 {strides = array<i32>} : memref<80x144xf32, #tpu.memory_space<vmem>>, vector<1x16xf32>,
          %mul3A_1230 = arith.mulf %get3A_1224, %get3A_1224 : vector<16xf32>
          %swap3A_1231 = arith.index_cast %add3A_1218 : i32 to index
          %swap3A_1232 = arith.constant 64 : index
          %swap3A_1233 = tpu.vector_load %arg11[%swap3A_1231, %swap3A_1232] {strides = array<i32>} : memref<80x144xf32, #tpu.memory_space<vmem>>, vector<1x16xf32>,
          %swap3A_1234 = vector.shape_cast %swap3A_1233 : vector<1x16xf32> to vector<16xf32>
          %swap3A_1235 = vector.shape_cast %mul3A_1230 : vector<16xf32> to vector<1x16xf32>
          tpu.vector_store %arg11[%swap3A_1231, %swap3A_1232], %swap3A_1235 {strides = array<i32>} : memref<80x144xf32, #tpu.memory_space<vmem>>, vector<1x16xf32>,
          %add3A_1236 = arith.constant 12 : i32
          %add3A_1237 = arith.addi %mul3A_307, %add3A_1236 : i32
          %get3A_1238 = arith.index_cast %add3A_1237 : i32 to index
          %get3A_1239 = arith.constant 16 : index
          %get3A_1240 = tpu.vector_load %arg9[%get3A_1238, %get3A_1239] {strides = array<i32>} : memref<80x64xf32, #tpu.memory_space<vmem>>, vector<1x16xf32>,
          %get3A_1241 = vector.shape_cast %get3A_1240 : vector<1x16xf32> to vector<16xf32>
          %swap3A_1242 = arith.index_cast %add3A_1218 : i32 to index
          %swap3A_1243 = arith.constant 16 : index
          %swap3A_1244 = tpu.vector_load %arg11[%swap3A_1242, %swap3A_1243] {strides = array<i32>} : memref<80x144xf32, #tpu.memory_space<vmem>>, vector<1x16xf32>,
          %swap3A_1245 = vector.shape_cast %swap3A_1244 : vector<1x16xf32> to vector<16xf32>
          %swap3A_1246 = vector.shape_cast %get3A_1241 : vector<16xf32> to vector<1x16xf32>
          tpu.vector_store %arg11[%swap3A_1242, %swap3A_1243], %swap3A_1246 {strides = array<i32>} : memref<80x144xf32, #tpu.memory_space<vmem>>, vector<1x16xf32>,
          %mul3A_1247 = arith.mulf %get3A_1241, %get3A_1241 : vector<16xf32>
          %swap3A_1248 = arith.index_cast %add3A_1218 : i32 to index
          %swap3A_1249 = arith.constant 80 : index
          %swap3A_1250 = tpu.vector_load %arg11[%swap3A_1248, %swap3A_1249] {strides = array<i32>} : memref<80x144xf32, #tpu.memory_space<vmem>>, vector<1x16xf32>,
          %swap3A_1251 = vector.shape_cast %swap3A_1250 : vector<1x16xf32> to vector<16xf32>
          %swap3A_1252 = vector.shape_cast %mul3A_1247 : vector<16xf32> to vector<1x16xf32>
          tpu.vector_store %arg11[%swap3A_1248, %swap3A_1249], %swap3A_1252 {strides = array<i32>} : memref<80x144xf32, #tpu.memory_space<vmem>>, vector<1x16xf32>,
          %add3A_1253 = arith.constant 12 : i32
          %add3A_1254 = arith.addi %mul3A_307, %add3A_1253 : i32
          %get3A_1255 = arith.index_cast %add3A_1254 : i32 to index
          %get3A_1256 = arith.constant 32 : index
          %get3A_1257 = tpu.vector_load %arg9[%get3A_1255, %get3A_1256] {strides = array<i32>} : memref<80x64xf32, #tpu.memory_space<vmem>>, vector<1x16xf32>,
          %get3A_1258 = vector.shape_cast %get3A_1257 : vector<1x16xf32> to vector<16xf32>
          %swap3A_1259 = arith.index_cast %add3A_1218 : i32 to index
          %swap3A_1260 = arith.constant 32 : index
          %swap3A_1261 = tpu.vector_load %arg11[%swap3A_1259, %swap3A_1260] {strides = array<i32>} : memref<80x144xf32, #tpu.memory_space<vmem>>, vector<1x16xf32>,
          %swap3A_1262 = vector.shape_cast %swap3A_1261 : vector<1x16xf32> to vector<16xf32>
          %swap3A_1263 = vector.shape_cast %get3A_1258 : vector<16xf32> to vector<1x16xf32>
          tpu.vector_store %arg11[%swap3A_1259, %swap3A_1260], %swap3A_1263 {strides = array<i32>} : memref<80x144xf32, #tpu.memory_space<vmem>>, vector<1x16xf32>,
          %mul3A_1264 = arith.mulf %get3A_1258, %get3A_1258 : vector<16xf32>
          %swap3A_1265 = arith.index_cast %add3A_1218 : i32 to index
          %swap3A_1266 = arith.constant 96 : index
          %swap3A_1267 = tpu.vector_load %arg11[%swap3A_1265, %swap3A_1266] {strides = array<i32>} : memref<80x144xf32, #tpu.memory_space<vmem>>, vector<1x16xf32>,
          %swap3A_1268 = vector.shape_cast %swap3A_1267 : vector<1x16xf32> to vector<16xf32>
          %swap3A_1269 = vector.shape_cast %mul3A_1264 : vector<16xf32> to vector<1x16xf32>
          tpu.vector_store %arg11[%swap3A_1265, %swap3A_1266], %swap3A_1269 {strides = array<i32>} : memref<80x144xf32, #tpu.memory_space<vmem>>, vector<1x16xf32>,
          %add3A_1270 = arith.constant 12 : i32
          %add3A_1271 = arith.addi %mul3A_307, %add3A_1270 : i32
          %get3A_1272 = arith.index_cast %add3A_1271 : i32 to index
          %get3A_1273 = arith.constant 48 : index
          %get3A_1274 = tpu.vector_load %arg9[%get3A_1272, %get3A_1273] {strides = array<i32>} : memref<80x64xf32, #tpu.memory_space<vmem>>, vector<1x16xf32>,
          %get3A_1275 = vector.shape_cast %get3A_1274 : vector<1x16xf32> to vector<16xf32>
          %swap3A_1276 = arith.index_cast %add3A_1218 : i32 to index
          %swap3A_1277 = arith.constant 48 : index
          %swap3A_1278 = tpu.vector_load %arg11[%swap3A_1276, %swap3A_1277] {strides = array<i32>} : memref<80x144xf32, #tpu.memory_space<vmem>>, vector<1x16xf32>,
          %swap3A_1279 = vector.shape_cast %swap3A_1278 : vector<1x16xf32> to vector<16xf32>
          %swap3A_1280 = vector.shape_cast %get3A_1275 : vector<16xf32> to vector<1x16xf32>
          tpu.vector_store %arg11[%swap3A_1276, %swap3A_1277], %swap3A_1280 {strides = array<i32>} : memref<80x144xf32, #tpu.memory_space<vmem>>, vector<1x16xf32>,
          %mul3A_1281 = arith.mulf %get3A_1275, %get3A_1275 : vector<16xf32>
          %swap3A_1282 = arith.index_cast %add3A_1218 : i32 to index
          %swap3A_1283 = arith.constant 112 : index
          %swap3A_1284 = tpu.vector_load %arg11[%swap3A_1282, %swap3A_1283] {strides = array<i32>} : memref<80x144xf32, #tpu.memory_space<vmem>>, vector<1x16xf32>,
          %swap3A_1285 = vector.shape_cast %swap3A_1284 : vector<1x16xf32> to vector<16xf32>
          %swap3A_1286 = vector.shape_cast %mul3A_1281 : vector<16xf32> to vector<1x16xf32>
          tpu.vector_store %arg11[%swap3A_1282, %swap3A_1283], %swap3A_1286 {strides = array<i32>} : memref<80x144xf32, #tpu.memory_space<vmem>>, vector<1x16xf32>,
          %swap3A_1287 = arith.index_cast %add3A_1218 : i32 to index
          %swap3A_1288 = arith.constant 128 : index
          %swap3A_1289 = tpu.vector_load %arg11[%swap3A_1287, %swap3A_1288] {strides = array<i32>} : memref<80x144xf32, #tpu.memory_space<vmem>>, vector<1x16xf32>,
          %swap3A_1290 = vector.shape_cast %swap3A_1289 : vector<1x16xf32> to vector<16xf32>
          %swap3A_1291 = vector.shape_cast %select_n3A : vector<16xf32> to vector<1x16xf32>
          tpu.vector_store %arg11[%swap3A_1287, %swap3A_1288], %swap3A_1291 {strides = array<i32>} : memref<80x144xf32, #tpu.memory_space<vmem>>, vector<1x16xf32>,
          %add3A_1292 = arith.constant 13 : i32
          %add3A_1293 = arith.addi %scan3A_305, %add3A_1292 : i32
          %add3A_1294 = arith.constant 13 : i32
          %add3A_1295 = arith.addi %mul3A_307, %add3A_1294 : i32
          %get3A_1296 = arith.index_cast %add3A_1295 : i32 to index
          %get3A_1297 = arith.constant 0 : index
          %get3A_1298 = tpu.vector_load %arg9[%get3A_1296, %get3A_1297] {strides = array<i32>} : memref<80x64xf32, #tpu.memory_space<vmem>>, vector<1x16xf32>,
          %get3A_1299 = vector.shape_cast %get3A_1298 : vector<1x16xf32> to vector<16xf32>
          %swap3A_1300 = arith.index_cast %add3A_1293 : i32 to index
          %swap3A_1301 = arith.constant 0 : index
          %swap3A_1302 = tpu.vector_load %arg11[%swap3A_1300, %swap3A_1301] {strides = array<i32>} : memref<80x144xf32, #tpu.memory_space<vmem>>, vector<1x16xf32>,
          %swap3A_1303 = vector.shape_cast %swap3A_1302 : vector<1x16xf32> to vector<16xf32>
          %swap3A_1304 = vector.shape_cast %get3A_1299 : vector<16xf32> to vector<1x16xf32>
          tpu.vector_store %arg11[%swap3A_1300, %swap3A_1301], %swap3A_1304 {strides = array<i32>} : memref<80x144xf32, #tpu.memory_space<vmem>>, vector<1x16xf32>,
          %mul3A_1305 = arith.mulf %get3A_1299, %get3A_1299 : vector<16xf32>
          %swap3A_1306 = arith.index_cast %add3A_1293 : i32 to index
          %swap3A_1307 = arith.constant 64 : index
          %swap3A_1308 = tpu.vector_load %arg11[%swap3A_1306, %swap3A_1307] {strides = array<i32>} : memref<80x144xf32, #tpu.memory_space<vmem>>, vector<1x16xf32>,
          %swap3A_1309 = vector.shape_cast %swap3A_1308 : vector<1x16xf32> to vector<16xf32>
          %swap3A_1310 = vector.shape_cast %mul3A_1305 : vector<16xf32> to vector<1x16xf32>
          tpu.vector_store %arg11[%swap3A_1306, %swap3A_1307], %swap3A_1310 {strides = array<i32>} : memref<80x144xf32, #tpu.memory_space<vmem>>, vector<1x16xf32>,
          %add3A_1311 = arith.constant 13 : i32
          %add3A_1312 = arith.addi %mul3A_307, %add3A_1311 : i32
          %get3A_1313 = arith.index_cast %add3A_1312 : i32 to index
          %get3A_1314 = arith.constant 16 : index
          %get3A_1315 = tpu.vector_load %arg9[%get3A_1313, %get3A_1314] {strides = array<i32>} : memref<80x64xf32, #tpu.memory_space<vmem>>, vector<1x16xf32>,
          %get3A_1316 = vector.shape_cast %get3A_1315 : vector<1x16xf32> to vector<16xf32>
          %swap3A_1317 = arith.index_cast %add3A_1293 : i32 to index
          %swap3A_1318 = arith.constant 16 : index
          %swap3A_1319 = tpu.vector_load %arg11[%swap3A_1317, %swap3A_1318] {strides = array<i32>} : memref<80x144xf32, #tpu.memory_space<vmem>>, vector<1x16xf32>,
          %swap3A_1320 = vector.shape_cast %swap3A_1319 : vector<1x16xf32> to vector<16xf32>
          %swap3A_1321 = vector.shape_cast %get3A_1316 : vector<16xf32> to vector<1x16xf32>
          tpu.vector_store %arg11[%swap3A_1317, %swap3A_1318], %swap3A_1321 {strides = array<i32>} : memref<80x144xf32, #tpu.memory_space<vmem>>, vector<1x16xf32>,
          %mul3A_1322 = arith.mulf %get3A_1316, %get3A_1316 : vector<16xf32>
          %swap3A_1323 = arith.index_cast %add3A_1293 : i32 to index
          %swap3A_1324 = arith.constant 80 : index
          %swap3A_1325 = tpu.vector_load %arg11[%swap3A_1323, %swap3A_1324] {strides = array<i32>} : memref<80x144xf32, #tpu.memory_space<vmem>>, vector<1x16xf32>,
          %swap3A_1326 = vector.shape_cast %swap3A_1325 : vector<1x16xf32> to vector<16xf32>
          %swap3A_1327 = vector.shape_cast %mul3A_1322 : vector<16xf32> to vector<1x16xf32>
          tpu.vector_store %arg11[%swap3A_1323, %swap3A_1324], %swap3A_1327 {strides = array<i32>} : memref<80x144xf32, #tpu.memory_space<vmem>>, vector<1x16xf32>,
          %add3A_1328 = arith.constant 13 : i32
          %add3A_1329 = arith.addi %mul3A_307, %add3A_1328 : i32
          %get3A_1330 = arith.index_cast %add3A_1329 : i32 to index
          %get3A_1331 = arith.constant 32 : index
          %get3A_1332 = tpu.vector_load %arg9[%get3A_1330, %get3A_1331] {strides = array<i32>} : memref<80x64xf32, #tpu.memory_space<vmem>>, vector<1x16xf32>,
          %get3A_1333 = vector.shape_cast %get3A_1332 : vector<1x16xf32> to vector<16xf32>
          %swap3A_1334 = arith.index_cast %add3A_1293 : i32 to index
          %swap3A_1335 = arith.constant 32 : index
          %swap3A_1336 = tpu.vector_load %arg11[%swap3A_1334, %swap3A_1335] {strides = array<i32>} : memref<80x144xf32, #tpu.memory_space<vmem>>, vector<1x16xf32>,
          %swap3A_1337 = vector.shape_cast %swap3A_1336 : vector<1x16xf32> to vector<16xf32>
          %swap3A_1338 = vector.shape_cast %get3A_1333 : vector<16xf32> to vector<1x16xf32>
          tpu.vector_store %arg11[%swap3A_1334, %swap3A_1335], %swap3A_1338 {strides = array<i32>} : memref<80x144xf32, #tpu.memory_space<vmem>>, vector<1x16xf32>,
          %mul3A_1339 = arith.mulf %get3A_1333, %get3A_1333 : vector<16xf32>
          %swap3A_1340 = arith.index_cast %add3A_1293 : i32 to index
          %swap3A_1341 = arith.constant 96 : index
          %swap3A_1342 = tpu.vector_load %arg11[%swap3A_1340, %swap3A_1341] {strides = array<i32>} : memref<80x144xf32, #tpu.memory_space<vmem>>, vector<1x16xf32>,
          %swap3A_1343 = vector.shape_cast %swap3A_1342 : vector<1x16xf32> to vector<16xf32>
          %swap3A_1344 = vector.shape_cast %mul3A_1339 : vector<16xf32> to vector<1x16xf32>
          tpu.vector_store %arg11[%swap3A_1340, %swap3A_1341], %swap3A_1344 {strides = array<i32>} : memref<80x144xf32, #tpu.memory_space<vmem>>, vector<1x16xf32>,
          %add3A_1345 = arith.constant 13 : i32
          %add3A_1346 = arith.addi %mul3A_307, %add3A_1345 : i32
          %get3A_1347 = arith.index_cast %add3A_1346 : i32 to index
          %get3A_1348 = arith.constant 48 : index
          %get3A_1349 = tpu.vector_load %arg9[%get3A_1347, %get3A_1348] {strides = array<i32>} : memref<80x64xf32, #tpu.memory_space<vmem>>, vector<1x16xf32>,
          %get3A_1350 = vector.shape_cast %get3A_1349 : vector<1x16xf32> to vector<16xf32>
          %swap3A_1351 = arith.index_cast %add3A_1293 : i32 to index
          %swap3A_1352 = arith.constant 48 : index
          %swap3A_1353 = tpu.vector_load %arg11[%swap3A_1351, %swap3A_1352] {strides = array<i32>} : memref<80x144xf32, #tpu.memory_space<vmem>>, vector<1x16xf32>,
          %swap3A_1354 = vector.shape_cast %swap3A_1353 : vector<1x16xf32> to vector<16xf32>
          %swap3A_1355 = vector.shape_cast %get3A_1350 : vector<16xf32> to vector<1x16xf32>
          tpu.vector_store %arg11[%swap3A_1351, %swap3A_1352], %swap3A_1355 {strides = array<i32>} : memref<80x144xf32, #tpu.memory_space<vmem>>, vector<1x16xf32>,
          %mul3A_1356 = arith.mulf %get3A_1350, %get3A_1350 : vector<16xf32>
          %swap3A_1357 = arith.index_cast %add3A_1293 : i32 to index
          %swap3A_1358 = arith.constant 112 : index
          %swap3A_1359 = tpu.vector_load %arg11[%swap3A_1357, %swap3A_1358] {strides = array<i32>} : memref<80x144xf32, #tpu.memory_space<vmem>>, vector<1x16xf32>,
          %swap3A_1360 = vector.shape_cast %swap3A_1359 : vector<1x16xf32> to vector<16xf32>
          %swap3A_1361 = vector.shape_cast %mul3A_1356 : vector<16xf32> to vector<1x16xf32>
          tpu.vector_store %arg11[%swap3A_1357, %swap3A_1358], %swap3A_1361 {strides = array<i32>} : memref<80x144xf32, #tpu.memory_space<vmem>>, vector<1x16xf32>,
          %swap3A_1362 = arith.index_cast %add3A_1293 : i32 to index
          %swap3A_1363 = arith.constant 128 : index
          %swap3A_1364 = tpu.vector_load %arg11[%swap3A_1362, %swap3A_1363] {strides = array<i32>} : memref<80x144xf32, #tpu.memory_space<vmem>>, vector<1x16xf32>,
          %swap3A_1365 = vector.shape_cast %swap3A_1364 : vector<1x16xf32> to vector<16xf32>
          %swap3A_1366 = vector.shape_cast %select_n3A : vector<16xf32> to vector<1x16xf32>
          tpu.vector_store %arg11[%swap3A_1362, %swap3A_1363], %swap3A_1366 {strides = array<i32>} : memref<80x144xf32, #tpu.memory_space<vmem>>, vector<1x16xf32>,
          %add3A_1367 = arith.constant 14 : i32
          %add3A_1368 = arith.addi %scan3A_305, %add3A_1367 : i32
          %add3A_1369 = arith.constant 14 : i32
          %add3A_1370 = arith.addi %mul3A_307, %add3A_1369 : i32
          %get3A_1371 = arith.index_cast %add3A_1370 : i32 to index
          %get3A_1372 = arith.constant 0 : index
          %get3A_1373 = tpu.vector_load %arg9[%get3A_1371, %get3A_1372] {strides = array<i32>} : memref<80x64xf32, #tpu.memory_space<vmem>>, vector<1x16xf32>,
          %get3A_1374 = vector.shape_cast %get3A_1373 : vector<1x16xf32> to vector<16xf32>
          %swap3A_1375 = arith.index_cast %add3A_1368 : i32 to index
          %swap3A_1376 = arith.constant 0 : index
          %swap3A_1377 = tpu.vector_load %arg11[%swap3A_1375, %swap3A_1376] {strides = array<i32>} : memref<80x144xf32, #tpu.memory_space<vmem>>, vector<1x16xf32>,
          %swap3A_1378 = vector.shape_cast %swap3A_1377 : vector<1x16xf32> to vector<16xf32>
          %swap3A_1379 = vector.shape_cast %get3A_1374 : vector<16xf32> to vector<1x16xf32>
          tpu.vector_store %arg11[%swap3A_1375, %swap3A_1376], %swap3A_1379 {strides = array<i32>} : memref<80x144xf32, #tpu.memory_space<vmem>>, vector<1x16xf32>,
          %mul3A_1380 = arith.mulf %get3A_1374, %get3A_1374 : vector<16xf32>
          %swap3A_1381 = arith.index_cast %add3A_1368 : i32 to index
          %swap3A_1382 = arith.constant 64 : index
          %swap3A_1383 = tpu.vector_load %arg11[%swap3A_1381, %swap3A_1382] {strides = array<i32>} : memref<80x144xf32, #tpu.memory_space<vmem>>, vector<1x16xf32>,
          %swap3A_1384 = vector.shape_cast %swap3A_1383 : vector<1x16xf32> to vector<16xf32>
          %swap3A_1385 = vector.shape_cast %mul3A_1380 : vector<16xf32> to vector<1x16xf32>
          tpu.vector_store %arg11[%swap3A_1381, %swap3A_1382], %swap3A_1385 {strides = array<i32>} : memref<80x144xf32, #tpu.memory_space<vmem>>, vector<1x16xf32>,
          %add3A_1386 = arith.constant 14 : i32
          %add3A_1387 = arith.addi %mul3A_307, %add3A_1386 : i32
          %get3A_1388 = arith.index_cast %add3A_1387 : i32 to index
          %get3A_1389 = arith.constant 16 : index
          %get3A_1390 = tpu.vector_load %arg9[%get3A_1388, %get3A_1389] {strides = array<i32>} : memref<80x64xf32, #tpu.memory_space<vmem>>, vector<1x16xf32>,
          %get3A_1391 = vector.shape_cast %get3A_1390 : vector<1x16xf32> to vector<16xf32>
          %swap3A_1392 = arith.index_cast %add3A_1368 : i32 to index
          %swap3A_1393 = arith.constant 16 : index
          %swap3A_1394 = tpu.vector_load %arg11[%swap3A_1392, %swap3A_1393] {strides = array<i32>} : memref<80x144xf32, #tpu.memory_space<vmem>>, vector<1x16xf32>,
          %swap3A_1395 = vector.shape_cast %swap3A_1394 : vector<1x16xf32> to vector<16xf32>
          %swap3A_1396 = vector.shape_cast %get3A_1391 : vector<16xf32> to vector<1x16xf32>
          tpu.vector_store %arg11[%swap3A_1392, %swap3A_1393], %swap3A_1396 {strides = array<i32>} : memref<80x144xf32, #tpu.memory_space<vmem>>, vector<1x16xf32>,
          %mul3A_1397 = arith.mulf %get3A_1391, %get3A_1391 : vector<16xf32>
          %swap3A_1398 = arith.index_cast %add3A_1368 : i32 to index
          %swap3A_1399 = arith.constant 80 : index
          %swap3A_1400 = tpu.vector_load %arg11[%swap3A_1398, %swap3A_1399] {strides = array<i32>} : memref<80x144xf32, #tpu.memory_space<vmem>>, vector<1x16xf32>,
          %swap3A_1401 = vector.shape_cast %swap3A_1400 : vector<1x16xf32> to vector<16xf32>
          %swap3A_1402 = vector.shape_cast %mul3A_1397 : vector<16xf32> to vector<1x16xf32>
          tpu.vector_store %arg11[%swap3A_1398, %swap3A_1399], %swap3A_1402 {strides = array<i32>} : memref<80x144xf32, #tpu.memory_space<vmem>>, vector<1x16xf32>,
          %add3A_1403 = arith.constant 14 : i32
          %add3A_1404 = arith.addi %mul3A_307, %add3A_1403 : i32
          %get3A_1405 = arith.index_cast %add3A_1404 : i32 to index
          %get3A_1406 = arith.constant 32 : index
          %get3A_1407 = tpu.vector_load %arg9[%get3A_1405, %get3A_1406] {strides = array<i32>} : memref<80x64xf32, #tpu.memory_space<vmem>>, vector<1x16xf32>,
          %get3A_1408 = vector.shape_cast %get3A_1407 : vector<1x16xf32> to vector<16xf32>
          %swap3A_1409 = arith.index_cast %add3A_1368 : i32 to index
          %swap3A_1410 = arith.constant 32 : index
          %swap3A_1411 = tpu.vector_load %arg11[%swap3A_1409, %swap3A_1410] {strides = array<i32>} : memref<80x144xf32, #tpu.memory_space<vmem>>, vector<1x16xf32>,
          %swap3A_1412 = vector.shape_cast %swap3A_1411 : vector<1x16xf32> to vector<16xf32>
          %swap3A_1413 = vector.shape_cast %get3A_1408 : vector<16xf32> to vector<1x16xf32>
          tpu.vector_store %arg11[%swap3A_1409, %swap3A_1410], %swap3A_1413 {strides = array<i32>} : memref<80x144xf32, #tpu.memory_space<vmem>>, vector<1x16xf32>,
          %mul3A_1414 = arith.mulf %get3A_1408, %get3A_1408 : vector<16xf32>
          %swap3A_1415 = arith.index_cast %add3A_1368 : i32 to index
          %swap3A_1416 = arith.constant 96 : index
          %swap3A_1417 = tpu.vector_load %arg11[%swap3A_1415, %swap3A_1416] {strides = array<i32>} : memref<80x144xf32, #tpu.memory_space<vmem>>, vector<1x16xf32>,
          %swap3A_1418 = vector.shape_cast %swap3A_1417 : vector<1x16xf32> to vector<16xf32>
          %swap3A_1419 = vector.shape_cast %mul3A_1414 : vector<16xf32> to vector<1x16xf32>
          tpu.vector_store %arg11[%swap3A_1415, %swap3A_1416], %swap3A_1419 {strides = array<i32>} : memref<80x144xf32, #tpu.memory_space<vmem>>, vector<1x16xf32>,
          %add3A_1420 = arith.constant 14 : i32
          %add3A_1421 = arith.addi %mul3A_307, %add3A_1420 : i32
          %get3A_1422 = arith.index_cast %add3A_1421 : i32 to index
          %get3A_1423 = arith.constant 48 : index
          %get3A_1424 = tpu.vector_load %arg9[%get3A_1422, %get3A_1423] {strides = array<i32>} : memref<80x64xf32, #tpu.memory_space<vmem>>, vector<1x16xf32>,
          %get3A_1425 = vector.shape_cast %get3A_1424 : vector<1x16xf32> to vector<16xf32>
          %swap3A_1426 = arith.index_cast %add3A_1368 : i32 to index
          %swap3A_1427 = arith.constant 48 : index
          %swap3A_1428 = tpu.vector_load %arg11[%swap3A_1426, %swap3A_1427] {strides = array<i32>} : memref<80x144xf32, #tpu.memory_space<vmem>>, vector<1x16xf32>,
          %swap3A_1429 = vector.shape_cast %swap3A_1428 : vector<1x16xf32> to vector<16xf32>
          %swap3A_1430 = vector.shape_cast %get3A_1425 : vector<16xf32> to vector<1x16xf32>
          tpu.vector_store %arg11[%swap3A_1426, %swap3A_1427], %swap3A_1430 {strides = array<i32>} : memref<80x144xf32, #tpu.memory_space<vmem>>, vector<1x16xf32>,
          %mul3A_1431 = arith.mulf %get3A_1425, %get3A_1425 : vector<16xf32>
          %swap3A_1432 = arith.index_cast %add3A_1368 : i32 to index
          %swap3A_1433 = arith.constant 112 : index
          %swap3A_1434 = tpu.vector_load %arg11[%swap3A_1432, %swap3A_1433] {strides = array<i32>} : memref<80x144xf32, #tpu.memory_space<vmem>>, vector<1x16xf32>,
          %swap3A_1435 = vector.shape_cast %swap3A_1434 : vector<1x16xf32> to vector<16xf32>
          %swap3A_1436 = vector.shape_cast %mul3A_1431 : vector<16xf32> to vector<1x16xf32>
          tpu.vector_store %arg11[%swap3A_1432, %swap3A_1433], %swap3A_1436 {strides = array<i32>} : memref<80x144xf32, #tpu.memory_space<vmem>>, vector<1x16xf32>,
          %swap3A_1437 = arith.index_cast %add3A_1368 : i32 to index
          %swap3A_1438 = arith.constant 128 : index
          %swap3A_1439 = tpu.vector_load %arg11[%swap3A_1437, %swap3A_1438] {strides = array<i32>} : memref<80x144xf32, #tpu.memory_space<vmem>>, vector<1x16xf32>,
          %swap3A_1440 = vector.shape_cast %swap3A_1439 : vector<1x16xf32> to vector<16xf32>
          %swap3A_1441 = vector.shape_cast %select_n3A : vector<16xf32> to vector<1x16xf32>
          tpu.vector_store %arg11[%swap3A_1437, %swap3A_1438], %swap3A_1441 {strides = array<i32>} : memref<80x144xf32, #tpu.memory_space<vmem>>, vector<1x16xf32>,
          %add3A_1442 = arith.constant 15 : i32
          %add3A_1443 = arith.addi %scan3A_305, %add3A_1442 : i32
          %add3A_1444 = arith.constant 15 : i32
          %add3A_1445 = arith.addi %mul3A_307, %add3A_1444 : i32
          %get3A_1446 = arith.index_cast %add3A_1445 : i32 to index
          %get3A_1447 = arith.constant 0 : index
          %get3A_1448 = tpu.vector_load %arg9[%get3A_1446, %get3A_1447] {strides = array<i32>} : memref<80x64xf32, #tpu.memory_space<vmem>>, vector<1x16xf32>,
          %get3A_1449 = vector.shape_cast %get3A_1448 : vector<1x16xf32> to vector<16xf32>
          %swap3A_1450 = arith.index_cast %add3A_1443 : i32 to index
          %swap3A_1451 = arith.constant 0 : index
          %swap3A_1452 = tpu.vector_load %arg11[%swap3A_1450, %swap3A_1451] {strides = array<i32>} : memref<80x144xf32, #tpu.memory_space<vmem>>, vector<1x16xf32>,
          %swap3A_1453 = vector.shape_cast %swap3A_1452 : vector<1x16xf32> to vector<16xf32>
          %swap3A_1454 = vector.shape_cast %get3A_1449 : vector<16xf32> to vector<1x16xf32>
          tpu.vector_store %arg11[%swap3A_1450, %swap3A_1451], %swap3A_1454 {strides = array<i32>} : memref<80x144xf32, #tpu.memory_space<vmem>>, vector<1x16xf32>,
          %mul3A_1455 = arith.mulf %get3A_1449, %get3A_1449 : vector<16xf32>
          %swap3A_1456 = arith.index_cast %add3A_1443 : i32 to index
          %swap3A_1457 = arith.constant 64 : index
          %swap3A_1458 = tpu.vector_load %arg11[%swap3A_1456, %swap3A_1457] {strides = array<i32>} : memref<80x144xf32, #tpu.memory_space<vmem>>, vector<1x16xf32>,
          %swap3A_1459 = vector.shape_cast %swap3A_1458 : vector<1x16xf32> to vector<16xf32>
          %swap3A_1460 = vector.shape_cast %mul3A_1455 : vector<16xf32> to vector<1x16xf32>
          tpu.vector_store %arg11[%swap3A_1456, %swap3A_1457], %swap3A_1460 {strides = array<i32>} : memref<80x144xf32, #tpu.memory_space<vmem>>, vector<1x16xf32>,
          %add3A_1461 = arith.constant 15 : i32
          %add3A_1462 = arith.addi %mul3A_307, %add3A_1461 : i32
          %get3A_1463 = arith.index_cast %add3A_1462 : i32 to index
          %get3A_1464 = arith.constant 16 : index
          %get3A_1465 = tpu.vector_load %arg9[%get3A_1463, %get3A_1464] {strides = array<i32>} : memref<80x64xf32, #tpu.memory_space<vmem>>, vector<1x16xf32>,
          %get3A_1466 = vector.shape_cast %get3A_1465 : vector<1x16xf32> to vector<16xf32>
          %swap3A_1467 = arith.index_cast %add3A_1443 : i32 to index
          %swap3A_1468 = arith.constant 16 : index
          %swap3A_1469 = tpu.vector_load %arg11[%swap3A_1467, %swap3A_1468] {strides = array<i32>} : memref<80x144xf32, #tpu.memory_space<vmem>>, vector<1x16xf32>,
          %swap3A_1470 = vector.shape_cast %swap3A_1469 : vector<1x16xf32> to vector<16xf32>
          %swap3A_1471 = vector.shape_cast %get3A_1466 : vector<16xf32> to vector<1x16xf32>
          tpu.vector_store %arg11[%swap3A_1467, %swap3A_1468], %swap3A_1471 {strides = array<i32>} : memref<80x144xf32, #tpu.memory_space<vmem>>, vector<1x16xf32>,
          %mul3A_1472 = arith.mulf %get3A_1466, %get3A_1466 : vector<16xf32>
          %swap3A_1473 = arith.index_cast %add3A_1443 : i32 to index
          %swap3A_1474 = arith.constant 80 : index
          %swap3A_1475 = tpu.vector_load %arg11[%swap3A_1473, %swap3A_1474] {strides = array<i32>} : memref<80x144xf32, #tpu.memory_space<vmem>>, vector<1x16xf32>,
          %swap3A_1476 = vector.shape_cast %swap3A_1475 : vector<1x16xf32> to vector<16xf32>
          %swap3A_1477 = vector.shape_cast %mul3A_1472 : vector<16xf32> to vector<1x16xf32>
          tpu.vector_store %arg11[%swap3A_1473, %swap3A_1474], %swap3A_1477 {strides = array<i32>} : memref<80x144xf32, #tpu.memory_space<vmem>>, vector<1x16xf32>,
          %add3A_1478 = arith.constant 15 : i32
          %add3A_1479 = arith.addi %mul3A_307, %add3A_1478 : i32
          %get3A_1480 = arith.index_cast %add3A_1479 : i32 to index
          %get3A_1481 = arith.constant 32 : index
          %get3A_1482 = tpu.vector_load %arg9[%get3A_1480, %get3A_1481] {strides = array<i32>} : memref<80x64xf32, #tpu.memory_space<vmem>>, vector<1x16xf32>,
          %get3A_1483 = vector.shape_cast %get3A_1482 : vector<1x16xf32> to vector<16xf32>
          %swap3A_1484 = arith.index_cast %add3A_1443 : i32 to index
          %swap3A_1485 = arith.constant 32 : index
          %swap3A_1486 = tpu.vector_load %arg11[%swap3A_1484, %swap3A_1485] {strides = array<i32>} : memref<80x144xf32, #tpu.memory_space<vmem>>, vector<1x16xf32>,
          %swap3A_1487 = vector.shape_cast %swap3A_1486 : vector<1x16xf32> to vector<16xf32>
          %swap3A_1488 = vector.shape_cast %get3A_1483 : vector<16xf32> to vector<1x16xf32>
          tpu.vector_store %arg11[%swap3A_1484, %swap3A_1485], %swap3A_1488 {strides = array<i32>} : memref<80x144xf32, #tpu.memory_space<vmem>>, vector<1x16xf32>,
          %mul3A_1489 = arith.mulf %get3A_1483, %get3A_1483 : vector<16xf32>
          %swap3A_1490 = arith.index_cast %add3A_1443 : i32 to index
          %swap3A_1491 = arith.constant 96 : index
          %swap3A_1492 = tpu.vector_load %arg11[%swap3A_1490, %swap3A_1491] {strides = array<i32>} : memref<80x144xf32, #tpu.memory_space<vmem>>, vector<1x16xf32>,
          %swap3A_1493 = vector.shape_cast %swap3A_1492 : vector<1x16xf32> to vector<16xf32>
          %swap3A_1494 = vector.shape_cast %mul3A_1489 : vector<16xf32> to vector<1x16xf32>
          tpu.vector_store %arg11[%swap3A_1490, %swap3A_1491], %swap3A_1494 {strides = array<i32>} : memref<80x144xf32, #tpu.memory_space<vmem>>, vector<1x16xf32>,
          %add3A_1495 = arith.constant 15 : i32
          %add3A_1496 = arith.addi %mul3A_307, %add3A_1495 : i32
          %get3A_1497 = arith.index_cast %add3A_1496 : i32 to index
          %get3A_1498 = arith.constant 48 : index
          %get3A_1499 = tpu.vector_load %arg9[%get3A_1497, %get3A_1498] {strides = array<i32>} : memref<80x64xf32, #tpu.memory_space<vmem>>, vector<1x16xf32>,
          %get3A_1500 = vector.shape_cast %get3A_1499 : vector<1x16xf32> to vector<16xf32>
          %swap3A_1501 = arith.index_cast %add3A_1443 : i32 to index
          %swap3A_1502 = arith.constant 48 : index
          %swap3A_1503 = tpu.vector_load %arg11[%swap3A_1501, %swap3A_1502] {strides = array<i32>} : memref<80x144xf32, #tpu.memory_space<vmem>>, vector<1x16xf32>,
          %swap3A_1504 = vector.shape_cast %swap3A_1503 : vector<1x16xf32> to vector<16xf32>
          %swap3A_1505 = vector.shape_cast %get3A_1500 : vector<16xf32> to vector<1x16xf32>
          tpu.vector_store %arg11[%swap3A_1501, %swap3A_1502], %swap3A_1505 {strides = array<i32>} : memref<80x144xf32, #tpu.memory_space<vmem>>, vector<1x16xf32>,
          %mul3A_1506 = arith.mulf %get3A_1500, %get3A_1500 : vector<16xf32>
          %swap3A_1507 = arith.index_cast %add3A_1443 : i32 to index
          %swap3A_1508 = arith.constant 112 : index
          %swap3A_1509 = tpu.vector_load %arg11[%swap3A_1507, %swap3A_1508] {strides = array<i32>} : memref<80x144xf32, #tpu.memory_space<vmem>>, vector<1x16xf32>,
          %swap3A_1510 = vector.shape_cast %swap3A_1509 : vector<1x16xf32> to vector<16xf32>
          %swap3A_1511 = vector.shape_cast %mul3A_1506 : vector<16xf32> to vector<1x16xf32>
          tpu.vector_store %arg11[%swap3A_1507, %swap3A_1508], %swap3A_1511 {strides = array<i32>} : memref<80x144xf32, #tpu.memory_space<vmem>>, vector<1x16xf32>,
          %swap3A_1512 = arith.index_cast %add3A_1443 : i32 to index
          %swap3A_1513 = arith.constant 128 : index
          %swap3A_1514 = tpu.vector_load %arg11[%swap3A_1512, %swap3A_1513] {strides = array<i32>} : memref<80x144xf32, #tpu.memory_space<vmem>>, vector<1x16xf32>,
          %swap3A_1515 = vector.shape_cast %swap3A_1514 : vector<1x16xf32> to vector<16xf32>
          %swap3A_1516 = vector.shape_cast %select_n3A : vector<16xf32> to vector<1x16xf32>
          tpu.vector_store %arg11[%swap3A_1512, %swap3A_1513], %swap3A_1516 {strides = array<i32>} : memref<80x144xf32, #tpu.memory_space<vmem>>, vector<1x16xf32>,
          %swap3A_1517 = arith.index_cast %scan3A_305 : i32 to index
          %swap3A_1518 = tpu.vector_load %arg13[%swap3A_1517] {strides = array<i32>} : memref<80xi32, #tpu.memory_space<vmem>>, vector<16xi32>,
          %swap3A_1519 = vector.shape_cast %swap3A_1518 : vector<16xi32> to vector<16xi32>
          %swap3A_1520 = vector.shape_cast %get3A_309 : vector<16xi32> to vector<16xi32>
          tpu.vector_store %arg13[%swap3A_1517], %swap3A_1520 {strides = array<i32>} : memref<80xi32, #tpu.memory_space<vmem>>, vector<16xi32>,
          %add3A_1521 = arith.constant 16 : i32
          %add3A_1522 = arith.addi %scan3A_305, %add3A_1521 : i32
          scf.yield %add3A_1522 : i32
        }
        scf.yield %cond3A_316 : i32
      }
      %scan3A_222 = arith.constant 5 : i32
      %dma_start3A_223 = arith.constant 0 : i32
      %dma_start3A_224 = arith.constant 0 : i32
      %dma_start3A_225 = tpu.memref_slice %arg21[%dma_start3A_223, %dma_start3A_224] : memref<10080x144xf32, #tpu.memory_space<vmem_shared>> -> memref<10080x144xf32, #tpu.memory_space<vmem_shared>>
      tpu.enqueue_indirect_dma source(%arg11 : memref<80x144xf32, #tpu.memory_space<vmem>>) target(%dma_start3A_225 : memref<10080x144xf32, #tpu.memory_space<vmem_shared>>) offsets(%arg13 : memref<80xi32, #tpu.memory_space<vmem>>) semaphore(%arg19 : memref<!tpu.dma_semaphore, #tpu.memory_space<semaphore_mem>>) {add = true}
      %add3A_226 = arith.constant 2 : i32
      %add3A_227 = arith.addi %mul3A_162, %add3A_226 : i32
      %lt3A = arith.constant 250 : i32
      %lt3A_228 = arith.cmpi slt, %add3A_227, %lt3A : i32
      %convert_element_type3A_229 = arith.extui %lt3A_228 : i1 to i32
      %cond3A_230 = arith.constant 0 : i32
      %cond3A_231 = arith.cmpi ne, %convert_element_type3A_229, %cond3A_230 : i32
      scf.if %cond3A_231 {
        %add3A_304 = arith.constant 2 : i32
        %add3A_305 = arith.addi %mul3A_162, %add3A_304 : i32
        %mul3A_306 = arith.constant 20000 : i32
        %mul3A_307 = arith.muli %arg1, %mul3A_306 : i32
        %mul3A_308 = arith.constant 80 : i32
        %mul3A_309 = arith.muli %add3A_305, %mul3A_308 : i32
        %add3A_310 = arith.addi %mul3A_307, %mul3A_309 : i32
        %mul3A_311 = arith.constant 64 : i32
        %mul3A_312 = arith.muli %arg0, %mul3A_311 : i32
        %dma_start3A_313 = tpu.memref_slice %arg2[%add3A_310, %mul3A_312] : memref<320000x128xf32, #tpu.memory_space<hbm>> -> memref<80x64xf32, #tpu.memory_space<hbm>>
        %dma_start3A_314 = tpu.memref_slice %arg2[%add3A_310, %mul3A_312] : memref<320000x128xf32, #tpu.memory_space<hbm>> -> memref<80x64xf32, #tpu.memory_space<hbm>>
        tpu.enqueue_dma source(%dma_start3A_314 : memref<80x64xf32, #tpu.memory_space<hbm>>) target(%arg9 : memref<80x64xf32, #tpu.memory_space<vmem>>) target_semaphore(%arg15 : memref<!tpu.dma_semaphore, #tpu.memory_space<semaphore_mem>>)
        %dma_start3A_315 = arith.constant 0 : i32
        %dma_start3A_316 = tpu.memref_slice %arg3[%arg1, %add3A_305, %dma_start3A_315] : memref<16x250x80xi32, #tpu.memory_space<hbm>> -> memref<1x1x80xi32, #tpu.memory_space<hbm>>
        %dma_start3A_317 = tpu.memref_squeeze %dma_start3A_316 : memref<1x1x80xi32, #tpu.memory_space<hbm>> -> memref<80xi32, #tpu.memory_space<hbm>>
        %dma_start3A_318 = arith.constant 0 : i32
        %dma_start3A_319 = tpu.memref_slice %arg3[%arg1, %add3A_305, %dma_start3A_318] : memref<16x250x80xi32, #tpu.memory_space<hbm>> -> memref<1x1x80xi32, #tpu.memory_space<hbm>>
        %dma_start3A_320 = tpu.memref_squeeze %dma_start3A_319 : memref<1x1x80xi32, #tpu.memory_space<hbm>> -> memref<80xi32, #tpu.memory_space<hbm>>
        tpu.enqueue_dma source(%dma_start3A_320 : memref<80xi32, #tpu.memory_space<hbm>>) target(%arg7 : memref<80xi32, #tpu.memory_space<vmem>>) target_semaphore(%arg17 : memref<!tpu.dma_semaphore, #tpu.memory_space<semaphore_mem>>)
      } else {
      }
      %add3A_232 = arith.constant 1 : i32
      %add3A_233 = arith.addi %mul3A_162, %add3A_232 : i32
      %mul3A_234 = arith.constant 20000 : i32
      %mul3A_235 = arith.muli %arg1, %mul3A_234 : i32
      %mul3A_236 = arith.constant 80 : i32
      %mul3A_237 = arith.muli %add3A_233, %mul3A_236 : i32
      %add3A_238 = arith.addi %mul3A_235, %mul3A_237 : i32
      %mul3A_239 = arith.constant 64 : i32
      %mul3A_240 = arith.muli %arg0, %mul3A_239 : i32
      %dma_wait3A_241 = tpu.memref_slice %arg2[%add3A_238, %mul3A_240] : memref<320000x128xf32, #tpu.memory_space<hbm>> -> memref<80x64xf32, #tpu.memory_space<hbm>>
      %dma_wait3A_242 = tpu.memref_slice %arg2[%add3A_238, %mul3A_240] : memref<320000x128xf32, #tpu.memory_space<hbm>> -> memref<80x64xf32, #tpu.memory_space<hbm>>
      tpu.wait_dma2 semaphore(%arg16 : memref<!tpu.dma_semaphore, #tpu.memory_space<semaphore_mem>>) src(%dma_wait3A_242 : memref<80x64xf32, #tpu.memory_space<hbm>>) dst(%arg10 : memref<80x64xf32, #tpu.memory_space<vmem>>)
      %dma_wait3A_243 = arith.constant 0 : i32
      %dma_wait3A_244 = tpu.memref_slice %arg3[%arg1, %add3A_233, %dma_wait3A_243] : memref<16x250x80xi32, #tpu.memory_space<hbm>> -> memref<1x1x80xi32, #tpu.memory_space<hbm>>
      %dma_wait3A_245 = tpu.memref_squeeze %dma_wait3A_244 : memref<1x1x80xi32, #tpu.memory_space<hbm>> -> memref<80xi32, #tpu.memory_space<hbm>>
      %dma_wait3A_246 = arith.constant 0 : i32
      %dma_wait3A_247 = tpu.memref_slice %arg3[%arg1, %add3A_233, %dma_wait3A_246] : memref<16x250x80xi32, #tpu.memory_space<hbm>> -> memref<1x1x80xi32, #tpu.memory_space<hbm>>
      %dma_wait3A_248 = tpu.memref_squeeze %dma_wait3A_247 : memref<1x1x80xi32, #tpu.memory_space<hbm>> -> memref<80xi32, #tpu.memory_space<hbm>>
      tpu.wait_dma2 semaphore(%arg18 : memref<!tpu.dma_semaphore, #tpu.memory_space<semaphore_mem>>) src(%dma_wait3A_248 : memref<80xi32, #tpu.memory_space<hbm>>) dst(%arg8 : memref<80xi32, #tpu.memory_space<vmem>>)
      %dma_wait3A_249 = arith.constant 0 : i32
      %dma_wait3A_250 = arith.constant 0 : i32
      %dma_wait3A_251 = tpu.memref_slice %arg21[%dma_wait3A_249, %dma_wait3A_250] : memref<10080x144xf32, #tpu.memory_space<vmem_shared>> -> memref<10080x144xf32, #tpu.memory_space<vmem_shared>>
      tpu.wait_indirect_dma semaphore(%arg20 : memref<!tpu.dma_semaphore, #tpu.memory_space<semaphore_mem>>) src(%arg12 : memref<80x144xf32, #tpu.memory_space<vmem>>) dst(%dma_wait3A_251 : memref<10080x144xf32, #tpu.memory_space<vmem_shared>>)
      %add3A_252 = arith.constant 0 : i32
      %add3A_253 = vector.broadcast %add3A_252 : i32 to vector<16xi32>
      %add3A_254 = arith.addi %add3A, %add3A_253 : vector<16xi32>
      %swap3A_255 = arith.constant 0 : index
      %swap3A_256 = tpu.vector_load %arg14[%swap3A_255] {strides = array<i32>} : memref<80xi32, #tpu.memory_space<vmem>>, vector<16xi32>,
      %swap3A_257 = vector.shape_cast %swap3A_256 : vector<16xi32> to vector<16xi32>
      %swap3A_258 = vector.shape_cast %add3A_254 : vector<16xi32> to vector<16xi32>
      tpu.vector_store %arg14[%swap3A_255], %swap3A_258 {strides = array<i32>} : memref<80xi32, #tpu.memory_space<vmem>>, vector<16xi32>,
      %add3A_259 = arith.constant 16 : i32
      %add3A_260 = vector.broadcast %add3A_259 : i32 to vector<16xi32>
      %add3A_261 = arith.addi %add3A, %add3A_260 : vector<16xi32>
      %swap3A_262 = arith.constant 16 : index
      %swap3A_263 = tpu.vector_load %arg14[%swap3A_262] {strides = array<i32>} : memref<80xi32, #tpu.memory_space<vmem>>, vector<16xi32>,
      %swap3A_264 = vector.shape_cast %swap3A_263 : vector<16xi32> to vector<16xi32>
      %swap3A_265 = vector.shape_cast %add3A_261 : vector<16xi32> to vector<16xi32>
      tpu.vector_store %arg14[%swap3A_262], %swap3A_265 {strides = array<i32>} : memref<80xi32, #tpu.memory_space<vmem>>, vector<16xi32>,
      %add3A_266 = arith.constant 32 : i32
      %add3A_267 = vector.broadcast %add3A_266 : i32 to vector<16xi32>
      %add3A_268 = arith.addi %add3A, %add3A_267 : vector<16xi32>
      %swap3A_269 = arith.constant 32 : index
      %swap3A_270 = tpu.vector_load %arg14[%swap3A_269] {strides = array<i32>} : memref<80xi32, #tpu.memory_space<vmem>>, vector<16xi32>,
      %swap3A_271 = vector.shape_cast %swap3A_270 : vector<16xi32> to vector<16xi32>
      %swap3A_272 = vector.shape_cast %add3A_268 : vector<16xi32> to vector<16xi32>
      tpu.vector_store %arg14[%swap3A_269], %swap3A_272 {strides = array<i32>} : memref<80xi32, #tpu.memory_space<vmem>>, vector<16xi32>,
      %add3A_273 = arith.constant 48 : i32
      %add3A_274 = vector.broadcast %add3A_273 : i32 to vector<16xi32>
      %add3A_275 = arith.addi %add3A, %add3A_274 : vector<16xi32>
      %swap3A_276 = arith.constant 48 : index
      %swap3A_277 = tpu.vector_load %arg14[%swap3A_276] {strides = array<i32>} : memref<80xi32, #tpu.memory_space<vmem>>, vector<16xi32>,
      %swap3A_278 = vector.shape_cast %swap3A_277 : vector<16xi32> to vector<16xi32>
      %swap3A_279 = vector.shape_cast %add3A_275 : vector<16xi32> to vector<16xi32>
      tpu.vector_store %arg14[%swap3A_276], %swap3A_279 {strides = array<i32>} : memref<80xi32, #tpu.memory_space<vmem>>, vector<16xi32>,
      %add3A_280 = arith.constant 64 : i32
      %add3A_281 = vector.broadcast %add3A_280 : i32 to vector<16xi32>
      %add3A_282 = arith.addi %add3A, %add3A_281 : vector<16xi32>
      %swap3A_283 = arith.constant 64 : index
      %swap3A_284 = tpu.vector_load %arg14[%swap3A_283] {strides = array<i32>} : memref<80xi32, #tpu.memory_space<vmem>>, vector<16xi32>,
      %swap3A_285 = vector.shape_cast %swap3A_284 : vector<16xi32> to vector<16xi32>
      %swap3A_286 = vector.shape_cast %add3A_282 : vector<16xi32> to vector<16xi32>
      tpu.vector_store %arg14[%swap3A_283], %swap3A_286 {strides = array<i32>} : memref<80xi32, #tpu.memory_space<vmem>>, vector<16xi32>,
      %scan3A_287 = arith.constant 0 : i32
      %scan3A_288 = arith.constant 0 : i32
      %scan3A_289 = arith.constant 5 : i32
      %scan3A_290 = arith.addi %scan3A_288, %scan3A_289 : i32
      %scan3A_291 = arith.constant 1 : i32
      %scan3A_292 = scf.for %scan3A_304 = %scan3A_288 to %scan3A_290 step %scan3A_291 iter_args(%scan3A_305 = %scan3A_287) -> (i32)  : i32 {
        %mul3A_306 = arith.constant 16 : i32
        %mul3A_307 = arith.muli %mul3A_306, %scan3A_304 : i32
        %get3A = arith.index_cast %mul3A_307 : i32 to index
        %get3A_308 = tpu.vector_load %arg8[%get3A] {strides = array<i32>} : memref<80xi32, #tpu.memory_space<vmem>>, vector<16xi32>,
        %get3A_309 = vector.shape_cast %get3A_308 : vector<16xi32> to vector<16xi32>
        %slice3A = vector.extract_strided_slice %get3A_309 {offsets = [0], sizes = [1], strides = [1]} : vector<16xi32> to vector<1xi32>
        %squeeze3A = vector.extract %slice3A[0] : i32 from vector<1xi32>
        %slice3A_310 = vector.extract_strided_slice %get3A_309 {offsets = [15], sizes = [1], strides = [1]} : vector<16xi32> to vector<1xi32>
        %squeeze3A_311 = vector.extract %slice3A_310[0] : i32 from vector<1xi32>
        %eq3A_312 = arith.cmpi eq, %squeeze3A, %squeeze3A_311 : i32
        %convert_element_type3A_313 = arith.extui %eq3A_312 : i1 to i32
        %cond3A_314 = arith.constant 0 : i32
        %cond3A_315 = arith.cmpi ne, %convert_element_type3A_313, %cond3A_314 : i32
        %cond3A_316 = scf.if %cond3A_315 -> (i32) {
          %add3A_317 = arith.constant 0 : i32
          %add3A_318 = arith.addi %mul3A_307, %add3A_317 : i32
          %get3A_319 = arith.index_cast %add3A_318 : i32 to index
          %get3A_320 = arith.constant 0 : index
          %get3A_321 = tpu.vector_load %arg10[%get3A_319, %get3A_320] {strides = array<i32>} : memref<80x64xf32, #tpu.memory_space<vmem>>, vector<1x16xf32>,
          %get3A_322 = vector.shape_cast %get3A_321 : vector<1x16xf32> to vector<16xf32>
          %add3A_323 = arith.constant 1 : i32
          %add3A_324 = arith.addi %mul3A_307, %add3A_323 : i32
          %get3A_325 = arith.index_cast %add3A_324 : i32 to index
          %get3A_326 = arith.constant 0 : index
          %get3A_327 = tpu.vector_load %arg10[%get3A_325, %get3A_326] {strides = array<i32>} : memref<80x64xf32, #tpu.memory_space<vmem>>, vector<1x16xf32>,
          %get3A_328 = vector.shape_cast %get3A_327 : vector<1x16xf32> to vector<16xf32>
          %add3A_329 = arith.constant 2 : i32
          %add3A_330 = arith.addi %mul3A_307, %add3A_329 : i32
          %get3A_331 = arith.index_cast %add3A_330 : i32 to index
          %get3A_332 = arith.constant 0 : index
          %get3A_333 = tpu.vector_load %arg10[%get3A_331, %get3A_332] {strides = array<i32>} : memref<80x64xf32, #tpu.memory_space<vmem>>, vector<1x16xf32>,
          %get3A_334 = vector.shape_cast %get3A_333 : vector<1x16xf32> to vector<16xf32>
          %add3A_335 = arith.constant 3 : i32
          %add3A_336 = arith.addi %mul3A_307, %add3A_335 : i32
          %get3A_337 = arith.index_cast %add3A_336 : i32 to index
          %get3A_338 = arith.constant 0 : index
          %get3A_339 = tpu.vector_load %arg10[%get3A_337, %get3A_338] {strides = array<i32>} : memref<80x64xf32, #tpu.memory_space<vmem>>, vector<1x16xf32>,
          %get3A_340 = vector.shape_cast %get3A_339 : vector<1x16xf32> to vector<16xf32>
          %add3A_341 = arith.constant 4 : i32
          %add3A_342 = arith.addi %mul3A_307, %add3A_341 : i32
          %get3A_343 = arith.index_cast %add3A_342 : i32 to index
          %get3A_344 = arith.constant 0 : index
          %get3A_345 = tpu.vector_load %arg10[%get3A_343, %get3A_344] {strides = array<i32>} : memref<80x64xf32, #tpu.memory_space<vmem>>, vector<1x16xf32>,
          %get3A_346 = vector.shape_cast %get3A_345 : vector<1x16xf32> to vector<16xf32>
          %add3A_347 = arith.constant 5 : i32
          %add3A_348 = arith.addi %mul3A_307, %add3A_347 : i32
          %get3A_349 = arith.index_cast %add3A_348 : i32 to index
          %get3A_350 = arith.constant 0 : index
          %get3A_351 = tpu.vector_load %arg10[%get3A_349, %get3A_350] {strides = array<i32>} : memref<80x64xf32, #tpu.memory_space<vmem>>, vector<1x16xf32>,
          %get3A_352 = vector.shape_cast %get3A_351 : vector<1x16xf32> to vector<16xf32>
          %add3A_353 = arith.constant 6 : i32
          %add3A_354 = arith.addi %mul3A_307, %add3A_353 : i32
          %get3A_355 = arith.index_cast %add3A_354 : i32 to index
          %get3A_356 = arith.constant 0 : index
          %get3A_357 = tpu.vector_load %arg10[%get3A_355, %get3A_356] {strides = array<i32>} : memref<80x64xf32, #tpu.memory_space<vmem>>, vector<1x16xf32>,
          %get3A_358 = vector.shape_cast %get3A_357 : vector<1x16xf32> to vector<16xf32>
          %add3A_359 = arith.constant 7 : i32
          %add3A_360 = arith.addi %mul3A_307, %add3A_359 : i32
          %get3A_361 = arith.index_cast %add3A_360 : i32 to index
          %get3A_362 = arith.constant 0 : index
          %get3A_363 = tpu.vector_load %arg10[%get3A_361, %get3A_362] {strides = array<i32>} : memref<80x64xf32, #tpu.memory_space<vmem>>, vector<1x16xf32>,
          %get3A_364 = vector.shape_cast %get3A_363 : vector<1x16xf32> to vector<16xf32>
          %add3A_365 = arith.constant 8 : i32
          %add3A_366 = arith.addi %mul3A_307, %add3A_365 : i32
          %get3A_367 = arith.index_cast %add3A_366 : i32 to index
          %get3A_368 = arith.constant 0 : index
          %get3A_369 = tpu.vector_load %arg10[%get3A_367, %get3A_368] {strides = array<i32>} : memref<80x64xf32, #tpu.memory_space<vmem>>, vector<1x16xf32>,
          %get3A_370 = vector.shape_cast %get3A_369 : vector<1x16xf32> to vector<16xf32>
          %add3A_371 = arith.constant 9 : i32
          %add3A_372 = arith.addi %mul3A_307, %add3A_371 : i32
          %get3A_373 = arith.index_cast %add3A_372 : i32 to index
          %get3A_374 = arith.constant 0 : index
          %get3A_375 = tpu.vector_load %arg10[%get3A_373, %get3A_374] {strides = array<i32>} : memref<80x64xf32, #tpu.memory_space<vmem>>, vector<1x16xf32>,
          %get3A_376 = vector.shape_cast %get3A_375 : vector<1x16xf32> to vector<16xf32>
          %add3A_377 = arith.constant 10 : i32
          %add3A_378 = arith.addi %mul3A_307, %add3A_377 : i32
          %get3A_379 = arith.index_cast %add3A_378 : i32 to index
          %get3A_380 = arith.constant 0 : index
          %get3A_381 = tpu.vector_load %arg10[%get3A_379, %get3A_380] {strides = array<i32>} : memref<80x64xf32, #tpu.memory_space<vmem>>, vector<1x16xf32>,
          %get3A_382 = vector.shape_cast %get3A_381 : vector<1x16xf32> to vector<16xf32>
          %add3A_383 = arith.constant 11 : i32
          %add3A_384 = arith.addi %mul3A_307, %add3A_383 : i32
          %get3A_385 = arith.index_cast %add3A_384 : i32 to index
          %get3A_386 = arith.constant 0 : index
          %get3A_387 = tpu.vector_load %arg10[%get3A_385, %get3A_386] {strides = array<i32>} : memref<80x64xf32, #tpu.memory_space<vmem>>, vector<1x16xf32>,
          %get3A_388 = vector.shape_cast %get3A_387 : vector<1x16xf32> to vector<16xf32>
          %add3A_389 = arith.constant 12 : i32
          %add3A_390 = arith.addi %mul3A_307, %add3A_389 : i32
          %get3A_391 = arith.index_cast %add3A_390 : i32 to index
          %get3A_392 = arith.constant 0 : index
          %get3A_393 = tpu.vector_load %arg10[%get3A_391, %get3A_392] {strides = array<i32>} : memref<80x64xf32, #tpu.memory_space<vmem>>, vector<1x16xf32>,
          %get3A_394 = vector.shape_cast %get3A_393 : vector<1x16xf32> to vector<16xf32>
          %add3A_395 = arith.constant 13 : i32
          %add3A_396 = arith.addi %mul3A_307, %add3A_395 : i32
          %get3A_397 = arith.index_cast %add3A_396 : i32 to index
          %get3A_398 = arith.constant 0 : index
          %get3A_399 = tpu.vector_load %arg10[%get3A_397, %get3A_398] {strides = array<i32>} : memref<80x64xf32, #tpu.memory_space<vmem>>, vector<1x16xf32>,
          %get3A_400 = vector.shape_cast %get3A_399 : vector<1x16xf32> to vector<16xf32>
          %add3A_401 = arith.constant 14 : i32
          %add3A_402 = arith.addi %mul3A_307, %add3A_401 : i32
          %get3A_403 = arith.index_cast %add3A_402 : i32 to index
          %get3A_404 = arith.constant 0 : index
          %get3A_405 = tpu.vector_load %arg10[%get3A_403, %get3A_404] {strides = array<i32>} : memref<80x64xf32, #tpu.memory_space<vmem>>, vector<1x16xf32>,
          %get3A_406 = vector.shape_cast %get3A_405 : vector<1x16xf32> to vector<16xf32>
          %add3A_407 = arith.constant 15 : i32
          %add3A_408 = arith.addi %mul3A_307, %add3A_407 : i32
          %get3A_409 = arith.index_cast %add3A_408 : i32 to index
          %get3A_410 = arith.constant 0 : index
          %get3A_411 = tpu.vector_load %arg10[%get3A_409, %get3A_410] {strides = array<i32>} : memref<80x64xf32, #tpu.memory_space<vmem>>, vector<1x16xf32>,
          %get3A_412 = vector.shape_cast %get3A_411 : vector<1x16xf32> to vector<16xf32>
          %mul3A_413 = arith.mulf %get3A_322, %get3A_322 : vector<16xf32>
          %mul3A_414 = arith.mulf %get3A_328, %get3A_328 : vector<16xf32>
          %mul3A_415 = arith.mulf %get3A_334, %get3A_334 : vector<16xf32>
          %mul3A_416 = arith.mulf %get3A_340, %get3A_340 : vector<16xf32>
          %mul3A_417 = arith.mulf %get3A_346, %get3A_346 : vector<16xf32>
          %mul3A_418 = arith.mulf %get3A_352, %get3A_352 : vector<16xf32>
          %mul3A_419 = arith.mulf %get3A_358, %get3A_358 : vector<16xf32>
          %mul3A_420 = arith.mulf %get3A_364, %get3A_364 : vector<16xf32>
          %mul3A_421 = arith.mulf %get3A_370, %get3A_370 : vector<16xf32>
          %mul3A_422 = arith.mulf %get3A_376, %get3A_376 : vector<16xf32>
          %mul3A_423 = arith.mulf %get3A_382, %get3A_382 : vector<16xf32>
          %mul3A_424 = arith.mulf %get3A_388, %get3A_388 : vector<16xf32>
          %mul3A_425 = arith.mulf %get3A_394, %get3A_394 : vector<16xf32>
          %mul3A_426 = arith.mulf %get3A_400, %get3A_400 : vector<16xf32>
          %mul3A_427 = arith.mulf %get3A_406, %get3A_406 : vector<16xf32>
          %mul3A_428 = arith.mulf %get3A_412, %get3A_412 : vector<16xf32>
          %add3A_429 = arith.addf %get3A_322, %get3A_328 : vector<16xf32>
          %add3A_430 = arith.addf %get3A_334, %get3A_340 : vector<16xf32>
          %add3A_431 = arith.addf %get3A_346, %get3A_352 : vector<16xf32>
          %add3A_432 = arith.addf %get3A_358, %get3A_364 : vector<16xf32>
          %add3A_433 = arith.addf %get3A_370, %get3A_376 : vector<16xf32>
          %add3A_434 = arith.addf %get3A_382, %get3A_388 : vector<16xf32>
          %add3A_435 = arith.addf %get3A_394, %get3A_400 : vector<16xf32>
          %add3A_436 = arith.addf %get3A_406, %get3A_412 : vector<16xf32>
          %add3A_437 = arith.addf %add3A_429, %add3A_430 : vector<16xf32>
          %add3A_438 = arith.addf %add3A_431, %add3A_432 : vector<16xf32>
          %add3A_439 = arith.addf %add3A_433, %add3A_434 : vector<16xf32>
          %add3A_440 = arith.addf %add3A_435, %add3A_436 : vector<16xf32>
          %add3A_441 = arith.addf %add3A_437, %add3A_438 : vector<16xf32>
          %add3A_442 = arith.addf %add3A_439, %add3A_440 : vector<16xf32>
          %add3A_443 = arith.addf %add3A_441, %add3A_442 : vector<16xf32>
          %swap3A_444 = arith.index_cast %scan3A_305 : i32 to index
          %swap3A_445 = arith.constant 0 : index
          %swap3A_446 = tpu.vector_load %arg12[%swap3A_444, %swap3A_445] {strides = array<i32>} : memref<80x144xf32, #tpu.memory_space<vmem>>, vector<1x16xf32>,
          %swap3A_447 = vector.shape_cast %swap3A_446 : vector<1x16xf32> to vector<16xf32>
          %swap3A_448 = vector.shape_cast %add3A_443 : vector<16xf32> to vector<1x16xf32>
          tpu.vector_store %arg12[%swap3A_444, %swap3A_445], %swap3A_448 {strides = array<i32>} : memref<80x144xf32, #tpu.memory_space<vmem>>, vector<1x16xf32>,
          %add3A_449 = arith.addf %mul3A_413, %mul3A_414 : vector<16xf32>
          %add3A_450 = arith.addf %mul3A_415, %mul3A_416 : vector<16xf32>
          %add3A_451 = arith.addf %mul3A_417, %mul3A_418 : vector<16xf32>
          %add3A_452 = arith.addf %mul3A_419, %mul3A_420 : vector<16xf32>
          %add3A_453 = arith.addf %mul3A_421, %mul3A_422 : vector<16xf32>
          %add3A_454 = arith.addf %mul3A_423, %mul3A_424 : vector<16xf32>
          %add3A_455 = arith.addf %mul3A_425, %mul3A_426 : vector<16xf32>
          %add3A_456 = arith.addf %mul3A_427, %mul3A_428 : vector<16xf32>
          %add3A_457 = arith.addf %add3A_449, %add3A_450 : vector<16xf32>
          %add3A_458 = arith.addf %add3A_451, %add3A_452 : vector<16xf32>
          %add3A_459 = arith.addf %add3A_453, %add3A_454 : vector<16xf32>
          %add3A_460 = arith.addf %add3A_455, %add3A_456 : vector<16xf32>
          %add3A_461 = arith.addf %add3A_457, %add3A_458 : vector<16xf32>
          %add3A_462 = arith.addf %add3A_459, %add3A_460 : vector<16xf32>
          %add3A_463 = arith.addf %add3A_461, %add3A_462 : vector<16xf32>
          %swap3A_464 = arith.index_cast %scan3A_305 : i32 to index
          %swap3A_465 = arith.constant 64 : index
          %swap3A_466 = tpu.vector_load %arg12[%swap3A_464, %swap3A_465] {strides = array<i32>} : memref<80x144xf32, #tpu.memory_space<vmem>>, vector<1x16xf32>,
          %swap3A_467 = vector.shape_cast %swap3A_466 : vector<1x16xf32> to vector<16xf32>
          %swap3A_468 = vector.shape_cast %add3A_463 : vector<16xf32> to vector<1x16xf32>
          tpu.vector_store %arg12[%swap3A_464, %swap3A_465], %swap3A_468 {strides = array<i32>} : memref<80x144xf32, #tpu.memory_space<vmem>>, vector<1x16xf32>,
          %add3A_469 = arith.constant 0 : i32
          %add3A_470 = arith.addi %mul3A_307, %add3A_469 : i32
          %get3A_471 = arith.index_cast %add3A_470 : i32 to index
          %get3A_472 = arith.constant 16 : index
          %get3A_473 = tpu.vector_load %arg10[%get3A_471, %get3A_472] {strides = array<i32>} : memref<80x64xf32, #tpu.memory_space<vmem>>, vector<1x16xf32>,
          %get3A_474 = vector.shape_cast %get3A_473 : vector<1x16xf32> to vector<16xf32>
          %add3A_475 = arith.constant 1 : i32
          %add3A_476 = arith.addi %mul3A_307, %add3A_475 : i32
          %get3A_477 = arith.index_cast %add3A_476 : i32 to index
          %get3A_478 = arith.constant 16 : index
          %get3A_479 = tpu.vector_load %arg10[%get3A_477, %get3A_478] {strides = array<i32>} : memref<80x64xf32, #tpu.memory_space<vmem>>, vector<1x16xf32>,
          %get3A_480 = vector.shape_cast %get3A_479 : vector<1x16xf32> to vector<16xf32>
          %add3A_481 = arith.constant 2 : i32
          %add3A_482 = arith.addi %mul3A_307, %add3A_481 : i32
          %get3A_483 = arith.index_cast %add3A_482 : i32 to index
          %get3A_484 = arith.constant 16 : index
          %get3A_485 = tpu.vector_load %arg10[%get3A_483, %get3A_484] {strides = array<i32>} : memref<80x64xf32, #tpu.memory_space<vmem>>, vector<1x16xf32>,
          %get3A_486 = vector.shape_cast %get3A_485 : vector<1x16xf32> to vector<16xf32>
          %add3A_487 = arith.constant 3 : i32
          %add3A_488 = arith.addi %mul3A_307, %add3A_487 : i32
          %get3A_489 = arith.index_cast %add3A_488 : i32 to index
          %get3A_490 = arith.constant 16 : index
          %get3A_491 = tpu.vector_load %arg10[%get3A_489, %get3A_490] {strides = array<i32>} : memref<80x64xf32, #tpu.memory_space<vmem>>, vector<1x16xf32>,
          %get3A_492 = vector.shape_cast %get3A_491 : vector<1x16xf32> to vector<16xf32>
          %add3A_493 = arith.constant 4 : i32
          %add3A_494 = arith.addi %mul3A_307, %add3A_493 : i32
          %get3A_495 = arith.index_cast %add3A_494 : i32 to index
          %get3A_496 = arith.constant 16 : index
          %get3A_497 = tpu.vector_load %arg10[%get3A_495, %get3A_496] {strides = array<i32>} : memref<80x64xf32, #tpu.memory_space<vmem>>, vector<1x16xf32>,
          %get3A_498 = vector.shape_cast %get3A_497 : vector<1x16xf32> to vector<16xf32>
          %add3A_499 = arith.constant 5 : i32
          %add3A_500 = arith.addi %mul3A_307, %add3A_499 : i32
          %get3A_501 = arith.index_cast %add3A_500 : i32 to index
          %get3A_502 = arith.constant 16 : index
          %get3A_503 = tpu.vector_load %arg10[%get3A_501, %get3A_502] {strides = array<i32>} : memref<80x64xf32, #tpu.memory_space<vmem>>, vector<1x16xf32>,
          %get3A_504 = vector.shape_cast %get3A_503 : vector<1x16xf32> to vector<16xf32>
          %add3A_505 = arith.constant 6 : i32
          %add3A_506 = arith.addi %mul3A_307, %add3A_505 : i32
          %get3A_507 = arith.index_cast %add3A_506 : i32 to index
          %get3A_508 = arith.constant 16 : index
          %get3A_509 = tpu.vector_load %arg10[%get3A_507, %get3A_508] {strides = array<i32>} : memref<80x64xf32, #tpu.memory_space<vmem>>, vector<1x16xf32>,
          %get3A_510 = vector.shape_cast %get3A_509 : vector<1x16xf32> to vector<16xf32>
          %add3A_511 = arith.constant 7 : i32
          %add3A_512 = arith.addi %mul3A_307, %add3A_511 : i32
          %get3A_513 = arith.index_cast %add3A_512 : i32 to index
          %get3A_514 = arith.constant 16 : index
          %get3A_515 = tpu.vector_load %arg10[%get3A_513, %get3A_514] {strides = array<i32>} : memref<80x64xf32, #tpu.memory_space<vmem>>, vector<1x16xf32>,
          %get3A_516 = vector.shape_cast %get3A_515 : vector<1x16xf32> to vector<16xf32>
          %add3A_517 = arith.constant 8 : i32
          %add3A_518 = arith.addi %mul3A_307, %add3A_517 : i32
          %get3A_519 = arith.index_cast %add3A_518 : i32 to index
          %get3A_520 = arith.constant 16 : index
          %get3A_521 = tpu.vector_load %arg10[%get3A_519, %get3A_520] {strides = array<i32>} : memref<80x64xf32, #tpu.memory_space<vmem>>, vector<1x16xf32>,
          %get3A_522 = vector.shape_cast %get3A_521 : vector<1x16xf32> to vector<16xf32>
          %add3A_523 = arith.constant 9 : i32
          %add3A_524 = arith.addi %mul3A_307, %add3A_523 : i32
          %get3A_525 = arith.index_cast %add3A_524 : i32 to index
          %get3A_526 = arith.constant 16 : index
          %get3A_527 = tpu.vector_load %arg10[%get3A_525, %get3A_526] {strides = array<i32>} : memref<80x64xf32, #tpu.memory_space<vmem>>, vector<1x16xf32>,
          %get3A_528 = vector.shape_cast %get3A_527 : vector<1x16xf32> to vector<16xf32>
          %add3A_529 = arith.constant 10 : i32
          %add3A_530 = arith.addi %mul3A_307, %add3A_529 : i32
          %get3A_531 = arith.index_cast %add3A_530 : i32 to index
          %get3A_532 = arith.constant 16 : index
          %get3A_533 = tpu.vector_load %arg10[%get3A_531, %get3A_532] {strides = array<i32>} : memref<80x64xf32, #tpu.memory_space<vmem>>, vector<1x16xf32>,
          %get3A_534 = vector.shape_cast %get3A_533 : vector<1x16xf32> to vector<16xf32>
          %add3A_535 = arith.constant 11 : i32
          %add3A_536 = arith.addi %mul3A_307, %add3A_535 : i32
          %get3A_537 = arith.index_cast %add3A_536 : i32 to index
          %get3A_538 = arith.constant 16 : index
          %get3A_539 = tpu.vector_load %arg10[%get3A_537, %get3A_538] {strides = array<i32>} : memref<80x64xf32, #tpu.memory_space<vmem>>, vector<1x16xf32>,
          %get3A_540 = vector.shape_cast %get3A_539 : vector<1x16xf32> to vector<16xf32>
          %add3A_541 = arith.constant 12 : i32
          %add3A_542 = arith.addi %mul3A_307, %add3A_541 : i32
          %get3A_543 = arith.index_cast %add3A_542 : i32 to index
          %get3A_544 = arith.constant 16 : index
          %get3A_545 = tpu.vector_load %arg10[%get3A_543, %get3A_544] {strides = array<i32>} : memref<80x64xf32, #tpu.memory_space<vmem>>, vector<1x16xf32>,
          %get3A_546 = vector.shape_cast %get3A_545 : vector<1x16xf32> to vector<16xf32>
          %add3A_547 = arith.constant 13 : i32
          %add3A_548 = arith.addi %mul3A_307, %add3A_547 : i32
          %get3A_549 = arith.index_cast %add3A_548 : i32 to index
          %get3A_550 = arith.constant 16 : index
          %get3A_551 = tpu.vector_load %arg10[%get3A_549, %get3A_550] {strides = array<i32>} : memref<80x64xf32, #tpu.memory_space<vmem>>, vector<1x16xf32>,
          %get3A_552 = vector.shape_cast %get3A_551 : vector<1x16xf32> to vector<16xf32>
          %add3A_553 = arith.constant 14 : i32
          %add3A_554 = arith.addi %mul3A_307, %add3A_553 : i32
          %get3A_555 = arith.index_cast %add3A_554 : i32 to index
          %get3A_556 = arith.constant 16 : index
          %get3A_557 = tpu.vector_load %arg10[%get3A_555, %get3A_556] {strides = array<i32>} : memref<80x64xf32, #tpu.memory_space<vmem>>, vector<1x16xf32>,
          %get3A_558 = vector.shape_cast %get3A_557 : vector<1x16xf32> to vector<16xf32>
          %add3A_559 = arith.constant 15 : i32
          %add3A_560 = arith.addi %mul3A_307, %add3A_559 : i32
          %get3A_561 = arith.index_cast %add3A_560 : i32 to index
          %get3A_562 = arith.constant 16 : index
          %get3A_563 = tpu.vector_load %arg10[%get3A_561, %get3A_562] {strides = array<i32>} : memref<80x64xf32, #tpu.memory_space<vmem>>, vector<1x16xf32>,
          %get3A_564 = vector.shape_cast %get3A_563 : vector<1x16xf32> to vector<16xf32>
          %mul3A_565 = arith.mulf %get3A_474, %get3A_474 : vector<16xf32>
          %mul3A_566 = arith.mulf %get3A_480, %get3A_480 : vector<16xf32>
          %mul3A_567 = arith.mulf %get3A_486, %get3A_486 : vector<16xf32>
          %mul3A_568 = arith.mulf %get3A_492, %get3A_492 : vector<16xf32>
          %mul3A_569 = arith.mulf %get3A_498, %get3A_498 : vector<16xf32>
          %mul3A_570 = arith.mulf %get3A_504, %get3A_504 : vector<16xf32>
          %mul3A_571 = arith.mulf %get3A_510, %get3A_510 : vector<16xf32>
          %mul3A_572 = arith.mulf %get3A_516, %get3A_516 : vector<16xf32>
          %mul3A_573 = arith.mulf %get3A_522, %get3A_522 : vector<16xf32>
          %mul3A_574 = arith.mulf %get3A_528, %get3A_528 : vector<16xf32>
          %mul3A_575 = arith.mulf %get3A_534, %get3A_534 : vector<16xf32>
          %mul3A_576 = arith.mulf %get3A_540, %get3A_540 : vector<16xf32>
          %mul3A_577 = arith.mulf %get3A_546, %get3A_546 : vector<16xf32>
          %mul3A_578 = arith.mulf %get3A_552, %get3A_552 : vector<16xf32>
          %mul3A_579 = arith.mulf %get3A_558, %get3A_558 : vector<16xf32>
          %mul3A_580 = arith.mulf %get3A_564, %get3A_564 : vector<16xf32>
          %add3A_581 = arith.addf %get3A_474, %get3A_480 : vector<16xf32>
          %add3A_582 = arith.addf %get3A_486, %get3A_492 : vector<16xf32>
          %add3A_583 = arith.addf %get3A_498, %get3A_504 : vector<16xf32>
          %add3A_584 = arith.addf %get3A_510, %get3A_516 : vector<16xf32>
          %add3A_585 = arith.addf %get3A_522, %get3A_528 : vector<16xf32>
          %add3A_586 = arith.addf %get3A_534, %get3A_540 : vector<16xf32>
          %add3A_587 = arith.addf %get3A_546, %get3A_552 : vector<16xf32>
          %add3A_588 = arith.addf %get3A_558, %get3A_564 : vector<16xf32>
          %add3A_589 = arith.addf %add3A_581, %add3A_582 : vector<16xf32>
          %add3A_590 = arith.addf %add3A_583, %add3A_584 : vector<16xf32>
          %add3A_591 = arith.addf %add3A_585, %add3A_586 : vector<16xf32>
          %add3A_592 = arith.addf %add3A_587, %add3A_588 : vector<16xf32>
          %add3A_593 = arith.addf %add3A_589, %add3A_590 : vector<16xf32>
          %add3A_594 = arith.addf %add3A_591, %add3A_592 : vector<16xf32>
          %add3A_595 = arith.addf %add3A_593, %add3A_594 : vector<16xf32>
          %swap3A_596 = arith.index_cast %scan3A_305 : i32 to index
          %swap3A_597 = arith.constant 16 : index
          %swap3A_598 = tpu.vector_load %arg12[%swap3A_596, %swap3A_597] {strides = array<i32>} : memref<80x144xf32, #tpu.memory_space<vmem>>, vector<1x16xf32>,
          %swap3A_599 = vector.shape_cast %swap3A_598 : vector<1x16xf32> to vector<16xf32>
          %swap3A_600 = vector.shape_cast %add3A_595 : vector<16xf32> to vector<1x16xf32>
          tpu.vector_store %arg12[%swap3A_596, %swap3A_597], %swap3A_600 {strides = array<i32>} : memref<80x144xf32, #tpu.memory_space<vmem>>, vector<1x16xf32>,
          %add3A_601 = arith.addf %mul3A_565, %mul3A_566 : vector<16xf32>
          %add3A_602 = arith.addf %mul3A_567, %mul3A_568 : vector<16xf32>
          %add3A_603 = arith.addf %mul3A_569, %mul3A_570 : vector<16xf32>
          %add3A_604 = arith.addf %mul3A_571, %mul3A_572 : vector<16xf32>
          %add3A_605 = arith.addf %mul3A_573, %mul3A_574 : vector<16xf32>
          %add3A_606 = arith.addf %mul3A_575, %mul3A_576 : vector<16xf32>
          %add3A_607 = arith.addf %mul3A_577, %mul3A_578 : vector<16xf32>
          %add3A_608 = arith.addf %mul3A_579, %mul3A_580 : vector<16xf32>
          %add3A_609 = arith.addf %add3A_601, %add3A_602 : vector<16xf32>
          %add3A_610 = arith.addf %add3A_603, %add3A_604 : vector<16xf32>
          %add3A_611 = arith.addf %add3A_605, %add3A_606 : vector<16xf32>
          %add3A_612 = arith.addf %add3A_607, %add3A_608 : vector<16xf32>
          %add3A_613 = arith.addf %add3A_609, %add3A_610 : vector<16xf32>
          %add3A_614 = arith.addf %add3A_611, %add3A_612 : vector<16xf32>
          %add3A_615 = arith.addf %add3A_613, %add3A_614 : vector<16xf32>
          %swap3A_616 = arith.index_cast %scan3A_305 : i32 to index
          %swap3A_617 = arith.constant 80 : index
          %swap3A_618 = tpu.vector_load %arg12[%swap3A_616, %swap3A_617] {strides = array<i32>} : memref<80x144xf32, #tpu.memory_space<vmem>>, vector<1x16xf32>,
          %swap3A_619 = vector.shape_cast %swap3A_618 : vector<1x16xf32> to vector<16xf32>
          %swap3A_620 = vector.shape_cast %add3A_615 : vector<16xf32> to vector<1x16xf32>
          tpu.vector_store %arg12[%swap3A_616, %swap3A_617], %swap3A_620 {strides = array<i32>} : memref<80x144xf32, #tpu.memory_space<vmem>>, vector<1x16xf32>,
          %add3A_621 = arith.constant 0 : i32
          %add3A_622 = arith.addi %mul3A_307, %add3A_621 : i32
          %get3A_623 = arith.index_cast %add3A_622 : i32 to index
          %get3A_624 = arith.constant 32 : index
          %get3A_625 = tpu.vector_load %arg10[%get3A_623, %get3A_624] {strides = array<i32>} : memref<80x64xf32, #tpu.memory_space<vmem>>, vector<1x16xf32>,
          %get3A_626 = vector.shape_cast %get3A_625 : vector<1x16xf32> to vector<16xf32>
          %add3A_627 = arith.constant 1 : i32
          %add3A_628 = arith.addi %mul3A_307, %add3A_627 : i32
          %get3A_629 = arith.index_cast %add3A_628 : i32 to index
          %get3A_630 = arith.constant 32 : index
          %get3A_631 = tpu.vector_load %arg10[%get3A_629, %get3A_630] {strides = array<i32>} : memref<80x64xf32, #tpu.memory_space<vmem>>, vector<1x16xf32>,
          %get3A_632 = vector.shape_cast %get3A_631 : vector<1x16xf32> to vector<16xf32>
          %add3A_633 = arith.constant 2 : i32
          %add3A_634 = arith.addi %mul3A_307, %add3A_633 : i32
          %get3A_635 = arith.index_cast %add3A_634 : i32 to index
          %get3A_636 = arith.constant 32 : index
          %get3A_637 = tpu.vector_load %arg10[%get3A_635, %get3A_636] {strides = array<i32>} : memref<80x64xf32, #tpu.memory_space<vmem>>, vector<1x16xf32>,
          %get3A_638 = vector.shape_cast %get3A_637 : vector<1x16xf32> to vector<16xf32>
          %add3A_639 = arith.constant 3 : i32
          %add3A_640 = arith.addi %mul3A_307, %add3A_639 : i32
          %get3A_641 = arith.index_cast %add3A_640 : i32 to index
          %get3A_642 = arith.constant 32 : index
          %get3A_643 = tpu.vector_load %arg10[%get3A_641, %get3A_642] {strides = array<i32>} : memref<80x64xf32, #tpu.memory_space<vmem>>, vector<1x16xf32>,
          %get3A_644 = vector.shape_cast %get3A_643 : vector<1x16xf32> to vector<16xf32>
          %add3A_645 = arith.constant 4 : i32
          %add3A_646 = arith.addi %mul3A_307, %add3A_645 : i32
          %get3A_647 = arith.index_cast %add3A_646 : i32 to index
          %get3A_648 = arith.constant 32 : index
          %get3A_649 = tpu.vector_load %arg10[%get3A_647, %get3A_648] {strides = array<i32>} : memref<80x64xf32, #tpu.memory_space<vmem>>, vector<1x16xf32>,
          %get3A_650 = vector.shape_cast %get3A_649 : vector<1x16xf32> to vector<16xf32>
          %add3A_651 = arith.constant 5 : i32
          %add3A_652 = arith.addi %mul3A_307, %add3A_651 : i32
          %get3A_653 = arith.index_cast %add3A_652 : i32 to index
          %get3A_654 = arith.constant 32 : index
          %get3A_655 = tpu.vector_load %arg10[%get3A_653, %get3A_654] {strides = array<i32>} : memref<80x64xf32, #tpu.memory_space<vmem>>, vector<1x16xf32>,
          %get3A_656 = vector.shape_cast %get3A_655 : vector<1x16xf32> to vector<16xf32>
          %add3A_657 = arith.constant 6 : i32
          %add3A_658 = arith.addi %mul3A_307, %add3A_657 : i32
          %get3A_659 = arith.index_cast %add3A_658 : i32 to index
          %get3A_660 = arith.constant 32 : index
          %get3A_661 = tpu.vector_load %arg10[%get3A_659, %get3A_660] {strides = array<i32>} : memref<80x64xf32, #tpu.memory_space<vmem>>, vector<1x16xf32>,
          %get3A_662 = vector.shape_cast %get3A_661 : vector<1x16xf32> to vector<16xf32>
          %add3A_663 = arith.constant 7 : i32
          %add3A_664 = arith.addi %mul3A_307, %add3A_663 : i32
          %get3A_665 = arith.index_cast %add3A_664 : i32 to index
          %get3A_666 = arith.constant 32 : index
          %get3A_667 = tpu.vector_load %arg10[%get3A_665, %get3A_666] {strides = array<i32>} : memref<80x64xf32, #tpu.memory_space<vmem>>, vector<1x16xf32>,
          %get3A_668 = vector.shape_cast %get3A_667 : vector<1x16xf32> to vector<16xf32>
          %add3A_669 = arith.constant 8 : i32
          %add3A_670 = arith.addi %mul3A_307, %add3A_669 : i32
          %get3A_671 = arith.index_cast %add3A_670 : i32 to index
          %get3A_672 = arith.constant 32 : index
          %get3A_673 = tpu.vector_load %arg10[%get3A_671, %get3A_672] {strides = array<i32>} : memref<80x64xf32, #tpu.memory_space<vmem>>, vector<1x16xf32>,
          %get3A_674 = vector.shape_cast %get3A_673 : vector<1x16xf32> to vector<16xf32>
          %add3A_675 = arith.constant 9 : i32
          %add3A_676 = arith.addi %mul3A_307, %add3A_675 : i32
          %get3A_677 = arith.index_cast %add3A_676 : i32 to index
          %get3A_678 = arith.constant 32 : index
          %get3A_679 = tpu.vector_load %arg10[%get3A_677, %get3A_678] {strides = array<i32>} : memref<80x64xf32, #tpu.memory_space<vmem>>, vector<1x16xf32>,
          %get3A_680 = vector.shape_cast %get3A_679 : vector<1x16xf32> to vector<16xf32>
          %add3A_681 = arith.constant 10 : i32
          %add3A_682 = arith.addi %mul3A_307, %add3A_681 : i32
          %get3A_683 = arith.index_cast %add3A_682 : i32 to index
          %get3A_684 = arith.constant 32 : index
          %get3A_685 = tpu.vector_load %arg10[%get3A_683, %get3A_684] {strides = array<i32>} : memref<80x64xf32, #tpu.memory_space<vmem>>, vector<1x16xf32>,
          %get3A_686 = vector.shape_cast %get3A_685 : vector<1x16xf32> to vector<16xf32>
          %add3A_687 = arith.constant 11 : i32
          %add3A_688 = arith.addi %mul3A_307, %add3A_687 : i32
          %get3A_689 = arith.index_cast %add3A_688 : i32 to index
          %get3A_690 = arith.constant 32 : index
          %get3A_691 = tpu.vector_load %arg10[%get3A_689, %get3A_690] {strides = array<i32>} : memref<80x64xf32, #tpu.memory_space<vmem>>, vector<1x16xf32>,
          %get3A_692 = vector.shape_cast %get3A_691 : vector<1x16xf32> to vector<16xf32>
          %add3A_693 = arith.constant 12 : i32
          %add3A_694 = arith.addi %mul3A_307, %add3A_693 : i32
          %get3A_695 = arith.index_cast %add3A_694 : i32 to index
          %get3A_696 = arith.constant 32 : index
          %get3A_697 = tpu.vector_load %arg10[%get3A_695, %get3A_696] {strides = array<i32>} : memref<80x64xf32, #tpu.memory_space<vmem>>, vector<1x16xf32>,
          %get3A_698 = vector.shape_cast %get3A_697 : vector<1x16xf32> to vector<16xf32>
          %add3A_699 = arith.constant 13 : i32
          %add3A_700 = arith.addi %mul3A_307, %add3A_699 : i32
          %get3A_701 = arith.index_cast %add3A_700 : i32 to index
          %get3A_702 = arith.constant 32 : index
          %get3A_703 = tpu.vector_load %arg10[%get3A_701, %get3A_702] {strides = array<i32>} : memref<80x64xf32, #tpu.memory_space<vmem>>, vector<1x16xf32>,
          %get3A_704 = vector.shape_cast %get3A_703 : vector<1x16xf32> to vector<16xf32>
          %add3A_705 = arith.constant 14 : i32
          %add3A_706 = arith.addi %mul3A_307, %add3A_705 : i32
          %get3A_707 = arith.index_cast %add3A_706 : i32 to index
          %get3A_708 = arith.constant 32 : index
          %get3A_709 = tpu.vector_load %arg10[%get3A_707, %get3A_708] {strides = array<i32>} : memref<80x64xf32, #tpu.memory_space<vmem>>, vector<1x16xf32>,
          %get3A_710 = vector.shape_cast %get3A_709 : vector<1x16xf32> to vector<16xf32>
          %add3A_711 = arith.constant 15 : i32
          %add3A_712 = arith.addi %mul3A_307, %add3A_711 : i32
          %get3A_713 = arith.index_cast %add3A_712 : i32 to index
          %get3A_714 = arith.constant 32 : index
          %get3A_715 = tpu.vector_load %arg10[%get3A_713, %get3A_714] {strides = array<i32>} : memref<80x64xf32, #tpu.memory_space<vmem>>, vector<1x16xf32>,
          %get3A_716 = vector.shape_cast %get3A_715 : vector<1x16xf32> to vector<16xf32>
          %mul3A_717 = arith.mulf %get3A_626, %get3A_626 : vector<16xf32>
          %mul3A_718 = arith.mulf %get3A_632, %get3A_632 : vector<16xf32>
          %mul3A_719 = arith.mulf %get3A_638, %get3A_638 : vector<16xf32>
          %mul3A_720 = arith.mulf %get3A_644, %get3A_644 : vector<16xf32>
          %mul3A_721 = arith.mulf %get3A_650, %get3A_650 : vector<16xf32>
          %mul3A_722 = arith.mulf %get3A_656, %get3A_656 : vector<16xf32>
          %mul3A_723 = arith.mulf %get3A_662, %get3A_662 : vector<16xf32>
          %mul3A_724 = arith.mulf %get3A_668, %get3A_668 : vector<16xf32>
          %mul3A_725 = arith.mulf %get3A_674, %get3A_674 : vector<16xf32>
          %mul3A_726 = arith.mulf %get3A_680, %get3A_680 : vector<16xf32>
          %mul3A_727 = arith.mulf %get3A_686, %get3A_686 : vector<16xf32>
          %mul3A_728 = arith.mulf %get3A_692, %get3A_692 : vector<16xf32>
          %mul3A_729 = arith.mulf %get3A_698, %get3A_698 : vector<16xf32>
          %mul3A_730 = arith.mulf %get3A_704, %get3A_704 : vector<16xf32>
          %mul3A_731 = arith.mulf %get3A_710, %get3A_710 : vector<16xf32>
          %mul3A_732 = arith.mulf %get3A_716, %get3A_716 : vector<16xf32>
          %add3A_733 = arith.addf %get3A_626, %get3A_632 : vector<16xf32>
          %add3A_734 = arith.addf %get3A_638, %get3A_644 : vector<16xf32>
          %add3A_735 = arith.addf %get3A_650, %get3A_656 : vector<16xf32>
          %add3A_736 = arith.addf %get3A_662, %get3A_668 : vector<16xf32>
          %add3A_737 = arith.addf %get3A_674, %get3A_680 : vector<16xf32>
          %add3A_738 = arith.addf %get3A_686, %get3A_692 : vector<16xf32>
          %add3A_739 = arith.addf %get3A_698, %get3A_704 : vector<16xf32>
          %add3A_740 = arith.addf %get3A_710, %get3A_716 : vector<16xf32>
          %add3A_741 = arith.addf %add3A_733, %add3A_734 : vector<16xf32>
          %add3A_742 = arith.addf %add3A_735, %add3A_736 : vector<16xf32>
          %add3A_743 = arith.addf %add3A_737, %add3A_738 : vector<16xf32>
          %add3A_744 = arith.addf %add3A_739, %add3A_740 : vector<16xf32>
          %add3A_745 = arith.addf %add3A_741, %add3A_742 : vector<16xf32>
          %add3A_746 = arith.addf %add3A_743, %add3A_744 : vector<16xf32>
          %add3A_747 = arith.addf %add3A_745, %add3A_746 : vector<16xf32>
          %swap3A_748 = arith.index_cast %scan3A_305 : i32 to index
          %swap3A_749 = arith.constant 32 : index
          %swap3A_750 = tpu.vector_load %arg12[%swap3A_748, %swap3A_749] {strides = array<i32>} : memref<80x144xf32, #tpu.memory_space<vmem>>, vector<1x16xf32>,
          %swap3A_751 = vector.shape_cast %swap3A_750 : vector<1x16xf32> to vector<16xf32>
          %swap3A_752 = vector.shape_cast %add3A_747 : vector<16xf32> to vector<1x16xf32>
          tpu.vector_store %arg12[%swap3A_748, %swap3A_749], %swap3A_752 {strides = array<i32>} : memref<80x144xf32, #tpu.memory_space<vmem>>, vector<1x16xf32>,
          %add3A_753 = arith.addf %mul3A_717, %mul3A_718 : vector<16xf32>
          %add3A_754 = arith.addf %mul3A_719, %mul3A_720 : vector<16xf32>
          %add3A_755 = arith.addf %mul3A_721, %mul3A_722 : vector<16xf32>
          %add3A_756 = arith.addf %mul3A_723, %mul3A_724 : vector<16xf32>
          %add3A_757 = arith.addf %mul3A_725, %mul3A_726 : vector<16xf32>
          %add3A_758 = arith.addf %mul3A_727, %mul3A_728 : vector<16xf32>
          %add3A_759 = arith.addf %mul3A_729, %mul3A_730 : vector<16xf32>
          %add3A_760 = arith.addf %mul3A_731, %mul3A_732 : vector<16xf32>
          %add3A_761 = arith.addf %add3A_753, %add3A_754 : vector<16xf32>
          %add3A_762 = arith.addf %add3A_755, %add3A_756 : vector<16xf32>
          %add3A_763 = arith.addf %add3A_757, %add3A_758 : vector<16xf32>
          %add3A_764 = arith.addf %add3A_759, %add3A_760 : vector<16xf32>
          %add3A_765 = arith.addf %add3A_761, %add3A_762 : vector<16xf32>
          %add3A_766 = arith.addf %add3A_763, %add3A_764 : vector<16xf32>
          %add3A_767 = arith.addf %add3A_765, %add3A_766 : vector<16xf32>
          %swap3A_768 = arith.index_cast %scan3A_305 : i32 to index
          %swap3A_769 = arith.constant 96 : index
          %swap3A_770 = tpu.vector_load %arg12[%swap3A_768, %swap3A_769] {strides = array<i32>} : memref<80x144xf32, #tpu.memory_space<vmem>>, vector<1x16xf32>,
          %swap3A_771 = vector.shape_cast %swap3A_770 : vector<1x16xf32> to vector<16xf32>
          %swap3A_772 = vector.shape_cast %add3A_767 : vector<16xf32> to vector<1x16xf32>
          tpu.vector_store %arg12[%swap3A_768, %swap3A_769], %swap3A_772 {strides = array<i32>} : memref<80x144xf32, #tpu.memory_space<vmem>>, vector<1x16xf32>,
          %add3A_773 = arith.constant 0 : i32
          %add3A_774 = arith.addi %mul3A_307, %add3A_773 : i32
          %get3A_775 = arith.index_cast %add3A_774 : i32 to index
          %get3A_776 = arith.constant 48 : index
          %get3A_777 = tpu.vector_load %arg10[%get3A_775, %get3A_776] {strides = array<i32>} : memref<80x64xf32, #tpu.memory_space<vmem>>, vector<1x16xf32>,
          %get3A_778 = vector.shape_cast %get3A_777 : vector<1x16xf32> to vector<16xf32>
          %add3A_779 = arith.constant 1 : i32
          %add3A_780 = arith.addi %mul3A_307, %add3A_779 : i32
          %get3A_781 = arith.index_cast %add3A_780 : i32 to index
          %get3A_782 = arith.constant 48 : index
          %get3A_783 = tpu.vector_load %arg10[%get3A_781, %get3A_782] {strides = array<i32>} : memref<80x64xf32, #tpu.memory_space<vmem>>, vector<1x16xf32>,
          %get3A_784 = vector.shape_cast %get3A_783 : vector<1x16xf32> to vector<16xf32>
          %add3A_785 = arith.constant 2 : i32
          %add3A_786 = arith.addi %mul3A_307, %add3A_785 : i32
          %get3A_787 = arith.index_cast %add3A_786 : i32 to index
          %get3A_788 = arith.constant 48 : index
          %get3A_789 = tpu.vector_load %arg10[%get3A_787, %get3A_788] {strides = array<i32>} : memref<80x64xf32, #tpu.memory_space<vmem>>, vector<1x16xf32>,
          %get3A_790 = vector.shape_cast %get3A_789 : vector<1x16xf32> to vector<16xf32>
          %add3A_791 = arith.constant 3 : i32
          %add3A_792 = arith.addi %mul3A_307, %add3A_791 : i32
          %get3A_793 = arith.index_cast %add3A_792 : i32 to index
          %get3A_794 = arith.constant 48 : index
          %get3A_795 = tpu.vector_load %arg10[%get3A_793, %get3A_794] {strides = array<i32>} : memref<80x64xf32, #tpu.memory_space<vmem>>, vector<1x16xf32>,
          %get3A_796 = vector.shape_cast %get3A_795 : vector<1x16xf32> to vector<16xf32>
          %add3A_797 = arith.constant 4 : i32
          %add3A_798 = arith.addi %mul3A_307, %add3A_797 : i32
          %get3A_799 = arith.index_cast %add3A_798 : i32 to index
          %get3A_800 = arith.constant 48 : index
          %get3A_801 = tpu.vector_load %arg10[%get3A_799, %get3A_800] {strides = array<i32>} : memref<80x64xf32, #tpu.memory_space<vmem>>, vector<1x16xf32>,
          %get3A_802 = vector.shape_cast %get3A_801 : vector<1x16xf32> to vector<16xf32>
          %add3A_803 = arith.constant 5 : i32
          %add3A_804 = arith.addi %mul3A_307, %add3A_803 : i32
          %get3A_805 = arith.index_cast %add3A_804 : i32 to index
          %get3A_806 = arith.constant 48 : index
          %get3A_807 = tpu.vector_load %arg10[%get3A_805, %get3A_806] {strides = array<i32>} : memref<80x64xf32, #tpu.memory_space<vmem>>, vector<1x16xf32>,
          %get3A_808 = vector.shape_cast %get3A_807 : vector<1x16xf32> to vector<16xf32>
          %add3A_809 = arith.constant 6 : i32
          %add3A_810 = arith.addi %mul3A_307, %add3A_809 : i32
          %get3A_811 = arith.index_cast %add3A_810 : i32 to index
          %get3A_812 = arith.constant 48 : index
          %get3A_813 = tpu.vector_load %arg10[%get3A_811, %get3A_812] {strides = array<i32>} : memref<80x64xf32, #tpu.memory_space<vmem>>, vector<1x16xf32>,
          %get3A_814 = vector.shape_cast %get3A_813 : vector<1x16xf32> to vector<16xf32>
          %add3A_815 = arith.constant 7 : i32
          %add3A_816 = arith.addi %mul3A_307, %add3A_815 : i32
          %get3A_817 = arith.index_cast %add3A_816 : i32 to index
          %get3A_818 = arith.constant 48 : index
          %get3A_819 = tpu.vector_load %arg10[%get3A_817, %get3A_818] {strides = array<i32>} : memref<80x64xf32, #tpu.memory_space<vmem>>, vector<1x16xf32>,
          %get3A_820 = vector.shape_cast %get3A_819 : vector<1x16xf32> to vector<16xf32>
          %add3A_821 = arith.constant 8 : i32
          %add3A_822 = arith.addi %mul3A_307, %add3A_821 : i32
          %get3A_823 = arith.index_cast %add3A_822 : i32 to index
          %get3A_824 = arith.constant 48 : index
          %get3A_825 = tpu.vector_load %arg10[%get3A_823, %get3A_824] {strides = array<i32>} : memref<80x64xf32, #tpu.memory_space<vmem>>, vector<1x16xf32>,
          %get3A_826 = vector.shape_cast %get3A_825 : vector<1x16xf32> to vector<16xf32>
          %add3A_827 = arith.constant 9 : i32
          %add3A_828 = arith.addi %mul3A_307, %add3A_827 : i32
          %get3A_829 = arith.index_cast %add3A_828 : i32 to index
          %get3A_830 = arith.constant 48 : index
          %get3A_831 = tpu.vector_load %arg10[%get3A_829, %get3A_830] {strides = array<i32>} : memref<80x64xf32, #tpu.memory_space<vmem>>, vector<1x16xf32>,
          %get3A_832 = vector.shape_cast %get3A_831 : vector<1x16xf32> to vector<16xf32>
          %add3A_833 = arith.constant 10 : i32
          %add3A_834 = arith.addi %mul3A_307, %add3A_833 : i32
          %get3A_835 = arith.index_cast %add3A_834 : i32 to index
          %get3A_836 = arith.constant 48 : index
          %get3A_837 = tpu.vector_load %arg10[%get3A_835, %get3A_836] {strides = array<i32>} : memref<80x64xf32, #tpu.memory_space<vmem>>, vector<1x16xf32>,
          %get3A_838 = vector.shape_cast %get3A_837 : vector<1x16xf32> to vector<16xf32>
          %add3A_839 = arith.constant 11 : i32
          %add3A_840 = arith.addi %mul3A_307, %add3A_839 : i32
          %get3A_841 = arith.index_cast %add3A_840 : i32 to index
          %get3A_842 = arith.constant 48 : index
          %get3A_843 = tpu.vector_load %arg10[%get3A_841, %get3A_842] {strides = array<i32>} : memref<80x64xf32, #tpu.memory_space<vmem>>, vector<1x16xf32>,
          %get3A_844 = vector.shape_cast %get3A_843 : vector<1x16xf32> to vector<16xf32>
          %add3A_845 = arith.constant 12 : i32
          %add3A_846 = arith.addi %mul3A_307, %add3A_845 : i32
          %get3A_847 = arith.index_cast %add3A_846 : i32 to index
          %get3A_848 = arith.constant 48 : index
          %get3A_849 = tpu.vector_load %arg10[%get3A_847, %get3A_848] {strides = array<i32>} : memref<80x64xf32, #tpu.memory_space<vmem>>, vector<1x16xf32>,
          %get3A_850 = vector.shape_cast %get3A_849 : vector<1x16xf32> to vector<16xf32>
          %add3A_851 = arith.constant 13 : i32
          %add3A_852 = arith.addi %mul3A_307, %add3A_851 : i32
          %get3A_853 = arith.index_cast %add3A_852 : i32 to index
          %get3A_854 = arith.constant 48 : index
          %get3A_855 = tpu.vector_load %arg10[%get3A_853, %get3A_854] {strides = array<i32>} : memref<80x64xf32, #tpu.memory_space<vmem>>, vector<1x16xf32>,
          %get3A_856 = vector.shape_cast %get3A_855 : vector<1x16xf32> to vector<16xf32>
          %add3A_857 = arith.constant 14 : i32
          %add3A_858 = arith.addi %mul3A_307, %add3A_857 : i32
          %get3A_859 = arith.index_cast %add3A_858 : i32 to index
          %get3A_860 = arith.constant 48 : index
          %get3A_861 = tpu.vector_load %arg10[%get3A_859, %get3A_860] {strides = array<i32>} : memref<80x64xf32, #tpu.memory_space<vmem>>, vector<1x16xf32>,
          %get3A_862 = vector.shape_cast %get3A_861 : vector<1x16xf32> to vector<16xf32>
          %add3A_863 = arith.constant 15 : i32
          %add3A_864 = arith.addi %mul3A_307, %add3A_863 : i32
          %get3A_865 = arith.index_cast %add3A_864 : i32 to index
          %get3A_866 = arith.constant 48 : index
          %get3A_867 = tpu.vector_load %arg10[%get3A_865, %get3A_866] {strides = array<i32>} : memref<80x64xf32, #tpu.memory_space<vmem>>, vector<1x16xf32>,
          %get3A_868 = vector.shape_cast %get3A_867 : vector<1x16xf32> to vector<16xf32>
          %mul3A_869 = arith.mulf %get3A_778, %get3A_778 : vector<16xf32>
          %mul3A_870 = arith.mulf %get3A_784, %get3A_784 : vector<16xf32>
          %mul3A_871 = arith.mulf %get3A_790, %get3A_790 : vector<16xf32>
          %mul3A_872 = arith.mulf %get3A_796, %get3A_796 : vector<16xf32>
          %mul3A_873 = arith.mulf %get3A_802, %get3A_802 : vector<16xf32>
          %mul3A_874 = arith.mulf %get3A_808, %get3A_808 : vector<16xf32>
          %mul3A_875 = arith.mulf %get3A_814, %get3A_814 : vector<16xf32>
          %mul3A_876 = arith.mulf %get3A_820, %get3A_820 : vector<16xf32>
          %mul3A_877 = arith.mulf %get3A_826, %get3A_826 : vector<16xf32>
          %mul3A_878 = arith.mulf %get3A_832, %get3A_832 : vector<16xf32>
          %mul3A_879 = arith.mulf %get3A_838, %get3A_838 : vector<16xf32>
          %mul3A_880 = arith.mulf %get3A_844, %get3A_844 : vector<16xf32>
          %mul3A_881 = arith.mulf %get3A_850, %get3A_850 : vector<16xf32>
          %mul3A_882 = arith.mulf %get3A_856, %get3A_856 : vector<16xf32>
          %mul3A_883 = arith.mulf %get3A_862, %get3A_862 : vector<16xf32>
          %mul3A_884 = arith.mulf %get3A_868, %get3A_868 : vector<16xf32>
          %add3A_885 = arith.addf %get3A_778, %get3A_784 : vector<16xf32>
          %add3A_886 = arith.addf %get3A_790, %get3A_796 : vector<16xf32>
          %add3A_887 = arith.addf %get3A_802, %get3A_808 : vector<16xf32>
          %add3A_888 = arith.addf %get3A_814, %get3A_820 : vector<16xf32>
          %add3A_889 = arith.addf %get3A_826, %get3A_832 : vector<16xf32>
          %add3A_890 = arith.addf %get3A_838, %get3A_844 : vector<16xf32>
          %add3A_891 = arith.addf %get3A_850, %get3A_856 : vector<16xf32>
          %add3A_892 = arith.addf %get3A_862, %get3A_868 : vector<16xf32>
          %add3A_893 = arith.addf %add3A_885, %add3A_886 : vector<16xf32>
          %add3A_894 = arith.addf %add3A_887, %add3A_888 : vector<16xf32>
          %add3A_895 = arith.addf %add3A_889, %add3A_890 : vector<16xf32>
          %add3A_896 = arith.addf %add3A_891, %add3A_892 : vector<16xf32>
          %add3A_897 = arith.addf %add3A_893, %add3A_894 : vector<16xf32>
          %add3A_898 = arith.addf %add3A_895, %add3A_896 : vector<16xf32>
          %add3A_899 = arith.addf %add3A_897, %add3A_898 : vector<16xf32>
          %swap3A_900 = arith.index_cast %scan3A_305 : i32 to index
          %swap3A_901 = arith.constant 48 : index
          %swap3A_902 = tpu.vector_load %arg12[%swap3A_900, %swap3A_901] {strides = array<i32>} : memref<80x144xf32, #tpu.memory_space<vmem>>, vector<1x16xf32>,
          %swap3A_903 = vector.shape_cast %swap3A_902 : vector<1x16xf32> to vector<16xf32>
          %swap3A_904 = vector.shape_cast %add3A_899 : vector<16xf32> to vector<1x16xf32>
          tpu.vector_store %arg12[%swap3A_900, %swap3A_901], %swap3A_904 {strides = array<i32>} : memref<80x144xf32, #tpu.memory_space<vmem>>, vector<1x16xf32>,
          %add3A_905 = arith.addf %mul3A_869, %mul3A_870 : vector<16xf32>
          %add3A_906 = arith.addf %mul3A_871, %mul3A_872 : vector<16xf32>
          %add3A_907 = arith.addf %mul3A_873, %mul3A_874 : vector<16xf32>
          %add3A_908 = arith.addf %mul3A_875, %mul3A_876 : vector<16xf32>
          %add3A_909 = arith.addf %mul3A_877, %mul3A_878 : vector<16xf32>
          %add3A_910 = arith.addf %mul3A_879, %mul3A_880 : vector<16xf32>
          %add3A_911 = arith.addf %mul3A_881, %mul3A_882 : vector<16xf32>
          %add3A_912 = arith.addf %mul3A_883, %mul3A_884 : vector<16xf32>
          %add3A_913 = arith.addf %add3A_905, %add3A_906 : vector<16xf32>
          %add3A_914 = arith.addf %add3A_907, %add3A_908 : vector<16xf32>
          %add3A_915 = arith.addf %add3A_909, %add3A_910 : vector<16xf32>
          %add3A_916 = arith.addf %add3A_911, %add3A_912 : vector<16xf32>
          %add3A_917 = arith.addf %add3A_913, %add3A_914 : vector<16xf32>
          %add3A_918 = arith.addf %add3A_915, %add3A_916 : vector<16xf32>
          %add3A_919 = arith.addf %add3A_917, %add3A_918 : vector<16xf32>
          %swap3A_920 = arith.index_cast %scan3A_305 : i32 to index
          %swap3A_921 = arith.constant 112 : index
          %swap3A_922 = tpu.vector_load %arg12[%swap3A_920, %swap3A_921] {strides = array<i32>} : memref<80x144xf32, #tpu.memory_space<vmem>>, vector<1x16xf32>,
          %swap3A_923 = vector.shape_cast %swap3A_922 : vector<1x16xf32> to vector<16xf32>
          %swap3A_924 = vector.shape_cast %add3A_919 : vector<16xf32> to vector<1x16xf32>
          tpu.vector_store %arg12[%swap3A_920, %swap3A_921], %swap3A_924 {strides = array<i32>} : memref<80x144xf32, #tpu.memory_space<vmem>>, vector<1x16xf32>,
          %swap3A_925 = arith.index_cast %scan3A_305 : i32 to index
          %swap3A_926 = arith.constant 128 : index
          %swap3A_927 = tpu.vector_load %arg12[%swap3A_925, %swap3A_926] {strides = array<i32>} : memref<80x144xf32, #tpu.memory_space<vmem>>, vector<1x16xf32>,
          %swap3A_928 = vector.shape_cast %swap3A_927 : vector<1x16xf32> to vector<16xf32>
          %swap3A_929 = vector.shape_cast %select_n3A_10 : vector<16xf32> to vector<1x16xf32>
          tpu.vector_store %arg12[%swap3A_925, %swap3A_926], %swap3A_929 {strides = array<i32>} : memref<80x144xf32, #tpu.memory_space<vmem>>, vector<1x16xf32>,
          %get3A_930 = arith.index_cast %scan3A_305 : i32 to index
          %get3A_931 = tpu.vector_load %arg14[%get3A_930] {strides = array<i32>} : memref<80xi32, #tpu.memory_space<vmem>>, vector<16xi32>,
          %get3A_932 = vector.shape_cast %get3A_931 : vector<16xi32> to vector<16xi32>
          %select_n3A_933 = arith.select %eq3A_2, %get3A_309, %get3A_932 : vector<16xi1>, vector<16xi32>
          %swap3A_934 = arith.index_cast %scan3A_305 : i32 to index
          %swap3A_935 = tpu.vector_load %arg14[%swap3A_934] {strides = array<i32>} : memref<80xi32, #tpu.memory_space<vmem>>, vector<16xi32>,
          %swap3A_936 = vector.shape_cast %swap3A_935 : vector<16xi32> to vector<16xi32>
          %swap3A_937 = vector.shape_cast %select_n3A_933 : vector<16xi32> to vector<16xi32>
          tpu.vector_store %arg14[%swap3A_934], %swap3A_937 {strides = array<i32>} : memref<80xi32, #tpu.memory_space<vmem>>, vector<16xi32>,
          %add3A_938 = arith.constant 1 : i32
          %add3A_939 = arith.addi %scan3A_305, %add3A_938 : i32
          scf.yield %add3A_939 : i32
        } else {
          %add3A_317 = arith.constant 0 : i32
          %add3A_318 = arith.addi %scan3A_305, %add3A_317 : i32
          %add3A_319 = arith.constant 0 : i32
          %add3A_320 = arith.addi %mul3A_307, %add3A_319 : i32
          %get3A_321 = arith.index_cast %add3A_320 : i32 to index
          %get3A_322 = arith.constant 0 : index
          %get3A_323 = tpu.vector_load %arg10[%get3A_321, %get3A_322] {strides = array<i32>} : memref<80x64xf32, #tpu.memory_space<vmem>>, vector<1x16xf32>,
          %get3A_324 = vector.shape_cast %get3A_323 : vector<1x16xf32> to vector<16xf32>
          %swap3A_325 = arith.index_cast %add3A_318 : i32 to index
          %swap3A_326 = arith.constant 0 : index
          %swap3A_327 = tpu.vector_load %arg12[%swap3A_325, %swap3A_326] {strides = array<i32>} : memref<80x144xf32, #tpu.memory_space<vmem>>, vector<1x16xf32>,
          %swap3A_328 = vector.shape_cast %swap3A_327 : vector<1x16xf32> to vector<16xf32>
          %swap3A_329 = vector.shape_cast %get3A_324 : vector<16xf32> to vector<1x16xf32>
          tpu.vector_store %arg12[%swap3A_325, %swap3A_326], %swap3A_329 {strides = array<i32>} : memref<80x144xf32, #tpu.memory_space<vmem>>, vector<1x16xf32>,
          %mul3A_330 = arith.mulf %get3A_324, %get3A_324 : vector<16xf32>
          %swap3A_331 = arith.index_cast %add3A_318 : i32 to index
          %swap3A_332 = arith.constant 64 : index
          %swap3A_333 = tpu.vector_load %arg12[%swap3A_331, %swap3A_332] {strides = array<i32>} : memref<80x144xf32, #tpu.memory_space<vmem>>, vector<1x16xf32>,
          %swap3A_334 = vector.shape_cast %swap3A_333 : vector<1x16xf32> to vector<16xf32>
          %swap3A_335 = vector.shape_cast %mul3A_330 : vector<16xf32> to vector<1x16xf32>
          tpu.vector_store %arg12[%swap3A_331, %swap3A_332], %swap3A_335 {strides = array<i32>} : memref<80x144xf32, #tpu.memory_space<vmem>>, vector<1x16xf32>,
          %add3A_336 = arith.constant 0 : i32
          %add3A_337 = arith.addi %mul3A_307, %add3A_336 : i32
          %get3A_338 = arith.index_cast %add3A_337 : i32 to index
          %get3A_339 = arith.constant 16 : index
          %get3A_340 = tpu.vector_load %arg10[%get3A_338, %get3A_339] {strides = array<i32>} : memref<80x64xf32, #tpu.memory_space<vmem>>, vector<1x16xf32>,
          %get3A_341 = vector.shape_cast %get3A_340 : vector<1x16xf32> to vector<16xf32>
          %swap3A_342 = arith.index_cast %add3A_318 : i32 to index
          %swap3A_343 = arith.constant 16 : index
          %swap3A_344 = tpu.vector_load %arg12[%swap3A_342, %swap3A_343] {strides = array<i32>} : memref<80x144xf32, #tpu.memory_space<vmem>>, vector<1x16xf32>,
          %swap3A_345 = vector.shape_cast %swap3A_344 : vector<1x16xf32> to vector<16xf32>
          %swap3A_346 = vector.shape_cast %get3A_341 : vector<16xf32> to vector<1x16xf32>
          tpu.vector_store %arg12[%swap3A_342, %swap3A_343], %swap3A_346 {strides = array<i32>} : memref<80x144xf32, #tpu.memory_space<vmem>>, vector<1x16xf32>,
          %mul3A_347 = arith.mulf %get3A_341, %get3A_341 : vector<16xf32>
          %swap3A_348 = arith.index_cast %add3A_318 : i32 to index
          %swap3A_349 = arith.constant 80 : index
          %swap3A_350 = tpu.vector_load %arg12[%swap3A_348, %swap3A_349] {strides = array<i32>} : memref<80x144xf32, #tpu.memory_space<vmem>>, vector<1x16xf32>,
          %swap3A_351 = vector.shape_cast %swap3A_350 : vector<1x16xf32> to vector<16xf32>
          %swap3A_352 = vector.shape_cast %mul3A_347 : vector<16xf32> to vector<1x16xf32>
          tpu.vector_store %arg12[%swap3A_348, %swap3A_349], %swap3A_352 {strides = array<i32>} : memref<80x144xf32, #tpu.memory_space<vmem>>, vector<1x16xf32>,
          %add3A_353 = arith.constant 0 : i32
          %add3A_354 = arith.addi %mul3A_307, %add3A_353 : i32
          %get3A_355 = arith.index_cast %add3A_354 : i32 to index
          %get3A_356 = arith.constant 32 : index
          %get3A_357 = tpu.vector_load %arg10[%get3A_355, %get3A_356] {strides = array<i32>} : memref<80x64xf32, #tpu.memory_space<vmem>>, vector<1x16xf32>,
          %get3A_358 = vector.shape_cast %get3A_357 : vector<1x16xf32> to vector<16xf32>
          %swap3A_359 = arith.index_cast %add3A_318 : i32 to index
          %swap3A_360 = arith.constant 32 : index
          %swap3A_361 = tpu.vector_load %arg12[%swap3A_359, %swap3A_360] {strides = array<i32>} : memref<80x144xf32, #tpu.memory_space<vmem>>, vector<1x16xf32>,
          %swap3A_362 = vector.shape_cast %swap3A_361 : vector<1x16xf32> to vector<16xf32>
          %swap3A_363 = vector.shape_cast %get3A_358 : vector<16xf32> to vector<1x16xf32>
          tpu.vector_store %arg12[%swap3A_359, %swap3A_360], %swap3A_363 {strides = array<i32>} : memref<80x144xf32, #tpu.memory_space<vmem>>, vector<1x16xf32>,
          %mul3A_364 = arith.mulf %get3A_358, %get3A_358 : vector<16xf32>
          %swap3A_365 = arith.index_cast %add3A_318 : i32 to index
          %swap3A_366 = arith.constant 96 : index
          %swap3A_367 = tpu.vector_load %arg12[%swap3A_365, %swap3A_366] {strides = array<i32>} : memref<80x144xf32, #tpu.memory_space<vmem>>, vector<1x16xf32>,
          %swap3A_368 = vector.shape_cast %swap3A_367 : vector<1x16xf32> to vector<16xf32>
          %swap3A_369 = vector.shape_cast %mul3A_364 : vector<16xf32> to vector<1x16xf32>
          tpu.vector_store %arg12[%swap3A_365, %swap3A_366], %swap3A_369 {strides = array<i32>} : memref<80x144xf32, #tpu.memory_space<vmem>>, vector<1x16xf32>,
          %add3A_370 = arith.constant 0 : i32
          %add3A_371 = arith.addi %mul3A_307, %add3A_370 : i32
          %get3A_372 = arith.index_cast %add3A_371 : i32 to index
          %get3A_373 = arith.constant 48 : index
          %get3A_374 = tpu.vector_load %arg10[%get3A_372, %get3A_373] {strides = array<i32>} : memref<80x64xf32, #tpu.memory_space<vmem>>, vector<1x16xf32>,
          %get3A_375 = vector.shape_cast %get3A_374 : vector<1x16xf32> to vector<16xf32>
          %swap3A_376 = arith.index_cast %add3A_318 : i32 to index
          %swap3A_377 = arith.constant 48 : index
          %swap3A_378 = tpu.vector_load %arg12[%swap3A_376, %swap3A_377] {strides = array<i32>} : memref<80x144xf32, #tpu.memory_space<vmem>>, vector<1x16xf32>,
          %swap3A_379 = vector.shape_cast %swap3A_378 : vector<1x16xf32> to vector<16xf32>
          %swap3A_380 = vector.shape_cast %get3A_375 : vector<16xf32> to vector<1x16xf32>
          tpu.vector_store %arg12[%swap3A_376, %swap3A_377], %swap3A_380 {strides = array<i32>} : memref<80x144xf32, #tpu.memory_space<vmem>>, vector<1x16xf32>,
          %mul3A_381 = arith.mulf %get3A_375, %get3A_375 : vector<16xf32>
          %swap3A_382 = arith.index_cast %add3A_318 : i32 to index
          %swap3A_383 = arith.constant 112 : index
          %swap3A_384 = tpu.vector_load %arg12[%swap3A_382, %swap3A_383] {strides = array<i32>} : memref<80x144xf32, #tpu.memory_space<vmem>>, vector<1x16xf32>,
          %swap3A_385 = vector.shape_cast %swap3A_384 : vector<1x16xf32> to vector<16xf32>
          %swap3A_386 = vector.shape_cast %mul3A_381 : vector<16xf32> to vector<1x16xf32>
          tpu.vector_store %arg12[%swap3A_382, %swap3A_383], %swap3A_386 {strides = array<i32>} : memref<80x144xf32, #tpu.memory_space<vmem>>, vector<1x16xf32>,
          %swap3A_387 = arith.index_cast %add3A_318 : i32 to index
          %swap3A_388 = arith.constant 128 : index
          %swap3A_389 = tpu.vector_load %arg12[%swap3A_387, %swap3A_388] {strides = array<i32>} : memref<80x144xf32, #tpu.memory_space<vmem>>, vector<1x16xf32>,
          %swap3A_390 = vector.shape_cast %swap3A_389 : vector<1x16xf32> to vector<16xf32>
          %swap3A_391 = vector.shape_cast %select_n3A : vector<16xf32> to vector<1x16xf32>
          tpu.vector_store %arg12[%swap3A_387, %swap3A_388], %swap3A_391 {strides = array<i32>} : memref<80x144xf32, #tpu.memory_space<vmem>>, vector<1x16xf32>,
          %add3A_392 = arith.constant 1 : i32
          %add3A_393 = arith.addi %scan3A_305, %add3A_392 : i32
          %add3A_394 = arith.constant 1 : i32
          %add3A_395 = arith.addi %mul3A_307, %add3A_394 : i32
          %get3A_396 = arith.index_cast %add3A_395 : i32 to index
          %get3A_397 = arith.constant 0 : index
          %get3A_398 = tpu.vector_load %arg10[%get3A_396, %get3A_397] {strides = array<i32>} : memref<80x64xf32, #tpu.memory_space<vmem>>, vector<1x16xf32>,
          %get3A_399 = vector.shape_cast %get3A_398 : vector<1x16xf32> to vector<16xf32>
          %swap3A_400 = arith.index_cast %add3A_393 : i32 to index
          %swap3A_401 = arith.constant 0 : index
          %swap3A_402 = tpu.vector_load %arg12[%swap3A_400, %swap3A_401] {strides = array<i32>} : memref<80x144xf32, #tpu.memory_space<vmem>>, vector<1x16xf32>,
          %swap3A_403 = vector.shape_cast %swap3A_402 : vector<1x16xf32> to vector<16xf32>
          %swap3A_404 = vector.shape_cast %get3A_399 : vector<16xf32> to vector<1x16xf32>
          tpu.vector_store %arg12[%swap3A_400, %swap3A_401], %swap3A_404 {strides = array<i32>} : memref<80x144xf32, #tpu.memory_space<vmem>>, vector<1x16xf32>,
          %mul3A_405 = arith.mulf %get3A_399, %get3A_399 : vector<16xf32>
          %swap3A_406 = arith.index_cast %add3A_393 : i32 to index
          %swap3A_407 = arith.constant 64 : index
          %swap3A_408 = tpu.vector_load %arg12[%swap3A_406, %swap3A_407] {strides = array<i32>} : memref<80x144xf32, #tpu.memory_space<vmem>>, vector<1x16xf32>,
          %swap3A_409 = vector.shape_cast %swap3A_408 : vector<1x16xf32> to vector<16xf32>
          %swap3A_410 = vector.shape_cast %mul3A_405 : vector<16xf32> to vector<1x16xf32>
          tpu.vector_store %arg12[%swap3A_406, %swap3A_407], %swap3A_410 {strides = array<i32>} : memref<80x144xf32, #tpu.memory_space<vmem>>, vector<1x16xf32>,
          %add3A_411 = arith.constant 1 : i32
          %add3A_412 = arith.addi %mul3A_307, %add3A_411 : i32
          %get3A_413 = arith.index_cast %add3A_412 : i32 to index
          %get3A_414 = arith.constant 16 : index
          %get3A_415 = tpu.vector_load %arg10[%get3A_413, %get3A_414] {strides = array<i32>} : memref<80x64xf32, #tpu.memory_space<vmem>>, vector<1x16xf32>,
          %get3A_416 = vector.shape_cast %get3A_415 : vector<1x16xf32> to vector<16xf32>
          %swap3A_417 = arith.index_cast %add3A_393 : i32 to index
          %swap3A_418 = arith.constant 16 : index
          %swap3A_419 = tpu.vector_load %arg12[%swap3A_417, %swap3A_418] {strides = array<i32>} : memref<80x144xf32, #tpu.memory_space<vmem>>, vector<1x16xf32>,
          %swap3A_420 = vector.shape_cast %swap3A_419 : vector<1x16xf32> to vector<16xf32>
          %swap3A_421 = vector.shape_cast %get3A_416 : vector<16xf32> to vector<1x16xf32>
          tpu.vector_store %arg12[%swap3A_417, %swap3A_418], %swap3A_421 {strides = array<i32>} : memref<80x144xf32, #tpu.memory_space<vmem>>, vector<1x16xf32>,
          %mul3A_422 = arith.mulf %get3A_416, %get3A_416 : vector<16xf32>
          %swap3A_423 = arith.index_cast %add3A_393 : i32 to index
          %swap3A_424 = arith.constant 80 : index
          %swap3A_425 = tpu.vector_load %arg12[%swap3A_423, %swap3A_424] {strides = array<i32>} : memref<80x144xf32, #tpu.memory_space<vmem>>, vector<1x16xf32>,
          %swap3A_426 = vector.shape_cast %swap3A_425 : vector<1x16xf32> to vector<16xf32>
          %swap3A_427 = vector.shape_cast %mul3A_422 : vector<16xf32> to vector<1x16xf32>
          tpu.vector_store %arg12[%swap3A_423, %swap3A_424], %swap3A_427 {strides = array<i32>} : memref<80x144xf32, #tpu.memory_space<vmem>>, vector<1x16xf32>,
          %add3A_428 = arith.constant 1 : i32
          %add3A_429 = arith.addi %mul3A_307, %add3A_428 : i32
          %get3A_430 = arith.index_cast %add3A_429 : i32 to index
          %get3A_431 = arith.constant 32 : index
          %get3A_432 = tpu.vector_load %arg10[%get3A_430, %get3A_431] {strides = array<i32>} : memref<80x64xf32, #tpu.memory_space<vmem>>, vector<1x16xf32>,
          %get3A_433 = vector.shape_cast %get3A_432 : vector<1x16xf32> to vector<16xf32>
          %swap3A_434 = arith.index_cast %add3A_393 : i32 to index
          %swap3A_435 = arith.constant 32 : index
          %swap3A_436 = tpu.vector_load %arg12[%swap3A_434, %swap3A_435] {strides = array<i32>} : memref<80x144xf32, #tpu.memory_space<vmem>>, vector<1x16xf32>,
          %swap3A_437 = vector.shape_cast %swap3A_436 : vector<1x16xf32> to vector<16xf32>
          %swap3A_438 = vector.shape_cast %get3A_433 : vector<16xf32> to vector<1x16xf32>
          tpu.vector_store %arg12[%swap3A_434, %swap3A_435], %swap3A_438 {strides = array<i32>} : memref<80x144xf32, #tpu.memory_space<vmem>>, vector<1x16xf32>,
          %mul3A_439 = arith.mulf %get3A_433, %get3A_433 : vector<16xf32>
          %swap3A_440 = arith.index_cast %add3A_393 : i32 to index
          %swap3A_441 = arith.constant 96 : index
          %swap3A_442 = tpu.vector_load %arg12[%swap3A_440, %swap3A_441] {strides = array<i32>} : memref<80x144xf32, #tpu.memory_space<vmem>>, vector<1x16xf32>,
          %swap3A_443 = vector.shape_cast %swap3A_442 : vector<1x16xf32> to vector<16xf32>
          %swap3A_444 = vector.shape_cast %mul3A_439 : vector<16xf32> to vector<1x16xf32>
          tpu.vector_store %arg12[%swap3A_440, %swap3A_441], %swap3A_444 {strides = array<i32>} : memref<80x144xf32, #tpu.memory_space<vmem>>, vector<1x16xf32>,
          %add3A_445 = arith.constant 1 : i32
          %add3A_446 = arith.addi %mul3A_307, %add3A_445 : i32
          %get3A_447 = arith.index_cast %add3A_446 : i32 to index
          %get3A_448 = arith.constant 48 : index
          %get3A_449 = tpu.vector_load %arg10[%get3A_447, %get3A_448] {strides = array<i32>} : memref<80x64xf32, #tpu.memory_space<vmem>>, vector<1x16xf32>,
          %get3A_450 = vector.shape_cast %get3A_449 : vector<1x16xf32> to vector<16xf32>
          %swap3A_451 = arith.index_cast %add3A_393 : i32 to index
          %swap3A_452 = arith.constant 48 : index
          %swap3A_453 = tpu.vector_load %arg12[%swap3A_451, %swap3A_452] {strides = array<i32>} : memref<80x144xf32, #tpu.memory_space<vmem>>, vector<1x16xf32>,
          %swap3A_454 = vector.shape_cast %swap3A_453 : vector<1x16xf32> to vector<16xf32>
          %swap3A_455 = vector.shape_cast %get3A_450 : vector<16xf32> to vector<1x16xf32>
          tpu.vector_store %arg12[%swap3A_451, %swap3A_452], %swap3A_455 {strides = array<i32>} : memref<80x144xf32, #tpu.memory_space<vmem>>, vector<1x16xf32>,
          %mul3A_456 = arith.mulf %get3A_450, %get3A_450 : vector<16xf32>
          %swap3A_457 = arith.index_cast %add3A_393 : i32 to index
          %swap3A_458 = arith.constant 112 : index
          %swap3A_459 = tpu.vector_load %arg12[%swap3A_457, %swap3A_458] {strides = array<i32>} : memref<80x144xf32, #tpu.memory_space<vmem>>, vector<1x16xf32>,
          %swap3A_460 = vector.shape_cast %swap3A_459 : vector<1x16xf32> to vector<16xf32>
          %swap3A_461 = vector.shape_cast %mul3A_456 : vector<16xf32> to vector<1x16xf32>
          tpu.vector_store %arg12[%swap3A_457, %swap3A_458], %swap3A_461 {strides = array<i32>} : memref<80x144xf32, #tpu.memory_space<vmem>>, vector<1x16xf32>,
          %swap3A_462 = arith.index_cast %add3A_393 : i32 to index
          %swap3A_463 = arith.constant 128 : index
          %swap3A_464 = tpu.vector_load %arg12[%swap3A_462, %swap3A_463] {strides = array<i32>} : memref<80x144xf32, #tpu.memory_space<vmem>>, vector<1x16xf32>,
          %swap3A_465 = vector.shape_cast %swap3A_464 : vector<1x16xf32> to vector<16xf32>
          %swap3A_466 = vector.shape_cast %select_n3A : vector<16xf32> to vector<1x16xf32>
          tpu.vector_store %arg12[%swap3A_462, %swap3A_463], %swap3A_466 {strides = array<i32>} : memref<80x144xf32, #tpu.memory_space<vmem>>, vector<1x16xf32>,
          %add3A_467 = arith.constant 2 : i32
          %add3A_468 = arith.addi %scan3A_305, %add3A_467 : i32
          %add3A_469 = arith.constant 2 : i32
          %add3A_470 = arith.addi %mul3A_307, %add3A_469 : i32
          %get3A_471 = arith.index_cast %add3A_470 : i32 to index
          %get3A_472 = arith.constant 0 : index
          %get3A_473 = tpu.vector_load %arg10[%get3A_471, %get3A_472] {strides = array<i32>} : memref<80x64xf32, #tpu.memory_space<vmem>>, vector<1x16xf32>,
          %get3A_474 = vector.shape_cast %get3A_473 : vector<1x16xf32> to vector<16xf32>
          %swap3A_475 = arith.index_cast %add3A_468 : i32 to index
          %swap3A_476 = arith.constant 0 : index
          %swap3A_477 = tpu.vector_load %arg12[%swap3A_475, %swap3A_476] {strides = array<i32>} : memref<80x144xf32, #tpu.memory_space<vmem>>, vector<1x16xf32>,
          %swap3A_478 = vector.shape_cast %swap3A_477 : vector<1x16xf32> to vector<16xf32>
          %swap3A_479 = vector.shape_cast %get3A_474 : vector<16xf32> to vector<1x16xf32>
          tpu.vector_store %arg12[%swap3A_475, %swap3A_476], %swap3A_479 {strides = array<i32>} : memref<80x144xf32, #tpu.memory_space<vmem>>, vector<1x16xf32>,
          %mul3A_480 = arith.mulf %get3A_474, %get3A_474 : vector<16xf32>
          %swap3A_481 = arith.index_cast %add3A_468 : i32 to index
          %swap3A_482 = arith.constant 64 : index
          %swap3A_483 = tpu.vector_load %arg12[%swap3A_481, %swap3A_482] {strides = array<i32>} : memref<80x144xf32, #tpu.memory_space<vmem>>, vector<1x16xf32>,
          %swap3A_484 = vector.shape_cast %swap3A_483 : vector<1x16xf32> to vector<16xf32>
          %swap3A_485 = vector.shape_cast %mul3A_480 : vector<16xf32> to vector<1x16xf32>
          tpu.vector_store %arg12[%swap3A_481, %swap3A_482], %swap3A_485 {strides = array<i32>} : memref<80x144xf32, #tpu.memory_space<vmem>>, vector<1x16xf32>,
          %add3A_486 = arith.constant 2 : i32
          %add3A_487 = arith.addi %mul3A_307, %add3A_486 : i32
          %get3A_488 = arith.index_cast %add3A_487 : i32 to index
          %get3A_489 = arith.constant 16 : index
          %get3A_490 = tpu.vector_load %arg10[%get3A_488, %get3A_489] {strides = array<i32>} : memref<80x64xf32, #tpu.memory_space<vmem>>, vector<1x16xf32>,
          %get3A_491 = vector.shape_cast %get3A_490 : vector<1x16xf32> to vector<16xf32>
          %swap3A_492 = arith.index_cast %add3A_468 : i32 to index
          %swap3A_493 = arith.constant 16 : index
          %swap3A_494 = tpu.vector_load %arg12[%swap3A_492, %swap3A_493] {strides = array<i32>} : memref<80x144xf32, #tpu.memory_space<vmem>>, vector<1x16xf32>,
          %swap3A_495 = vector.shape_cast %swap3A_494 : vector<1x16xf32> to vector<16xf32>
          %swap3A_496 = vector.shape_cast %get3A_491 : vector<16xf32> to vector<1x16xf32>
          tpu.vector_store %arg12[%swap3A_492, %swap3A_493], %swap3A_496 {strides = array<i32>} : memref<80x144xf32, #tpu.memory_space<vmem>>, vector<1x16xf32>,
          %mul3A_497 = arith.mulf %get3A_491, %get3A_491 : vector<16xf32>
          %swap3A_498 = arith.index_cast %add3A_468 : i32 to index
          %swap3A_499 = arith.constant 80 : index
          %swap3A_500 = tpu.vector_load %arg12[%swap3A_498, %swap3A_499] {strides = array<i32>} : memref<80x144xf32, #tpu.memory_space<vmem>>, vector<1x16xf32>,
          %swap3A_501 = vector.shape_cast %swap3A_500 : vector<1x16xf32> to vector<16xf32>
          %swap3A_502 = vector.shape_cast %mul3A_497 : vector<16xf32> to vector<1x16xf32>
          tpu.vector_store %arg12[%swap3A_498, %swap3A_499], %swap3A_502 {strides = array<i32>} : memref<80x144xf32, #tpu.memory_space<vmem>>, vector<1x16xf32>,
          %add3A_503 = arith.constant 2 : i32
          %add3A_504 = arith.addi %mul3A_307, %add3A_503 : i32
          %get3A_505 = arith.index_cast %add3A_504 : i32 to index
          %get3A_506 = arith.constant 32 : index
          %get3A_507 = tpu.vector_load %arg10[%get3A_505, %get3A_506] {strides = array<i32>} : memref<80x64xf32, #tpu.memory_space<vmem>>, vector<1x16xf32>,
          %get3A_508 = vector.shape_cast %get3A_507 : vector<1x16xf32> to vector<16xf32>
          %swap3A_509 = arith.index_cast %add3A_468 : i32 to index
          %swap3A_510 = arith.constant 32 : index
          %swap3A_511 = tpu.vector_load %arg12[%swap3A_509, %swap3A_510] {strides = array<i32>} : memref<80x144xf32, #tpu.memory_space<vmem>>, vector<1x16xf32>,
          %swap3A_512 = vector.shape_cast %swap3A_511 : vector<1x16xf32> to vector<16xf32>
          %swap3A_513 = vector.shape_cast %get3A_508 : vector<16xf32> to vector<1x16xf32>
          tpu.vector_store %arg12[%swap3A_509, %swap3A_510], %swap3A_513 {strides = array<i32>} : memref<80x144xf32, #tpu.memory_space<vmem>>, vector<1x16xf32>,
          %mul3A_514 = arith.mulf %get3A_508, %get3A_508 : vector<16xf32>
          %swap3A_515 = arith.index_cast %add3A_468 : i32 to index
          %swap3A_516 = arith.constant 96 : index
          %swap3A_517 = tpu.vector_load %arg12[%swap3A_515, %swap3A_516] {strides = array<i32>} : memref<80x144xf32, #tpu.memory_space<vmem>>, vector<1x16xf32>,
          %swap3A_518 = vector.shape_cast %swap3A_517 : vector<1x16xf32> to vector<16xf32>
          %swap3A_519 = vector.shape_cast %mul3A_514 : vector<16xf32> to vector<1x16xf32>
          tpu.vector_store %arg12[%swap3A_515, %swap3A_516], %swap3A_519 {strides = array<i32>} : memref<80x144xf32, #tpu.memory_space<vmem>>, vector<1x16xf32>,
          %add3A_520 = arith.constant 2 : i32
          %add3A_521 = arith.addi %mul3A_307, %add3A_520 : i32
          %get3A_522 = arith.index_cast %add3A_521 : i32 to index
          %get3A_523 = arith.constant 48 : index
          %get3A_524 = tpu.vector_load %arg10[%get3A_522, %get3A_523] {strides = array<i32>} : memref<80x64xf32, #tpu.memory_space<vmem>>, vector<1x16xf32>,
          %get3A_525 = vector.shape_cast %get3A_524 : vector<1x16xf32> to vector<16xf32>
          %swap3A_526 = arith.index_cast %add3A_468 : i32 to index
          %swap3A_527 = arith.constant 48 : index
          %swap3A_528 = tpu.vector_load %arg12[%swap3A_526, %swap3A_527] {strides = array<i32>} : memref<80x144xf32, #tpu.memory_space<vmem>>, vector<1x16xf32>,
          %swap3A_529 = vector.shape_cast %swap3A_528 : vector<1x16xf32> to vector<16xf32>
          %swap3A_530 = vector.shape_cast %get3A_525 : vector<16xf32> to vector<1x16xf32>
          tpu.vector_store %arg12[%swap3A_526, %swap3A_527], %swap3A_530 {strides = array<i32>} : memref<80x144xf32, #tpu.memory_space<vmem>>, vector<1x16xf32>,
          %mul3A_531 = arith.mulf %get3A_525, %get3A_525 : vector<16xf32>
          %swap3A_532 = arith.index_cast %add3A_468 : i32 to index
          %swap3A_533 = arith.constant 112 : index
          %swap3A_534 = tpu.vector_load %arg12[%swap3A_532, %swap3A_533] {strides = array<i32>} : memref<80x144xf32, #tpu.memory_space<vmem>>, vector<1x16xf32>,
          %swap3A_535 = vector.shape_cast %swap3A_534 : vector<1x16xf32> to vector<16xf32>
          %swap3A_536 = vector.shape_cast %mul3A_531 : vector<16xf32> to vector<1x16xf32>
          tpu.vector_store %arg12[%swap3A_532, %swap3A_533], %swap3A_536 {strides = array<i32>} : memref<80x144xf32, #tpu.memory_space<vmem>>, vector<1x16xf32>,
          %swap3A_537 = arith.index_cast %add3A_468 : i32 to index
          %swap3A_538 = arith.constant 128 : index
          %swap3A_539 = tpu.vector_load %arg12[%swap3A_537, %swap3A_538] {strides = array<i32>} : memref<80x144xf32, #tpu.memory_space<vmem>>, vector<1x16xf32>,
          %swap3A_540 = vector.shape_cast %swap3A_539 : vector<1x16xf32> to vector<16xf32>
          %swap3A_541 = vector.shape_cast %select_n3A : vector<16xf32> to vector<1x16xf32>
          tpu.vector_store %arg12[%swap3A_537, %swap3A_538], %swap3A_541 {strides = array<i32>} : memref<80x144xf32, #tpu.memory_space<vmem>>, vector<1x16xf32>,
          %add3A_542 = arith.constant 3 : i32
          %add3A_543 = arith.addi %scan3A_305, %add3A_542 : i32
          %add3A_544 = arith.constant 3 : i32
          %add3A_545 = arith.addi %mul3A_307, %add3A_544 : i32
          %get3A_546 = arith.index_cast %add3A_545 : i32 to index
          %get3A_547 = arith.constant 0 : index
          %get3A_548 = tpu.vector_load %arg10[%get3A_546, %get3A_547] {strides = array<i32>} : memref<80x64xf32, #tpu.memory_space<vmem>>, vector<1x16xf32>,
          %get3A_549 = vector.shape_cast %get3A_548 : vector<1x16xf32> to vector<16xf32>
          %swap3A_550 = arith.index_cast %add3A_543 : i32 to index
          %swap3A_551 = arith.constant 0 : index
          %swap3A_552 = tpu.vector_load %arg12[%swap3A_550, %swap3A_551] {strides = array<i32>} : memref<80x144xf32, #tpu.memory_space<vmem>>, vector<1x16xf32>,
          %swap3A_553 = vector.shape_cast %swap3A_552 : vector<1x16xf32> to vector<16xf32>
          %swap3A_554 = vector.shape_cast %get3A_549 : vector<16xf32> to vector<1x16xf32>
          tpu.vector_store %arg12[%swap3A_550, %swap3A_551], %swap3A_554 {strides = array<i32>} : memref<80x144xf32, #tpu.memory_space<vmem>>, vector<1x16xf32>,
          %mul3A_555 = arith.mulf %get3A_549, %get3A_549 : vector<16xf32>
          %swap3A_556 = arith.index_cast %add3A_543 : i32 to index
          %swap3A_557 = arith.constant 64 : index
          %swap3A_558 = tpu.vector_load %arg12[%swap3A_556, %swap3A_557] {strides = array<i32>} : memref<80x144xf32, #tpu.memory_space<vmem>>, vector<1x16xf32>,
          %swap3A_559 = vector.shape_cast %swap3A_558 : vector<1x16xf32> to vector<16xf32>
          %swap3A_560 = vector.shape_cast %mul3A_555 : vector<16xf32> to vector<1x16xf32>
          tpu.vector_store %arg12[%swap3A_556, %swap3A_557], %swap3A_560 {strides = array<i32>} : memref<80x144xf32, #tpu.memory_space<vmem>>, vector<1x16xf32>,
          %add3A_561 = arith.constant 3 : i32
          %add3A_562 = arith.addi %mul3A_307, %add3A_561 : i32
          %get3A_563 = arith.index_cast %add3A_562 : i32 to index
          %get3A_564 = arith.constant 16 : index
          %get3A_565 = tpu.vector_load %arg10[%get3A_563, %get3A_564] {strides = array<i32>} : memref<80x64xf32, #tpu.memory_space<vmem>>, vector<1x16xf32>,
          %get3A_566 = vector.shape_cast %get3A_565 : vector<1x16xf32> to vector<16xf32>
          %swap3A_567 = arith.index_cast %add3A_543 : i32 to index
          %swap3A_568 = arith.constant 16 : index
          %swap3A_569 = tpu.vector_load %arg12[%swap3A_567, %swap3A_568] {strides = array<i32>} : memref<80x144xf32, #tpu.memory_space<vmem>>, vector<1x16xf32>,
          %swap3A_570 = vector.shape_cast %swap3A_569 : vector<1x16xf32> to vector<16xf32>
          %swap3A_571 = vector.shape_cast %get3A_566 : vector<16xf32> to vector<1x16xf32>
          tpu.vector_store %arg12[%swap3A_567, %swap3A_568], %swap3A_571 {strides = array<i32>} : memref<80x144xf32, #tpu.memory_space<vmem>>, vector<1x16xf32>,
          %mul3A_572 = arith.mulf %get3A_566, %get3A_566 : vector<16xf32>
          %swap3A_573 = arith.index_cast %add3A_543 : i32 to index
          %swap3A_574 = arith.constant 80 : index
          %swap3A_575 = tpu.vector_load %arg12[%swap3A_573, %swap3A_574] {strides = array<i32>} : memref<80x144xf32, #tpu.memory_space<vmem>>, vector<1x16xf32>,
          %swap3A_576 = vector.shape_cast %swap3A_575 : vector<1x16xf32> to vector<16xf32>
          %swap3A_577 = vector.shape_cast %mul3A_572 : vector<16xf32> to vector<1x16xf32>
          tpu.vector_store %arg12[%swap3A_573, %swap3A_574], %swap3A_577 {strides = array<i32>} : memref<80x144xf32, #tpu.memory_space<vmem>>, vector<1x16xf32>,
          %add3A_578 = arith.constant 3 : i32
          %add3A_579 = arith.addi %mul3A_307, %add3A_578 : i32
          %get3A_580 = arith.index_cast %add3A_579 : i32 to index
          %get3A_581 = arith.constant 32 : index
          %get3A_582 = tpu.vector_load %arg10[%get3A_580, %get3A_581] {strides = array<i32>} : memref<80x64xf32, #tpu.memory_space<vmem>>, vector<1x16xf32>,
          %get3A_583 = vector.shape_cast %get3A_582 : vector<1x16xf32> to vector<16xf32>
          %swap3A_584 = arith.index_cast %add3A_543 : i32 to index
          %swap3A_585 = arith.constant 32 : index
          %swap3A_586 = tpu.vector_load %arg12[%swap3A_584, %swap3A_585] {strides = array<i32>} : memref<80x144xf32, #tpu.memory_space<vmem>>, vector<1x16xf32>,
          %swap3A_587 = vector.shape_cast %swap3A_586 : vector<1x16xf32> to vector<16xf32>
          %swap3A_588 = vector.shape_cast %get3A_583 : vector<16xf32> to vector<1x16xf32>
          tpu.vector_store %arg12[%swap3A_584, %swap3A_585], %swap3A_588 {strides = array<i32>} : memref<80x144xf32, #tpu.memory_space<vmem>>, vector<1x16xf32>,
          %mul3A_589 = arith.mulf %get3A_583, %get3A_583 : vector<16xf32>
          %swap3A_590 = arith.index_cast %add3A_543 : i32 to index
          %swap3A_591 = arith.constant 96 : index
          %swap3A_592 = tpu.vector_load %arg12[%swap3A_590, %swap3A_591] {strides = array<i32>} : memref<80x144xf32, #tpu.memory_space<vmem>>, vector<1x16xf32>,
          %swap3A_593 = vector.shape_cast %swap3A_592 : vector<1x16xf32> to vector<16xf32>
          %swap3A_594 = vector.shape_cast %mul3A_589 : vector<16xf32> to vector<1x16xf32>
          tpu.vector_store %arg12[%swap3A_590, %swap3A_591], %swap3A_594 {strides = array<i32>} : memref<80x144xf32, #tpu.memory_space<vmem>>, vector<1x16xf32>,
          %add3A_595 = arith.constant 3 : i32
          %add3A_596 = arith.addi %mul3A_307, %add3A_595 : i32
          %get3A_597 = arith.index_cast %add3A_596 : i32 to index
          %get3A_598 = arith.constant 48 : index
          %get3A_599 = tpu.vector_load %arg10[%get3A_597, %get3A_598] {strides = array<i32>} : memref<80x64xf32, #tpu.memory_space<vmem>>, vector<1x16xf32>,
          %get3A_600 = vector.shape_cast %get3A_599 : vector<1x16xf32> to vector<16xf32>
          %swap3A_601 = arith.index_cast %add3A_543 : i32 to index
          %swap3A_602 = arith.constant 48 : index
          %swap3A_603 = tpu.vector_load %arg12[%swap3A_601, %swap3A_602] {strides = array<i32>} : memref<80x144xf32, #tpu.memory_space<vmem>>, vector<1x16xf32>,
          %swap3A_604 = vector.shape_cast %swap3A_603 : vector<1x16xf32> to vector<16xf32>
          %swap3A_605 = vector.shape_cast %get3A_600 : vector<16xf32> to vector<1x16xf32>
          tpu.vector_store %arg12[%swap3A_601, %swap3A_602], %swap3A_605 {strides = array<i32>} : memref<80x144xf32, #tpu.memory_space<vmem>>, vector<1x16xf32>,
          %mul3A_606 = arith.mulf %get3A_600, %get3A_600 : vector<16xf32>
          %swap3A_607 = arith.index_cast %add3A_543 : i32 to index
          %swap3A_608 = arith.constant 112 : index
          %swap3A_609 = tpu.vector_load %arg12[%swap3A_607, %swap3A_608] {strides = array<i32>} : memref<80x144xf32, #tpu.memory_space<vmem>>, vector<1x16xf32>,
          %swap3A_610 = vector.shape_cast %swap3A_609 : vector<1x16xf32> to vector<16xf32>
          %swap3A_611 = vector.shape_cast %mul3A_606 : vector<16xf32> to vector<1x16xf32>
          tpu.vector_store %arg12[%swap3A_607, %swap3A_608], %swap3A_611 {strides = array<i32>} : memref<80x144xf32, #tpu.memory_space<vmem>>, vector<1x16xf32>,
          %swap3A_612 = arith.index_cast %add3A_543 : i32 to index
          %swap3A_613 = arith.constant 128 : index
          %swap3A_614 = tpu.vector_load %arg12[%swap3A_612, %swap3A_613] {strides = array<i32>} : memref<80x144xf32, #tpu.memory_space<vmem>>, vector<1x16xf32>,
          %swap3A_615 = vector.shape_cast %swap3A_614 : vector<1x16xf32> to vector<16xf32>
          %swap3A_616 = vector.shape_cast %select_n3A : vector<16xf32> to vector<1x16xf32>
          tpu.vector_store %arg12[%swap3A_612, %swap3A_613], %swap3A_616 {strides = array<i32>} : memref<80x144xf32, #tpu.memory_space<vmem>>, vector<1x16xf32>,
          %add3A_617 = arith.constant 4 : i32
          %add3A_618 = arith.addi %scan3A_305, %add3A_617 : i32
          %add3A_619 = arith.constant 4 : i32
          %add3A_620 = arith.addi %mul3A_307, %add3A_619 : i32
          %get3A_621 = arith.index_cast %add3A_620 : i32 to index
          %get3A_622 = arith.constant 0 : index
          %get3A_623 = tpu.vector_load %arg10[%get3A_621, %get3A_622] {strides = array<i32>} : memref<80x64xf32, #tpu.memory_space<vmem>>, vector<1x16xf32>,
          %get3A_624 = vector.shape_cast %get3A_623 : vector<1x16xf32> to vector<16xf32>
          %swap3A_625 = arith.index_cast %add3A_618 : i32 to index
          %swap3A_626 = arith.constant 0 : index
          %swap3A_627 = tpu.vector_load %arg12[%swap3A_625, %swap3A_626] {strides = array<i32>} : memref<80x144xf32, #tpu.memory_space<vmem>>, vector<1x16xf32>,
          %swap3A_628 = vector.shape_cast %swap3A_627 : vector<1x16xf32> to vector<16xf32>
          %swap3A_629 = vector.shape_cast %get3A_624 : vector<16xf32> to vector<1x16xf32>
          tpu.vector_store %arg12[%swap3A_625, %swap3A_626], %swap3A_629 {strides = array<i32>} : memref<80x144xf32, #tpu.memory_space<vmem>>, vector<1x16xf32>,
          %mul3A_630 = arith.mulf %get3A_624, %get3A_624 : vector<16xf32>
          %swap3A_631 = arith.index_cast %add3A_618 : i32 to index
          %swap3A_632 = arith.constant 64 : index
          %swap3A_633 = tpu.vector_load %arg12[%swap3A_631, %swap3A_632] {strides = array<i32>} : memref<80x144xf32, #tpu.memory_space<vmem>>, vector<1x16xf32>,
          %swap3A_634 = vector.shape_cast %swap3A_633 : vector<1x16xf32> to vector<16xf32>
          %swap3A_635 = vector.shape_cast %mul3A_630 : vector<16xf32> to vector<1x16xf32>
          tpu.vector_store %arg12[%swap3A_631, %swap3A_632], %swap3A_635 {strides = array<i32>} : memref<80x144xf32, #tpu.memory_space<vmem>>, vector<1x16xf32>,
          %add3A_636 = arith.constant 4 : i32
          %add3A_637 = arith.addi %mul3A_307, %add3A_636 : i32
          %get3A_638 = arith.index_cast %add3A_637 : i32 to index
          %get3A_639 = arith.constant 16 : index
          %get3A_640 = tpu.vector_load %arg10[%get3A_638, %get3A_639] {strides = array<i32>} : memref<80x64xf32, #tpu.memory_space<vmem>>, vector<1x16xf32>,
          %get3A_641 = vector.shape_cast %get3A_640 : vector<1x16xf32> to vector<16xf32>
          %swap3A_642 = arith.index_cast %add3A_618 : i32 to index
          %swap3A_643 = arith.constant 16 : index
          %swap3A_644 = tpu.vector_load %arg12[%swap3A_642, %swap3A_643] {strides = array<i32>} : memref<80x144xf32, #tpu.memory_space<vmem>>, vector<1x16xf32>,
          %swap3A_645 = vector.shape_cast %swap3A_644 : vector<1x16xf32> to vector<16xf32>
          %swap3A_646 = vector.shape_cast %get3A_641 : vector<16xf32> to vector<1x16xf32>
          tpu.vector_store %arg12[%swap3A_642, %swap3A_643], %swap3A_646 {strides = array<i32>} : memref<80x144xf32, #tpu.memory_space<vmem>>, vector<1x16xf32>,
          %mul3A_647 = arith.mulf %get3A_641, %get3A_641 : vector<16xf32>
          %swap3A_648 = arith.index_cast %add3A_618 : i32 to index
          %swap3A_649 = arith.constant 80 : index
          %swap3A_650 = tpu.vector_load %arg12[%swap3A_648, %swap3A_649] {strides = array<i32>} : memref<80x144xf32, #tpu.memory_space<vmem>>, vector<1x16xf32>,
          %swap3A_651 = vector.shape_cast %swap3A_650 : vector<1x16xf32> to vector<16xf32>
          %swap3A_652 = vector.shape_cast %mul3A_647 : vector<16xf32> to vector<1x16xf32>
          tpu.vector_store %arg12[%swap3A_648, %swap3A_649], %swap3A_652 {strides = array<i32>} : memref<80x144xf32, #tpu.memory_space<vmem>>, vector<1x16xf32>,
          %add3A_653 = arith.constant 4 : i32
          %add3A_654 = arith.addi %mul3A_307, %add3A_653 : i32
          %get3A_655 = arith.index_cast %add3A_654 : i32 to index
          %get3A_656 = arith.constant 32 : index
          %get3A_657 = tpu.vector_load %arg10[%get3A_655, %get3A_656] {strides = array<i32>} : memref<80x64xf32, #tpu.memory_space<vmem>>, vector<1x16xf32>,
          %get3A_658 = vector.shape_cast %get3A_657 : vector<1x16xf32> to vector<16xf32>
          %swap3A_659 = arith.index_cast %add3A_618 : i32 to index
          %swap3A_660 = arith.constant 32 : index
          %swap3A_661 = tpu.vector_load %arg12[%swap3A_659, %swap3A_660] {strides = array<i32>} : memref<80x144xf32, #tpu.memory_space<vmem>>, vector<1x16xf32>,
          %swap3A_662 = vector.shape_cast %swap3A_661 : vector<1x16xf32> to vector<16xf32>
          %swap3A_663 = vector.shape_cast %get3A_658 : vector<16xf32> to vector<1x16xf32>
          tpu.vector_store %arg12[%swap3A_659, %swap3A_660], %swap3A_663 {strides = array<i32>} : memref<80x144xf32, #tpu.memory_space<vmem>>, vector<1x16xf32>,
          %mul3A_664 = arith.mulf %get3A_658, %get3A_658 : vector<16xf32>
          %swap3A_665 = arith.index_cast %add3A_618 : i32 to index
          %swap3A_666 = arith.constant 96 : index
          %swap3A_667 = tpu.vector_load %arg12[%swap3A_665, %swap3A_666] {strides = array<i32>} : memref<80x144xf32, #tpu.memory_space<vmem>>, vector<1x16xf32>,
          %swap3A_668 = vector.shape_cast %swap3A_667 : vector<1x16xf32> to vector<16xf32>
          %swap3A_669 = vector.shape_cast %mul3A_664 : vector<16xf32> to vector<1x16xf32>
          tpu.vector_store %arg12[%swap3A_665, %swap3A_666], %swap3A_669 {strides = array<i32>} : memref<80x144xf32, #tpu.memory_space<vmem>>, vector<1x16xf32>,
          %add3A_670 = arith.constant 4 : i32
          %add3A_671 = arith.addi %mul3A_307, %add3A_670 : i32
          %get3A_672 = arith.index_cast %add3A_671 : i32 to index
          %get3A_673 = arith.constant 48 : index
          %get3A_674 = tpu.vector_load %arg10[%get3A_672, %get3A_673] {strides = array<i32>} : memref<80x64xf32, #tpu.memory_space<vmem>>, vector<1x16xf32>,
          %get3A_675 = vector.shape_cast %get3A_674 : vector<1x16xf32> to vector<16xf32>
          %swap3A_676 = arith.index_cast %add3A_618 : i32 to index
          %swap3A_677 = arith.constant 48 : index
          %swap3A_678 = tpu.vector_load %arg12[%swap3A_676, %swap3A_677] {strides = array<i32>} : memref<80x144xf32, #tpu.memory_space<vmem>>, vector<1x16xf32>,
          %swap3A_679 = vector.shape_cast %swap3A_678 : vector<1x16xf32> to vector<16xf32>
          %swap3A_680 = vector.shape_cast %get3A_675 : vector<16xf32> to vector<1x16xf32>
          tpu.vector_store %arg12[%swap3A_676, %swap3A_677], %swap3A_680 {strides = array<i32>} : memref<80x144xf32, #tpu.memory_space<vmem>>, vector<1x16xf32>,
          %mul3A_681 = arith.mulf %get3A_675, %get3A_675 : vector<16xf32>
          %swap3A_682 = arith.index_cast %add3A_618 : i32 to index
          %swap3A_683 = arith.constant 112 : index
          %swap3A_684 = tpu.vector_load %arg12[%swap3A_682, %swap3A_683] {strides = array<i32>} : memref<80x144xf32, #tpu.memory_space<vmem>>, vector<1x16xf32>,
          %swap3A_685 = vector.shape_cast %swap3A_684 : vector<1x16xf32> to vector<16xf32>
          %swap3A_686 = vector.shape_cast %mul3A_681 : vector<16xf32> to vector<1x16xf32>
          tpu.vector_store %arg12[%swap3A_682, %swap3A_683], %swap3A_686 {strides = array<i32>} : memref<80x144xf32, #tpu.memory_space<vmem>>, vector<1x16xf32>,
          %swap3A_687 = arith.index_cast %add3A_618 : i32 to index
          %swap3A_688 = arith.constant 128 : index
          %swap3A_689 = tpu.vector_load %arg12[%swap3A_687, %swap3A_688] {strides = array<i32>} : memref<80x144xf32, #tpu.memory_space<vmem>>, vector<1x16xf32>,
          %swap3A_690 = vector.shape_cast %swap3A_689 : vector<1x16xf32> to vector<16xf32>
          %swap3A_691 = vector.shape_cast %select_n3A : vector<16xf32> to vector<1x16xf32>
          tpu.vector_store %arg12[%swap3A_687, %swap3A_688], %swap3A_691 {strides = array<i32>} : memref<80x144xf32, #tpu.memory_space<vmem>>, vector<1x16xf32>,
          %add3A_692 = arith.constant 5 : i32
          %add3A_693 = arith.addi %scan3A_305, %add3A_692 : i32
          %add3A_694 = arith.constant 5 : i32
          %add3A_695 = arith.addi %mul3A_307, %add3A_694 : i32
          %get3A_696 = arith.index_cast %add3A_695 : i32 to index
          %get3A_697 = arith.constant 0 : index
          %get3A_698 = tpu.vector_load %arg10[%get3A_696, %get3A_697] {strides = array<i32>} : memref<80x64xf32, #tpu.memory_space<vmem>>, vector<1x16xf32>,
          %get3A_699 = vector.shape_cast %get3A_698 : vector<1x16xf32> to vector<16xf32>
          %swap3A_700 = arith.index_cast %add3A_693 : i32 to index
          %swap3A_701 = arith.constant 0 : index
          %swap3A_702 = tpu.vector_load %arg12[%swap3A_700, %swap3A_701] {strides = array<i32>} : memref<80x144xf32, #tpu.memory_space<vmem>>, vector<1x16xf32>,
          %swap3A_703 = vector.shape_cast %swap3A_702 : vector<1x16xf32> to vector<16xf32>
          %swap3A_704 = vector.shape_cast %get3A_699 : vector<16xf32> to vector<1x16xf32>
          tpu.vector_store %arg12[%swap3A_700, %swap3A_701], %swap3A_704 {strides = array<i32>} : memref<80x144xf32, #tpu.memory_space<vmem>>, vector<1x16xf32>,
          %mul3A_705 = arith.mulf %get3A_699, %get3A_699 : vector<16xf32>
          %swap3A_706 = arith.index_cast %add3A_693 : i32 to index
          %swap3A_707 = arith.constant 64 : index
          %swap3A_708 = tpu.vector_load %arg12[%swap3A_706, %swap3A_707] {strides = array<i32>} : memref<80x144xf32, #tpu.memory_space<vmem>>, vector<1x16xf32>,
          %swap3A_709 = vector.shape_cast %swap3A_708 : vector<1x16xf32> to vector<16xf32>
          %swap3A_710 = vector.shape_cast %mul3A_705 : vector<16xf32> to vector<1x16xf32>
          tpu.vector_store %arg12[%swap3A_706, %swap3A_707], %swap3A_710 {strides = array<i32>} : memref<80x144xf32, #tpu.memory_space<vmem>>, vector<1x16xf32>,
          %add3A_711 = arith.constant 5 : i32
          %add3A_712 = arith.addi %mul3A_307, %add3A_711 : i32
          %get3A_713 = arith.index_cast %add3A_712 : i32 to index
          %get3A_714 = arith.constant 16 : index
          %get3A_715 = tpu.vector_load %arg10[%get3A_713, %get3A_714] {strides = array<i32>} : memref<80x64xf32, #tpu.memory_space<vmem>>, vector<1x16xf32>,
          %get3A_716 = vector.shape_cast %get3A_715 : vector<1x16xf32> to vector<16xf32>
          %swap3A_717 = arith.index_cast %add3A_693 : i32 to index
          %swap3A_718 = arith.constant 16 : index
          %swap3A_719 = tpu.vector_load %arg12[%swap3A_717, %swap3A_718] {strides = array<i32>} : memref<80x144xf32, #tpu.memory_space<vmem>>, vector<1x16xf32>,
          %swap3A_720 = vector.shape_cast %swap3A_719 : vector<1x16xf32> to vector<16xf32>
          %swap3A_721 = vector.shape_cast %get3A_716 : vector<16xf32> to vector<1x16xf32>
          tpu.vector_store %arg12[%swap3A_717, %swap3A_718], %swap3A_721 {strides = array<i32>} : memref<80x144xf32, #tpu.memory_space<vmem>>, vector<1x16xf32>,
          %mul3A_722 = arith.mulf %get3A_716, %get3A_716 : vector<16xf32>
          %swap3A_723 = arith.index_cast %add3A_693 : i32 to index
          %swap3A_724 = arith.constant 80 : index
          %swap3A_725 = tpu.vector_load %arg12[%swap3A_723, %swap3A_724] {strides = array<i32>} : memref<80x144xf32, #tpu.memory_space<vmem>>, vector<1x16xf32>,
          %swap3A_726 = vector.shape_cast %swap3A_725 : vector<1x16xf32> to vector<16xf32>
          %swap3A_727 = vector.shape_cast %mul3A_722 : vector<16xf32> to vector<1x16xf32>
          tpu.vector_store %arg12[%swap3A_723, %swap3A_724], %swap3A_727 {strides = array<i32>} : memref<80x144xf32, #tpu.memory_space<vmem>>, vector<1x16xf32>,
          %add3A_728 = arith.constant 5 : i32
          %add3A_729 = arith.addi %mul3A_307, %add3A_728 : i32
          %get3A_730 = arith.index_cast %add3A_729 : i32 to index
          %get3A_731 = arith.constant 32 : index
          %get3A_732 = tpu.vector_load %arg10[%get3A_730, %get3A_731] {strides = array<i32>} : memref<80x64xf32, #tpu.memory_space<vmem>>, vector<1x16xf32>,
          %get3A_733 = vector.shape_cast %get3A_732 : vector<1x16xf32> to vector<16xf32>
          %swap3A_734 = arith.index_cast %add3A_693 : i32 to index
          %swap3A_735 = arith.constant 32 : index
          %swap3A_736 = tpu.vector_load %arg12[%swap3A_734, %swap3A_735] {strides = array<i32>} : memref<80x144xf32, #tpu.memory_space<vmem>>, vector<1x16xf32>,
          %swap3A_737 = vector.shape_cast %swap3A_736 : vector<1x16xf32> to vector<16xf32>
          %swap3A_738 = vector.shape_cast %get3A_733 : vector<16xf32> to vector<1x16xf32>
          tpu.vector_store %arg12[%swap3A_734, %swap3A_735], %swap3A_738 {strides = array<i32>} : memref<80x144xf32, #tpu.memory_space<vmem>>, vector<1x16xf32>,
          %mul3A_739 = arith.mulf %get3A_733, %get3A_733 : vector<16xf32>
          %swap3A_740 = arith.index_cast %add3A_693 : i32 to index
          %swap3A_741 = arith.constant 96 : index
          %swap3A_742 = tpu.vector_load %arg12[%swap3A_740, %swap3A_741] {strides = array<i32>} : memref<80x144xf32, #tpu.memory_space<vmem>>, vector<1x16xf32>,
          %swap3A_743 = vector.shape_cast %swap3A_742 : vector<1x16xf32> to vector<16xf32>
          %swap3A_744 = vector.shape_cast %mul3A_739 : vector<16xf32> to vector<1x16xf32>
          tpu.vector_store %arg12[%swap3A_740, %swap3A_741], %swap3A_744 {strides = array<i32>} : memref<80x144xf32, #tpu.memory_space<vmem>>, vector<1x16xf32>,
          %add3A_745 = arith.constant 5 : i32
          %add3A_746 = arith.addi %mul3A_307, %add3A_745 : i32
          %get3A_747 = arith.index_cast %add3A_746 : i32 to index
          %get3A_748 = arith.constant 48 : index
          %get3A_749 = tpu.vector_load %arg10[%get3A_747, %get3A_748] {strides = array<i32>} : memref<80x64xf32, #tpu.memory_space<vmem>>, vector<1x16xf32>,
          %get3A_750 = vector.shape_cast %get3A_749 : vector<1x16xf32> to vector<16xf32>
          %swap3A_751 = arith.index_cast %add3A_693 : i32 to index
          %swap3A_752 = arith.constant 48 : index
          %swap3A_753 = tpu.vector_load %arg12[%swap3A_751, %swap3A_752] {strides = array<i32>} : memref<80x144xf32, #tpu.memory_space<vmem>>, vector<1x16xf32>,
          %swap3A_754 = vector.shape_cast %swap3A_753 : vector<1x16xf32> to vector<16xf32>
          %swap3A_755 = vector.shape_cast %get3A_750 : vector<16xf32> to vector<1x16xf32>
          tpu.vector_store %arg12[%swap3A_751, %swap3A_752], %swap3A_755 {strides = array<i32>} : memref<80x144xf32, #tpu.memory_space<vmem>>, vector<1x16xf32>,
          %mul3A_756 = arith.mulf %get3A_750, %get3A_750 : vector<16xf32>
          %swap3A_757 = arith.index_cast %add3A_693 : i32 to index
          %swap3A_758 = arith.constant 112 : index
          %swap3A_759 = tpu.vector_load %arg12[%swap3A_757, %swap3A_758] {strides = array<i32>} : memref<80x144xf32, #tpu.memory_space<vmem>>, vector<1x16xf32>,
          %swap3A_760 = vector.shape_cast %swap3A_759 : vector<1x16xf32> to vector<16xf32>
          %swap3A_761 = vector.shape_cast %mul3A_756 : vector<16xf32> to vector<1x16xf32>
          tpu.vector_store %arg12[%swap3A_757, %swap3A_758], %swap3A_761 {strides = array<i32>} : memref<80x144xf32, #tpu.memory_space<vmem>>, vector<1x16xf32>,
          %swap3A_762 = arith.index_cast %add3A_693 : i32 to index
          %swap3A_763 = arith.constant 128 : index
          %swap3A_764 = tpu.vector_load %arg12[%swap3A_762, %swap3A_763] {strides = array<i32>} : memref<80x144xf32, #tpu.memory_space<vmem>>, vector<1x16xf32>,
          %swap3A_765 = vector.shape_cast %swap3A_764 : vector<1x16xf32> to vector<16xf32>
          %swap3A_766 = vector.shape_cast %select_n3A : vector<16xf32> to vector<1x16xf32>
          tpu.vector_store %arg12[%swap3A_762, %swap3A_763], %swap3A_766 {strides = array<i32>} : memref<80x144xf32, #tpu.memory_space<vmem>>, vector<1x16xf32>,
          %add3A_767 = arith.constant 6 : i32
          %add3A_768 = arith.addi %scan3A_305, %add3A_767 : i32
          %add3A_769 = arith.constant 6 : i32
          %add3A_770 = arith.addi %mul3A_307, %add3A_769 : i32
          %get3A_771 = arith.index_cast %add3A_770 : i32 to index
          %get3A_772 = arith.constant 0 : index
          %get3A_773 = tpu.vector_load %arg10[%get3A_771, %get3A_772] {strides = array<i32>} : memref<80x64xf32, #tpu.memory_space<vmem>>, vector<1x16xf32>,
          %get3A_774 = vector.shape_cast %get3A_773 : vector<1x16xf32> to vector<16xf32>
          %swap3A_775 = arith.index_cast %add3A_768 : i32 to index
          %swap3A_776 = arith.constant 0 : index
          %swap3A_777 = tpu.vector_load %arg12[%swap3A_775, %swap3A_776] {strides = array<i32>} : memref<80x144xf32, #tpu.memory_space<vmem>>, vector<1x16xf32>,
          %swap3A_778 = vector.shape_cast %swap3A_777 : vector<1x16xf32> to vector<16xf32>
          %swap3A_779 = vector.shape_cast %get3A_774 : vector<16xf32> to vector<1x16xf32>
          tpu.vector_store %arg12[%swap3A_775, %swap3A_776], %swap3A_779 {strides = array<i32>} : memref<80x144xf32, #tpu.memory_space<vmem>>, vector<1x16xf32>,
          %mul3A_780 = arith.mulf %get3A_774, %get3A_774 : vector<16xf32>
          %swap3A_781 = arith.index_cast %add3A_768 : i32 to index
          %swap3A_782 = arith.constant 64 : index
          %swap3A_783 = tpu.vector_load %arg12[%swap3A_781, %swap3A_782] {strides = array<i32>} : memref<80x144xf32, #tpu.memory_space<vmem>>, vector<1x16xf32>,
          %swap3A_784 = vector.shape_cast %swap3A_783 : vector<1x16xf32> to vector<16xf32>
          %swap3A_785 = vector.shape_cast %mul3A_780 : vector<16xf32> to vector<1x16xf32>
          tpu.vector_store %arg12[%swap3A_781, %swap3A_782], %swap3A_785 {strides = array<i32>} : memref<80x144xf32, #tpu.memory_space<vmem>>, vector<1x16xf32>,
          %add3A_786 = arith.constant 6 : i32
          %add3A_787 = arith.addi %mul3A_307, %add3A_786 : i32
          %get3A_788 = arith.index_cast %add3A_787 : i32 to index
          %get3A_789 = arith.constant 16 : index
          %get3A_790 = tpu.vector_load %arg10[%get3A_788, %get3A_789] {strides = array<i32>} : memref<80x64xf32, #tpu.memory_space<vmem>>, vector<1x16xf32>,
          %get3A_791 = vector.shape_cast %get3A_790 : vector<1x16xf32> to vector<16xf32>
          %swap3A_792 = arith.index_cast %add3A_768 : i32 to index
          %swap3A_793 = arith.constant 16 : index
          %swap3A_794 = tpu.vector_load %arg12[%swap3A_792, %swap3A_793] {strides = array<i32>} : memref<80x144xf32, #tpu.memory_space<vmem>>, vector<1x16xf32>,
          %swap3A_795 = vector.shape_cast %swap3A_794 : vector<1x16xf32> to vector<16xf32>
          %swap3A_796 = vector.shape_cast %get3A_791 : vector<16xf32> to vector<1x16xf32>
          tpu.vector_store %arg12[%swap3A_792, %swap3A_793], %swap3A_796 {strides = array<i32>} : memref<80x144xf32, #tpu.memory_space<vmem>>, vector<1x16xf32>,
          %mul3A_797 = arith.mulf %get3A_791, %get3A_791 : vector<16xf32>
          %swap3A_798 = arith.index_cast %add3A_768 : i32 to index
          %swap3A_799 = arith.constant 80 : index
          %swap3A_800 = tpu.vector_load %arg12[%swap3A_798, %swap3A_799] {strides = array<i32>} : memref<80x144xf32, #tpu.memory_space<vmem>>, vector<1x16xf32>,
          %swap3A_801 = vector.shape_cast %swap3A_800 : vector<1x16xf32> to vector<16xf32>
          %swap3A_802 = vector.shape_cast %mul3A_797 : vector<16xf32> to vector<1x16xf32>
          tpu.vector_store %arg12[%swap3A_798, %swap3A_799], %swap3A_802 {strides = array<i32>} : memref<80x144xf32, #tpu.memory_space<vmem>>, vector<1x16xf32>,
          %add3A_803 = arith.constant 6 : i32
          %add3A_804 = arith.addi %mul3A_307, %add3A_803 : i32
          %get3A_805 = arith.index_cast %add3A_804 : i32 to index
          %get3A_806 = arith.constant 32 : index
          %get3A_807 = tpu.vector_load %arg10[%get3A_805, %get3A_806] {strides = array<i32>} : memref<80x64xf32, #tpu.memory_space<vmem>>, vector<1x16xf32>,
          %get3A_808 = vector.shape_cast %get3A_807 : vector<1x16xf32> to vector<16xf32>
          %swap3A_809 = arith.index_cast %add3A_768 : i32 to index
          %swap3A_810 = arith.constant 32 : index
          %swap3A_811 = tpu.vector_load %arg12[%swap3A_809, %swap3A_810] {strides = array<i32>} : memref<80x144xf32, #tpu.memory_space<vmem>>, vector<1x16xf32>,
          %swap3A_812 = vector.shape_cast %swap3A_811 : vector<1x16xf32> to vector<16xf32>
          %swap3A_813 = vector.shape_cast %get3A_808 : vector<16xf32> to vector<1x16xf32>
          tpu.vector_store %arg12[%swap3A_809, %swap3A_810], %swap3A_813 {strides = array<i32>} : memref<80x144xf32, #tpu.memory_space<vmem>>, vector<1x16xf32>,
          %mul3A_814 = arith.mulf %get3A_808, %get3A_808 : vector<16xf32>
          %swap3A_815 = arith.index_cast %add3A_768 : i32 to index
          %swap3A_816 = arith.constant 96 : index
          %swap3A_817 = tpu.vector_load %arg12[%swap3A_815, %swap3A_816] {strides = array<i32>} : memref<80x144xf32, #tpu.memory_space<vmem>>, vector<1x16xf32>,
          %swap3A_818 = vector.shape_cast %swap3A_817 : vector<1x16xf32> to vector<16xf32>
          %swap3A_819 = vector.shape_cast %mul3A_814 : vector<16xf32> to vector<1x16xf32>
          tpu.vector_store %arg12[%swap3A_815, %swap3A_816], %swap3A_819 {strides = array<i32>} : memref<80x144xf32, #tpu.memory_space<vmem>>, vector<1x16xf32>,
          %add3A_820 = arith.constant 6 : i32
          %add3A_821 = arith.addi %mul3A_307, %add3A_820 : i32
          %get3A_822 = arith.index_cast %add3A_821 : i32 to index
          %get3A_823 = arith.constant 48 : index
          %get3A_824 = tpu.vector_load %arg10[%get3A_822, %get3A_823] {strides = array<i32>} : memref<80x64xf32, #tpu.memory_space<vmem>>, vector<1x16xf32>,
          %get3A_825 = vector.shape_cast %get3A_824 : vector<1x16xf32> to vector<16xf32>
          %swap3A_826 = arith.index_cast %add3A_768 : i32 to index
          %swap3A_827 = arith.constant 48 : index
          %swap3A_828 = tpu.vector_load %arg12[%swap3A_826, %swap3A_827] {strides = array<i32>} : memref<80x144xf32, #tpu.memory_space<vmem>>, vector<1x16xf32>,
          %swap3A_829 = vector.shape_cast %swap3A_828 : vector<1x16xf32> to vector<16xf32>
          %swap3A_830 = vector.shape_cast %get3A_825 : vector<16xf32> to vector<1x16xf32>
          tpu.vector_store %arg12[%swap3A_826, %swap3A_827], %swap3A_830 {strides = array<i32>} : memref<80x144xf32, #tpu.memory_space<vmem>>, vector<1x16xf32>,
          %mul3A_831 = arith.mulf %get3A_825, %get3A_825 : vector<16xf32>
          %swap3A_832 = arith.index_cast %add3A_768 : i32 to index
          %swap3A_833 = arith.constant 112 : index
          %swap3A_834 = tpu.vector_load %arg12[%swap3A_832, %swap3A_833] {strides = array<i32>} : memref<80x144xf32, #tpu.memory_space<vmem>>, vector<1x16xf32>,
          %swap3A_835 = vector.shape_cast %swap3A_834 : vector<1x16xf32> to vector<16xf32>
          %swap3A_836 = vector.shape_cast %mul3A_831 : vector<16xf32> to vector<1x16xf32>
          tpu.vector_store %arg12[%swap3A_832, %swap3A_833], %swap3A_836 {strides = array<i32>} : memref<80x144xf32, #tpu.memory_space<vmem>>, vector<1x16xf32>,
          %swap3A_837 = arith.index_cast %add3A_768 : i32 to index
          %swap3A_838 = arith.constant 128 : index
          %swap3A_839 = tpu.vector_load %arg12[%swap3A_837, %swap3A_838] {strides = array<i32>} : memref<80x144xf32, #tpu.memory_space<vmem>>, vector<1x16xf32>,
          %swap3A_840 = vector.shape_cast %swap3A_839 : vector<1x16xf32> to vector<16xf32>
          %swap3A_841 = vector.shape_cast %select_n3A : vector<16xf32> to vector<1x16xf32>
          tpu.vector_store %arg12[%swap3A_837, %swap3A_838], %swap3A_841 {strides = array<i32>} : memref<80x144xf32, #tpu.memory_space<vmem>>, vector<1x16xf32>,
          %add3A_842 = arith.constant 7 : i32
          %add3A_843 = arith.addi %scan3A_305, %add3A_842 : i32
          %add3A_844 = arith.constant 7 : i32
          %add3A_845 = arith.addi %mul3A_307, %add3A_844 : i32
          %get3A_846 = arith.index_cast %add3A_845 : i32 to index
          %get3A_847 = arith.constant 0 : index
          %get3A_848 = tpu.vector_load %arg10[%get3A_846, %get3A_847] {strides = array<i32>} : memref<80x64xf32, #tpu.memory_space<vmem>>, vector<1x16xf32>,
          %get3A_849 = vector.shape_cast %get3A_848 : vector<1x16xf32> to vector<16xf32>
          %swap3A_850 = arith.index_cast %add3A_843 : i32 to index
          %swap3A_851 = arith.constant 0 : index
          %swap3A_852 = tpu.vector_load %arg12[%swap3A_850, %swap3A_851] {strides = array<i32>} : memref<80x144xf32, #tpu.memory_space<vmem>>, vector<1x16xf32>,
          %swap3A_853 = vector.shape_cast %swap3A_852 : vector<1x16xf32> to vector<16xf32>
          %swap3A_854 = vector.shape_cast %get3A_849 : vector<16xf32> to vector<1x16xf32>
          tpu.vector_store %arg12[%swap3A_850, %swap3A_851], %swap3A_854 {strides = array<i32>} : memref<80x144xf32, #tpu.memory_space<vmem>>, vector<1x16xf32>,
          %mul3A_855 = arith.mulf %get3A_849, %get3A_849 : vector<16xf32>
          %swap3A_856 = arith.index_cast %add3A_843 : i32 to index
          %swap3A_857 = arith.constant 64 : index
          %swap3A_858 = tpu.vector_load %arg12[%swap3A_856, %swap3A_857] {strides = array<i32>} : memref<80x144xf32, #tpu.memory_space<vmem>>, vector<1x16xf32>,
          %swap3A_859 = vector.shape_cast %swap3A_858 : vector<1x16xf32> to vector<16xf32>
          %swap3A_860 = vector.shape_cast %mul3A_855 : vector<16xf32> to vector<1x16xf32>
          tpu.vector_store %arg12[%swap3A_856, %swap3A_857], %swap3A_860 {strides = array<i32>} : memref<80x144xf32, #tpu.memory_space<vmem>>, vector<1x16xf32>,
          %add3A_861 = arith.constant 7 : i32
          %add3A_862 = arith.addi %mul3A_307, %add3A_861 : i32
          %get3A_863 = arith.index_cast %add3A_862 : i32 to index
          %get3A_864 = arith.constant 16 : index
          %get3A_865 = tpu.vector_load %arg10[%get3A_863, %get3A_864] {strides = array<i32>} : memref<80x64xf32, #tpu.memory_space<vmem>>, vector<1x16xf32>,
          %get3A_866 = vector.shape_cast %get3A_865 : vector<1x16xf32> to vector<16xf32>
          %swap3A_867 = arith.index_cast %add3A_843 : i32 to index
          %swap3A_868 = arith.constant 16 : index
          %swap3A_869 = tpu.vector_load %arg12[%swap3A_867, %swap3A_868] {strides = array<i32>} : memref<80x144xf32, #tpu.memory_space<vmem>>, vector<1x16xf32>,
          %swap3A_870 = vector.shape_cast %swap3A_869 : vector<1x16xf32> to vector<16xf32>
          %swap3A_871 = vector.shape_cast %get3A_866 : vector<16xf32> to vector<1x16xf32>
          tpu.vector_store %arg12[%swap3A_867, %swap3A_868], %swap3A_871 {strides = array<i32>} : memref<80x144xf32, #tpu.memory_space<vmem>>, vector<1x16xf32>,
          %mul3A_872 = arith.mulf %get3A_866, %get3A_866 : vector<16xf32>
          %swap3A_873 = arith.index_cast %add3A_843 : i32 to index
          %swap3A_874 = arith.constant 80 : index
          %swap3A_875 = tpu.vector_load %arg12[%swap3A_873, %swap3A_874] {strides = array<i32>} : memref<80x144xf32, #tpu.memory_space<vmem>>, vector<1x16xf32>,
          %swap3A_876 = vector.shape_cast %swap3A_875 : vector<1x16xf32> to vector<16xf32>
          %swap3A_877 = vector.shape_cast %mul3A_872 : vector<16xf32> to vector<1x16xf32>
          tpu.vector_store %arg12[%swap3A_873, %swap3A_874], %swap3A_877 {strides = array<i32>} : memref<80x144xf32, #tpu.memory_space<vmem>>, vector<1x16xf32>,
          %add3A_878 = arith.constant 7 : i32
          %add3A_879 = arith.addi %mul3A_307, %add3A_878 : i32
          %get3A_880 = arith.index_cast %add3A_879 : i32 to index
          %get3A_881 = arith.constant 32 : index
          %get3A_882 = tpu.vector_load %arg10[%get3A_880, %get3A_881] {strides = array<i32>} : memref<80x64xf32, #tpu.memory_space<vmem>>, vector<1x16xf32>,
          %get3A_883 = vector.shape_cast %get3A_882 : vector<1x16xf32> to vector<16xf32>
          %swap3A_884 = arith.index_cast %add3A_843 : i32 to index
          %swap3A_885 = arith.constant 32 : index
          %swap3A_886 = tpu.vector_load %arg12[%swap3A_884, %swap3A_885] {strides = array<i32>} : memref<80x144xf32, #tpu.memory_space<vmem>>, vector<1x16xf32>,
          %swap3A_887 = vector.shape_cast %swap3A_886 : vector<1x16xf32> to vector<16xf32>
          %swap3A_888 = vector.shape_cast %get3A_883 : vector<16xf32> to vector<1x16xf32>
          tpu.vector_store %arg12[%swap3A_884, %swap3A_885], %swap3A_888 {strides = array<i32>} : memref<80x144xf32, #tpu.memory_space<vmem>>, vector<1x16xf32>,
          %mul3A_889 = arith.mulf %get3A_883, %get3A_883 : vector<16xf32>
          %swap3A_890 = arith.index_cast %add3A_843 : i32 to index
          %swap3A_891 = arith.constant 96 : index
          %swap3A_892 = tpu.vector_load %arg12[%swap3A_890, %swap3A_891] {strides = array<i32>} : memref<80x144xf32, #tpu.memory_space<vmem>>, vector<1x16xf32>,
          %swap3A_893 = vector.shape_cast %swap3A_892 : vector<1x16xf32> to vector<16xf32>
          %swap3A_894 = vector.shape_cast %mul3A_889 : vector<16xf32> to vector<1x16xf32>
          tpu.vector_store %arg12[%swap3A_890, %swap3A_891], %swap3A_894 {strides = array<i32>} : memref<80x144xf32, #tpu.memory_space<vmem>>, vector<1x16xf32>,
          %add3A_895 = arith.constant 7 : i32
          %add3A_896 = arith.addi %mul3A_307, %add3A_895 : i32
          %get3A_897 = arith.index_cast %add3A_896 : i32 to index
          %get3A_898 = arith.constant 48 : index
          %get3A_899 = tpu.vector_load %arg10[%get3A_897, %get3A_898] {strides = array<i32>} : memref<80x64xf32, #tpu.memory_space<vmem>>, vector<1x16xf32>,
          %get3A_900 = vector.shape_cast %get3A_899 : vector<1x16xf32> to vector<16xf32>
          %swap3A_901 = arith.index_cast %add3A_843 : i32 to index
          %swap3A_902 = arith.constant 48 : index
          %swap3A_903 = tpu.vector_load %arg12[%swap3A_901, %swap3A_902] {strides = array<i32>} : memref<80x144xf32, #tpu.memory_space<vmem>>, vector<1x16xf32>,
          %swap3A_904 = vector.shape_cast %swap3A_903 : vector<1x16xf32> to vector<16xf32>
          %swap3A_905 = vector.shape_cast %get3A_900 : vector<16xf32> to vector<1x16xf32>
          tpu.vector_store %arg12[%swap3A_901, %swap3A_902], %swap3A_905 {strides = array<i32>} : memref<80x144xf32, #tpu.memory_space<vmem>>, vector<1x16xf32>,
          %mul3A_906 = arith.mulf %get3A_900, %get3A_900 : vector<16xf32>
          %swap3A_907 = arith.index_cast %add3A_843 : i32 to index
          %swap3A_908 = arith.constant 112 : index
          %swap3A_909 = tpu.vector_load %arg12[%swap3A_907, %swap3A_908] {strides = array<i32>} : memref<80x144xf32, #tpu.memory_space<vmem>>, vector<1x16xf32>,
          %swap3A_910 = vector.shape_cast %swap3A_909 : vector<1x16xf32> to vector<16xf32>
          %swap3A_911 = vector.shape_cast %mul3A_906 : vector<16xf32> to vector<1x16xf32>
          tpu.vector_store %arg12[%swap3A_907, %swap3A_908], %swap3A_911 {strides = array<i32>} : memref<80x144xf32, #tpu.memory_space<vmem>>, vector<1x16xf32>,
          %swap3A_912 = arith.index_cast %add3A_843 : i32 to index
          %swap3A_913 = arith.constant 128 : index
          %swap3A_914 = tpu.vector_load %arg12[%swap3A_912, %swap3A_913] {strides = array<i32>} : memref<80x144xf32, #tpu.memory_space<vmem>>, vector<1x16xf32>,
          %swap3A_915 = vector.shape_cast %swap3A_914 : vector<1x16xf32> to vector<16xf32>
          %swap3A_916 = vector.shape_cast %select_n3A : vector<16xf32> to vector<1x16xf32>
          tpu.vector_store %arg12[%swap3A_912, %swap3A_913], %swap3A_916 {strides = array<i32>} : memref<80x144xf32, #tpu.memory_space<vmem>>, vector<1x16xf32>,
          %add3A_917 = arith.constant 8 : i32
          %add3A_918 = arith.addi %scan3A_305, %add3A_917 : i32
          %add3A_919 = arith.constant 8 : i32
          %add3A_920 = arith.addi %mul3A_307, %add3A_919 : i32
          %get3A_921 = arith.index_cast %add3A_920 : i32 to index
          %get3A_922 = arith.constant 0 : index
          %get3A_923 = tpu.vector_load %arg10[%get3A_921, %get3A_922] {strides = array<i32>} : memref<80x64xf32, #tpu.memory_space<vmem>>, vector<1x16xf32>,
          %get3A_924 = vector.shape_cast %get3A_923 : vector<1x16xf32> to vector<16xf32>
          %swap3A_925 = arith.index_cast %add3A_918 : i32 to index
          %swap3A_926 = arith.constant 0 : index
          %swap3A_927 = tpu.vector_load %arg12[%swap3A_925, %swap3A_926] {strides = array<i32>} : memref<80x144xf32, #tpu.memory_space<vmem>>, vector<1x16xf32>,
          %swap3A_928 = vector.shape_cast %swap3A_927 : vector<1x16xf32> to vector<16xf32>
          %swap3A_929 = vector.shape_cast %get3A_924 : vector<16xf32> to vector<1x16xf32>
          tpu.vector_store %arg12[%swap3A_925, %swap3A_926], %swap3A_929 {strides = array<i32>} : memref<80x144xf32, #tpu.memory_space<vmem>>, vector<1x16xf32>,
          %mul3A_930 = arith.mulf %get3A_924, %get3A_924 : vector<16xf32>
          %swap3A_931 = arith.index_cast %add3A_918 : i32 to index
          %swap3A_932 = arith.constant 64 : index
          %swap3A_933 = tpu.vector_load %arg12[%swap3A_931, %swap3A_932] {strides = array<i32>} : memref<80x144xf32, #tpu.memory_space<vmem>>, vector<1x16xf32>,
          %swap3A_934 = vector.shape_cast %swap3A_933 : vector<1x16xf32> to vector<16xf32>
          %swap3A_935 = vector.shape_cast %mul3A_930 : vector<16xf32> to vector<1x16xf32>
          tpu.vector_store %arg12[%swap3A_931, %swap3A_932], %swap3A_935 {strides = array<i32>} : memref<80x144xf32, #tpu.memory_space<vmem>>, vector<1x16xf32>,
          %add3A_936 = arith.constant 8 : i32
          %add3A_937 = arith.addi %mul3A_307, %add3A_936 : i32
          %get3A_938 = arith.index_cast %add3A_937 : i32 to index
          %get3A_939 = arith.constant 16 : index
          %get3A_940 = tpu.vector_load %arg10[%get3A_938, %get3A_939] {strides = array<i32>} : memref<80x64xf32, #tpu.memory_space<vmem>>, vector<1x16xf32>,
          %get3A_941 = vector.shape_cast %get3A_940 : vector<1x16xf32> to vector<16xf32>
          %swap3A_942 = arith.index_cast %add3A_918 : i32 to index
          %swap3A_943 = arith.constant 16 : index
          %swap3A_944 = tpu.vector_load %arg12[%swap3A_942, %swap3A_943] {strides = array<i32>} : memref<80x144xf32, #tpu.memory_space<vmem>>, vector<1x16xf32>,
          %swap3A_945 = vector.shape_cast %swap3A_944 : vector<1x16xf32> to vector<16xf32>
          %swap3A_946 = vector.shape_cast %get3A_941 : vector<16xf32> to vector<1x16xf32>
          tpu.vector_store %arg12[%swap3A_942, %swap3A_943], %swap3A_946 {strides = array<i32>} : memref<80x144xf32, #tpu.memory_space<vmem>>, vector<1x16xf32>,
          %mul3A_947 = arith.mulf %get3A_941, %get3A_941 : vector<16xf32>
          %swap3A_948 = arith.index_cast %add3A_918 : i32 to index
          %swap3A_949 = arith.constant 80 : index
          %swap3A_950 = tpu.vector_load %arg12[%swap3A_948, %swap3A_949] {strides = array<i32>} : memref<80x144xf32, #tpu.memory_space<vmem>>, vector<1x16xf32>,
          %swap3A_951 = vector.shape_cast %swap3A_950 : vector<1x16xf32> to vector<16xf32>
          %swap3A_952 = vector.shape_cast %mul3A_947 : vector<16xf32> to vector<1x16xf32>
          tpu.vector_store %arg12[%swap3A_948, %swap3A_949], %swap3A_952 {strides = array<i32>} : memref<80x144xf32, #tpu.memory_space<vmem>>, vector<1x16xf32>,
          %add3A_953 = arith.constant 8 : i32
          %add3A_954 = arith.addi %mul3A_307, %add3A_953 : i32
          %get3A_955 = arith.index_cast %add3A_954 : i32 to index
          %get3A_956 = arith.constant 32 : index
          %get3A_957 = tpu.vector_load %arg10[%get3A_955, %get3A_956] {strides = array<i32>} : memref<80x64xf32, #tpu.memory_space<vmem>>, vector<1x16xf32>,
          %get3A_958 = vector.shape_cast %get3A_957 : vector<1x16xf32> to vector<16xf32>
          %swap3A_959 = arith.index_cast %add3A_918 : i32 to index
          %swap3A_960 = arith.constant 32 : index
          %swap3A_961 = tpu.vector_load %arg12[%swap3A_959, %swap3A_960] {strides = array<i32>} : memref<80x144xf32, #tpu.memory_space<vmem>>, vector<1x16xf32>,
          %swap3A_962 = vector.shape_cast %swap3A_961 : vector<1x16xf32> to vector<16xf32>
          %swap3A_963 = vector.shape_cast %get3A_958 : vector<16xf32> to vector<1x16xf32>
          tpu.vector_store %arg12[%swap3A_959, %swap3A_960], %swap3A_963 {strides = array<i32>} : memref<80x144xf32, #tpu.memory_space<vmem>>, vector<1x16xf32>,
          %mul3A_964 = arith.mulf %get3A_958, %get3A_958 : vector<16xf32>
          %swap3A_965 = arith.index_cast %add3A_918 : i32 to index
          %swap3A_966 = arith.constant 96 : index
          %swap3A_967 = tpu.vector_load %arg12[%swap3A_965, %swap3A_966] {strides = array<i32>} : memref<80x144xf32, #tpu.memory_space<vmem>>, vector<1x16xf32>,
          %swap3A_968 = vector.shape_cast %swap3A_967 : vector<1x16xf32> to vector<16xf32>
          %swap3A_969 = vector.shape_cast %mul3A_964 : vector<16xf32> to vector<1x16xf32>
          tpu.vector_store %arg12[%swap3A_965, %swap3A_966], %swap3A_969 {strides = array<i32>} : memref<80x144xf32, #tpu.memory_space<vmem>>, vector<1x16xf32>,
          %add3A_970 = arith.constant 8 : i32
          %add3A_971 = arith.addi %mul3A_307, %add3A_970 : i32
          %get3A_972 = arith.index_cast %add3A_971 : i32 to index
          %get3A_973 = arith.constant 48 : index
          %get3A_974 = tpu.vector_load %arg10[%get3A_972, %get3A_973] {strides = array<i32>} : memref<80x64xf32, #tpu.memory_space<vmem>>, vector<1x16xf32>,
          %get3A_975 = vector.shape_cast %get3A_974 : vector<1x16xf32> to vector<16xf32>
          %swap3A_976 = arith.index_cast %add3A_918 : i32 to index
          %swap3A_977 = arith.constant 48 : index
          %swap3A_978 = tpu.vector_load %arg12[%swap3A_976, %swap3A_977] {strides = array<i32>} : memref<80x144xf32, #tpu.memory_space<vmem>>, vector<1x16xf32>,
          %swap3A_979 = vector.shape_cast %swap3A_978 : vector<1x16xf32> to vector<16xf32>
          %swap3A_980 = vector.shape_cast %get3A_975 : vector<16xf32> to vector<1x16xf32>
          tpu.vector_store %arg12[%swap3A_976, %swap3A_977], %swap3A_980 {strides = array<i32>} : memref<80x144xf32, #tpu.memory_space<vmem>>, vector<1x16xf32>,
          %mul3A_981 = arith.mulf %get3A_975, %get3A_975 : vector<16xf32>
          %swap3A_982 = arith.index_cast %add3A_918 : i32 to index
          %swap3A_983 = arith.constant 112 : index
          %swap3A_984 = tpu.vector_load %arg12[%swap3A_982, %swap3A_983] {strides = array<i32>} : memref<80x144xf32, #tpu.memory_space<vmem>>, vector<1x16xf32>,
          %swap3A_985 = vector.shape_cast %swap3A_984 : vector<1x16xf32> to vector<16xf32>
          %swap3A_986 = vector.shape_cast %mul3A_981 : vector<16xf32> to vector<1x16xf32>
          tpu.vector_store %arg12[%swap3A_982, %swap3A_983], %swap3A_986 {strides = array<i32>} : memref<80x144xf32, #tpu.memory_space<vmem>>, vector<1x16xf32>,
          %swap3A_987 = arith.index_cast %add3A_918 : i32 to index
          %swap3A_988 = arith.constant 128 : index
          %swap3A_989 = tpu.vector_load %arg12[%swap3A_987, %swap3A_988] {strides = array<i32>} : memref<80x144xf32, #tpu.memory_space<vmem>>, vector<1x16xf32>,
          %swap3A_990 = vector.shape_cast %swap3A_989 : vector<1x16xf32> to vector<16xf32>
          %swap3A_991 = vector.shape_cast %select_n3A : vector<16xf32> to vector<1x16xf32>
          tpu.vector_store %arg12[%swap3A_987, %swap3A_988], %swap3A_991 {strides = array<i32>} : memref<80x144xf32, #tpu.memory_space<vmem>>, vector<1x16xf32>,
          %add3A_992 = arith.constant 9 : i32
          %add3A_993 = arith.addi %scan3A_305, %add3A_992 : i32
          %add3A_994 = arith.constant 9 : i32
          %add3A_995 = arith.addi %mul3A_307, %add3A_994 : i32
          %get3A_996 = arith.index_cast %add3A_995 : i32 to index
          %get3A_997 = arith.constant 0 : index
          %get3A_998 = tpu.vector_load %arg10[%get3A_996, %get3A_997] {strides = array<i32>} : memref<80x64xf32, #tpu.memory_space<vmem>>, vector<1x16xf32>,
          %get3A_999 = vector.shape_cast %get3A_998 : vector<1x16xf32> to vector<16xf32>
          %swap3A_1000 = arith.index_cast %add3A_993 : i32 to index
          %swap3A_1001 = arith.constant 0 : index
          %swap3A_1002 = tpu.vector_load %arg12[%swap3A_1000, %swap3A_1001] {strides = array<i32>} : memref<80x144xf32, #tpu.memory_space<vmem>>, vector<1x16xf32>,
          %swap3A_1003 = vector.shape_cast %swap3A_1002 : vector<1x16xf32> to vector<16xf32>
          %swap3A_1004 = vector.shape_cast %get3A_999 : vector<16xf32> to vector<1x16xf32>
          tpu.vector_store %arg12[%swap3A_1000, %swap3A_1001], %swap3A_1004 {strides = array<i32>} : memref<80x144xf32, #tpu.memory_space<vmem>>, vector<1x16xf32>,
          %mul3A_1005 = arith.mulf %get3A_999, %get3A_999 : vector<16xf32>
          %swap3A_1006 = arith.index_cast %add3A_993 : i32 to index
          %swap3A_1007 = arith.constant 64 : index
          %swap3A_1008 = tpu.vector_load %arg12[%swap3A_1006, %swap3A_1007] {strides = array<i32>} : memref<80x144xf32, #tpu.memory_space<vmem>>, vector<1x16xf32>,
          %swap3A_1009 = vector.shape_cast %swap3A_1008 : vector<1x16xf32> to vector<16xf32>
          %swap3A_1010 = vector.shape_cast %mul3A_1005 : vector<16xf32> to vector<1x16xf32>
          tpu.vector_store %arg12[%swap3A_1006, %swap3A_1007], %swap3A_1010 {strides = array<i32>} : memref<80x144xf32, #tpu.memory_space<vmem>>, vector<1x16xf32>,
          %add3A_1011 = arith.constant 9 : i32
          %add3A_1012 = arith.addi %mul3A_307, %add3A_1011 : i32
          %get3A_1013 = arith.index_cast %add3A_1012 : i32 to index
          %get3A_1014 = arith.constant 16 : index
          %get3A_1015 = tpu.vector_load %arg10[%get3A_1013, %get3A_1014] {strides = array<i32>} : memref<80x64xf32, #tpu.memory_space<vmem>>, vector<1x16xf32>,
          %get3A_1016 = vector.shape_cast %get3A_1015 : vector<1x16xf32> to vector<16xf32>
          %swap3A_1017 = arith.index_cast %add3A_993 : i32 to index
          %swap3A_1018 = arith.constant 16 : index
          %swap3A_1019 = tpu.vector_load %arg12[%swap3A_1017, %swap3A_1018] {strides = array<i32>} : memref<80x144xf32, #tpu.memory_space<vmem>>, vector<1x16xf32>,
          %swap3A_1020 = vector.shape_cast %swap3A_1019 : vector<1x16xf32> to vector<16xf32>
          %swap3A_1021 = vector.shape_cast %get3A_1016 : vector<16xf32> to vector<1x16xf32>
          tpu.vector_store %arg12[%swap3A_1017, %swap3A_1018], %swap3A_1021 {strides = array<i32>} : memref<80x144xf32, #tpu.memory_space<vmem>>, vector<1x16xf32>,
          %mul3A_1022 = arith.mulf %get3A_1016, %get3A_1016 : vector<16xf32>
          %swap3A_1023 = arith.index_cast %add3A_993 : i32 to index
          %swap3A_1024 = arith.constant 80 : index
          %swap3A_1025 = tpu.vector_load %arg12[%swap3A_1023, %swap3A_1024] {strides = array<i32>} : memref<80x144xf32, #tpu.memory_space<vmem>>, vector<1x16xf32>,
          %swap3A_1026 = vector.shape_cast %swap3A_1025 : vector<1x16xf32> to vector<16xf32>
          %swap3A_1027 = vector.shape_cast %mul3A_1022 : vector<16xf32> to vector<1x16xf32>
          tpu.vector_store %arg12[%swap3A_1023, %swap3A_1024], %swap3A_1027 {strides = array<i32>} : memref<80x144xf32, #tpu.memory_space<vmem>>, vector<1x16xf32>,
          %add3A_1028 = arith.constant 9 : i32
          %add3A_1029 = arith.addi %mul3A_307, %add3A_1028 : i32
          %get3A_1030 = arith.index_cast %add3A_1029 : i32 to index
          %get3A_1031 = arith.constant 32 : index
          %get3A_1032 = tpu.vector_load %arg10[%get3A_1030, %get3A_1031] {strides = array<i32>} : memref<80x64xf32, #tpu.memory_space<vmem>>, vector<1x16xf32>,
          %get3A_1033 = vector.shape_cast %get3A_1032 : vector<1x16xf32> to vector<16xf32>
          %swap3A_1034 = arith.index_cast %add3A_993 : i32 to index
          %swap3A_1035 = arith.constant 32 : index
          %swap3A_1036 = tpu.vector_load %arg12[%swap3A_1034, %swap3A_1035] {strides = array<i32>} : memref<80x144xf32, #tpu.memory_space<vmem>>, vector<1x16xf32>,
          %swap3A_1037 = vector.shape_cast %swap3A_1036 : vector<1x16xf32> to vector<16xf32>
          %swap3A_1038 = vector.shape_cast %get3A_1033 : vector<16xf32> to vector<1x16xf32>
          tpu.vector_store %arg12[%swap3A_1034, %swap3A_1035], %swap3A_1038 {strides = array<i32>} : memref<80x144xf32, #tpu.memory_space<vmem>>, vector<1x16xf32>,
          %mul3A_1039 = arith.mulf %get3A_1033, %get3A_1033 : vector<16xf32>
          %swap3A_1040 = arith.index_cast %add3A_993 : i32 to index
          %swap3A_1041 = arith.constant 96 : index
          %swap3A_1042 = tpu.vector_load %arg12[%swap3A_1040, %swap3A_1041] {strides = array<i32>} : memref<80x144xf32, #tpu.memory_space<vmem>>, vector<1x16xf32>,
          %swap3A_1043 = vector.shape_cast %swap3A_1042 : vector<1x16xf32> to vector<16xf32>
          %swap3A_1044 = vector.shape_cast %mul3A_1039 : vector<16xf32> to vector<1x16xf32>
          tpu.vector_store %arg12[%swap3A_1040, %swap3A_1041], %swap3A_1044 {strides = array<i32>} : memref<80x144xf32, #tpu.memory_space<vmem>>, vector<1x16xf32>,
          %add3A_1045 = arith.constant 9 : i32
          %add3A_1046 = arith.addi %mul3A_307, %add3A_1045 : i32
          %get3A_1047 = arith.index_cast %add3A_1046 : i32 to index
          %get3A_1048 = arith.constant 48 : index
          %get3A_1049 = tpu.vector_load %arg10[%get3A_1047, %get3A_1048] {strides = array<i32>} : memref<80x64xf32, #tpu.memory_space<vmem>>, vector<1x16xf32>,
          %get3A_1050 = vector.shape_cast %get3A_1049 : vector<1x16xf32> to vector<16xf32>
          %swap3A_1051 = arith.index_cast %add3A_993 : i32 to index
          %swap3A_1052 = arith.constant 48 : index
          %swap3A_1053 = tpu.vector_load %arg12[%swap3A_1051, %swap3A_1052] {strides = array<i32>} : memref<80x144xf32, #tpu.memory_space<vmem>>, vector<1x16xf32>,
          %swap3A_1054 = vector.shape_cast %swap3A_1053 : vector<1x16xf32> to vector<16xf32>
          %swap3A_1055 = vector.shape_cast %get3A_1050 : vector<16xf32> to vector<1x16xf32>
          tpu.vector_store %arg12[%swap3A_1051, %swap3A_1052], %swap3A_1055 {strides = array<i32>} : memref<80x144xf32, #tpu.memory_space<vmem>>, vector<1x16xf32>,
          %mul3A_1056 = arith.mulf %get3A_1050, %get3A_1050 : vector<16xf32>
          %swap3A_1057 = arith.index_cast %add3A_993 : i32 to index
          %swap3A_1058 = arith.constant 112 : index
          %swap3A_1059 = tpu.vector_load %arg12[%swap3A_1057, %swap3A_1058] {strides = array<i32>} : memref<80x144xf32, #tpu.memory_space<vmem>>, vector<1x16xf32>,
          %swap3A_1060 = vector.shape_cast %swap3A_1059 : vector<1x16xf32> to vector<16xf32>
          %swap3A_1061 = vector.shape_cast %mul3A_1056 : vector<16xf32> to vector<1x16xf32>
          tpu.vector_store %arg12[%swap3A_1057, %swap3A_1058], %swap3A_1061 {strides = array<i32>} : memref<80x144xf32, #tpu.memory_space<vmem>>, vector<1x16xf32>,
          %swap3A_1062 = arith.index_cast %add3A_993 : i32 to index
          %swap3A_1063 = arith.constant 128 : index
          %swap3A_1064 = tpu.vector_load %arg12[%swap3A_1062, %swap3A_1063] {strides = array<i32>} : memref<80x144xf32, #tpu.memory_space<vmem>>, vector<1x16xf32>,
          %swap3A_1065 = vector.shape_cast %swap3A_1064 : vector<1x16xf32> to vector<16xf32>
          %swap3A_1066 = vector.shape_cast %select_n3A : vector<16xf32> to vector<1x16xf32>
          tpu.vector_store %arg12[%swap3A_1062, %swap3A_1063], %swap3A_1066 {strides = array<i32>} : memref<80x144xf32, #tpu.memory_space<vmem>>, vector<1x16xf32>,
          %add3A_1067 = arith.constant 10 : i32
          %add3A_1068 = arith.addi %scan3A_305, %add3A_1067 : i32
          %add3A_1069 = arith.constant 10 : i32
          %add3A_1070 = arith.addi %mul3A_307, %add3A_1069 : i32
          %get3A_1071 = arith.index_cast %add3A_1070 : i32 to index
          %get3A_1072 = arith.constant 0 : index
          %get3A_1073 = tpu.vector_load %arg10[%get3A_1071, %get3A_1072] {strides = array<i32>} : memref<80x64xf32, #tpu.memory_space<vmem>>, vector<1x16xf32>,
          %get3A_1074 = vector.shape_cast %get3A_1073 : vector<1x16xf32> to vector<16xf32>
          %swap3A_1075 = arith.index_cast %add3A_1068 : i32 to index
          %swap3A_1076 = arith.constant 0 : index
          %swap3A_1077 = tpu.vector_load %arg12[%swap3A_1075, %swap3A_1076] {strides = array<i32>} : memref<80x144xf32, #tpu.memory_space<vmem>>, vector<1x16xf32>,
          %swap3A_1078 = vector.shape_cast %swap3A_1077 : vector<1x16xf32> to vector<16xf32>
          %swap3A_1079 = vector.shape_cast %get3A_1074 : vector<16xf32> to vector<1x16xf32>
          tpu.vector_store %arg12[%swap3A_1075, %swap3A_1076], %swap3A_1079 {strides = array<i32>} : memref<80x144xf32, #tpu.memory_space<vmem>>, vector<1x16xf32>,
          %mul3A_1080 = arith.mulf %get3A_1074, %get3A_1074 : vector<16xf32>
          %swap3A_1081 = arith.index_cast %add3A_1068 : i32 to index
          %swap3A_1082 = arith.constant 64 : index
          %swap3A_1083 = tpu.vector_load %arg12[%swap3A_1081, %swap3A_1082] {strides = array<i32>} : memref<80x144xf32, #tpu.memory_space<vmem>>, vector<1x16xf32>,
          %swap3A_1084 = vector.shape_cast %swap3A_1083 : vector<1x16xf32> to vector<16xf32>
          %swap3A_1085 = vector.shape_cast %mul3A_1080 : vector<16xf32> to vector<1x16xf32>
          tpu.vector_store %arg12[%swap3A_1081, %swap3A_1082], %swap3A_1085 {strides = array<i32>} : memref<80x144xf32, #tpu.memory_space<vmem>>, vector<1x16xf32>,
          %add3A_1086 = arith.constant 10 : i32
          %add3A_1087 = arith.addi %mul3A_307, %add3A_1086 : i32
          %get3A_1088 = arith.index_cast %add3A_1087 : i32 to index
          %get3A_1089 = arith.constant 16 : index
          %get3A_1090 = tpu.vector_load %arg10[%get3A_1088, %get3A_1089] {strides = array<i32>} : memref<80x64xf32, #tpu.memory_space<vmem>>, vector<1x16xf32>,
          %get3A_1091 = vector.shape_cast %get3A_1090 : vector<1x16xf32> to vector<16xf32>
          %swap3A_1092 = arith.index_cast %add3A_1068 : i32 to index
          %swap3A_1093 = arith.constant 16 : index
          %swap3A_1094 = tpu.vector_load %arg12[%swap3A_1092, %swap3A_1093] {strides = array<i32>} : memref<80x144xf32, #tpu.memory_space<vmem>>, vector<1x16xf32>,
          %swap3A_1095 = vector.shape_cast %swap3A_1094 : vector<1x16xf32> to vector<16xf32>
          %swap3A_1096 = vector.shape_cast %get3A_1091 : vector<16xf32> to vector<1x16xf32>
          tpu.vector_store %arg12[%swap3A_1092, %swap3A_1093], %swap3A_1096 {strides = array<i32>} : memref<80x144xf32, #tpu.memory_space<vmem>>, vector<1x16xf32>,
          %mul3A_1097 = arith.mulf %get3A_1091, %get3A_1091 : vector<16xf32>
          %swap3A_1098 = arith.index_cast %add3A_1068 : i32 to index
          %swap3A_1099 = arith.constant 80 : index
          %swap3A_1100 = tpu.vector_load %arg12[%swap3A_1098, %swap3A_1099] {strides = array<i32>} : memref<80x144xf32, #tpu.memory_space<vmem>>, vector<1x16xf32>,
          %swap3A_1101 = vector.shape_cast %swap3A_1100 : vector<1x16xf32> to vector<16xf32>
          %swap3A_1102 = vector.shape_cast %mul3A_1097 : vector<16xf32> to vector<1x16xf32>
          tpu.vector_store %arg12[%swap3A_1098, %swap3A_1099], %swap3A_1102 {strides = array<i32>} : memref<80x144xf32, #tpu.memory_space<vmem>>, vector<1x16xf32>,
          %add3A_1103 = arith.constant 10 : i32
          %add3A_1104 = arith.addi %mul3A_307, %add3A_1103 : i32
          %get3A_1105 = arith.index_cast %add3A_1104 : i32 to index
          %get3A_1106 = arith.constant 32 : index
          %get3A_1107 = tpu.vector_load %arg10[%get3A_1105, %get3A_1106] {strides = array<i32>} : memref<80x64xf32, #tpu.memory_space<vmem>>, vector<1x16xf32>,
          %get3A_1108 = vector.shape_cast %get3A_1107 : vector<1x16xf32> to vector<16xf32>
          %swap3A_1109 = arith.index_cast %add3A_1068 : i32 to index
          %swap3A_1110 = arith.constant 32 : index
          %swap3A_1111 = tpu.vector_load %arg12[%swap3A_1109, %swap3A_1110] {strides = array<i32>} : memref<80x144xf32, #tpu.memory_space<vmem>>, vector<1x16xf32>,
          %swap3A_1112 = vector.shape_cast %swap3A_1111 : vector<1x16xf32> to vector<16xf32>
          %swap3A_1113 = vector.shape_cast %get3A_1108 : vector<16xf32> to vector<1x16xf32>
          tpu.vector_store %arg12[%swap3A_1109, %swap3A_1110], %swap3A_1113 {strides = array<i32>} : memref<80x144xf32, #tpu.memory_space<vmem>>, vector<1x16xf32>,
          %mul3A_1114 = arith.mulf %get3A_1108, %get3A_1108 : vector<16xf32>
          %swap3A_1115 = arith.index_cast %add3A_1068 : i32 to index
          %swap3A_1116 = arith.constant 96 : index
          %swap3A_1117 = tpu.vector_load %arg12[%swap3A_1115, %swap3A_1116] {strides = array<i32>} : memref<80x144xf32, #tpu.memory_space<vmem>>, vector<1x16xf32>,
          %swap3A_1118 = vector.shape_cast %swap3A_1117 : vector<1x16xf32> to vector<16xf32>
          %swap3A_1119 = vector.shape_cast %mul3A_1114 : vector<16xf32> to vector<1x16xf32>
          tpu.vector_store %arg12[%swap3A_1115, %swap3A_1116], %swap3A_1119 {strides = array<i32>} : memref<80x144xf32, #tpu.memory_space<vmem>>, vector<1x16xf32>,
          %add3A_1120 = arith.constant 10 : i32
          %add3A_1121 = arith.addi %mul3A_307, %add3A_1120 : i32
          %get3A_1122 = arith.index_cast %add3A_1121 : i32 to index
          %get3A_1123 = arith.constant 48 : index
          %get3A_1124 = tpu.vector_load %arg10[%get3A_1122, %get3A_1123] {strides = array<i32>} : memref<80x64xf32, #tpu.memory_space<vmem>>, vector<1x16xf32>,
          %get3A_1125 = vector.shape_cast %get3A_1124 : vector<1x16xf32> to vector<16xf32>
          %swap3A_1126 = arith.index_cast %add3A_1068 : i32 to index
          %swap3A_1127 = arith.constant 48 : index
          %swap3A_1128 = tpu.vector_load %arg12[%swap3A_1126, %swap3A_1127] {strides = array<i32>} : memref<80x144xf32, #tpu.memory_space<vmem>>, vector<1x16xf32>,
          %swap3A_1129 = vector.shape_cast %swap3A_1128 : vector<1x16xf32> to vector<16xf32>
          %swap3A_1130 = vector.shape_cast %get3A_1125 : vector<16xf32> to vector<1x16xf32>
          tpu.vector_store %arg12[%swap3A_1126, %swap3A_1127], %swap3A_1130 {strides = array<i32>} : memref<80x144xf32, #tpu.memory_space<vmem>>, vector<1x16xf32>,
          %mul3A_1131 = arith.mulf %get3A_1125, %get3A_1125 : vector<16xf32>
          %swap3A_1132 = arith.index_cast %add3A_1068 : i32 to index
          %swap3A_1133 = arith.constant 112 : index
          %swap3A_1134 = tpu.vector_load %arg12[%swap3A_1132, %swap3A_1133] {strides = array<i32>} : memref<80x144xf32, #tpu.memory_space<vmem>>, vector<1x16xf32>,
          %swap3A_1135 = vector.shape_cast %swap3A_1134 : vector<1x16xf32> to vector<16xf32>
          %swap3A_1136 = vector.shape_cast %mul3A_1131 : vector<16xf32> to vector<1x16xf32>
          tpu.vector_store %arg12[%swap3A_1132, %swap3A_1133], %swap3A_1136 {strides = array<i32>} : memref<80x144xf32, #tpu.memory_space<vmem>>, vector<1x16xf32>,
          %swap3A_1137 = arith.index_cast %add3A_1068 : i32 to index
          %swap3A_1138 = arith.constant 128 : index
          %swap3A_1139 = tpu.vector_load %arg12[%swap3A_1137, %swap3A_1138] {strides = array<i32>} : memref<80x144xf32, #tpu.memory_space<vmem>>, vector<1x16xf32>,
          %swap3A_1140 = vector.shape_cast %swap3A_1139 : vector<1x16xf32> to vector<16xf32>
          %swap3A_1141 = vector.shape_cast %select_n3A : vector<16xf32> to vector<1x16xf32>
          tpu.vector_store %arg12[%swap3A_1137, %swap3A_1138], %swap3A_1141 {strides = array<i32>} : memref<80x144xf32, #tpu.memory_space<vmem>>, vector<1x16xf32>,
          %add3A_1142 = arith.constant 11 : i32
          %add3A_1143 = arith.addi %scan3A_305, %add3A_1142 : i32
          %add3A_1144 = arith.constant 11 : i32
          %add3A_1145 = arith.addi %mul3A_307, %add3A_1144 : i32
          %get3A_1146 = arith.index_cast %add3A_1145 : i32 to index
          %get3A_1147 = arith.constant 0 : index
          %get3A_1148 = tpu.vector_load %arg10[%get3A_1146, %get3A_1147] {strides = array<i32>} : memref<80x64xf32, #tpu.memory_space<vmem>>, vector<1x16xf32>,
          %get3A_1149 = vector.shape_cast %get3A_1148 : vector<1x16xf32> to vector<16xf32>
          %swap3A_1150 = arith.index_cast %add3A_1143 : i32 to index
          %swap3A_1151 = arith.constant 0 : index
          %swap3A_1152 = tpu.vector_load %arg12[%swap3A_1150, %swap3A_1151] {strides = array<i32>} : memref<80x144xf32, #tpu.memory_space<vmem>>, vector<1x16xf32>,
          %swap3A_1153 = vector.shape_cast %swap3A_1152 : vector<1x16xf32> to vector<16xf32>
          %swap3A_1154 = vector.shape_cast %get3A_1149 : vector<16xf32> to vector<1x16xf32>
          tpu.vector_store %arg12[%swap3A_1150, %swap3A_1151], %swap3A_1154 {strides = array<i32>} : memref<80x144xf32, #tpu.memory_space<vmem>>, vector<1x16xf32>,
          %mul3A_1155 = arith.mulf %get3A_1149, %get3A_1149 : vector<16xf32>
          %swap3A_1156 = arith.index_cast %add3A_1143 : i32 to index
          %swap3A_1157 = arith.constant 64 : index
          %swap3A_1158 = tpu.vector_load %arg12[%swap3A_1156, %swap3A_1157] {strides = array<i32>} : memref<80x144xf32, #tpu.memory_space<vmem>>, vector<1x16xf32>,
          %swap3A_1159 = vector.shape_cast %swap3A_1158 : vector<1x16xf32> to vector<16xf32>
          %swap3A_1160 = vector.shape_cast %mul3A_1155 : vector<16xf32> to vector<1x16xf32>
          tpu.vector_store %arg12[%swap3A_1156, %swap3A_1157], %swap3A_1160 {strides = array<i32>} : memref<80x144xf32, #tpu.memory_space<vmem>>, vector<1x16xf32>,
          %add3A_1161 = arith.constant 11 : i32
          %add3A_1162 = arith.addi %mul3A_307, %add3A_1161 : i32
          %get3A_1163 = arith.index_cast %add3A_1162 : i32 to index
          %get3A_1164 = arith.constant 16 : index
          %get3A_1165 = tpu.vector_load %arg10[%get3A_1163, %get3A_1164] {strides = array<i32>} : memref<80x64xf32, #tpu.memory_space<vmem>>, vector<1x16xf32>,
          %get3A_1166 = vector.shape_cast %get3A_1165 : vector<1x16xf32> to vector<16xf32>
          %swap3A_1167 = arith.index_cast %add3A_1143 : i32 to index
          %swap3A_1168 = arith.constant 16 : index
          %swap3A_1169 = tpu.vector_load %arg12[%swap3A_1167, %swap3A_1168] {strides = array<i32>} : memref<80x144xf32, #tpu.memory_space<vmem>>, vector<1x16xf32>,
          %swap3A_1170 = vector.shape_cast %swap3A_1169 : vector<1x16xf32> to vector<16xf32>
          %swap3A_1171 = vector.shape_cast %get3A_1166 : vector<16xf32> to vector<1x16xf32>
          tpu.vector_store %arg12[%swap3A_1167, %swap3A_1168], %swap3A_1171 {strides = array<i32>} : memref<80x144xf32, #tpu.memory_space<vmem>>, vector<1x16xf32>,
          %mul3A_1172 = arith.mulf %get3A_1166, %get3A_1166 : vector<16xf32>
          %swap3A_1173 = arith.index_cast %add3A_1143 : i32 to index
          %swap3A_1174 = arith.constant 80 : index
          %swap3A_1175 = tpu.vector_load %arg12[%swap3A_1173, %swap3A_1174] {strides = array<i32>} : memref<80x144xf32, #tpu.memory_space<vmem>>, vector<1x16xf32>,
          %swap3A_1176 = vector.shape_cast %swap3A_1175 : vector<1x16xf32> to vector<16xf32>
          %swap3A_1177 = vector.shape_cast %mul3A_1172 : vector<16xf32> to vector<1x16xf32>
          tpu.vector_store %arg12[%swap3A_1173, %swap3A_1174], %swap3A_1177 {strides = array<i32>} : memref<80x144xf32, #tpu.memory_space<vmem>>, vector<1x16xf32>,
          %add3A_1178 = arith.constant 11 : i32
          %add3A_1179 = arith.addi %mul3A_307, %add3A_1178 : i32
          %get3A_1180 = arith.index_cast %add3A_1179 : i32 to index
          %get3A_1181 = arith.constant 32 : index
          %get3A_1182 = tpu.vector_load %arg10[%get3A_1180, %get3A_1181] {strides = array<i32>} : memref<80x64xf32, #tpu.memory_space<vmem>>, vector<1x16xf32>,
          %get3A_1183 = vector.shape_cast %get3A_1182 : vector<1x16xf32> to vector<16xf32>
          %swap3A_1184 = arith.index_cast %add3A_1143 : i32 to index
          %swap3A_1185 = arith.constant 32 : index
          %swap3A_1186 = tpu.vector_load %arg12[%swap3A_1184, %swap3A_1185] {strides = array<i32>} : memref<80x144xf32, #tpu.memory_space<vmem>>, vector<1x16xf32>,
          %swap3A_1187 = vector.shape_cast %swap3A_1186 : vector<1x16xf32> to vector<16xf32>
          %swap3A_1188 = vector.shape_cast %get3A_1183 : vector<16xf32> to vector<1x16xf32>
          tpu.vector_store %arg12[%swap3A_1184, %swap3A_1185], %swap3A_1188 {strides = array<i32>} : memref<80x144xf32, #tpu.memory_space<vmem>>, vector<1x16xf32>,
          %mul3A_1189 = arith.mulf %get3A_1183, %get3A_1183 : vector<16xf32>
          %swap3A_1190 = arith.index_cast %add3A_1143 : i32 to index
          %swap3A_1191 = arith.constant 96 : index
          %swap3A_1192 = tpu.vector_load %arg12[%swap3A_1190, %swap3A_1191] {strides = array<i32>} : memref<80x144xf32, #tpu.memory_space<vmem>>, vector<1x16xf32>,
          %swap3A_1193 = vector.shape_cast %swap3A_1192 : vector<1x16xf32> to vector<16xf32>
          %swap3A_1194 = vector.shape_cast %mul3A_1189 : vector<16xf32> to vector<1x16xf32>
          tpu.vector_store %arg12[%swap3A_1190, %swap3A_1191], %swap3A_1194 {strides = array<i32>} : memref<80x144xf32, #tpu.memory_space<vmem>>, vector<1x16xf32>,
          %add3A_1195 = arith.constant 11 : i32
          %add3A_1196 = arith.addi %mul3A_307, %add3A_1195 : i32
          %get3A_1197 = arith.index_cast %add3A_1196 : i32 to index
          %get3A_1198 = arith.constant 48 : index
          %get3A_1199 = tpu.vector_load %arg10[%get3A_1197, %get3A_1198] {strides = array<i32>} : memref<80x64xf32, #tpu.memory_space<vmem>>, vector<1x16xf32>,
          %get3A_1200 = vector.shape_cast %get3A_1199 : vector<1x16xf32> to vector<16xf32>
          %swap3A_1201 = arith.index_cast %add3A_1143 : i32 to index
          %swap3A_1202 = arith.constant 48 : index
          %swap3A_1203 = tpu.vector_load %arg12[%swap3A_1201, %swap3A_1202] {strides = array<i32>} : memref<80x144xf32, #tpu.memory_space<vmem>>, vector<1x16xf32>,
          %swap3A_1204 = vector.shape_cast %swap3A_1203 : vector<1x16xf32> to vector<16xf32>
          %swap3A_1205 = vector.shape_cast %get3A_1200 : vector<16xf32> to vector<1x16xf32>
          tpu.vector_store %arg12[%swap3A_1201, %swap3A_1202], %swap3A_1205 {strides = array<i32>} : memref<80x144xf32, #tpu.memory_space<vmem>>, vector<1x16xf32>,
          %mul3A_1206 = arith.mulf %get3A_1200, %get3A_1200 : vector<16xf32>
          %swap3A_1207 = arith.index_cast %add3A_1143 : i32 to index
          %swap3A_1208 = arith.constant 112 : index
          %swap3A_1209 = tpu.vector_load %arg12[%swap3A_1207, %swap3A_1208] {strides = array<i32>} : memref<80x144xf32, #tpu.memory_space<vmem>>, vector<1x16xf32>,
          %swap3A_1210 = vector.shape_cast %swap3A_1209 : vector<1x16xf32> to vector<16xf32>
          %swap3A_1211 = vector.shape_cast %mul3A_1206 : vector<16xf32> to vector<1x16xf32>
          tpu.vector_store %arg12[%swap3A_1207, %swap3A_1208], %swap3A_1211 {strides = array<i32>} : memref<80x144xf32, #tpu.memory_space<vmem>>, vector<1x16xf32>,
          %swap3A_1212 = arith.index_cast %add3A_1143 : i32 to index
          %swap3A_1213 = arith.constant 128 : index
          %swap3A_1214 = tpu.vector_load %arg12[%swap3A_1212, %swap3A_1213] {strides = array<i32>} : memref<80x144xf32, #tpu.memory_space<vmem>>, vector<1x16xf32>,
          %swap3A_1215 = vector.shape_cast %swap3A_1214 : vector<1x16xf32> to vector<16xf32>
          %swap3A_1216 = vector.shape_cast %select_n3A : vector<16xf32> to vector<1x16xf32>
          tpu.vector_store %arg12[%swap3A_1212, %swap3A_1213], %swap3A_1216 {strides = array<i32>} : memref<80x144xf32, #tpu.memory_space<vmem>>, vector<1x16xf32>,
          %add3A_1217 = arith.constant 12 : i32
          %add3A_1218 = arith.addi %scan3A_305, %add3A_1217 : i32
          %add3A_1219 = arith.constant 12 : i32
          %add3A_1220 = arith.addi %mul3A_307, %add3A_1219 : i32
          %get3A_1221 = arith.index_cast %add3A_1220 : i32 to index
          %get3A_1222 = arith.constant 0 : index
          %get3A_1223 = tpu.vector_load %arg10[%get3A_1221, %get3A_1222] {strides = array<i32>} : memref<80x64xf32, #tpu.memory_space<vmem>>, vector<1x16xf32>,
          %get3A_1224 = vector.shape_cast %get3A_1223 : vector<1x16xf32> to vector<16xf32>
          %swap3A_1225 = arith.index_cast %add3A_1218 : i32 to index
          %swap3A_1226 = arith.constant 0 : index
          %swap3A_1227 = tpu.vector_load %arg12[%swap3A_1225, %swap3A_1226] {strides = array<i32>} : memref<80x144xf32, #tpu.memory_space<vmem>>, vector<1x16xf32>,
          %swap3A_1228 = vector.shape_cast %swap3A_1227 : vector<1x16xf32> to vector<16xf32>
          %swap3A_1229 = vector.shape_cast %get3A_1224 : vector<16xf32> to vector<1x16xf32>
          tpu.vector_store %arg12[%swap3A_1225, %swap3A_1226], %swap3A_1229 {strides = array<i32>} : memref<80x144xf32, #tpu.memory_space<vmem>>, vector<1x16xf32>,
          %mul3A_1230 = arith.mulf %get3A_1224, %get3A_1224 : vector<16xf32>
          %swap3A_1231 = arith.index_cast %add3A_1218 : i32 to index
          %swap3A_1232 = arith.constant 64 : index
          %swap3A_1233 = tpu.vector_load %arg12[%swap3A_1231, %swap3A_1232] {strides = array<i32>} : memref<80x144xf32, #tpu.memory_space<vmem>>, vector<1x16xf32>,
          %swap3A_1234 = vector.shape_cast %swap3A_1233 : vector<1x16xf32> to vector<16xf32>
          %swap3A_1235 = vector.shape_cast %mul3A_1230 : vector<16xf32> to vector<1x16xf32>
          tpu.vector_store %arg12[%swap3A_1231, %swap3A_1232], %swap3A_1235 {strides = array<i32>} : memref<80x144xf32, #tpu.memory_space<vmem>>, vector<1x16xf32>,
          %add3A_1236 = arith.constant 12 : i32
          %add3A_1237 = arith.addi %mul3A_307, %add3A_1236 : i32
          %get3A_1238 = arith.index_cast %add3A_1237 : i32 to index
          %get3A_1239 = arith.constant 16 : index
          %get3A_1240 = tpu.vector_load %arg10[%get3A_1238, %get3A_1239] {strides = array<i32>} : memref<80x64xf32, #tpu.memory_space<vmem>>, vector<1x16xf32>,
          %get3A_1241 = vector.shape_cast %get3A_1240 : vector<1x16xf32> to vector<16xf32>
          %swap3A_1242 = arith.index_cast %add3A_1218 : i32 to index
          %swap3A_1243 = arith.constant 16 : index
          %swap3A_1244 = tpu.vector_load %arg12[%swap3A_1242, %swap3A_1243] {strides = array<i32>} : memref<80x144xf32, #tpu.memory_space<vmem>>, vector<1x16xf32>,
          %swap3A_1245 = vector.shape_cast %swap3A_1244 : vector<1x16xf32> to vector<16xf32>
          %swap3A_1246 = vector.shape_cast %get3A_1241 : vector<16xf32> to vector<1x16xf32>
          tpu.vector_store %arg12[%swap3A_1242, %swap3A_1243], %swap3A_1246 {strides = array<i32>} : memref<80x144xf32, #tpu.memory_space<vmem>>, vector<1x16xf32>,
          %mul3A_1247 = arith.mulf %get3A_1241, %get3A_1241 : vector<16xf32>
          %swap3A_1248 = arith.index_cast %add3A_1218 : i32 to index
          %swap3A_1249 = arith.constant 80 : index
          %swap3A_1250 = tpu.vector_load %arg12[%swap3A_1248, %swap3A_1249] {strides = array<i32>} : memref<80x144xf32, #tpu.memory_space<vmem>>, vector<1x16xf32>,
          %swap3A_1251 = vector.shape_cast %swap3A_1250 : vector<1x16xf32> to vector<16xf32>
          %swap3A_1252 = vector.shape_cast %mul3A_1247 : vector<16xf32> to vector<1x16xf32>
          tpu.vector_store %arg12[%swap3A_1248, %swap3A_1249], %swap3A_1252 {strides = array<i32>} : memref<80x144xf32, #tpu.memory_space<vmem>>, vector<1x16xf32>,
          %add3A_1253 = arith.constant 12 : i32
          %add3A_1254 = arith.addi %mul3A_307, %add3A_1253 : i32
          %get3A_1255 = arith.index_cast %add3A_1254 : i32 to index
          %get3A_1256 = arith.constant 32 : index
          %get3A_1257 = tpu.vector_load %arg10[%get3A_1255, %get3A_1256] {strides = array<i32>} : memref<80x64xf32, #tpu.memory_space<vmem>>, vector<1x16xf32>,
          %get3A_1258 = vector.shape_cast %get3A_1257 : vector<1x16xf32> to vector<16xf32>
          %swap3A_1259 = arith.index_cast %add3A_1218 : i32 to index
          %swap3A_1260 = arith.constant 32 : index
          %swap3A_1261 = tpu.vector_load %arg12[%swap3A_1259, %swap3A_1260] {strides = array<i32>} : memref<80x144xf32, #tpu.memory_space<vmem>>, vector<1x16xf32>,
          %swap3A_1262 = vector.shape_cast %swap3A_1261 : vector<1x16xf32> to vector<16xf32>
          %swap3A_1263 = vector.shape_cast %get3A_1258 : vector<16xf32> to vector<1x16xf32>
          tpu.vector_store %arg12[%swap3A_1259, %swap3A_1260], %swap3A_1263 {strides = array<i32>} : memref<80x144xf32, #tpu.memory_space<vmem>>, vector<1x16xf32>,
          %mul3A_1264 = arith.mulf %get3A_1258, %get3A_1258 : vector<16xf32>
          %swap3A_1265 = arith.index_cast %add3A_1218 : i32 to index
          %swap3A_1266 = arith.constant 96 : index
          %swap3A_1267 = tpu.vector_load %arg12[%swap3A_1265, %swap3A_1266] {strides = array<i32>} : memref<80x144xf32, #tpu.memory_space<vmem>>, vector<1x16xf32>,
          %swap3A_1268 = vector.shape_cast %swap3A_1267 : vector<1x16xf32> to vector<16xf32>
          %swap3A_1269 = vector.shape_cast %mul3A_1264 : vector<16xf32> to vector<1x16xf32>
          tpu.vector_store %arg12[%swap3A_1265, %swap3A_1266], %swap3A_1269 {strides = array<i32>} : memref<80x144xf32, #tpu.memory_space<vmem>>, vector<1x16xf32>,
          %add3A_1270 = arith.constant 12 : i32
          %add3A_1271 = arith.addi %mul3A_307, %add3A_1270 : i32
          %get3A_1272 = arith.index_cast %add3A_1271 : i32 to index
          %get3A_1273 = arith.constant 48 : index
          %get3A_1274 = tpu.vector_load %arg10[%get3A_1272, %get3A_1273] {strides = array<i32>} : memref<80x64xf32, #tpu.memory_space<vmem>>, vector<1x16xf32>,
          %get3A_1275 = vector.shape_cast %get3A_1274 : vector<1x16xf32> to vector<16xf32>
          %swap3A_1276 = arith.index_cast %add3A_1218 : i32 to index
          %swap3A_1277 = arith.constant 48 : index
          %swap3A_1278 = tpu.vector_load %arg12[%swap3A_1276, %swap3A_1277] {strides = array<i32>} : memref<80x144xf32, #tpu.memory_space<vmem>>, vector<1x16xf32>,
          %swap3A_1279 = vector.shape_cast %swap3A_1278 : vector<1x16xf32> to vector<16xf32>
          %swap3A_1280 = vector.shape_cast %get3A_1275 : vector<16xf32> to vector<1x16xf32>
          tpu.vector_store %arg12[%swap3A_1276, %swap3A_1277], %swap3A_1280 {strides = array<i32>} : memref<80x144xf32, #tpu.memory_space<vmem>>, vector<1x16xf32>,
          %mul3A_1281 = arith.mulf %get3A_1275, %get3A_1275 : vector<16xf32>
          %swap3A_1282 = arith.index_cast %add3A_1218 : i32 to index
          %swap3A_1283 = arith.constant 112 : index
          %swap3A_1284 = tpu.vector_load %arg12[%swap3A_1282, %swap3A_1283] {strides = array<i32>} : memref<80x144xf32, #tpu.memory_space<vmem>>, vector<1x16xf32>,
          %swap3A_1285 = vector.shape_cast %swap3A_1284 : vector<1x16xf32> to vector<16xf32>
          %swap3A_1286 = vector.shape_cast %mul3A_1281 : vector<16xf32> to vector<1x16xf32>
          tpu.vector_store %arg12[%swap3A_1282, %swap3A_1283], %swap3A_1286 {strides = array<i32>} : memref<80x144xf32, #tpu.memory_space<vmem>>, vector<1x16xf32>,
          %swap3A_1287 = arith.index_cast %add3A_1218 : i32 to index
          %swap3A_1288 = arith.constant 128 : index
          %swap3A_1289 = tpu.vector_load %arg12[%swap3A_1287, %swap3A_1288] {strides = array<i32>} : memref<80x144xf32, #tpu.memory_space<vmem>>, vector<1x16xf32>,
          %swap3A_1290 = vector.shape_cast %swap3A_1289 : vector<1x16xf32> to vector<16xf32>
          %swap3A_1291 = vector.shape_cast %select_n3A : vector<16xf32> to vector<1x16xf32>
          tpu.vector_store %arg12[%swap3A_1287, %swap3A_1288], %swap3A_1291 {strides = array<i32>} : memref<80x144xf32, #tpu.memory_space<vmem>>, vector<1x16xf32>,
          %add3A_1292 = arith.constant 13 : i32
          %add3A_1293 = arith.addi %scan3A_305, %add3A_1292 : i32
          %add3A_1294 = arith.constant 13 : i32
          %add3A_1295 = arith.addi %mul3A_307, %add3A_1294 : i32
          %get3A_1296 = arith.index_cast %add3A_1295 : i32 to index
          %get3A_1297 = arith.constant 0 : index
          %get3A_1298 = tpu.vector_load %arg10[%get3A_1296, %get3A_1297] {strides = array<i32>} : memref<80x64xf32, #tpu.memory_space<vmem>>, vector<1x16xf32>,
          %get3A_1299 = vector.shape_cast %get3A_1298 : vector<1x16xf32> to vector<16xf32>
          %swap3A_1300 = arith.index_cast %add3A_1293 : i32 to index
          %swap3A_1301 = arith.constant 0 : index
          %swap3A_1302 = tpu.vector_load %arg12[%swap3A_1300, %swap3A_1301] {strides = array<i32>} : memref<80x144xf32, #tpu.memory_space<vmem>>, vector<1x16xf32>,
          %swap3A_1303 = vector.shape_cast %swap3A_1302 : vector<1x16xf32> to vector<16xf32>
          %swap3A_1304 = vector.shape_cast %get3A_1299 : vector<16xf32> to vector<1x16xf32>
          tpu.vector_store %arg12[%swap3A_1300, %swap3A_1301], %swap3A_1304 {strides = array<i32>} : memref<80x144xf32, #tpu.memory_space<vmem>>, vector<1x16xf32>,
          %mul3A_1305 = arith.mulf %get3A_1299, %get3A_1299 : vector<16xf32>
          %swap3A_1306 = arith.index_cast %add3A_1293 : i32 to index
          %swap3A_1307 = arith.constant 64 : index
          %swap3A_1308 = tpu.vector_load %arg12[%swap3A_1306, %swap3A_1307] {strides = array<i32>} : memref<80x144xf32, #tpu.memory_space<vmem>>, vector<1x16xf32>,
          %swap3A_1309 = vector.shape_cast %swap3A_1308 : vector<1x16xf32> to vector<16xf32>
          %swap3A_1310 = vector.shape_cast %mul3A_1305 : vector<16xf32> to vector<1x16xf32>
          tpu.vector_store %arg12[%swap3A_1306, %swap3A_1307], %swap3A_1310 {strides = array<i32>} : memref<80x144xf32, #tpu.memory_space<vmem>>, vector<1x16xf32>,
          %add3A_1311 = arith.constant 13 : i32
          %add3A_1312 = arith.addi %mul3A_307, %add3A_1311 : i32
          %get3A_1313 = arith.index_cast %add3A_1312 : i32 to index
          %get3A_1314 = arith.constant 16 : index
          %get3A_1315 = tpu.vector_load %arg10[%get3A_1313, %get3A_1314] {strides = array<i32>} : memref<80x64xf32, #tpu.memory_space<vmem>>, vector<1x16xf32>,
          %get3A_1316 = vector.shape_cast %get3A_1315 : vector<1x16xf32> to vector<16xf32>
          %swap3A_1317 = arith.index_cast %add3A_1293 : i32 to index
          %swap3A_1318 = arith.constant 16 : index
          %swap3A_1319 = tpu.vector_load %arg12[%swap3A_1317, %swap3A_1318] {strides = array<i32>} : memref<80x144xf32, #tpu.memory_space<vmem>>, vector<1x16xf32>,
          %swap3A_1320 = vector.shape_cast %swap3A_1319 : vector<1x16xf32> to vector<16xf32>
          %swap3A_1321 = vector.shape_cast %get3A_1316 : vector<16xf32> to vector<1x16xf32>
          tpu.vector_store %arg12[%swap3A_1317, %swap3A_1318], %swap3A_1321 {strides = array<i32>} : memref<80x144xf32, #tpu.memory_space<vmem>>, vector<1x16xf32>,
          %mul3A_1322 = arith.mulf %get3A_1316, %get3A_1316 : vector<16xf32>
          %swap3A_1323 = arith.index_cast %add3A_1293 : i32 to index
          %swap3A_1324 = arith.constant 80 : index
          %swap3A_1325 = tpu.vector_load %arg12[%swap3A_1323, %swap3A_1324] {strides = array<i32>} : memref<80x144xf32, #tpu.memory_space<vmem>>, vector<1x16xf32>,
          %swap3A_1326 = vector.shape_cast %swap3A_1325 : vector<1x16xf32> to vector<16xf32>
          %swap3A_1327 = vector.shape_cast %mul3A_1322 : vector<16xf32> to vector<1x16xf32>
          tpu.vector_store %arg12[%swap3A_1323, %swap3A_1324], %swap3A_1327 {strides = array<i32>} : memref<80x144xf32, #tpu.memory_space<vmem>>, vector<1x16xf32>,
          %add3A_1328 = arith.constant 13 : i32
          %add3A_1329 = arith.addi %mul3A_307, %add3A_1328 : i32
          %get3A_1330 = arith.index_cast %add3A_1329 : i32 to index
          %get3A_1331 = arith.constant 32 : index
          %get3A_1332 = tpu.vector_load %arg10[%get3A_1330, %get3A_1331] {strides = array<i32>} : memref<80x64xf32, #tpu.memory_space<vmem>>, vector<1x16xf32>,
          %get3A_1333 = vector.shape_cast %get3A_1332 : vector<1x16xf32> to vector<16xf32>
          %swap3A_1334 = arith.index_cast %add3A_1293 : i32 to index
          %swap3A_1335 = arith.constant 32 : index
          %swap3A_1336 = tpu.vector_load %arg12[%swap3A_1334, %swap3A_1335] {strides = array<i32>} : memref<80x144xf32, #tpu.memory_space<vmem>>, vector<1x16xf32>,
          %swap3A_1337 = vector.shape_cast %swap3A_1336 : vector<1x16xf32> to vector<16xf32>
          %swap3A_1338 = vector.shape_cast %get3A_1333 : vector<16xf32> to vector<1x16xf32>
          tpu.vector_store %arg12[%swap3A_1334, %swap3A_1335], %swap3A_1338 {strides = array<i32>} : memref<80x144xf32, #tpu.memory_space<vmem>>, vector<1x16xf32>,
          %mul3A_1339 = arith.mulf %get3A_1333, %get3A_1333 : vector<16xf32>
          %swap3A_1340 = arith.index_cast %add3A_1293 : i32 to index
          %swap3A_1341 = arith.constant 96 : index
          %swap3A_1342 = tpu.vector_load %arg12[%swap3A_1340, %swap3A_1341] {strides = array<i32>} : memref<80x144xf32, #tpu.memory_space<vmem>>, vector<1x16xf32>,
          %swap3A_1343 = vector.shape_cast %swap3A_1342 : vector<1x16xf32> to vector<16xf32>
          %swap3A_1344 = vector.shape_cast %mul3A_1339 : vector<16xf32> to vector<1x16xf32>
          tpu.vector_store %arg12[%swap3A_1340, %swap3A_1341], %swap3A_1344 {strides = array<i32>} : memref<80x144xf32, #tpu.memory_space<vmem>>, vector<1x16xf32>,
          %add3A_1345 = arith.constant 13 : i32
          %add3A_1346 = arith.addi %mul3A_307, %add3A_1345 : i32
          %get3A_1347 = arith.index_cast %add3A_1346 : i32 to index
          %get3A_1348 = arith.constant 48 : index
          %get3A_1349 = tpu.vector_load %arg10[%get3A_1347, %get3A_1348] {strides = array<i32>} : memref<80x64xf32, #tpu.memory_space<vmem>>, vector<1x16xf32>,
          %get3A_1350 = vector.shape_cast %get3A_1349 : vector<1x16xf32> to vector<16xf32>
          %swap3A_1351 = arith.index_cast %add3A_1293 : i32 to index
          %swap3A_1352 = arith.constant 48 : index
          %swap3A_1353 = tpu.vector_load %arg12[%swap3A_1351, %swap3A_1352] {strides = array<i32>} : memref<80x144xf32, #tpu.memory_space<vmem>>, vector<1x16xf32>,
          %swap3A_1354 = vector.shape_cast %swap3A_1353 : vector<1x16xf32> to vector<16xf32>
          %swap3A_1355 = vector.shape_cast %get3A_1350 : vector<16xf32> to vector<1x16xf32>
          tpu.vector_store %arg12[%swap3A_1351, %swap3A_1352], %swap3A_1355 {strides = array<i32>} : memref<80x144xf32, #tpu.memory_space<vmem>>, vector<1x16xf32>,
          %mul3A_1356 = arith.mulf %get3A_1350, %get3A_1350 : vector<16xf32>
          %swap3A_1357 = arith.index_cast %add3A_1293 : i32 to index
          %swap3A_1358 = arith.constant 112 : index
          %swap3A_1359 = tpu.vector_load %arg12[%swap3A_1357, %swap3A_1358] {strides = array<i32>} : memref<80x144xf32, #tpu.memory_space<vmem>>, vector<1x16xf32>,
          %swap3A_1360 = vector.shape_cast %swap3A_1359 : vector<1x16xf32> to vector<16xf32>
          %swap3A_1361 = vector.shape_cast %mul3A_1356 : vector<16xf32> to vector<1x16xf32>
          tpu.vector_store %arg12[%swap3A_1357, %swap3A_1358], %swap3A_1361 {strides = array<i32>} : memref<80x144xf32, #tpu.memory_space<vmem>>, vector<1x16xf32>,
          %swap3A_1362 = arith.index_cast %add3A_1293 : i32 to index
          %swap3A_1363 = arith.constant 128 : index
          %swap3A_1364 = tpu.vector_load %arg12[%swap3A_1362, %swap3A_1363] {strides = array<i32>} : memref<80x144xf32, #tpu.memory_space<vmem>>, vector<1x16xf32>,
          %swap3A_1365 = vector.shape_cast %swap3A_1364 : vector<1x16xf32> to vector<16xf32>
          %swap3A_1366 = vector.shape_cast %select_n3A : vector<16xf32> to vector<1x16xf32>
          tpu.vector_store %arg12[%swap3A_1362, %swap3A_1363], %swap3A_1366 {strides = array<i32>} : memref<80x144xf32, #tpu.memory_space<vmem>>, vector<1x16xf32>,
          %add3A_1367 = arith.constant 14 : i32
          %add3A_1368 = arith.addi %scan3A_305, %add3A_1367 : i32
          %add3A_1369 = arith.constant 14 : i32
          %add3A_1370 = arith.addi %mul3A_307, %add3A_1369 : i32
          %get3A_1371 = arith.index_cast %add3A_1370 : i32 to index
          %get3A_1372 = arith.constant 0 : index
          %get3A_1373 = tpu.vector_load %arg10[%get3A_1371, %get3A_1372] {strides = array<i32>} : memref<80x64xf32, #tpu.memory_space<vmem>>, vector<1x16xf32>,
          %get3A_1374 = vector.shape_cast %get3A_1373 : vector<1x16xf32> to vector<16xf32>
          %swap3A_1375 = arith.index_cast %add3A_1368 : i32 to index
          %swap3A_1376 = arith.constant 0 : index
          %swap3A_1377 = tpu.vector_load %arg12[%swap3A_1375, %swap3A_1376] {strides = array<i32>} : memref<80x144xf32, #tpu.memory_space<vmem>>, vector<1x16xf32>,
          %swap3A_1378 = vector.shape_cast %swap3A_1377 : vector<1x16xf32> to vector<16xf32>
          %swap3A_1379 = vector.shape_cast %get3A_1374 : vector<16xf32> to vector<1x16xf32>
          tpu.vector_store %arg12[%swap3A_1375, %swap3A_1376], %swap3A_1379 {strides = array<i32>} : memref<80x144xf32, #tpu.memory_space<vmem>>, vector<1x16xf32>,
          %mul3A_1380 = arith.mulf %get3A_1374, %get3A_1374 : vector<16xf32>
          %swap3A_1381 = arith.index_cast %add3A_1368 : i32 to index
          %swap3A_1382 = arith.constant 64 : index
          %swap3A_1383 = tpu.vector_load %arg12[%swap3A_1381, %swap3A_1382] {strides = array<i32>} : memref<80x144xf32, #tpu.memory_space<vmem>>, vector<1x16xf32>,
          %swap3A_1384 = vector.shape_cast %swap3A_1383 : vector<1x16xf32> to vector<16xf32>
          %swap3A_1385 = vector.shape_cast %mul3A_1380 : vector<16xf32> to vector<1x16xf32>
          tpu.vector_store %arg12[%swap3A_1381, %swap3A_1382], %swap3A_1385 {strides = array<i32>} : memref<80x144xf32, #tpu.memory_space<vmem>>, vector<1x16xf32>,
          %add3A_1386 = arith.constant 14 : i32
          %add3A_1387 = arith.addi %mul3A_307, %add3A_1386 : i32
          %get3A_1388 = arith.index_cast %add3A_1387 : i32 to index
          %get3A_1389 = arith.constant 16 : index
          %get3A_1390 = tpu.vector_load %arg10[%get3A_1388, %get3A_1389] {strides = array<i32>} : memref<80x64xf32, #tpu.memory_space<vmem>>, vector<1x16xf32>,
          %get3A_1391 = vector.shape_cast %get3A_1390 : vector<1x16xf32> to vector<16xf32>
          %swap3A_1392 = arith.index_cast %add3A_1368 : i32 to index
          %swap3A_1393 = arith.constant 16 : index
          %swap3A_1394 = tpu.vector_load %arg12[%swap3A_1392, %swap3A_1393] {strides = array<i32>} : memref<80x144xf32, #tpu.memory_space<vmem>>, vector<1x16xf32>,
          %swap3A_1395 = vector.shape_cast %swap3A_1394 : vector<1x16xf32> to vector<16xf32>
          %swap3A_1396 = vector.shape_cast %get3A_1391 : vector<16xf32> to vector<1x16xf32>
          tpu.vector_store %arg12[%swap3A_1392, %swap3A_1393], %swap3A_1396 {strides = array<i32>} : memref<80x144xf32, #tpu.memory_space<vmem>>, vector<1x16xf32>,
          %mul3A_1397 = arith.mulf %get3A_1391, %get3A_1391 : vector<16xf32>
          %swap3A_1398 = arith.index_cast %add3A_1368 : i32 to index
          %swap3A_1399 = arith.constant 80 : index
          %swap3A_1400 = tpu.vector_load %arg12[%swap3A_1398, %swap3A_1399] {strides = array<i32>} : memref<80x144xf32, #tpu.memory_space<vmem>>, vector<1x16xf32>,
          %swap3A_1401 = vector.shape_cast %swap3A_1400 : vector<1x16xf32> to vector<16xf32>
          %swap3A_1402 = vector.shape_cast %mul3A_1397 : vector<16xf32> to vector<1x16xf32>
          tpu.vector_store %arg12[%swap3A_1398, %swap3A_1399], %swap3A_1402 {strides = array<i32>} : memref<80x144xf32, #tpu.memory_space<vmem>>, vector<1x16xf32>,
          %add3A_1403 = arith.constant 14 : i32
          %add3A_1404 = arith.addi %mul3A_307, %add3A_1403 : i32
          %get3A_1405 = arith.index_cast %add3A_1404 : i32 to index
          %get3A_1406 = arith.constant 32 : index
          %get3A_1407 = tpu.vector_load %arg10[%get3A_1405, %get3A_1406] {strides = array<i32>} : memref<80x64xf32, #tpu.memory_space<vmem>>, vector<1x16xf32>,
          %get3A_1408 = vector.shape_cast %get3A_1407 : vector<1x16xf32> to vector<16xf32>
          %swap3A_1409 = arith.index_cast %add3A_1368 : i32 to index
          %swap3A_1410 = arith.constant 32 : index
          %swap3A_1411 = tpu.vector_load %arg12[%swap3A_1409, %swap3A_1410] {strides = array<i32>} : memref<80x144xf32, #tpu.memory_space<vmem>>, vector<1x16xf32>,
          %swap3A_1412 = vector.shape_cast %swap3A_1411 : vector<1x16xf32> to vector<16xf32>
          %swap3A_1413 = vector.shape_cast %get3A_1408 : vector<16xf32> to vector<1x16xf32>
          tpu.vector_store %arg12[%swap3A_1409, %swap3A_1410], %swap3A_1413 {strides = array<i32>} : memref<80x144xf32, #tpu.memory_space<vmem>>, vector<1x16xf32>,
          %mul3A_1414 = arith.mulf %get3A_1408, %get3A_1408 : vector<16xf32>
          %swap3A_1415 = arith.index_cast %add3A_1368 : i32 to index
          %swap3A_1416 = arith.constant 96 : index
          %swap3A_1417 = tpu.vector_load %arg12[%swap3A_1415, %swap3A_1416] {strides = array<i32>} : memref<80x144xf32, #tpu.memory_space<vmem>>, vector<1x16xf32>,
          %swap3A_1418 = vector.shape_cast %swap3A_1417 : vector<1x16xf32> to vector<16xf32>
          %swap3A_1419 = vector.shape_cast %mul3A_1414 : vector<16xf32> to vector<1x16xf32>
          tpu.vector_store %arg12[%swap3A_1415, %swap3A_1416], %swap3A_1419 {strides = array<i32>} : memref<80x144xf32, #tpu.memory_space<vmem>>, vector<1x16xf32>,
          %add3A_1420 = arith.constant 14 : i32
          %add3A_1421 = arith.addi %mul3A_307, %add3A_1420 : i32
          %get3A_1422 = arith.index_cast %add3A_1421 : i32 to index
          %get3A_1423 = arith.constant 48 : index
          %get3A_1424 = tpu.vector_load %arg10[%get3A_1422, %get3A_1423] {strides = array<i32>} : memref<80x64xf32, #tpu.memory_space<vmem>>, vector<1x16xf32>,
          %get3A_1425 = vector.shape_cast %get3A_1424 : vector<1x16xf32> to vector<16xf32>
          %swap3A_1426 = arith.index_cast %add3A_1368 : i32 to index
          %swap3A_1427 = arith.constant 48 : index
          %swap3A_1428 = tpu.vector_load %arg12[%swap3A_1426, %swap3A_1427] {strides = array<i32>} : memref<80x144xf32, #tpu.memory_space<vmem>>, vector<1x16xf32>,
          %swap3A_1429 = vector.shape_cast %swap3A_1428 : vector<1x16xf32> to vector<16xf32>
          %swap3A_1430 = vector.shape_cast %get3A_1425 : vector<16xf32> to vector<1x16xf32>
          tpu.vector_store %arg12[%swap3A_1426, %swap3A_1427], %swap3A_1430 {strides = array<i32>} : memref<80x144xf32, #tpu.memory_space<vmem>>, vector<1x16xf32>,
          %mul3A_1431 = arith.mulf %get3A_1425, %get3A_1425 : vector<16xf32>
          %swap3A_1432 = arith.index_cast %add3A_1368 : i32 to index
          %swap3A_1433 = arith.constant 112 : index
          %swap3A_1434 = tpu.vector_load %arg12[%swap3A_1432, %swap3A_1433] {strides = array<i32>} : memref<80x144xf32, #tpu.memory_space<vmem>>, vector<1x16xf32>,
          %swap3A_1435 = vector.shape_cast %swap3A_1434 : vector<1x16xf32> to vector<16xf32>
          %swap3A_1436 = vector.shape_cast %mul3A_1431 : vector<16xf32> to vector<1x16xf32>
          tpu.vector_store %arg12[%swap3A_1432, %swap3A_1433], %swap3A_1436 {strides = array<i32>} : memref<80x144xf32, #tpu.memory_space<vmem>>, vector<1x16xf32>,
          %swap3A_1437 = arith.index_cast %add3A_1368 : i32 to index
          %swap3A_1438 = arith.constant 128 : index
          %swap3A_1439 = tpu.vector_load %arg12[%swap3A_1437, %swap3A_1438] {strides = array<i32>} : memref<80x144xf32, #tpu.memory_space<vmem>>, vector<1x16xf32>,
          %swap3A_1440 = vector.shape_cast %swap3A_1439 : vector<1x16xf32> to vector<16xf32>
          %swap3A_1441 = vector.shape_cast %select_n3A : vector<16xf32> to vector<1x16xf32>
          tpu.vector_store %arg12[%swap3A_1437, %swap3A_1438], %swap3A_1441 {strides = array<i32>} : memref<80x144xf32, #tpu.memory_space<vmem>>, vector<1x16xf32>,
          %add3A_1442 = arith.constant 15 : i32
          %add3A_1443 = arith.addi %scan3A_305, %add3A_1442 : i32
          %add3A_1444 = arith.constant 15 : i32
          %add3A_1445 = arith.addi %mul3A_307, %add3A_1444 : i32
          %get3A_1446 = arith.index_cast %add3A_1445 : i32 to index
          %get3A_1447 = arith.constant 0 : index
          %get3A_1448 = tpu.vector_load %arg10[%get3A_1446, %get3A_1447] {strides = array<i32>} : memref<80x64xf32, #tpu.memory_space<vmem>>, vector<1x16xf32>,
          %get3A_1449 = vector.shape_cast %get3A_1448 : vector<1x16xf32> to vector<16xf32>
          %swap3A_1450 = arith.index_cast %add3A_1443 : i32 to index
          %swap3A_1451 = arith.constant 0 : index
          %swap3A_1452 = tpu.vector_load %arg12[%swap3A_1450, %swap3A_1451] {strides = array<i32>} : memref<80x144xf32, #tpu.memory_space<vmem>>, vector<1x16xf32>,
          %swap3A_1453 = vector.shape_cast %swap3A_1452 : vector<1x16xf32> to vector<16xf32>
          %swap3A_1454 = vector.shape_cast %get3A_1449 : vector<16xf32> to vector<1x16xf32>
          tpu.vector_store %arg12[%swap3A_1450, %swap3A_1451], %swap3A_1454 {strides = array<i32>} : memref<80x144xf32, #tpu.memory_space<vmem>>, vector<1x16xf32>,
          %mul3A_1455 = arith.mulf %get3A_1449, %get3A_1449 : vector<16xf32>
          %swap3A_1456 = arith.index_cast %add3A_1443 : i32 to index
          %swap3A_1457 = arith.constant 64 : index
          %swap3A_1458 = tpu.vector_load %arg12[%swap3A_1456, %swap3A_1457] {strides = array<i32>} : memref<80x144xf32, #tpu.memory_space<vmem>>, vector<1x16xf32>,
          %swap3A_1459 = vector.shape_cast %swap3A_1458 : vector<1x16xf32> to vector<16xf32>
          %swap3A_1460 = vector.shape_cast %mul3A_1455 : vector<16xf32> to vector<1x16xf32>
          tpu.vector_store %arg12[%swap3A_1456, %swap3A_1457], %swap3A_1460 {strides = array<i32>} : memref<80x144xf32, #tpu.memory_space<vmem>>, vector<1x16xf32>,
          %add3A_1461 = arith.constant 15 : i32
          %add3A_1462 = arith.addi %mul3A_307, %add3A_1461 : i32
          %get3A_1463 = arith.index_cast %add3A_1462 : i32 to index
          %get3A_1464 = arith.constant 16 : index
          %get3A_1465 = tpu.vector_load %arg10[%get3A_1463, %get3A_1464] {strides = array<i32>} : memref<80x64xf32, #tpu.memory_space<vmem>>, vector<1x16xf32>,
          %get3A_1466 = vector.shape_cast %get3A_1465 : vector<1x16xf32> to vector<16xf32>
          %swap3A_1467 = arith.index_cast %add3A_1443 : i32 to index
          %swap3A_1468 = arith.constant 16 : index
          %swap3A_1469 = tpu.vector_load %arg12[%swap3A_1467, %swap3A_1468] {strides = array<i32>} : memref<80x144xf32, #tpu.memory_space<vmem>>, vector<1x16xf32>,
          %swap3A_1470 = vector.shape_cast %swap3A_1469 : vector<1x16xf32> to vector<16xf32>
          %swap3A_1471 = vector.shape_cast %get3A_1466 : vector<16xf32> to vector<1x16xf32>
          tpu.vector_store %arg12[%swap3A_1467, %swap3A_1468], %swap3A_1471 {strides = array<i32>} : memref<80x144xf32, #tpu.memory_space<vmem>>, vector<1x16xf32>,
          %mul3A_1472 = arith.mulf %get3A_1466, %get3A_1466 : vector<16xf32>
          %swap3A_1473 = arith.index_cast %add3A_1443 : i32 to index
          %swap3A_1474 = arith.constant 80 : index
          %swap3A_1475 = tpu.vector_load %arg12[%swap3A_1473, %swap3A_1474] {strides = array<i32>} : memref<80x144xf32, #tpu.memory_space<vmem>>, vector<1x16xf32>,
          %swap3A_1476 = vector.shape_cast %swap3A_1475 : vector<1x16xf32> to vector<16xf32>
          %swap3A_1477 = vector.shape_cast %mul3A_1472 : vector<16xf32> to vector<1x16xf32>
          tpu.vector_store %arg12[%swap3A_1473, %swap3A_1474], %swap3A_1477 {strides = array<i32>} : memref<80x144xf32, #tpu.memory_space<vmem>>, vector<1x16xf32>,
          %add3A_1478 = arith.constant 15 : i32
          %add3A_1479 = arith.addi %mul3A_307, %add3A_1478 : i32
          %get3A_1480 = arith.index_cast %add3A_1479 : i32 to index
          %get3A_1481 = arith.constant 32 : index
          %get3A_1482 = tpu.vector_load %arg10[%get3A_1480, %get3A_1481] {strides = array<i32>} : memref<80x64xf32, #tpu.memory_space<vmem>>, vector<1x16xf32>,
          %get3A_1483 = vector.shape_cast %get3A_1482 : vector<1x16xf32> to vector<16xf32>
          %swap3A_1484 = arith.index_cast %add3A_1443 : i32 to index
          %swap3A_1485 = arith.constant 32 : index
          %swap3A_1486 = tpu.vector_load %arg12[%swap3A_1484, %swap3A_1485] {strides = array<i32>} : memref<80x144xf32, #tpu.memory_space<vmem>>, vector<1x16xf32>,
          %swap3A_1487 = vector.shape_cast %swap3A_1486 : vector<1x16xf32> to vector<16xf32>
          %swap3A_1488 = vector.shape_cast %get3A_1483 : vector<16xf32> to vector<1x16xf32>
          tpu.vector_store %arg12[%swap3A_1484, %swap3A_1485], %swap3A_1488 {strides = array<i32>} : memref<80x144xf32, #tpu.memory_space<vmem>>, vector<1x16xf32>,
          %mul3A_1489 = arith.mulf %get3A_1483, %get3A_1483 : vector<16xf32>
          %swap3A_1490 = arith.index_cast %add3A_1443 : i32 to index
          %swap3A_1491 = arith.constant 96 : index
          %swap3A_1492 = tpu.vector_load %arg12[%swap3A_1490, %swap3A_1491] {strides = array<i32>} : memref<80x144xf32, #tpu.memory_space<vmem>>, vector<1x16xf32>,
          %swap3A_1493 = vector.shape_cast %swap3A_1492 : vector<1x16xf32> to vector<16xf32>
          %swap3A_1494 = vector.shape_cast %mul3A_1489 : vector<16xf32> to vector<1x16xf32>
          tpu.vector_store %arg12[%swap3A_1490, %swap3A_1491], %swap3A_1494 {strides = array<i32>} : memref<80x144xf32, #tpu.memory_space<vmem>>, vector<1x16xf32>,
          %add3A_1495 = arith.constant 15 : i32
          %add3A_1496 = arith.addi %mul3A_307, %add3A_1495 : i32
          %get3A_1497 = arith.index_cast %add3A_1496 : i32 to index
          %get3A_1498 = arith.constant 48 : index
          %get3A_1499 = tpu.vector_load %arg10[%get3A_1497, %get3A_1498] {strides = array<i32>} : memref<80x64xf32, #tpu.memory_space<vmem>>, vector<1x16xf32>,
          %get3A_1500 = vector.shape_cast %get3A_1499 : vector<1x16xf32> to vector<16xf32>
          %swap3A_1501 = arith.index_cast %add3A_1443 : i32 to index
          %swap3A_1502 = arith.constant 48 : index
          %swap3A_1503 = tpu.vector_load %arg12[%swap3A_1501, %swap3A_1502] {strides = array<i32>} : memref<80x144xf32, #tpu.memory_space<vmem>>, vector<1x16xf32>,
          %swap3A_1504 = vector.shape_cast %swap3A_1503 : vector<1x16xf32> to vector<16xf32>
          %swap3A_1505 = vector.shape_cast %get3A_1500 : vector<16xf32> to vector<1x16xf32>
          tpu.vector_store %arg12[%swap3A_1501, %swap3A_1502], %swap3A_1505 {strides = array<i32>} : memref<80x144xf32, #tpu.memory_space<vmem>>, vector<1x16xf32>,
          %mul3A_1506 = arith.mulf %get3A_1500, %get3A_1500 : vector<16xf32>
          %swap3A_1507 = arith.index_cast %add3A_1443 : i32 to index
          %swap3A_1508 = arith.constant 112 : index
          %swap3A_1509 = tpu.vector_load %arg12[%swap3A_1507, %swap3A_1508] {strides = array<i32>} : memref<80x144xf32, #tpu.memory_space<vmem>>, vector<1x16xf32>,
          %swap3A_1510 = vector.shape_cast %swap3A_1509 : vector<1x16xf32> to vector<16xf32>
          %swap3A_1511 = vector.shape_cast %mul3A_1506 : vector<16xf32> to vector<1x16xf32>
          tpu.vector_store %arg12[%swap3A_1507, %swap3A_1508], %swap3A_1511 {strides = array<i32>} : memref<80x144xf32, #tpu.memory_space<vmem>>, vector<1x16xf32>,
          %swap3A_1512 = arith.index_cast %add3A_1443 : i32 to index
          %swap3A_1513 = arith.constant 128 : index
          %swap3A_1514 = tpu.vector_load %arg12[%swap3A_1512, %swap3A_1513] {strides = array<i32>} : memref<80x144xf32, #tpu.memory_space<vmem>>, vector<1x16xf32>,
          %swap3A_1515 = vector.shape_cast %swap3A_1514 : vector<1x16xf32> to vector<16xf32>
          %swap3A_1516 = vector.shape_cast %select_n3A : vector<16xf32> to vector<1x16xf32>
          tpu.vector_store %arg12[%swap3A_1512, %swap3A_1513], %swap3A_1516 {strides = array<i32>} : memref<80x144xf32, #tpu.memory_space<vmem>>, vector<1x16xf32>,
          %swap3A_1517 = arith.index_cast %scan3A_305 : i32 to index
          %swap3A_1518 = tpu.vector_load %arg14[%swap3A_1517] {strides = array<i32>} : memref<80xi32, #tpu.memory_space<vmem>>, vector<16xi32>,
          %swap3A_1519 = vector.shape_cast %swap3A_1518 : vector<16xi32> to vector<16xi32>
          %swap3A_1520 = vector.shape_cast %get3A_309 : vector<16xi32> to vector<16xi32>
          tpu.vector_store %arg14[%swap3A_1517], %swap3A_1520 {strides = array<i32>} : memref<80xi32, #tpu.memory_space<vmem>>, vector<16xi32>,
          %add3A_1521 = arith.constant 16 : i32
          %add3A_1522 = arith.addi %scan3A_305, %add3A_1521 : i32
          scf.yield %add3A_1522 : i32
        }
        scf.yield %cond3A_316 : i32
      }
      %scan3A_293 = arith.constant 5 : i32
      %dma_start3A_294 = arith.constant 0 : i32
      %dma_start3A_295 = arith.constant 0 : i32
      %dma_start3A_296 = tpu.memref_slice %arg21[%dma_start3A_294, %dma_start3A_295] : memref<10080x144xf32, #tpu.memory_space<vmem_shared>> -> memref<10080x144xf32, #tpu.memory_space<vmem_shared>>
      tpu.enqueue_indirect_dma source(%arg12 : memref<80x144xf32, #tpu.memory_space<vmem>>) target(%dma_start3A_296 : memref<10080x144xf32, #tpu.memory_space<vmem_shared>>) offsets(%arg14 : memref<80xi32, #tpu.memory_space<vmem>>) semaphore(%arg20 : memref<!tpu.dma_semaphore, #tpu.memory_space<semaphore_mem>>) {add = true}
      %add3A_297 = arith.constant 2 : i32
      %add3A_298 = arith.addi %add3A_233, %add3A_297 : i32
      %lt3A_299 = arith.constant 250 : i32
      %lt3A_300 = arith.cmpi slt, %add3A_298, %lt3A_299 : i32
      %convert_element_type3A_301 = arith.extui %lt3A_300 : i1 to i32
      %cond3A_302 = arith.constant 0 : i32
      %cond3A_303 = arith.cmpi ne, %convert_element_type3A_301, %cond3A_302 : i32
      scf.if %cond3A_303 {
        %add3A_304 = arith.constant 2 : i32
        %add3A_305 = arith.addi %add3A_233, %add3A_304 : i32
        %mul3A_306 = arith.constant 20000 : i32
        %mul3A_307 = arith.muli %arg1, %mul3A_306 : i32
        %mul3A_308 = arith.constant 80 : i32
        %mul3A_309 = arith.muli %add3A_305, %mul3A_308 : i32
        %add3A_310 = arith.addi %mul3A_307, %mul3A_309 : i32
        %mul3A_311 = arith.constant 64 : i32
        %mul3A_312 = arith.muli %arg0, %mul3A_311 : i32
        %dma_start3A_313 = tpu.memref_slice %arg2[%add3A_310, %mul3A_312] : memref<320000x128xf32, #tpu.memory_space<hbm>> -> memref<80x64xf32, #tpu.memory_space<hbm>>
        %dma_start3A_314 = tpu.memref_slice %arg2[%add3A_310, %mul3A_312] : memref<320000x128xf32, #tpu.memory_space<hbm>> -> memref<80x64xf32, #tpu.memory_space<hbm>>
        tpu.enqueue_dma source(%dma_start3A_314 : memref<80x64xf32, #tpu.memory_space<hbm>>) target(%arg10 : memref<80x64xf32, #tpu.memory_space<vmem>>) target_semaphore(%arg16 : memref<!tpu.dma_semaphore, #tpu.memory_space<semaphore_mem>>)
        %dma_start3A_315 = arith.constant 0 : i32
        %dma_start3A_316 = tpu.memref_slice %arg3[%arg1, %add3A_305, %dma_start3A_315] : memref<16x250x80xi32, #tpu.memory_space<hbm>> -> memref<1x1x80xi32, #tpu.memory_space<hbm>>
        %dma_start3A_317 = tpu.memref_squeeze %dma_start3A_316 : memref<1x1x80xi32, #tpu.memory_space<hbm>> -> memref<80xi32, #tpu.memory_space<hbm>>
        %dma_start3A_318 = arith.constant 0 : i32
        %dma_start3A_319 = tpu.memref_slice %arg3[%arg1, %add3A_305, %dma_start3A_318] : memref<16x250x80xi32, #tpu.memory_space<hbm>> -> memref<1x1x80xi32, #tpu.memory_space<hbm>>
        %dma_start3A_320 = tpu.memref_squeeze %dma_start3A_319 : memref<1x1x80xi32, #tpu.memory_space<hbm>> -> memref<80xi32, #tpu.memory_space<hbm>>
        tpu.enqueue_dma source(%dma_start3A_320 : memref<80xi32, #tpu.memory_space<hbm>>) target(%arg8 : memref<80xi32, #tpu.memory_space<vmem>>) target_semaphore(%arg18 : memref<!tpu.dma_semaphore, #tpu.memory_space<semaphore_mem>>)
      } else {
      }
    }
    %scan3A_144 = arith.constant 125 : i32
    %dma_wait3A = arith.constant 0 : i32
    %dma_wait3A_145 = arith.constant 0 : i32
    %dma_wait3A_146 = tpu.memref_slice %arg21[%dma_wait3A, %dma_wait3A_145] : memref<10080x144xf32, #tpu.memory_space<vmem_shared>> -> memref<10080x144xf32, #tpu.memory_space<vmem_shared>>
    tpu.wait_indirect_dma semaphore(%arg19 : memref<!tpu.dma_semaphore, #tpu.memory_space<semaphore_mem>>) src(%arg11 : memref<80x144xf32, #tpu.memory_space<vmem>>) dst(%dma_wait3A_146 : memref<10080x144xf32, #tpu.memory_space<vmem_shared>>)
    %dma_wait3A_147 = arith.constant 0 : i32
    %dma_wait3A_148 = arith.constant 0 : i32
    %dma_wait3A_149 = tpu.memref_slice %arg21[%dma_wait3A_147, %dma_wait3A_148] : memref<10080x144xf32, #tpu.memory_space<vmem_shared>> -> memref<10080x144xf32, #tpu.memory_space<vmem_shared>>
    tpu.wait_indirect_dma semaphore(%arg20 : memref<!tpu.dma_semaphore, #tpu.memory_space<semaphore_mem>>) src(%arg12 : memref<80x144xf32, #tpu.memory_space<vmem>>) dst(%dma_wait3A_149 : memref<10080x144xf32, #tpu.memory_space<vmem_shared>>)
    %barrier3A_150 = arith.constant 0 : index
    tpu.barrier barrier_id(%barrier3A_150)
    %mul3A_151 = arith.constant 64 : i32
    %mul3A_152 = arith.muli %arg0, %mul3A_151 : i32
    "tpu.region"() ({
      %run_scoped3A = tpu.sem_alloc : memref<!tpu.dma_semaphore, #tpu.memory_space<semaphore_mem>>
      %dma_start3A_160 = tpu.memref_slice %arg4[%mul3A_85, %mul3A_152] : memref<10000x128xf32, #tpu.memory_space<hbm>> -> memref<625x64xf32, #tpu.memory_space<hbm>>
      %dma_start3A_161 = arith.constant 0 : i32
      %dma_start3A_162 = tpu.memref_slice %arg21[%mul3A_85, %dma_start3A_161] : memref<10080x144xf32, #tpu.memory_space<vmem_shared>> -> memref<625x64xf32, #tpu.memory_space<vmem_shared>>
      tpu.enqueue_dma source(%dma_start3A_162 : memref<625x64xf32, #tpu.memory_space<vmem_shared>>) target(%dma_start3A_160 : memref<625x64xf32, #tpu.memory_space<hbm>>) target_semaphore(%run_scoped3A : memref<!tpu.dma_semaphore, #tpu.memory_space<semaphore_mem>>)
      %dma_wait3A_163 = tpu.memref_slice %arg4[%mul3A_85, %mul3A_152] : memref<10000x128xf32, #tpu.memory_space<hbm>> -> memref<625x64xf32, #tpu.memory_space<hbm>>
      %dma_wait3A_164 = arith.constant 0 : i32
      %dma_wait3A_165 = tpu.memref_slice %arg21[%mul3A_85, %dma_wait3A_164] : memref<10080x144xf32, #tpu.memory_space<vmem_shared>> -> memref<625x64xf32, #tpu.memory_space<vmem_shared>>
      tpu.wait_dma2 semaphore(%run_scoped3A : memref<!tpu.dma_semaphore, #tpu.memory_space<semaphore_mem>>) src(%dma_wait3A_165 : memref<625x64xf32, #tpu.memory_space<vmem_shared>>) dst(%dma_wait3A_163 : memref<625x64xf32, #tpu.memory_space<hbm>>)
      tpu.yield
    }) : () -> ()
    %mul3A_153 = arith.constant 64 : i32
    %mul3A_154 = arith.muli %arg0, %mul3A_153 : i32
    "tpu.region"() ({
      %run_scoped3A = tpu.sem_alloc : memref<!tpu.dma_semaphore, #tpu.memory_space<semaphore_mem>>
      %dma_start3A_160 = tpu.memref_slice %arg5[%mul3A_85, %mul3A_154] : memref<10000x128xf32, #tpu.memory_space<hbm>> -> memref<625x64xf32, #tpu.memory_space<hbm>>
      %dma_start3A_161 = arith.constant 64 : i32
      %dma_start3A_162 = tpu.memref_slice %arg21[%mul3A_85, %dma_start3A_161] : memref<10080x144xf32, #tpu.memory_space<vmem_shared>> -> memref<625x64xf32, #tpu.memory_space<vmem_shared>>
      tpu.enqueue_dma source(%dma_start3A_162 : memref<625x64xf32, #tpu.memory_space<vmem_shared>>) target(%dma_start3A_160 : memref<625x64xf32, #tpu.memory_space<hbm>>) target_semaphore(%run_scoped3A : memref<!tpu.dma_semaphore, #tpu.memory_space<semaphore_mem>>)
      %dma_wait3A_163 = tpu.memref_slice %arg5[%mul3A_85, %mul3A_154] : memref<10000x128xf32, #tpu.memory_space<hbm>> -> memref<625x64xf32, #tpu.memory_space<hbm>>
      %dma_wait3A_164 = arith.constant 64 : i32
      %dma_wait3A_165 = tpu.memref_slice %arg21[%mul3A_85, %dma_wait3A_164] : memref<10080x144xf32, #tpu.memory_space<vmem_shared>> -> memref<625x64xf32, #tpu.memory_space<vmem_shared>>
      tpu.wait_dma2 semaphore(%run_scoped3A : memref<!tpu.dma_semaphore, #tpu.memory_space<semaphore_mem>>) src(%dma_wait3A_165 : memref<625x64xf32, #tpu.memory_space<vmem_shared>>) dst(%dma_wait3A_163 : memref<625x64xf32, #tpu.memory_space<hbm>>)
      tpu.yield
    }) : () -> ()
    %eq3A_155 = arith.constant 0 : i32
    %eq3A_156 = arith.cmpi eq, %arg0, %eq3A_155 : i32
    %convert_element_type3A_157 = arith.extui %eq3A_156 : i1 to i32
    %cond3A_158 = arith.constant 0 : i32
    %cond3A_159 = arith.cmpi ne, %convert_element_type3A_157, %cond3A_158 : i32
    scf.if %cond3A_159 {
      "tpu.region"() ({
        %run_scoped3A = tpu.sem_alloc : memref<!tpu.dma_semaphore, #tpu.memory_space<semaphore_mem>>
        %dma_start3A_160 = arith.constant 0 : i32
        %dma_start3A_161 = tpu.memref_slice %arg6[%mul3A_85, %dma_start3A_160] : memref<10000x16xf32, #tpu.memory_space<hbm>> -> memref<625x16xf32, #tpu.memory_space<hbm>>
        %dma_start3A_162 = arith.constant 128 : i32
        %dma_start3A_163 = tpu.memref_slice %arg21[%mul3A_85, %dma_start3A_162] : memref<10080x144xf32, #tpu.memory_space<vmem_shared>> -> memref<625x16xf32, #tpu.memory_space<vmem_shared>>
        tpu.enqueue_dma source(%dma_start3A_163 : memref<625x16xf32, #tpu.memory_space<vmem_shared>>) target(%dma_start3A_161 : memref<625x16xf32, #tpu.memory_space<hbm>>) target_semaphore(%run_scoped3A : memref<!tpu.dma_semaphore, #tpu.memory_space<semaphore_mem>>)
        %dma_wait3A_164 = arith.constant 0 : i32
        %dma_wait3A_165 = tpu.memref_slice %arg6[%mul3A_85, %dma_wait3A_164] : memref<10000x16xf32, #tpu.memory_space<hbm>> -> memref<625x16xf32, #tpu.memory_space<hbm>>
        %dma_wait3A_166 = arith.constant 128 : i32
        %dma_wait3A_167 = tpu.memref_slice %arg21[%mul3A_85, %dma_wait3A_166] : memref<10080x144xf32, #tpu.memory_space<vmem_shared>> -> memref<625x16xf32, #tpu.memory_space<vmem_shared>>
        tpu.wait_dma2 semaphore(%run_scoped3A : memref<!tpu.dma_semaphore, #tpu.memory_space<semaphore_mem>>) src(%dma_wait3A_167 : memref<625x16xf32, #tpu.memory_space<vmem_shared>>) dst(%dma_wait3A_165 : memref<625x16xf32, #tpu.memory_space<hbm>>)
        tpu.yield
      }) : () -> ()
    } else {
    }
    return
  }
}

</mosaic_0001>

<sc_bundles>
// kernel: _sc_segment_stats.3.cloned.1.call-start
scs
__scs_entry_jumppad:
0x0: {  	(pc) =	sbr.rel $0x88, $3  }
0x1: {  	(tag) =	ssettag $0x0;
	lr =	simm.s32 $0x1  }
0x2: {  	[smem:$0x3F9F] =	sst lr;
	_ =	strace $0xD0000000  }
0x3: {  	_ = 	snop  }
0x4: {  	_ = 	snop  }
0x5: {  	_ = 	snop  }
0x6: {  	_ = 	snop  }
0x7: {  	_ = 	snop  }
__scs_overlays_trampoline_lowered:
0x8: {  	[smem:$0x3FAE] =	sst s0  }
0x9: {  	[smem:$0x3FAF] =	sst s1  }
0xa: {  	[smem:$0x3FB0] =	sst s2  }
0xb: {  	[smem:$0x3FB1] =	sst s3  }
0xc: {  	[smem:$0x3FB2] =	sst s4  }
0xd: {  	[smem:$0x3FB3] =	sst s5  }
0xe: {  	[smem:$0x3FB4] =	sst s6  }
0xf: {  	[smem:$0x3FB5] =	sst s7  }
0x10: {  	[smem:$0x3FB6] =	sst s8  }
0x11: {  	[smem:$0x3FB7] =	sst s9;
	s0 =	simm.s32 @!p0 $0x0  }
0x12: {  	s1 =	sld [smem:$0x3F9D];
	s0 =	simm.s32 @p0 $0x1  }
0x13: {  	[smem:$0x3FB8] =	sst s0;
	s0 =	simm.s32 @!p1 $0x0  }
0x14: {  	s2 =	sld [smem:$0x3F9C];
	s0 =	simm.s32 @p1 $0x1  }
0x15: {  	[smem:$0x3FB9] =	sst s0;
	s0 =	simm.s32 @!p2 $0x0  }
0x16: {  	s3 =	sld [smem:$0x3FDB];
	s0 =	simm.s32 @p2 $0x1  }
0x17: {  	s4 =	simm.s32 $0x1BF5;
	[smem:$0x3FBB] =	sst s0  }
0x18: {  	s0 =	sld [smem:$0x3F9E];
	_ =	swait.ge [sflag:s4], $0x0  }
0x19: {  	s7 =	sld [smem:$0x3F9F]  }
0x1a: {  	s8 =	sadd.s32 $0xFFFFE003, lr  }
0x1b: {  	s9 =	sadd.s32 $0xFFFFFEF7, lr;
	s5 =	simm.s32 $0xFFFFFFFF;
	p2 =	slt.u32 s8, $0xFFFFF086  }
0x1c: {  	p1 =	slt.u32 s9, $0xF7A;
	s5 =	simm.s32 @!p2 $0x0  }
0x1d: {  	s5 =	simm.s32 @p1 $0x1;
	p0 =	seq.s32 s7, s2  }
0x1e: {  	s7 =	smul.u32 @!p0 $0xF7A, s2;
	p2 =	seq.s32 @!p0 s5, $0x0  }
0x1f: {  	s9 =	smul.u32 $0xF7A, s1;
	s8 =	simm.s32 @!p0 $0x1BF5;
	p2 =	por !p2, p0  }
0x20: {  	[sflag:s8] =	ssyncset.s32 @!p0 $0xFFFFF086;
	s6 =	sadd.s32 @!p0 s3, s7;
	s7 =	simm.s32 @!p0 $0x108  }
0x21: {  	s3 =	sadd.s32 s3, s9;
	s6 =	sadd.s32 @!p0 $0x88, s6;
	s7 =	simm.s32 @p2 $0x1082  }
0x22: {  	[simem:s7], [sflag:s8] =	dma.local @!p0 [hbm:s6], $0xF7A  }
0x23: {  	s9 =	sor.u32 $0xD0000000, s2;
	s6 =	simm.s32 $0x108;
	_ =	swait.ge @!p0 [sflag:s8], $0x0  }
0x24: {  	s3 =	sadd.s32 $0x88, s3;
	s6 =	simm.s32 @!p1 $0x1082;
	[sflag:s4] =	ssyncset.s32 $0xFFFFF086  }
0x25: {  	[simem:s6], [sflag:s4] =	dma.local [hbm:s3], $0xF7A  }
0x26: {  	[smem:$0x3F9F] =	sst s1;
	(tag) =	ssettag s2;
	_ =	strace s9  }
0x27: {  	s1 =	sld [smem:$0x3FAF]  }
0x28: {  	s2 =	sld [smem:$0x3FB0]  }
0x29: {  	s4 =	sld [smem:$0x3FB2]  }
0x2a: {  	p0 =	seq.s32 s5, $0x0;
	s5 =	sld [smem:$0x3FB3]  }
0x2b: {  	s6 =	sld [smem:$0x3FB4]  }
0x2c: {  	s7 =	sld [smem:$0x3FB5]  }
0x2d: {  	s3 =	simm.s32 $0x108;
	s8 =	sld [smem:$0x3FB6]  }
0x2e: {  	s3 =	simm.s32 @!p0 $0x1082;
	s9 =	sld [smem:$0x3FB7]  }
0x2f: {  	lr =	sadd.s32 s0, s3;
	s0 =	sld [smem:$0x3FAE]  }
0x30: {  	s3 =	sld [smem:$0x3FB1]  }
0x31: {  	[smem:$0x3FBA] =	sst s10  }
0x32: {  	s10 =	sld [smem:$0x3FB8];
	_ =	sdelay $0x3  }
0x33: {  	p0 =	seq.s32 s10, $0x1;
	s10 =	sld [smem:$0x3FBA];
	_ =	sdelay $0x3  }
0x34: {  	[smem:$0x3FBA] =	sst s10  }
0x35: {  	s10 =	sld [smem:$0x3FB9];
	_ =	sdelay $0x3  }
0x36: {  	p1 =	seq.s32 s10, $0x1;
	s10 =	sld [smem:$0x3FBA];
	_ =	sdelay $0x3  }
0x37: {  	[smem:$0x3FBA] =	sst s10  }
0x38: {  	s10 =	sld [smem:$0x3FBB]  }
0x39: {  	_ = 	snop;
	(pc) =	sbr.ind lr, $3  }
0x3a: {  	_ = 	snop  }
0x3b: {  	_ = 	snop  }
0x3c: {  	p2 =	seq.s32 s10, $0x1;
	s10 =	sld [smem:$0x3FBA]  }
0x3d: {  	_ =	shalt  }
0x3e: {  	_ =	shalt  }
0x3f: {  	_ =	shalt  }
0x40: {  	_ =	shalt  }
0x41: {  	_ =	shalt  }
0x42: {  	_ =	shalt  }
0x43: {  	_ =	shalt  }
0x44: {  	_ =	shalt  }
0x45: {  	_ =	shalt  }
0x46: {  	_ =	shalt  }
0x47: {  	_ =	shalt  }
0x48: {  	_ =	shalt  }
0x49: {  	_ =	shalt  }
0x4a: {  	_ =	shalt  }
0x4b: {  	_ =	shalt  }
0x4c: {  	_ =	shalt  }
0x4d: {  	_ =	shalt  }
0x4e: {  	_ =	shalt  }
0x4f: {  	_ =	shalt  }
0x50: {  	_ =	shalt  }
0x51: {  	_ =	shalt  }
0x52: {  	_ =	shalt  }
0x53: {  	_ =	shalt  }
0x54: {  	_ =	shalt  }
0x55: {  	_ =	shalt  }
0x56: {  	_ =	shalt  }
0x57: {  	_ =	shalt  }
0x58: {  	_ =	shalt  }
0x59: {  	_ =	shalt  }
0x5a: {  	_ =	shalt  }
0x5b: {  	_ =	shalt  }
0x5c: {  	_ =	shalt  }
0x5d: {  	_ =	shalt  }
0x5e: {  	_ =	shalt  }
0x5f: {  	_ =	shalt  }
0x60: {  	_ =	shalt  }
0x61: {  	_ =	shalt  }
0x62: {  	_ =	shalt  }
0x63: {  	_ =	shalt  }
0x64: {  	_ =	shalt  }
0x65: {  	_ =	shalt  }
0x66: {  	_ =	shalt  }
0x67: {  	_ =	shalt  }
0x68: {  	_ =	shalt  }
0x69: {  	_ =	shalt  }
0x6a: {  	_ =	shalt  }
0x6b: {  	_ =	shalt  }
0x6c: {  	_ =	shalt  }
0x6d: {  	_ =	shalt  }
0x6e: {  	_ =	shalt  }
0x6f: {  	_ =	shalt  }
0x70: {  	_ =	shalt  }
0x71: {  	_ =	shalt  }
0x72: {  	_ =	shalt  }
0x73: {  	_ =	shalt  }
0x74: {  	_ =	shalt  }
0x75: {  	_ =	shalt  }
0x76: {  	_ =	shalt  }
0x77: {  	_ =	shalt  }
0x78: {  	_ =	shalt  }
0x79: {  	_ =	shalt  }
0x7a: {  	_ =	shalt  }
0x7b: {  	_ =	shalt  }
0x7c: {  	_ =	shalt  }
0x7d: {  	_ =	shalt  }
0x7e: {  	_ =	shalt  }
0x7f: {  	_ =	shalt  }
0x80: {  	_ =	shalt  }
0x81: {  	_ =	shalt  }
0x82: {  	_ =	shalt  }
0x83: {  	_ =	shalt  }
0x84: {  	_ =	shalt  }
0x85: {  	_ =	shalt  }
0x86: {  	_ =	shalt  }
0x87: {  	_ =	shalt  }
.Lfunc_end0:
.L_simem_size_0:
called_computation_lowered:
.L_overlay_start_0:
0x88: {  	s2 =	sld [smem:$0x3FD9]  }
0x89: {  	s3 =	sld [smem:$0x3FFE];
	_ =	sdelay $0x1  }
0x8a: {  	s1 =	srdreg.scid  }
0x8b: {  	s0 =	sand.u32 $0x1, s1  }
0x8c: {  	s14 =	sshll.u32 s0, $0xA;
	s2 =	sadd.s32 s3, s2  }
0x8d: {  	s2 =	sadd.s32 s2, s14  }
0x8e: {  	[smem:$0x3FC6] =	sst s2  }
0x8f: {  	_ = 	snop  }
0x90: {  	s2 =	sld [smem:$0x3FD0];
	_ =	sdelay $0x2  }
0x91: {  	s4 =	simm.s32 $0xA;
	s5 =	simm.s32 $0x10;
	s15 =	sld [smem:$0x3FC9]  }
0x92: {  	[smem:s5], [sflag:s4] =	dma.local [hbm:s2], $0x1  }
0x93: {  	_ =	swait.eq [sflag:s4], $0x1  }
0x94: {  	s16 =	sld [smem:$0x10];
	[sflag:s4] =	ssyncset.done $0x0  }
0x95: {  	s17 =	sld [smem:$0x11];
	[sflag:s4] =	ssyncadd.s32 $0xFFFFFFFF  }
0x96: {  	s18 =	sld [smem:$0x12];
	(tm) =	ssettm $0x1  }
0x97: {  	s6 =	sld [smem:$0x3FFB];
	_ =	sdelay $0x3  }
0x98: {  	_ =	strace s6  }
0x99: {  	s6 =	sld [smem:$0x3FFC];
	_ =	sdelay $0x3  }
0x9a: {  	_ =	strace s6  }
0x9b: {  	s6 =	sld [smem:$0x3FFD];
	_ =	sdelay $0x3  }
0x9c: {  	_ =	strace s6  }
0x9d: {  	_ =	strace $0x8FFFFFFF  }
0x9e: {  	s19 =	sld [smem:$0x3FDB];
	_ =	sdelay $0x1  }
0x9f: {  	s7 =	simm.s32 $_scs_section_size  }
0xa0: {  	s8 =	simm.s32 $_size__tile_overlayer_lowered;
	s9 =	simm.s32 $_tile_overlayer_lowered  }
0xa1: {  	s22 =	simm.s32 $0x1BFF;
	s21 =	sshll.u32 s9, $0x1;
	s6 =	sadd.s32 s7, s19  }
0xa2: {  	s10 =	simm.s32 $0x0;
	s20 =	sshll.u32 s8, $0x1;
	s8 =	sadd.s32 s21, s6  }
0xa3: {  	[timem:s10], [sflag:s22] =	dma.local [hbm:s8], s20  }
0xa4: {  	_ =	swait.ge [sflag:s22], s20  }
0xa5: {  	s7 =	ssub.s32 $0x0, s20;
	[sflag:s22] =	ssyncset.done $0x0  }
0xa6: {  	[sflag:s22] =	ssyncadd.s32 s7;
	_ =	sdelay $0x1  }
0xa7: {  	s23 =	simm.s32 $0x1B8B  }
0xa8: {  	_ =	swait.ge [sflag:s23], $0x1  }
0xa9: {  	[sflag:s23] =	ssyncset.done $0x0  }
0xaa: {  	s25 =	simm.s32 $0x1B8E;
	s24 =	sld [smem:$0x3FFE];
	[sflag:s23] =	ssyncadd.s32 $0xFFFFFFFF  }
0xab: {  	s26 =	simm.s32 $execute0_lowered;
	[smem:$0x3FD2] =	sst s25  }
0xac: {  	s8 =	sshll.u32 s26, $0x1;
	_ =	strace $0x80000046;
	[dreg:$0x1] =	wrdreg $0xFFFFFFFF  }
0xad: {  	s28 =	simm.s32 $_size_execute0_lowered;
	s6 =	sadd.s32 s6, s8;
	[dreg:$0x0] =	wrdreg $0x0  }
0xae: {  	s8 =	sshll.u32 s28, $0x1;
	[dreg:$0x2] =	wrdreg s6  }
0xaf: {  	[dreg:$0x3] =	wrdreg s8  }
0xb0: {  	[dreg:$0x4] =	wrdreg $0xC0  }
0xb1: {  	_ =	task [dreg:s10], $0x5FFFF  }
0xb2: {  	[dreg:$0x1] =	wrdreg $0xFFFFFFFF  }
0xb3: {  	[dreg:$0x0] =	wrdreg $0x60  }
0xb4: {  	[dreg:$0x2] =	wrdreg s15  }
0xb5: {  	[dreg:$0x3] =	wrdreg s24  }
0xb6: {  	[dreg:$0x4] =	wrdreg s16  }
0xb7: {  	[dreg:$0x5] =	wrdreg s17  }
0xb8: {  	[dreg:$0x6] =	wrdreg s18  }
0xb9: {  	[dreg:$0x7] =	wrdreg $0x83400  }
0xba: {  	[dreg:$0x8] =	wrdreg $0x9  }
0xbb: {  	_ =	task.clear_ibuf [dreg:s10], $0x9FFFF;
	_ =	strace $0x90000046  }
0xbc: {  	s29 =	simm.s32 $0x9;
	_ =	strace $0x80000048  }
0xbd: {  	_ =	swait.ge [sflag:s29], $0x1  }
0xbe: {  	[sflag:s29] =	ssyncadd.s32 $0xFFFFFFFF  }
0xbf: {  	_ =	strace $0x90000048  }
0xc0: {  	_ =	sfence  }
0xc1: {  	s30 =	sld [smem:$0x0];
	_ =	sdelay $0x2  }
0xc2: {  	s31 =	sshll.u32 s1, $0xD;
	s1 =	sshrl.u32 s1, $0x2  }
0xc3: {  	s3 =	sand.u32 $0x4000, s31;
	s1 =	sadd.s32 s1, s30  }
0xc4: {  	s0 =	sor.u32 s3, s0;
	s1 =	sshll.u32 s1, $0x11  }
0xc5: {  	s0 =	sor.u32 s1, s0  }
0xc6: {  	s0 =	sadd.s32 $0x8F2B, s0  }
0xc7: {  	[sflag:s0] =	ssyncadd.remote.s32 $0x1  }
0xc8: {  	_ =	sfence.sel $0xFFFF  }
0xc9: {  	[dreg:$0x0] =	wrdreg $0xFFFFFFFF;
	(pc) =	sbr.abs _section_cstart, $3  }
0xca: {  	[dreg:$0x1] =	wrdreg $0xFFFFFFFF  }
0xcb: {  	_ =	task.clear_ibuf [dreg:s10], $0x2FFFF;
	_ =	strace $0x9FFFFFFF  }
0xcc: {  	(tm) =	ssettm $0x7FFFFFFF  }
0xcd: {  	_ =	shalt  }
tec
execute0_lowered:
.L_overlay_start_1:
0x0: {  	(tag) =	ssettag $0x1  }
0x1: {  	s1 =	rddreg [dreg:$0x0]  }
0x2: {  	s0 =	rddreg [dreg:$0x1]  }
0x3: {  	s2 =	rddreg [dreg:$0x2]  }
0x4: {  	s7 =	rddreg [dreg:$0x3]  }
0x5: {  	s8 =	rddreg [dreg:$0x4]  }
0x6: {  	s3 =	rddreg [dreg:$0x5];
	s17 =	stileid.u32  }
0x7: {  	s4 =	simm.s32 $0x0;
	s5 =	srdreg.scid;
	s6 =	smul.u32 $0x57E40, s17  }
0x8: {  	s29 =	simm.s32 $0x28A0;
	s30 =	simm.s32 $0x7;
	s21 =	smul.u32 $0x4E20, s17  }
0x9: {  	s31 =	simm.s32 $0x50;
	[smem:$0x7FF] =	sst s4;
	s12 =	smul.u32 $0x271000, s17  }
0xa: {  	s9 =	sand.u32 $0x1, s5;
	s5 =	sadd.s32 $0x800, s0;
	s16 =	smul.u32 $0x13880, s17  }
0xb: {  	s19 =	smul.u32 $0x4E2, s17;
	p1 =	sne.s32 s17, $0xF;
	s17 =	simm.s32 $0x6  }
0xc: {  	_ =	strace $0x80000047;
	s10 =	ssub.s32 $0x2, s9;
	p0 =	sne.s32 s9, $0x0  }
0xd: {  	s20 =	sshrl.u32 s10, $0x1;
	s6 =	sshrl.u32 s6, $0x2;
	s15 =	sshrl.u32 s21, $0x3  }
0xe: {  	s25 =	sadd.s32 $0x50, s21;
	s6 =	sadd.s32 s6, s3;
	s28 =	sadd.s32 s5, s15  }
0xf: {  	s0 =	ssub.s32 s10, s20;
	s11 =	sadd.s32 $0x2D00, s6;
	[dreg:$0xe] =	wrdreg s28  }
0x10: {  	s26 =	sshll.u32 s25, $0x7;
	s22 =	sadd.s32 $0x5A00, s6;
	[dreg:$0x7] =	wrdreg s11  }
0x11: {  	s15 =	sshrl.u32 s25, $0x3;
	s23 =	sadd.s32 $0x8700, s6;
	[dreg:$0x8] =	wrdreg s22  }
0x12: {  	s20 =	sadd.s32 $0xA0, s21;
	s24 =	sadd.s32 $0xB400, s6;
	[dreg:$0x9] =	wrdreg s23  }
0x13: {  	s21 =	sadd.s32 $0xF0, s21;
	s13 =	sadd.s32 $0xE100, s6;
	[dreg:$0xa] =	wrdreg s24  }
0x14: {  	s10 =	simm.s32 $0x14A0;
	s14 =	sadd.s32 $0x10E00, s6;
	[dreg:$0xb] =	wrdreg s13  }
0x15: {  	s0 =	smax.u32 s0, $0x1;
	s28 =	sadd.s32 $0x15F900, s3;
	[dreg:$0xc] =	wrdreg s14  }
0x16: {  	s11 =	sshll.u32 s9, $0x6;
	s23 =	sadd.s32 s8, s19;
	[dreg:$0x14] =	wrdreg s0  }
0x17: {  	s24 =	sadd.s32 $0x40, s6;
	[dreg:$0x18] =	wrdreg s28;
	s8 =	simm.s32 $0x40  }
0x18: {  	s9 =	simm.s32 $0x80;
	s13 =	simm.s32 $0x3;
	s19 =	simm.s32 $0x12  }
0x19: {  	s12 =	sor.u32 s11, s12;
	s14 =	sor.u32 s11, s26;
	s16 =	sor.u32 s11, s16  }
0x1a: {  	[dreg:$0x13] =	wrdreg s23;
	s25 =	sshrl.u32 s24, $0x3;
	s26 =	sadd.s32 $0x13B00, s6  }
0x1b: {  	s12 =	sshrl.u32 s12, $0x3;
	s14 =	sshrl.u32 s14, $0x3;
	[dreg:$0x15] =	wrdreg s25  }
0x1c: {  	s18 =	sshrl.u32 s16, $0x3;
	[dreg:$0x17] =	wrdreg s26;
	s12 =	sadd.s32 s1, s12  }
0x1d: {  	s16 =	simm.s32 $0x4;
	s2 =	sadd.s32 s2, s18;
	[dreg:$0xd] =	wrdreg s12  }
0x1e: {  	s22 =	sadd.s32 s7, s18;
	s7 =	sadd.s32 $0x80, s6;
	[dreg:$0x11] =	wrdreg s2  }
.Ltmp0:
0x1f: {  	s12 =	sadd.s32 s1, s14;
	[dreg:$0x12] =	wrdreg s22;
	(pc) =	sbr.rel .LBB2_1-.Ltmp0, $4  }
0x20: {  	v5 =	vlaneseq.u32;
	s0 =	sshrl.u32 @!p0 s7, $0x3;
	s2 =	simm.s32 $0x82F0;
	s7 =	simm.s32 $0x55A0  }
0x21: {  	v0 =	vimm.f32 $0.0e+00;
	vm0 =	vcmask $0x300;
	vm1 =	vmmov $0x1;
	s14 =	simm.s32 $0x5;
	s22 =	simm.s32 $0x0;
	[dreg:$0xf] =	wrdreg s12  }
0x22: {  	v1 =	vor.u32 $0x2710, v5;
	v2 =	vor.u32 $0x2720, v5;
	v3 =	vor.u32 $0x2730, v5;
	s12 =	sadd.s32 s5, s15;
	[dreg:$0x16] =	wrdreg s0;
	s0 =	simm.s32 $0x82A0  }
0x23: {  	v4 =	vor.u32 $0x2740, v5;
	v5 =	vor.u32 $0x2750, v5;
	v6 =	vsel vm0, $0x41800000, v0;
	s15 =	simm.s32 $0x2;
	[dreg:$0x10] =	wrdreg s12;
	s12 =	simm.s32 $0x1  }
.LBB2_16:
0x24: {  	_ =	swait.ge [sflag:s14], $0x2D00  }
0x25: {  	[sflag:s14] =	ssyncset.done $0x0  }
0x26: {  	[sflag:s14] =	ssyncadd.s32 $0xFFFFD300  }
0x27: {  	_ =	swait.ge [sflag:s17], $0x2D00  }
0x28: {  	[sflag:s17] =	ssyncset.done $0x0  }
0x29: {  	s18 =	stileid.u32;
	[sflag:s17] =	ssyncadd.s32 $0xFFFFD300  }
0x2a: {  	s23 =	sshrl.u32 s6, $0x3;
	s18 =	sshll.u32 s18, $0x6;
	[bflag:$0x0] =	sbarrier.arrive $0xFFFF  }
0x2b: {  	s25 =	simm.s32 $0x10;
	s18 =	sor.u32 $0x1C07, s18;
	s24 =	rddreg [dreg:$0x11]  }
0x2c: {  	[hbm:s24@s25], [sflag:s18] =	dma.strided [spmem:s23@s19], $0x1388, s12, $0x8   }
0x2d: {  	_ =	swait.ge [sflag:s30], $0x1388  }
0x2e: {  	[sflag:s30] =	ssyncset.done $0x0;
	s24 =	rddreg [dreg:$0x12]  }
0x2f: {  	s26 =	rddreg [dreg:$0x15];
	[sflag:s30] =	ssyncadd.s32 $0xFFFFEC78  }
0x30: {  	[hbm:s24@s25], [sflag:s18] =	dma.strided [spmem:s26@s19], $0x1388, s12, $0x8   }
0x31: {  	s23 =	simm.s32 @!p0 $0x1;
	_ =	swait.ge [sflag:s30], $0x1388  }
0x32: {  	s24 =	simm.s32 @!p0 $0x2;
	[sflag:s30] =	ssyncset.done $0x0;
	s26 =	rddreg [dreg:$0x13]  }
0x33: {  	s25 =	simm.s32 @!p0 $0x12;
	s28 =	rddreg [dreg:$0x16];
	[sflag:s30] =	ssyncadd.s32 $0xFFFFEC78  }
0x34: {  	[hbm:s26@s24], [sflag:s18] =	dma.strided @!p0 [spmem:s28@s25], $0x4E2, s23, $0x2   }
0x35: {  	s18 =	simm.s32 @!p0 $0x7  }
0x36: {  	_ =	swait.ge @!p0 [sflag:s18], $0x4E2  }
0x37: {  	s22 =	sadd.s32 $0x1, s22;
	s28 =	rddreg [dreg:$0x14]  }
0x38: {  	p2 =	sne.s32 s22, s28  }
.Ltmp1:
0x39: {  	_ = 	snop;
	(pc) =	sbr.rel @!p2 .LBB2_17-.Ltmp1, $3  }
0x3a: {  	_ =	sdelay $0x1  }
0x3b: {  	[sflag:s18] =	ssyncset.done @!p0 $0x0  }
0x3c: {  	[sflag:s18] =	ssyncadd.s32 @!p0 $0xFFFFFB1E  }
.LBB2_1:
0x3d: {  	s23 =	simm.s32 $0x2AE0  }
0x3e: {  	[tilespmem:s23+$0xFFFFFDC0] =	vst v0  }
0x3f: {  	[tilespmem:s23+$0x230] =	vst v0  }
0x40: {  	[tilespmem:s23+$0x220] =	vst v0  }
0x41: {  	[tilespmem:s23+$0x210] =	vst v0  }
0x42: {  	[tilespmem:s23+$0x200] =	vst v0  }
0x43: {  	[tilespmem:s23+$0x1F0] =	vst v0  }
0x44: {  	[tilespmem:s23+$0x1E0] =	vst v0  }
0x45: {  	[tilespmem:s23+$0x1D0] =	vst v0  }
0x46: {  	[tilespmem:s23+$0x1C0] =	vst v0  }
0x47: {  	[tilespmem:s23+$0x1B0] =	vst v0  }
0x48: {  	[tilespmem:s23+$0x1A0] =	vst v0  }
0x49: {  	[tilespmem:s23+$0x190] =	vst v0  }
0x4a: {  	[tilespmem:s23+$0x180] =	vst v0  }
0x4b: {  	[tilespmem:s23+$0x170] =	vst v0  }
0x4c: {  	[tilespmem:s23+$0x160] =	vst v0  }
0x4d: {  	[tilespmem:s23+$0x150] =	vst v0  }
0x4e: {  	[tilespmem:s23+$0x140] =	vst v0  }
0x4f: {  	[tilespmem:s23+$0x130] =	vst v0  }
0x50: {  	[tilespmem:s23+$0x120] =	vst v0  }
0x51: {  	[tilespmem:s23+$0x110] =	vst v0  }
0x52: {  	[tilespmem:s23+$0x100] =	vst v0  }
0x53: {  	[tilespmem:s23+$0xF0] =	vst v0  }
0x54: {  	[tilespmem:s23+$0xE0] =	vst v0  }
0x55: {  	[tilespmem:s23+$0xD0] =	vst v0  }
0x56: {  	[tilespmem:s23+$0xC0] =	vst v0  }
0x57: {  	[tilespmem:s23+$0xB0] =	vst v0  }
0x58: {  	[tilespmem:s23+$0xA0] =	vst v0  }
0x59: {  	[tilespmem:s23+$0x90] =	vst v0  }
0x5a: {  	[tilespmem:s23+$0x80] =	vst v0  }
0x5b: {  	[tilespmem:s23+$0x70] =	vst v0  }
0x5c: {  	[tilespmem:s23+$0x60] =	vst v0  }
0x5d: {  	[tilespmem:s23+$0x50] =	vst v0  }
0x5e: {  	[tilespmem:s23+$0x40] =	vst v0  }
0x5f: {  	[tilespmem:s23+$0x30] =	vst v0  }
0x60: {  	[tilespmem:s23+$0x20] =	vst v0  }
0x61: {  	[tilespmem:s23+$0x10] =	vst v0  }
0x62: {  	[tilespmem:s23+$0x0] =	vst v0  }
0x63: {  	[tilespmem:s23+$0xFFFFFFF0] =	vst v0  }
0x64: {  	[tilespmem:s23+$0xFFFFFFE0] =	vst v0  }
0x65: {  	[tilespmem:s23+$0xFFFFFFD0] =	vst v0  }
0x66: {  	[tilespmem:s23+$0xFFFFFFC0] =	vst v0  }
0x67: {  	[tilespmem:s23+$0xFFFFFFB0] =	vst v0  }
0x68: {  	[tilespmem:s23+$0xFFFFFFA0] =	vst v0  }
0x69: {  	[tilespmem:s23+$0xFFFFFF90] =	vst v0  }
0x6a: {  	[tilespmem:s23+$0xFFFFFF80] =	vst v0  }
0x6b: {  	[tilespmem:s23+$0xFFFFFF70] =	vst v0  }
0x6c: {  	[tilespmem:s23+$0xFFFFFF60] =	vst v0  }
0x6d: {  	[tilespmem:s23+$0xFFFFFF50] =	vst v0  }
0x6e: {  	[tilespmem:s23+$0xFFFFFF40] =	vst v0  }
0x6f: {  	[tilespmem:s23+$0xFFFFFF30] =	vst v0  }
0x70: {  	[tilespmem:s23+$0xFFFFFF20] =	vst v0  }
0x71: {  	[tilespmem:s23+$0xFFFFFF10] =	vst v0  }
0x72: {  	[tilespmem:s23+$0xFFFFFF00] =	vst v0  }
0x73: {  	[tilespmem:s23+$0xFFFFFEF0] =	vst v0  }
0x74: {  	[tilespmem:s23+$0xFFFFFEE0] =	vst v0  }
0x75: {  	[tilespmem:s23+$0xFFFFFED0] =	vst v0  }
0x76: {  	[tilespmem:s23+$0xFFFFFEC0] =	vst v0  }
0x77: {  	[tilespmem:s23+$0xFFFFFEB0] =	vst v0  }
0x78: {  	[tilespmem:s23+$0xFFFFFEA0] =	vst v0  }
0x79: {  	[tilespmem:s23+$0xFFFFFE90] =	vst v0  }
0x7a: {  	[tilespmem:s23+$0xFFFFFE80] =	vst v0  }
0x7b: {  	[tilespmem:s23+$0xFFFFFE70] =	vst v0  }
0x7c: {  	[tilespmem:s23+$0xFFFFFE60] =	vst v0  }
0x7d: {  	[tilespmem:s23+$0xFFFFFE50] =	vst v0  }
0x7e: {  	[tilespmem:s23+$0xFFFFFE40] =	vst v0  }
0x7f: {  	[tilespmem:s23+$0xFFFFFE30] =	vst v0  }
0x80: {  	[tilespmem:s23+$0xFFFFFE20] =	vst v0  }
0x81: {  	[tilespmem:s23+$0xFFFFFE10] =	vst v0  }
0x82: {  	[tilespmem:s23+$0xFFFFFE00] =	vst v0  }
0x83: {  	[tilespmem:s23+$0xFFFFFDF0] =	vst v0  }
0x84: {  	s24 =	simm.s32 $0x0;
	[tilespmem:s23+$0xFFFFFDE0] =	vst v0  }
.LBB2_2:
0x85: {  	s24 =	sadd.s32 $0x8, s24;
	[tilespmem:s23+$0xFFFFFDD0] =	vst v0;
	s23 =	sadd.s32 $0x480, s23  }
0x86: {  	[tilespmem:s23+$0xFFFFFDC0] =	vst v0;
	p2 =	slt.u32 s24, $0x48  }
0x87: {  	[tilespmem:s23+$0x230] =	vst v0  }
0x88: {  	[tilespmem:s23+$0x220] =	vst v0  }
0x89: {  	[tilespmem:s23+$0x210] =	vst v0  }
0x8a: {  	[tilespmem:s23+$0x200] =	vst v0  }
0x8b: {  	[tilespmem:s23+$0x1F0] =	vst v0  }
0x8c: {  	[tilespmem:s23+$0x1E0] =	vst v0  }
0x8d: {  	[tilespmem:s23+$0x1D0] =	vst v0  }
0x8e: {  	[tilespmem:s23+$0x1C0] =	vst v0  }
0x8f: {  	[tilespmem:s23+$0x1B0] =	vst v0  }
0x90: {  	[tilespmem:s23+$0x1A0] =	vst v0  }
0x91: {  	[tilespmem:s23+$0x190] =	vst v0  }
0x92: {  	[tilespmem:s23+$0x180] =	vst v0  }
0x93: {  	[tilespmem:s23+$0x170] =	vst v0  }
0x94: {  	[tilespmem:s23+$0x160] =	vst v0  }
0x95: {  	[tilespmem:s23+$0x150] =	vst v0  }
0x96: {  	[tilespmem:s23+$0x140] =	vst v0  }
0x97: {  	[tilespmem:s23+$0x130] =	vst v0  }
0x98: {  	[tilespmem:s23+$0x120] =	vst v0  }
0x99: {  	[tilespmem:s23+$0x110] =	vst v0  }
0x9a: {  	[tilespmem:s23+$0x100] =	vst v0  }
0x9b: {  	[tilespmem:s23+$0xF0] =	vst v0  }
0x9c: {  	[tilespmem:s23+$0xE0] =	vst v0  }
0x9d: {  	[tilespmem:s23+$0xD0] =	vst v0  }
0x9e: {  	[tilespmem:s23+$0xC0] =	vst v0  }
0x9f: {  	[tilespmem:s23+$0xB0] =	vst v0  }
0xa0: {  	[tilespmem:s23+$0xA0] =	vst v0  }
0xa1: {  	[tilespmem:s23+$0x90] =	vst v0  }
0xa2: {  	[tilespmem:s23+$0x80] =	vst v0  }
0xa3: {  	[tilespmem:s23+$0x70] =	vst v0  }
0xa4: {  	[tilespmem:s23+$0x60] =	vst v0  }
0xa5: {  	[tilespmem:s23+$0x50] =	vst v0  }
0xa6: {  	[tilespmem:s23+$0x40] =	vst v0  }
0xa7: {  	[tilespmem:s23+$0x30] =	vst v0  }
0xa8: {  	[tilespmem:s23+$0x20] =	vst v0  }
0xa9: {  	[tilespmem:s23+$0x10] =	vst v0  }
0xaa: {  	[tilespmem:s23+$0x0] =	vst v0  }
0xab: {  	[tilespmem:s23+$0xFFFFFFF0] =	vst v0  }
0xac: {  	[tilespmem:s23+$0xFFFFFFE0] =	vst v0  }
0xad: {  	[tilespmem:s23+$0xFFFFFFD0] =	vst v0  }
0xae: {  	[tilespmem:s23+$0xFFFFFFC0] =	vst v0  }
0xaf: {  	[tilespmem:s23+$0xFFFFFFB0] =	vst v0  }
0xb0: {  	[tilespmem:s23+$0xFFFFFFA0] =	vst v0  }
0xb1: {  	[tilespmem:s23+$0xFFFFFF90] =	vst v0  }
0xb2: {  	[tilespmem:s23+$0xFFFFFF80] =	vst v0  }
0xb3: {  	[tilespmem:s23+$0xFFFFFF70] =	vst v0  }
0xb4: {  	[tilespmem:s23+$0xFFFFFF60] =	vst v0  }
0xb5: {  	[tilespmem:s23+$0xFFFFFF50] =	vst v0  }
0xb6: {  	[tilespmem:s23+$0xFFFFFF40] =	vst v0  }
0xb7: {  	[tilespmem:s23+$0xFFFFFF30] =	vst v0  }
0xb8: {  	[tilespmem:s23+$0xFFFFFF20] =	vst v0  }
0xb9: {  	[tilespmem:s23+$0xFFFFFF10] =	vst v0  }
0xba: {  	[tilespmem:s23+$0xFFFFFF00] =	vst v0  }
0xbb: {  	[tilespmem:s23+$0xFFFFFEF0] =	vst v0  }
0xbc: {  	[tilespmem:s23+$0xFFFFFEE0] =	vst v0  }
0xbd: {  	[tilespmem:s23+$0xFFFFFED0] =	vst v0  }
0xbe: {  	[tilespmem:s23+$0xFFFFFEC0] =	vst v0  }
0xbf: {  	[tilespmem:s23+$0xFFFFFEB0] =	vst v0  }
0xc0: {  	[tilespmem:s23+$0xFFFFFEA0] =	vst v0  }
0xc1: {  	[tilespmem:s23+$0xFFFFFE90] =	vst v0  }
0xc2: {  	[tilespmem:s23+$0xFFFFFE80] =	vst v0  }
0xc3: {  	[tilespmem:s23+$0xFFFFFE70] =	vst v0  }
0xc4: {  	[tilespmem:s23+$0xFFFFFE60] =	vst v0  }
0xc5: {  	[tilespmem:s23+$0xFFFFFE50] =	vst v0  }
0xc6: {  	[tilespmem:s23+$0xFFFFFE40] =	vst v0  }
0xc7: {  	[tilespmem:s23+$0xFFFFFE30] =	vst v0  }
.Ltmp2:
0xc8: {  	[tilespmem:s23+$0xFFFFFE20] =	vst v0;
	(pc) =	sbr.rel @p2 .LBB2_2-.Ltmp2, $4  }
0xc9: {  	[tilespmem:s23+$0xFFFFFE10] =	vst v0  }
0xca: {  	[tilespmem:s23+$0xFFFFFE00] =	vst v0  }
0xcb: {  	[tilespmem:s23+$0xFFFFFDF0] =	vst v0  }
0xcc: {  	[tilespmem:s23+$0xFFFFFDE0] =	vst v0  }
0xcd: {  	[tilespmem:s23+$0xFFFFFDD0] =	vst v0  }
0xce: {  	[tilespmem:$0x82A0] =	vst v1  }
0xcf: {  	[tilespmem:$0x82B0] =	vst v2  }
0xd0: {  	[tilespmem:$0x82C0] =	vst v3  }
0xd1: {  	[tilespmem:$0x82D0] =	vst v4  }
0xd2: {  	[tilespmem:$0x82E0] =	vst v5  }
0xd3: {  	[tilespmem:$0x82F0] =	vst v1  }
0xd4: {  	[tilespmem:$0x8300] =	vst v2  }
0xd5: {  	[tilespmem:$0x8310] =	vst v3  }
0xd6: {  	[tilespmem:$0x8320] =	vst v4  }
0xd7: {  	[tilespmem:$0x8330] =	vst v5  }
0xd8: {  	[spmem:s6] =	stream.linear.scatter [tilespmem:s29], [sflag:$0x7], $0x2D00, $0x38;
	[tilespmem:$0x1E5A0] =	vst v63  }
0xd9: {  	_ =	swait.ge [sflag:s30], $0x2D00  }
0xda: {  	[sflag:s30] =	ssyncset.done $0x0  }
0xdb: {  	s18 =	rddreg [dreg:$0x7];
	[sflag:s30] =	ssyncadd.s32 $0xFFFFD300  }
0xdc: {  	[spmem:s18] =	stream.linear.scatter [tilespmem:s29], [sflag:$0x7], $0x2D00, $0x38;
	[tilespmem:$0x1E5A0] =	vst v63  }
0xdd: {  	_ =	swait.ge [sflag:s30], $0x2D00  }
0xde: {  	[sflag:s30] =	ssyncset.done $0x0  }
0xdf: {  	s28 =	rddreg [dreg:$0x8];
	[sflag:s30] =	ssyncadd.s32 $0xFFFFD300  }
0xe0: {  	[spmem:s28] =	stream.linear.scatter [tilespmem:s29], [sflag:$0x7], $0x2D00, $0x38;
	[tilespmem:$0x1E5A0] =	vst v63  }
0xe1: {  	_ =	swait.ge [sflag:s30], $0x2D00  }
0xe2: {  	[sflag:s30] =	ssyncset.done $0x0  }
0xe3: {  	s23 =	rddreg [dreg:$0x9];
	[sflag:s30] =	ssyncadd.s32 $0xFFFFD300  }
0xe4: {  	[spmem:s23] =	stream.linear.scatter [tilespmem:s29], [sflag:$0x7], $0x2D00, $0x38;
	[tilespmem:$0x1E5A0] =	vst v63  }
0xe5: {  	_ =	swait.ge [sflag:s30], $0x2D00  }
0xe6: {  	[sflag:s30] =	ssyncset.done $0x0  }
0xe7: {  	s24 =	rddreg [dreg:$0xa];
	[sflag:s30] =	ssyncadd.s32 $0xFFFFD300  }
0xe8: {  	[spmem:s24] =	stream.linear.scatter [tilespmem:s29], [sflag:$0x7], $0x2D00, $0x38;
	[tilespmem:$0x1E5A0] =	vst v63  }
0xe9: {  	_ =	swait.ge [sflag:s30], $0x2D00  }
0xea: {  	[sflag:s30] =	ssyncset.done $0x0  }
0xeb: {  	s25 =	rddreg [dreg:$0xb];
	[sflag:s30] =	ssyncadd.s32 $0xFFFFD300  }
0xec: {  	[spmem:s25] =	stream.linear.scatter [tilespmem:s29], [sflag:$0x7], $0x2D00, $0x38;
	[tilespmem:$0x1E5A0] =	vst v63  }
0xed: {  	_ =	swait.ge [sflag:s30], $0x2D00  }
0xee: {  	[sflag:s30] =	ssyncset.done $0x0  }
0xef: {  	s26 =	rddreg [dreg:$0xc];
	[sflag:s30] =	ssyncadd.s32 $0xFFFFD300  }
0xf0: {  	[spmem:s26] =	stream.linear.scatter [tilespmem:s29], [sflag:$0x7], $0x2D00, $0x38;
	[tilespmem:$0x1E5A0] =	vst v63  }
0xf1: {  	_ =	swait.ge [sflag:s30], $0x2D00  }
0xf2: {  	[sflag:s30] =	ssyncset.done $0x0  }
0xf3: {  	s28 =	rddreg [dreg:$0x17];
	[sflag:s30] =	ssyncadd.s32 $0xFFFFD300  }
0xf4: {  	[spmem:s28] =	stream.linear.scatter [tilespmem:s29], [sflag:$0x7], $0x2490, $0x38;
	[tilespmem:$0x1E5A0] =	vst v63  }
0xf5: {  	_ =	swait.ge [sflag:s30], $0x2490  }
0xf6: {  	[sflag:s30] =	ssyncset.done $0x0  }
0xf7: {  	s23 =	simm.s32 @!p1 $0x28A0;
	s18 =	rddreg [dreg:$0x18];
	[sflag:s30] =	ssyncadd.s32 $0xFFFFDB70  }
0xf8: {  	[spmem:s18] =	stream.linear.scatter @!p1 [tilespmem:s23], [sflag:$0x7], $0x2D00, $0x38;
	[tilespmem:$0x1E5A0] =	vst v63  }
0xf9: {  	s23 =	simm.s32 @!p1 $0x7  }
0xfa: {  	_ =	swait.ge @!p1 [sflag:s23], $0x2D00  }
0xfb: {  	[sflag:s23] =	ssyncset.done @!p1 $0x0  }
0xfc: {  	[sflag:s23] =	ssyncadd.s32 @!p1 $0xFFFFD300  }
0xfd: {  	[bflag:$0x0] =	sbarrier.arrive $0xFFFF  }
0xfe: {  	[spmem:s3] =	stream.indirect.scatter.add.f32 [tilespmem:s29], [sflag:$0x5], $0x90, s0, s31, $0xb8;
	[tilespmem:$0x1E5A0] =	vst v63  }
0xff: {  	_ = 	snop  }
0x100: {  	[spmem:s3] =	stream.indirect.scatter.add.f32 [tilespmem:s7], [sflag:$0x6], $0x90, s2, s31, $0xb8;
	[tilespmem:$0x1E5A0] =	vst v63  }
0x101: {  	s24 =	simm.s32 $0xA0;
	s23 =	rddreg [dreg:$0xd]  }
0x102: {  	[tilespmem:s24], [sflag:$0x1] =	stream.strided.gather [hbm4b:s23+s8], $0x1400, s9, s8, $0x38;
	[tilespmem:$0x1E5A0] =	vst v63  }
0x103: {  	s25 =	rddreg [dreg:$0xe];
	s23 =	simm.s32 $0x0  }
0x104: {  	[tilespmem:s23], [sflag:$0x3] =	stream.linear.gather [hbm4b:s25+s23], $0x50, $0x38;
	[tilespmem:$0x1E5A0] =	vst v63  }
0x105: {  	s26 =	rddreg [dreg:$0xf]  }
0x106: {  	[tilespmem:s10], [sflag:$0x2] =	stream.strided.gather [hbm4b:s26+s8], $0x1400, s9, s8, $0x38;
	[tilespmem:$0x1E5A0] =	vst v63  }
0x107: {  	s28 =	rddreg [dreg:$0x10]  }
0x108: {  	[tilespmem:s31], [sflag:$0x4] =	stream.linear.gather [hbm4b:s28+s23], $0x50, $0x38;
	[tilespmem:$0x1E5A0] =	vst v63  }
.LBB2_4:
0x109: {  	_ =	swait.ge [sflag:s12], $0x1400  }
0x10a: {  	[sflag:s12] =	ssyncset.done $0x0  }
0x10b: {  	[sflag:s12] =	ssyncadd.s32 $0xFFFFEC00  }
0x10c: {  	_ =	swait.ge [sflag:s13], $0x50  }
0x10d: {  	[sflag:s13] =	ssyncset.done $0x0  }
0x10e: {  	[sflag:s13] =	ssyncadd.s32 $0xFFFFFFB0  }
0x10f: {  	_ =	swait.ge [sflag:s14], $0x2D00  }
0x110: {  	[sflag:s14] =	ssyncset.done $0x0  }
0x111: {  	[sflag:s14] =	ssyncadd.s32 $0xFFFFD300  }
.Ltmp3:
0x112: {  	[tilespmem:$0x82A0] =	vst v1;
	(pc) =	sbr.rel .LBB2_5-.Ltmp3, $4  }
0x113: {  	[tilespmem:$0x82B0] =	vst v2  }
0x114: {  	[tilespmem:$0x82C0] =	vst v3  }
0x115: {  	[tilespmem:$0x82D0] =	vst v4  }
0x116: {  	s24 =	simm.s32 $0x2A0;
	s25 =	simm.s32 $0x0;
	s26 =	simm.s32 $0x0;
	[tilespmem:$0x82E0] =	vst v5  }
.LBB2_7:
0x117: {  	s18 =	smul.u32 $0x240, s26;
	_ =	sdelay $0x1  }
0x118: {  	v9 =	vmul.f32 v8, v8;
	s28 =	sshra.s32 s18, $0x2  }
0x119: {  	[tilespmem:s28+$0x28A0] =	vst v8  }
0x11a: {  	[tilespmem:s28+$0x28E0] =	vst v9  }
0x11b: {  	v8 =	vld [tilespmem:s24+$0xFFFFFE10];
	_ =	sdelay $0x4  }
0x11c: {  	v54 =	vmul.f32 v8, v8  }
0x11d: {  	[tilespmem:s28+$0x28B0] =	vst v8  }
0x11e: {  	[tilespmem:s28+$0x28F0] =	vst v54  }
0x11f: {  	v8 =	vld [tilespmem:s24+$0xFFFFFE20];
	_ =	sdelay $0x4  }
0x120: {  	v55 =	vmul.f32 v8, v8  }
0x121: {  	[tilespmem:s28+$0x28C0] =	vst v8  }
0x122: {  	[tilespmem:s28+$0x2900] =	vst v55  }
0x123: {  	v8 =	vld [tilespmem:s24+$0xFFFFFE30];
	_ =	sdelay $0x4  }
0x124: {  	v56 =	vmul.f32 v8, v8;
	[tilespmem:s28+$0x28D0] =	vst v8;
	v8 =	vsel vm0, $0x3F800000, v0  }
0x125: {  	[tilespmem:s28+$0x2920] =	vst v8  }
0x126: {  	[tilespmem:s28+$0x2910] =	vst v56  }
0x127: {  	v9 =	vld [tilespmem:s24+$0xFFFFFE40];
	_ =	sdelay $0x4  }
0x128: {  	v10 =	vmul.f32 v9, v9  }
0x129: {  	[tilespmem:s28+$0x2930] =	vst v9  }
0x12a: {  	[tilespmem:s28+$0x2970] =	vst v10  }
0x12b: {  	v9 =	vld [tilespmem:s24+$0xFFFFFE50];
	_ =	sdelay $0x4  }
0x12c: {  	v57 =	vmul.f32 v9, v9  }
0x12d: {  	[tilespmem:s28+$0x2940] =	vst v9  }
0x12e: {  	[tilespmem:s28+$0x2980] =	vst v57  }
0x12f: {  	v9 =	vld [tilespmem:s24+$0xFFFFFE60];
	_ =	sdelay $0x4  }
0x130: {  	v58 =	vmul.f32 v9, v9  }
0x131: {  	[tilespmem:s28+$0x2950] =	vst v9  }
0x132: {  	[tilespmem:s28+$0x2990] =	vst v58  }
0x133: {  	v9 =	vld [tilespmem:s24+$0xFFFFFE70];
	_ =	sdelay $0x4  }
0x134: {  	[tilespmem:s28+$0x29B0] =	vst v8;
	v59 =	vmul.f32 v9, v9  }
0x135: {  	[tilespmem:s28+$0x2960] =	vst v9  }
0x136: {  	[tilespmem:s28+$0x29A0] =	vst v59  }
0x137: {  	v9 =	vld [tilespmem:s24+$0xFFFFFE80];
	_ =	sdelay $0x4  }
0x138: {  	v60 =	vmul.f32 v9, v9  }
0x139: {  	[tilespmem:s28+$0x29C0] =	vst v9  }
0x13a: {  	[tilespmem:s28+$0x2A00] =	vst v60  }
0x13b: {  	v9 =	vld [tilespmem:s24+$0xFFFFFE90];
	_ =	sdelay $0x4  }
0x13c: {  	v61 =	vmul.f32 v9, v9  }
0x13d: {  	[tilespmem:s28+$0x29D0] =	vst v9  }
0x13e: {  	[tilespmem:s28+$0x2A10] =	vst v61  }
0x13f: {  	v9 =	vld [tilespmem:s24+$0xFFFFFEA0];
	_ =	sdelay $0x4  }
0x140: {  	v62 =	vmul.f32 v9, v9  }
0x141: {  	[tilespmem:s28+$0x29E0] =	vst v9  }
0x142: {  	[tilespmem:s28+$0x2A20] =	vst v62  }
0x143: {  	v9 =	vld [tilespmem:s24+$0xFFFFFEB0];
	_ =	sdelay $0x4  }
0x144: {  	[tilespmem:s28+$0x2A40] =	vst v8;
	v63 =	vmul.f32 v9, v9  }
0x145: {  	[tilespmem:s28+$0x29F0] =	vst v9  }
0x146: {  	[tilespmem:s28+$0x2A30] =	vst v63  }
0x147: {  	v9 =	vld [tilespmem:s24+$0xFFFFFEC0];
	_ =	sdelay $0x4  }
0x148: {  	v12 =	vmul.f32 v9, v9  }
0x149: {  	[tilespmem:s28+$0x2A50] =	vst v9  }
0x14a: {  	[tilespmem:s28+$0x2A90] =	vst v12  }
0x14b: {  	v9 =	vld [tilespmem:s24+$0xFFFFFED0];
	_ =	sdelay $0x4  }
0x14c: {  	v13 =	vmul.f32 v9, v9  }
0x14d: {  	[tilespmem:s28+$0x2A60] =	vst v9  }
0x14e: {  	[tilespmem:s28+$0x2AA0] =	vst v13  }
0x14f: {  	v9 =	vld [tilespmem:s24+$0xFFFFFEE0];
	_ =	sdelay $0x4  }
0x150: {  	v14 =	vmul.f32 v9, v9  }
0x151: {  	[tilespmem:s28+$0x2A70] =	vst v9  }
0x152: {  	[tilespmem:s28+$0x2AB0] =	vst v14  }
0x153: {  	v9 =	vld [tilespmem:s24+$0xFFFFFEF0];
	_ =	sdelay $0x4  }
0x154: {  	[tilespmem:s28+$0x2AD0] =	vst v8;
	v15 =	vmul.f32 v9, v9  }
0x155: {  	[tilespmem:s28+$0x2A80] =	vst v9  }
0x156: {  	[tilespmem:s28+$0x2AC0] =	vst v15  }
0x157: {  	v9 =	vld [tilespmem:s24+$0xFFFFFF00];
	_ =	sdelay $0x4  }
0x158: {  	v16 =	vmul.f32 v9, v9  }
0x159: {  	[tilespmem:s28+$0x2AE0] =	vst v9  }
0x15a: {  	[tilespmem:s28+$0x2B20] =	vst v16  }
0x15b: {  	v9 =	vld [tilespmem:s24+$0xFFFFFF10];
	_ =	sdelay $0x4  }
0x15c: {  	v17 =	vmul.f32 v9, v9  }
0x15d: {  	[tilespmem:s28+$0x2AF0] =	vst v9  }
0x15e: {  	[tilespmem:s28+$0x2B30] =	vst v17  }
0x15f: {  	v9 =	vld [tilespmem:s24+$0xFFFFFF20];
	_ =	sdelay $0x4  }
0x160: {  	v18 =	vmul.f32 v9, v9  }
0x161: {  	[tilespmem:s28+$0x2B00] =	vst v9  }
0x162: {  	[tilespmem:s28+$0x2B40] =	vst v18  }
0x163: {  	v9 =	vld [tilespmem:s24+$0xFFFFFF30];
	_ =	sdelay $0x4  }
0x164: {  	[tilespmem:s28+$0x2B60] =	vst v8;
	v19 =	vmul.f32 v9, v9  }
0x165: {  	[tilespmem:s28+$0x2B10] =	vst v9  }
0x166: {  	[tilespmem:s28+$0x2B50] =	vst v19  }
0x167: {  	v9 =	vld [tilespmem:s24+$0xFFFFFF40];
	_ =	sdelay $0x4  }
0x168: {  	v20 =	vmul.f32 v9, v9  }
0x169: {  	[tilespmem:s28+$0x2B70] =	vst v9  }
0x16a: {  	[tilespmem:s28+$0x2BB0] =	vst v20  }
0x16b: {  	v9 =	vld [tilespmem:s24+$0xFFFFFF50];
	_ =	sdelay $0x4  }
0x16c: {  	v21 =	vmul.f32 v9, v9  }
0x16d: {  	[tilespmem:s28+$0x2B80] =	vst v9  }
0x16e: {  	[tilespmem:s28+$0x2BC0] =	vst v21  }
0x16f: {  	v9 =	vld [tilespmem:s24+$0xFFFFFF60];
	_ =	sdelay $0x4  }
0x170: {  	v22 =	vmul.f32 v9, v9  }
0x171: {  	[tilespmem:s28+$0x2B90] =	vst v9  }
0x172: {  	[tilespmem:s28+$0x2BD0] =	vst v22  }
0x173: {  	v9 =	vld [tilespmem:s24+$0xFFFFFF70];
	_ =	sdelay $0x4  }
0x174: {  	[tilespmem:s28+$0x2BF0] =	vst v8;
	v23 =	vmul.f32 v9, v9  }
0x175: {  	[tilespmem:s28+$0x2BA0] =	vst v9  }
0x176: {  	[tilespmem:s28+$0x2BE0] =	vst v23  }
0x177: {  	v9 =	vld [tilespmem:s24+$0xFFFFFF80];
	_ =	sdelay $0x4  }
0x178: {  	v24 =	vmul.f32 v9, v9  }
0x179: {  	[tilespmem:s28+$0x2C00] =	vst v9  }
0x17a: {  	[tilespmem:s28+$0x2C40] =	vst v24  }
0x17b: {  	v9 =	vld [tilespmem:s24+$0xFFFFFF90];
	_ =	sdelay $0x4  }
0x17c: {  	v25 =	vmul.f32 v9, v9  }
0x17d: {  	[tilespmem:s28+$0x2C10] =	vst v9  }
0x17e: {  	[tilespmem:s28+$0x2C50] =	vst v25  }
0x17f: {  	v9 =	vld [tilespmem:s24+$0xFFFFFFA0];
	_ =	sdelay $0x4  }
0x180: {  	v26 =	vmul.f32 v9, v9  }
0x181: {  	[tilespmem:s28+$0x2C20] =	vst v9  }
0x182: {  	[tilespmem:s28+$0x2C60] =	vst v26  }
0x183: {  	v9 =	vld [tilespmem:s24+$0xFFFFFFB0];
	_ =	sdelay $0x4  }
0x184: {  	[tilespmem:s28+$0x2C80] =	vst v8;
	v27 =	vmul.f32 v9, v9  }
0x185: {  	[tilespmem:s28+$0x2C30] =	vst v9  }
0x186: {  	[tilespmem:s28+$0x2C70] =	vst v27  }
0x187: {  	v9 =	vld [tilespmem:s24+$0xFFFFFFC0];
	_ =	sdelay $0x4  }
0x188: {  	v28 =	vmul.f32 v9, v9  }
0x189: {  	[tilespmem:s28+$0x2C90] =	vst v9  }
0x18a: {  	[tilespmem:s28+$0x2CD0] =	vst v28  }
0x18b: {  	v9 =	vld [tilespmem:s24+$0xFFFFFFD0];
	_ =	sdelay $0x4  }
0x18c: {  	v29 =	vmul.f32 v9, v9  }
0x18d: {  	[tilespmem:s28+$0x2CA0] =	vst v9  }
0x18e: {  	[tilespmem:s28+$0x2CE0] =	vst v29  }
0x18f: {  	v9 =	vld [tilespmem:s24+$0xFFFFFFE0];
	_ =	sdelay $0x4  }
0x190: {  	v30 =	vmul.f32 v9, v9  }
0x191: {  	[tilespmem:s28+$0x2CB0] =	vst v9  }
0x192: {  	[tilespmem:s28+$0x2CF0] =	vst v30  }
0x193: {  	v9 =	vld [tilespmem:s24+$0xFFFFFFF0];
	_ =	sdelay $0x4  }
0x194: {  	[tilespmem:s28+$0x2D10] =	vst v8;
	v31 =	vmul.f32 v9, v9  }
0x195: {  	[tilespmem:s28+$0x2CC0] =	vst v9  }
0x196: {  	[tilespmem:s28+$0x2D00] =	vst v31  }
0x197: {  	v9 =	vld [tilespmem:s24+$0x0];
	_ =	sdelay $0x4  }
0x198: {  	v32 =	vmul.f32 v9, v9  }
0x199: {  	[tilespmem:s28+$0x2D20] =	vst v9  }
0x19a: {  	[tilespmem:s28+$0x2D60] =	vst v32  }
0x19b: {  	v9 =	vld [tilespmem:s24+$0x10];
	_ =	sdelay $0x4  }
0x19c: {  	v33 =	vmul.f32 v9, v9  }
0x19d: {  	[tilespmem:s28+$0x2D30] =	vst v9  }
0x19e: {  	[tilespmem:s28+$0x2D70] =	vst v33  }
0x19f: {  	v9 =	vld [tilespmem:s24+$0x20];
	_ =	sdelay $0x4  }
0x1a0: {  	v34 =	vmul.f32 v9, v9  }
0x1a1: {  	[tilespmem:s28+$0x2D40] =	vst v9  }
0x1a2: {  	[tilespmem:s28+$0x2D80] =	vst v34  }
0x1a3: {  	v9 =	vld [tilespmem:s24+$0x30];
	_ =	sdelay $0x4  }
0x1a4: {  	[tilespmem:s28+$0x2DA0] =	vst v8;
	v35 =	vmul.f32 v9, v9  }
0x1a5: {  	[tilespmem:s28+$0x2D50] =	vst v9  }
0x1a6: {  	[tilespmem:s28+$0x2D90] =	vst v35  }
0x1a7: {  	v9 =	vld [tilespmem:s24+$0x40];
	_ =	sdelay $0x4  }
0x1a8: {  	v36 =	vmul.f32 v9, v9  }
0x1a9: {  	[tilespmem:s28+$0x2DB0] =	vst v9  }
0x1aa: {  	[tilespmem:s28+$0x2DF0] =	vst v36  }
0x1ab: {  	v9 =	vld [tilespmem:s24+$0x50];
	_ =	sdelay $0x4  }
0x1ac: {  	v37 =	vmul.f32 v9, v9  }
0x1ad: {  	[tilespmem:s28+$0x2DC0] =	vst v9  }
0x1ae: {  	[tilespmem:s28+$0x2E00] =	vst v37  }
0x1af: {  	v9 =	vld [tilespmem:s24+$0x60];
	_ =	sdelay $0x4  }
0x1b0: {  	v38 =	vmul.f32 v9, v9  }
0x1b1: {  	[tilespmem:s28+$0x2DD0] =	vst v9  }
0x1b2: {  	[tilespmem:s28+$0x2E10] =	vst v38  }
0x1b3: {  	v9 =	vld [tilespmem:s24+$0x70];
	_ =	sdelay $0x4  }
0x1b4: {  	[tilespmem:s28+$0x2E30] =	vst v8;
	v39 =	vmul.f32 v9, v9  }
0x1b5: {  	[tilespmem:s28+$0x2DE0] =	vst v9  }
0x1b6: {  	[tilespmem:s28+$0x2E20] =	vst v39  }
0x1b7: {  	v9 =	vld [tilespmem:s24+$0x80];
	_ =	sdelay $0x4  }
0x1b8: {  	v40 =	vmul.f32 v9, v9  }
0x1b9: {  	[tilespmem:s28+$0x2E40] =	vst v9  }
0x1ba: {  	[tilespmem:s28+$0x2E80] =	vst v40  }
0x1bb: {  	v9 =	vld [tilespmem:s24+$0x90];
	_ =	sdelay $0x4  }
0x1bc: {  	v41 =	vmul.f32 v9, v9  }
0x1bd: {  	[tilespmem:s28+$0x2E50] =	vst v9  }
0x1be: {  	[tilespmem:s28+$0x2E90] =	vst v41  }
0x1bf: {  	v9 =	vld [tilespmem:s24+$0xA0];
	_ =	sdelay $0x4  }
0x1c0: {  	v42 =	vmul.f32 v9, v9  }
0x1c1: {  	[tilespmem:s28+$0x2E60] =	vst v9  }
0x1c2: {  	[tilespmem:s28+$0x2EA0] =	vst v42  }
0x1c3: {  	v9 =	vld [tilespmem:s24+$0xB0];
	_ =	sdelay $0x4  }
0x1c4: {  	[tilespmem:s28+$0x2EC0] =	vst v8;
	v43 =	vmul.f32 v9, v9  }
0x1c5: {  	[tilespmem:s28+$0x2E70] =	vst v9  }
0x1c6: {  	[tilespmem:s28+$0x2EB0] =	vst v43  }
0x1c7: {  	v9 =	vld [tilespmem:s24+$0xC0];
	_ =	sdelay $0x4  }
0x1c8: {  	v44 =	vmul.f32 v9, v9  }
0x1c9: {  	[tilespmem:s28+$0x2ED0] =	vst v9  }
0x1ca: {  	[tilespmem:s28+$0x2F10] =	vst v44  }
0x1cb: {  	v9 =	vld [tilespmem:s24+$0xD0];
	_ =	sdelay $0x4  }
0x1cc: {  	v45 =	vmul.f32 v9, v9  }
0x1cd: {  	[tilespmem:s28+$0x2EE0] =	vst v9  }
0x1ce: {  	[tilespmem:s28+$0x2F20] =	vst v45  }
0x1cf: {  	v9 =	vld [tilespmem:s24+$0xE0];
	_ =	sdelay $0x4  }
0x1d0: {  	v46 =	vmul.f32 v9, v9  }
0x1d1: {  	[tilespmem:s28+$0x2EF0] =	vst v9  }
0x1d2: {  	[tilespmem:s28+$0x2F30] =	vst v46  }
0x1d3: {  	v9 =	vld [tilespmem:s24+$0xF0];
	_ =	sdelay $0x4  }
0x1d4: {  	[tilespmem:s28+$0x2F50] =	vst v8;
	v47 =	vmul.f32 v9, v9  }
0x1d5: {  	[tilespmem:s28+$0x2F00] =	vst v9  }
0x1d6: {  	[tilespmem:s28+$0x2F40] =	vst v47  }
0x1d7: {  	v9 =	vld [tilespmem:s24+$0x100];
	_ =	sdelay $0x4  }
0x1d8: {  	v48 =	vmul.f32 v9, v9  }
0x1d9: {  	[tilespmem:s28+$0x2F60] =	vst v9  }
0x1da: {  	[tilespmem:s28+$0x2FA0] =	vst v48  }
0x1db: {  	v9 =	vld [tilespmem:s24+$0x110];
	_ =	sdelay $0x4  }
0x1dc: {  	v49 =	vmul.f32 v9, v9  }
0x1dd: {  	[tilespmem:s28+$0x2F70] =	vst v9  }
0x1de: {  	[tilespmem:s28+$0x2FB0] =	vst v49  }
0x1df: {  	v9 =	vld [tilespmem:s24+$0x120];
	_ =	sdelay $0x4  }
0x1e0: {  	v50 =	vmul.f32 v9, v9  }
0x1e1: {  	[tilespmem:s28+$0x2F80] =	vst v9  }
0x1e2: {  	[tilespmem:s28+$0x2FC0] =	vst v50  }
0x1e3: {  	v9 =	vld [tilespmem:s24+$0x130];
	_ =	sdelay $0x4  }
0x1e4: {  	[tilespmem:s28+$0x2FE0] =	vst v8;
	v51 =	vmul.f32 v9, v9  }
0x1e5: {  	[tilespmem:s28+$0x2F90] =	vst v9  }
0x1e6: {  	[tilespmem:s28+$0x2FD0] =	vst v51  }
0x1e7: {  	v9 =	vld [tilespmem:s24+$0x140];
	_ =	sdelay $0x4  }
0x1e8: {  	v52 =	vmul.f32 v9, v9  }
0x1e9: {  	[tilespmem:s28+$0x2FF0] =	vst v9  }
0x1ea: {  	[tilespmem:s28+$0x3030] =	vst v52  }
0x1eb: {  	v9 =	vld [tilespmem:s24+$0x150];
	_ =	sdelay $0x4  }
0x1ec: {  	v53 =	vmul.f32 v9, v9  }
0x1ed: {  	[tilespmem:s28+$0x3000] =	vst v9  }
0x1ee: {  	[tilespmem:s28+$0x3040] =	vst v53  }
0x1ef: {  	v9 =	vld [tilespmem:s24+$0x160];
	_ =	sdelay $0x4  }
0x1f0: {  	v54 =	vmul.f32 v9, v9  }
0x1f1: {  	[tilespmem:s28+$0x3010] =	vst v9  }
0x1f2: {  	[tilespmem:s28+$0x3050] =	vst v54  }
0x1f3: {  	v9 =	vld [tilespmem:s24+$0x170];
	_ =	sdelay $0x4  }
0x1f4: {  	[tilespmem:s28+$0x3070] =	vst v8;
	v55 =	vmul.f32 v9, v9  }
0x1f5: {  	[tilespmem:s28+$0x3020] =	vst v9  }
0x1f6: {  	[tilespmem:s28+$0x3060] =	vst v55  }
0x1f7: {  	v9 =	vld [tilespmem:s24+$0x180];
	_ =	sdelay $0x4  }
0x1f8: {  	v56 =	vmul.f32 v9, v9  }
0x1f9: {  	[tilespmem:s28+$0x3080] =	vst v9  }
0x1fa: {  	[tilespmem:s28+$0x30C0] =	vst v56  }
0x1fb: {  	v9 =	vld [tilespmem:s24+$0x190];
	_ =	sdelay $0x4  }
0x1fc: {  	v57 =	vmul.f32 v9, v9  }
0x1fd: {  	[tilespmem:s28+$0x3090] =	vst v9  }
0x1fe: {  	[tilespmem:s28+$0x30D0] =	vst v57  }
0x1ff: {  	v9 =	vld [tilespmem:s24+$0x1A0];
	_ =	sdelay $0x4  }
0x200: {  	v58 =	vmul.f32 v9, v9  }
0x201: {  	[tilespmem:s28+$0x30A0] =	vst v9  }
0x202: {  	[tilespmem:s28+$0x30E0] =	vst v58  }
0x203: {  	v9 =	vld [tilespmem:s24+$0x1B0];
	_ =	sdelay $0x4  }
0x204: {  	[tilespmem:s28+$0x3100] =	vst v8;
	v59 =	vmul.f32 v9, v9  }
0x205: {  	[tilespmem:s28+$0x30B0] =	vst v9  }
0x206: {  	[tilespmem:s28+$0x30F0] =	vst v59  }
0x207: {  	v9 =	vld [tilespmem:s24+$0x1C0];
	_ =	sdelay $0x4  }
0x208: {  	v60 =	vmul.f32 v9, v9  }
0x209: {  	[tilespmem:s28+$0x3110] =	vst v9  }
0x20a: {  	[tilespmem:s28+$0x3150] =	vst v60  }
0x20b: {  	v9 =	vld [tilespmem:s24+$0x1D0];
	_ =	sdelay $0x4  }
0x20c: {  	v61 =	vmul.f32 v9, v9  }
0x20d: {  	[tilespmem:s28+$0x3120] =	vst v9  }
0x20e: {  	[tilespmem:s28+$0x3160] =	vst v61  }
0x20f: {  	v9 =	vld [tilespmem:s24+$0x1E0];
	_ =	sdelay $0x4  }
0x210: {  	v62 =	vmul.f32 v9, v9  }
0x211: {  	[tilespmem:s28+$0x3130] =	vst v9  }
0x212: {  	[tilespmem:s28+$0x3170] =	vst v62  }
0x213: {  	v9 =	vld [tilespmem:s24+$0x1F0];
	_ =	sdelay $0x4  }
0x214: {  	[tilespmem:s28+$0x3190] =	vst v8;
	v63 =	vmul.f32 v9, v9  }
0x215: {  	[tilespmem:s28+$0x3140] =	vst v9  }
0x216: {  	[tilespmem:s28+$0x3180] =	vst v63  }
0x217: {  	s28 =	simm.s32 $0x10;
	[tilespmem:s26+$0x82A0] =	vst v7  }
.LBB2_8:
0x218: {  	s25 =	sadd.s32 $0x40, s25  }
0x219: {  	p2 =	sne.s32 s25, $0x140  }
.Ltmp4:
0x21a: {  	_ = 	snop;
	(pc) =	sbr.rel @!p2 .LBB2_9-.Ltmp4, $2  }
0x21b: {  	_ =	sdelay $0x2  }
0x21c: {  	s26 =	sadd.s32 s28, s26;
	s24 =	sadd.s32 $0x400, s24  }
.LBB2_5:
0x21d: {  	s28 =	sshra.s32 s25, $0x2  }
0x21e: {  	v7 =	vld [tilespmem:s28+$0x0];
	_ =	sdelay $0x4  }
0x21f: {  	(v2sf) =	vpush v7, $0x0  }
0x220: {  	(v2sf) =	vpush v7, $0xF;
	_ =	sdelay $0xd  }
0x221: {  	s28 =	spop (v2sf)  }
0x222: {  	s18 =	spop (v2sf)  }
0x223: {  	p2 =	sne.s32 s28, s18  }
.Ltmp5:
0x224: {  	_ = 	snop;
	(pc) =	sbr.rel @p2 .LBB2_7-.Ltmp5, $2  }
0x225: {  	_ = 	snop  }
0x226: {  	v8 =	vld [tilespmem:s24+$0xFFFFFE00];
	_ =	sdelay $0x2  }
0x227: {  	v9 =	vld [tilespmem:s24+$0xFFFFFE40]  }
0x228: {  	v10 =	vld [tilespmem:s24+$0xFFFFFE80]  }
0x229: {  	v11 =	vld [tilespmem:s24+$0xFFFFFEC0]  }
0x22a: {  	v12 =	vld [tilespmem:s24+$0xFFFFFF00]  }
0x22b: {  	v13 =	vld [tilespmem:s24+$0xFFFFFF40]  }
0x22c: {  	v14 =	vld [tilespmem:s24+$0xFFFFFF80]  }
0x22d: {  	v15 =	vld [tilespmem:s24+$0xFFFFFFC0]  }
0x22e: {  	v16 =	vld [tilespmem:s24+$0x0]  }
0x22f: {  	v17 =	vld [tilespmem:s24+$0x40]  }
0x230: {  	v18 =	vld [tilespmem:s24+$0x80]  }
0x231: {  	v19 =	vld [tilespmem:s24+$0xC0]  }
0x232: {  	v20 =	vld [tilespmem:s24+$0x100]  }
0x233: {  	v21 =	vld [tilespmem:s24+$0x140];
	v22 =	vmul.f32 v8, v8;
	v23 =	vmul.f32 v9, v9  }
0x234: {  	v24 =	vld [tilespmem:s24+$0x180];
	v25 =	vmul.f32 v10, v10;
	v26 =	vmul.f32 v11, v11  }
0x235: {  	v27 =	vld [tilespmem:s24+$0x1C0];
	v28 =	vmul.f32 v12, v12;
	v29 =	vmul.f32 v13, v13  }
0x236: {  	v30 =	vmul.f32 v14, v14;
	v31 =	vmul.f32 v15, v15  }
0x237: {  	v32 =	vmul.f32 v16, v16;
	v8 =	vadd.f32 v9, v8;
	v48 =	vadd.f32 v11, v10  }
0x238: {  	v49 =	vmul.f32 v17, v17;
	v50 =	vadd.f32 v13, v12;
	v51 =	vadd.f32 v15, v14  }
0x239: {  	v52 =	vmul.f32 v18, v18;
	v53 =	vadd.f32 v17, v16;
	v54 =	vadd.f32 v19, v18  }
0x23a: {  	v55 =	vmul.f32 v19, v19;
	v56 =	vadd.f32 v21, v20;
	v57 =	vadd.f32 v27, v24  }
0x23b: {  	v58 =	vmul.f32 v20, v20;
	v8 =	vadd.f32 v48, v8;
	v59 =	vadd.f32 v51, v50  }
0x23c: {  	v60 =	vmul.f32 v21, v21;
	v61 =	vadd.f32 v54, v53;
	v62 =	vadd.f32 v57, v56  }
0x23d: {  	v63 =	vmul.f32 v24, v24;
	v24 =	vadd.f32 v23, v22;
	v26 =	vadd.f32 v26, v25  }
0x23e: {  	v27 =	vmul.f32 v27, v27;
	v29 =	vadd.f32 v29, v28;
	v30 =	vadd.f32 v31, v30  }
0x23f: {  	v10 =	vadd.f32 v49, v32;
	v13 =	vadd.f32 v55, v52  }
0x240: {  	v11 =	vadd.f32 v60, v58;
	v15 =	vadd.f32 v27, v63  }
0x241: {  	v31 =	vadd.f32 v26, v24;
	v32 =	vadd.f32 v30, v29  }
0x242: {  	v10 =	vadd.f32 v13, v10;
	v11 =	vadd.f32 v15, v11  }
0x243: {  	v8 =	vadd.f32 v59, v8;
	v33 =	vadd.f32 v62, v61  }
0x244: {  	s18 =	smul.u32 $0x240, s26;
	v34 =	vadd.f32 v32, v31;
	v10 =	vadd.f32 v11, v10  }
0x245: {  	v8 =	vadd.f32 v33, v8  }
0x246: {  	s28 =	sshra.s32 s18, $0x2;
	v35 =	vadd.f32 v10, v34  }
0x247: {  	[tilespmem:s28+$0x28A0] =	vst v8  }
0x248: {  	[tilespmem:s28+$0x28E0] =	vst v35  }
0x249: {  	v8 =	vld [tilespmem:s24+$0xFFFFFE10]  }
0x24a: {  	v9 =	vld [tilespmem:s24+$0xFFFFFE50]  }
0x24b: {  	v36 =	vld [tilespmem:s24+$0xFFFFFE90]  }
0x24c: {  	v37 =	vld [tilespmem:s24+$0xFFFFFED0]  }
0x24d: {  	v38 =	vld [tilespmem:s24+$0xFFFFFF10]  }
0x24e: {  	v39 =	vld [tilespmem:s24+$0xFFFFFF50]  }
0x24f: {  	v40 =	vld [tilespmem:s24+$0xFFFFFF90]  }
0x250: {  	v41 =	vld [tilespmem:s24+$0xFFFFFFD0]  }
0x251: {  	v42 =	vld [tilespmem:s24+$0x10]  }
0x252: {  	v43 =	vld [tilespmem:s24+$0x50]  }
0x253: {  	v44 =	vld [tilespmem:s24+$0x90]  }
0x254: {  	v45 =	vld [tilespmem:s24+$0xD0]  }
0x255: {  	v46 =	vld [tilespmem:s24+$0x110]  }
0x256: {  	v47 =	vld [tilespmem:s24+$0x150];
	v48 =	vmul.f32 v8, v8;
	v49 =	vmul.f32 v9, v9  }
0x257: {  	v50 =	vld [tilespmem:s24+$0x190];
	v51 =	vmul.f32 v36, v36;
	v52 =	vmul.f32 v37, v37  }
0x258: {  	v53 =	vld [tilespmem:s24+$0x1D0];
	v54 =	vmul.f32 v38, v38;
	v55 =	vmul.f32 v39, v39  }
0x259: {  	v56 =	vmul.f32 v40, v40;
	v57 =	vmul.f32 v41, v41  }
0x25a: {  	v58 =	vmul.f32 v42, v42;
	v8 =	vadd.f32 v9, v8;
	v59 =	vadd.f32 v37, v36  }
0x25b: {  	v60 =	vmul.f32 v43, v43;
	v61 =	vadd.f32 v39, v38;
	v62 =	vadd.f32 v41, v40  }
0x25c: {  	v63 =	vmul.f32 v44, v44;
	v33 =	vadd.f32 v43, v42;
	v34 =	vadd.f32 v45, v44  }
0x25d: {  	v35 =	vmul.f32 v45, v45;
	v36 =	vadd.f32 v47, v46;
	v37 =	vadd.f32 v53, v50  }
0x25e: {  	v38 =	vmul.f32 v46, v46;
	v8 =	vadd.f32 v59, v8;
	v39 =	vadd.f32 v62, v61  }
0x25f: {  	v40 =	vmul.f32 v47, v47;
	v41 =	vadd.f32 v34, v33;
	v42 =	vadd.f32 v37, v36  }
0x260: {  	v43 =	vmul.f32 v50, v50;
	v44 =	vadd.f32 v49, v48;
	v45 =	vadd.f32 v52, v51  }
0x261: {  	v46 =	vmul.f32 v53, v53;
	v47 =	vadd.f32 v55, v54;
	v48 =	vadd.f32 v57, v56  }
0x262: {  	v10 =	vadd.f32 v60, v58;
	v13 =	vadd.f32 v35, v63  }
0x263: {  	v11 =	vadd.f32 v40, v38;
	v15 =	vadd.f32 v46, v43  }
0x264: {  	v49 =	vadd.f32 v45, v44;
	v50 =	vadd.f32 v48, v47  }
0x265: {  	v10 =	vadd.f32 v13, v10;
	v11 =	vadd.f32 v15, v11  }
0x266: {  	v8 =	vadd.f32 v39, v8;
	v51 =	vadd.f32 v42, v41  }
0x267: {  	v52 =	vadd.f32 v50, v49;
	v10 =	vadd.f32 v11, v10  }
0x268: {  	v8 =	vadd.f32 v51, v8  }
0x269: {  	v53 =	vadd.f32 v10, v52  }
0x26a: {  	[tilespmem:s28+$0x28B0] =	vst v8  }
0x26b: {  	[tilespmem:s28+$0x28F0] =	vst v53  }
0x26c: {  	v8 =	vld [tilespmem:s24+$0xFFFFFE20]  }
0x26d: {  	v9 =	vld [tilespmem:s24+$0xFFFFFE60]  }
0x26e: {  	v54 =	vld [tilespmem:s24+$0xFFFFFEA0]  }
0x26f: {  	v55 =	vld [tilespmem:s24+$0xFFFFFEE0]  }
0x270: {  	v56 =	vld [tilespmem:s24+$0xFFFFFF20]  }
0x271: {  	v57 =	vld [tilespmem:s24+$0xFFFFFF60]  }
0x272: {  	v58 =	vld [tilespmem:s24+$0xFFFFFFA0]  }
0x273: {  	v59 =	vld [tilespmem:s24+$0xFFFFFFE0]  }
0x274: {  	v60 =	vld [tilespmem:s24+$0x20]  }
0x275: {  	v61 =	vld [tilespmem:s24+$0x60]  }
0x276: {  	v62 =	vld [tilespmem:s24+$0xA0]  }
0x277: {  	v63 =	vld [tilespmem:s24+$0xE0]  }
0x278: {  	v36 =	vld [tilespmem:s24+$0x120]  }
0x279: {  	v37 =	vld [tilespmem:s24+$0x160];
	v38 =	vmul.f32 v8, v8;
	v39 =	vmul.f32 v9, v9  }
0x27a: {  	v40 =	vld [tilespmem:s24+$0x1A0];
	v41 =	vmul.f32 v54, v54;
	v42 =	vmul.f32 v55, v55  }
0x27b: {  	v43 =	vld [tilespmem:s24+$0x1E0];
	v44 =	vmul.f32 v56, v56;
	v45 =	vmul.f32 v57, v57  }
0x27c: {  	v46 =	vmul.f32 v58, v58;
	v47 =	vmul.f32 v59, v59  }
0x27d: {  	v48 =	vmul.f32 v60, v60;
	v8 =	vadd.f32 v9, v8;
	v49 =	vadd.f32 v55, v54  }
0x27e: {  	v50 =	vmul.f32 v61, v61;
	v51 =	vadd.f32 v57, v56;
	v52 =	vadd.f32 v59, v58  }
0x27f: {  	v53 =	vmul.f32 v62, v62;
	v54 =	vadd.f32 v61, v60;
	v55 =	vadd.f32 v63, v62  }
0x280: {  	v56 =	vmul.f32 v63, v63;
	v57 =	vadd.f32 v37, v36;
	v58 =	vadd.f32 v43, v40  }
0x281: {  	v59 =	vmul.f32 v36, v36;
	v8 =	vadd.f32 v49, v8;
	v60 =	vadd.f32 v52, v51  }
0x282: {  	v61 =	vmul.f32 v37, v37;
	v62 =	vadd.f32 v55, v54;
	v63 =	vadd.f32 v58, v57  }
0x283: {  	v24 =	vmul.f32 v40, v40;
	v33 =	vadd.f32 v39, v38;
	v34 =	vadd.f32 v42, v41  }
0x284: {  	v35 =	vmul.f32 v43, v43;
	v36 =	vadd.f32 v45, v44;
	v37 =	vadd.f32 v47, v46  }
0x285: {  	v10 =	vadd.f32 v50, v48;
	v13 =	vadd.f32 v56, v53  }
0x286: {  	v11 =	vadd.f32 v61, v59;
	v15 =	vadd.f32 v35, v24  }
0x287: {  	v38 =	vadd.f32 v34, v33;
	v39 =	vadd.f32 v37, v36  }
0x288: {  	v10 =	vadd.f32 v13, v10;
	v11 =	vadd.f32 v15, v11  }
0x289: {  	v8 =	vadd.f32 v60, v8;
	v40 =	vadd.f32 v63, v62  }
0x28a: {  	v41 =	vadd.f32 v39, v38;
	v10 =	vadd.f32 v11, v10  }
0x28b: {  	v8 =	vadd.f32 v40, v8  }
0x28c: {  	v42 =	vadd.f32 v10, v41  }
0x28d: {  	[tilespmem:s28+$0x28C0] =	vst v8  }
0x28e: {  	[tilespmem:s28+$0x2900] =	vst v42  }
0x28f: {  	v8 =	vld [tilespmem:s24+$0xFFFFFE30]  }
0x290: {  	v9 =	vld [tilespmem:s24+$0xFFFFFE70]  }
0x291: {  	v43 =	vld [tilespmem:s24+$0xFFFFFEB0]  }
0x292: {  	v44 =	vld [tilespmem:s24+$0xFFFFFEF0]  }
0x293: {  	v45 =	vld [tilespmem:s24+$0xFFFFFF30]  }
0x294: {  	v46 =	vld [tilespmem:s24+$0xFFFFFF70]  }
0x295: {  	v47 =	vld [tilespmem:s24+$0xFFFFFFB0]  }
0x296: {  	v48 =	vld [tilespmem:s24+$0xFFFFFFF0]  }
0x297: {  	v49 =	vld [tilespmem:s24+$0x30]  }
0x298: {  	v50 =	vld [tilespmem:s24+$0x70]  }
0x299: {  	v51 =	vld [tilespmem:s24+$0xB0]  }
0x29a: {  	v52 =	vld [tilespmem:s24+$0xF0]  }
0x29b: {  	v53 =	vld [tilespmem:s24+$0x130]  }
0x29c: {  	v54 =	vld [tilespmem:s24+$0x170];
	v55 =	vmul.f32 v8, v8;
	v56 =	vmul.f32 v9, v9  }
0x29d: {  	v57 =	vld [tilespmem:s24+$0x1B0];
	v58 =	vmul.f32 v43, v43;
	v59 =	vmul.f32 v44, v44  }
0x29e: {  	v60 =	vld [tilespmem:s24+$0x1F0];
	v61 =	vmul.f32 v45, v45;
	v62 =	vmul.f32 v46, v46  }
0x29f: {  	v63 =	vmul.f32 v47, v47;
	v36 =	vmul.f32 v48, v48  }
0x2a0: {  	v37 =	vmul.f32 v49, v49;
	v8 =	vadd.f32 v9, v8;
	v38 =	vadd.f32 v44, v43  }
0x2a1: {  	v39 =	vmul.f32 v50, v50;
	v40 =	vadd.f32 v46, v45;
	v41 =	vadd.f32 v48, v47  }
0x2a2: {  	v42 =	vmul.f32 v51, v51;
	v43 =	vadd.f32 v50, v49;
	v44 =	vadd.f32 v52, v51  }
0x2a3: {  	v45 =	vmul.f32 v52, v52;
	v46 =	vadd.f32 v54, v53;
	v47 =	vadd.f32 v60, v57  }
0x2a4: {  	v48 =	vmul.f32 v53, v53;
	v8 =	vadd.f32 v38, v8;
	v49 =	vadd.f32 v41, v40  }
0x2a5: {  	v50 =	vmul.f32 v54, v54;
	v51 =	vadd.f32 v44, v43;
	v52 =	vadd.f32 v47, v46  }
0x2a6: {  	v53 =	vmul.f32 v57, v57;
	v54 =	vadd.f32 v56, v55;
	v55 =	vadd.f32 v59, v58  }
0x2a7: {  	v56 =	vmul.f32 v60, v60;
	v57 =	vadd.f32 v62, v61;
	v58 =	vadd.f32 v36, v63  }
0x2a8: {  	v10 =	vadd.f32 v39, v37;
	v13 =	vadd.f32 v45, v42  }
0x2a9: {  	v11 =	vadd.f32 v50, v48;
	v15 =	vadd.f32 v56, v53  }
0x2aa: {  	v59 =	vadd.f32 v55, v54;
	v60 =	vadd.f32 v58, v57  }
0x2ab: {  	v10 =	vadd.f32 v13, v10;
	v11 =	vadd.f32 v15, v11  }
0x2ac: {  	v8 =	vadd.f32 v49, v8;
	v61 =	vadd.f32 v52, v51  }
0x2ad: {  	v62 =	vadd.f32 v60, v59;
	v10 =	vadd.f32 v11, v10  }
0x2ae: {  	v8 =	vadd.f32 v61, v8  }
0x2af: {  	[tilespmem:s28+$0x2920] =	vst v6;
	v63 =	vadd.f32 v10, v62  }
0x2b0: {  	[tilespmem:s28+$0x28D0] =	vst v8  }
0x2b1: {  	[tilespmem:s28+$0x2910] =	vst v63  }
0x2b2: {  	v8 =	vld [tilespmem:s26+$0x82A0];
	_ =	sdelay $0x1  }
.Ltmp6:
0x2b3: {  	_ = 	snop;
	(pc) =	sbr.rel .LBB2_8-.Ltmp6, $3  }
0x2b4: {  	_ =	sdelay $0x1  }
0x2b5: {  	v7 =	vsel vm1, v7, v8  }
0x2b6: {  	s28 =	simm.s32 $0x1;
	[tilespmem:s26+$0x82A0] =	vst v7  }
.LBB2_9:
0x2b7: {  	p2 =	seq.s32 s23, $0x7C  }
0x2b8: {  	s18 =	smul.u32 @!p2 $0xA0, s23  }
0x2b9: {  	[spmem:s3] =	stream.indirect.scatter.add.f32 [tilespmem:s29], [sflag:$0x5], $0x90, s0, s31, $0xb8;
	[tilespmem:$0x1E5A0] =	vst v63  }
0x2ba: {  	s18 =	sadd.s32 @!p2 s18, s20  }
0x2bb: {  	s24 =	sshll.u32 @!p2 s18, $0x7  }
0x2bc: {  	s24 =	sor.u32 @!p2 s11, s24  }
0x2bd: {  	s25 =	simm.s32 @!p2 $0x40;
	s26 =	simm.s32 @!p2 $0x80;
	s24 =	sshrl.u32 @!p2 s24, $0x3  }
0x2be: {  	s28 =	simm.s32 @!p2 $0xA0;
	s18 =	sshrl.u32 @!p2 s18, $0x3;
	s24 =	sadd.s32 @!p2 s1, s24  }
0x2bf: {  	[tilespmem:s28], [sflag:$0x1] =	stream.strided.gather @!p2 [hbm4b:s24+s25], $0x1400, s26, s25, $0x38;
	[tilespmem:$0x1E5A0] =	vst v63  }
0x2c0: {  	s18 =	sadd.s32 @!p2 s5, s18;
	s24 =	simm.s32 @!p2 $0x0  }
0x2c1: {  	[tilespmem:s24], [sflag:$0x3] =	stream.linear.gather @!p2 [hbm4b:s18+s24], $0x50, $0x38;
	[tilespmem:$0x1E5A0] =	vst v63  }
0x2c2: {  	_ =	swait.ge [sflag:s15], $0x1400  }
0x2c3: {  	[sflag:s15] =	ssyncset.done $0x0  }
0x2c4: {  	[sflag:s15] =	ssyncadd.s32 $0xFFFFEC00  }
0x2c5: {  	_ =	swait.ge [sflag:s16], $0x50  }
0x2c6: {  	[sflag:s16] =	ssyncset.done $0x0  }
0x2c7: {  	[sflag:s16] =	ssyncadd.s32 $0xFFFFFFB0  }
0x2c8: {  	_ =	swait.ge [sflag:s17], $0x2D00  }
0x2c9: {  	[sflag:s17] =	ssyncset.done $0x0  }
0x2ca: {  	[sflag:s17] =	ssyncadd.s32 $0xFFFFD300  }
.Ltmp7:
0x2cb: {  	[tilespmem:$0x82F0] =	vst v1;
	(pc) =	sbr.rel .LBB2_10-.Ltmp7, $4  }
0x2cc: {  	[tilespmem:$0x8300] =	vst v2  }
0x2cd: {  	[tilespmem:$0x8310] =	vst v3  }
0x2ce: {  	[tilespmem:$0x8320] =	vst v4  }
0x2cf: {  	s25 =	simm.s32 $0x16A0;
	s26 =	simm.s32 $0x0;
	s24 =	simm.s32 $0x0;
	[tilespmem:$0x8330] =	vst v5  }
.LBB2_12:
0x2d0: {  	s18 =	smul.u32 $0x240, s26;
	_ =	sdelay $0x1  }
0x2d1: {  	v9 =	vmul.f32 v8, v8;
	s28 =	sshra.s32 s18, $0x2  }
0x2d2: {  	[tilespmem:s28+$0x55A0] =	vst v8  }
0x2d3: {  	[tilespmem:s28+$0x55E0] =	vst v9  }
0x2d4: {  	v8 =	vld [tilespmem:s25+$0xFFFFFE10];
	_ =	sdelay $0x4  }
0x2d5: {  	v54 =	vmul.f32 v8, v8  }
0x2d6: {  	[tilespmem:s28+$0x55B0] =	vst v8  }
0x2d7: {  	[tilespmem:s28+$0x55F0] =	vst v54  }
0x2d8: {  	v8 =	vld [tilespmem:s25+$0xFFFFFE20];
	_ =	sdelay $0x4  }
0x2d9: {  	v55 =	vmul.f32 v8, v8  }
0x2da: {  	[tilespmem:s28+$0x55C0] =	vst v8  }
0x2db: {  	[tilespmem:s28+$0x5600] =	vst v55  }
0x2dc: {  	v8 =	vld [tilespmem:s25+$0xFFFFFE30];
	_ =	sdelay $0x4  }
0x2dd: {  	v56 =	vmul.f32 v8, v8;
	[tilespmem:s28+$0x55D0] =	vst v8;
	v8 =	vsel vm0, $0x3F800000, v0  }
0x2de: {  	[tilespmem:s28+$0x5620] =	vst v8  }
0x2df: {  	[tilespmem:s28+$0x5610] =	vst v56  }
0x2e0: {  	v9 =	vld [tilespmem:s25+$0xFFFFFE40];
	_ =	sdelay $0x4  }
0x2e1: {  	v10 =	vmul.f32 v9, v9  }
0x2e2: {  	[tilespmem:s28+$0x5630] =	vst v9  }
0x2e3: {  	[tilespmem:s28+$0x5670] =	vst v10  }
0x2e4: {  	v9 =	vld [tilespmem:s25+$0xFFFFFE50];
	_ =	sdelay $0x4  }
0x2e5: {  	v57 =	vmul.f32 v9, v9  }
0x2e6: {  	[tilespmem:s28+$0x5640] =	vst v9  }
0x2e7: {  	[tilespmem:s28+$0x5680] =	vst v57  }
0x2e8: {  	v9 =	vld [tilespmem:s25+$0xFFFFFE60];
	_ =	sdelay $0x4  }
0x2e9: {  	v58 =	vmul.f32 v9, v9  }
0x2ea: {  	[tilespmem:s28+$0x5650] =	vst v9  }
0x2eb: {  	[tilespmem:s28+$0x5690] =	vst v58  }
0x2ec: {  	v9 =	vld [tilespmem:s25+$0xFFFFFE70];
	_ =	sdelay $0x4  }
0x2ed: {  	[tilespmem:s28+$0x56B0] =	vst v8;
	v59 =	vmul.f32 v9, v9  }
0x2ee: {  	[tilespmem:s28+$0x5660] =	vst v9  }
0x2ef: {  	[tilespmem:s28+$0x56A0] =	vst v59  }
0x2f0: {  	v9 =	vld [tilespmem:s25+$0xFFFFFE80];
	_ =	sdelay $0x4  }
0x2f1: {  	v60 =	vmul.f32 v9, v9  }
0x2f2: {  	[tilespmem:s28+$0x56C0] =	vst v9  }
0x2f3: {  	[tilespmem:s28+$0x5700] =	vst v60  }
0x2f4: {  	v9 =	vld [tilespmem:s25+$0xFFFFFE90];
	_ =	sdelay $0x4  }
0x2f5: {  	v61 =	vmul.f32 v9, v9  }
0x2f6: {  	[tilespmem:s28+$0x56D0] =	vst v9  }
0x2f7: {  	[tilespmem:s28+$0x5710] =	vst v61  }
0x2f8: {  	v9 =	vld [tilespmem:s25+$0xFFFFFEA0];
	_ =	sdelay $0x4  }
0x2f9: {  	v62 =	vmul.f32 v9, v9  }
0x2fa: {  	[tilespmem:s28+$0x56E0] =	vst v9  }
0x2fb: {  	[tilespmem:s28+$0x5720] =	vst v62  }
0x2fc: {  	v9 =	vld [tilespmem:s25+$0xFFFFFEB0];
	_ =	sdelay $0x4  }
0x2fd: {  	[tilespmem:s28+$0x5740] =	vst v8;
	v63 =	vmul.f32 v9, v9  }
0x2fe: {  	[tilespmem:s28+$0x56F0] =	vst v9  }
0x2ff: {  	[tilespmem:s28+$0x5730] =	vst v63  }
0x300: {  	v9 =	vld [tilespmem:s25+$0xFFFFFEC0];
	_ =	sdelay $0x4  }
0x301: {  	v12 =	vmul.f32 v9, v9  }
0x302: {  	[tilespmem:s28+$0x5750] =	vst v9  }
0x303: {  	[tilespmem:s28+$0x5790] =	vst v12  }
0x304: {  	v9 =	vld [tilespmem:s25+$0xFFFFFED0];
	_ =	sdelay $0x4  }
0x305: {  	v13 =	vmul.f32 v9, v9  }
0x306: {  	[tilespmem:s28+$0x5760] =	vst v9  }
0x307: {  	[tilespmem:s28+$0x57A0] =	vst v13  }
0x308: {  	v9 =	vld [tilespmem:s25+$0xFFFFFEE0];
	_ =	sdelay $0x4  }
0x309: {  	v14 =	vmul.f32 v9, v9  }
0x30a: {  	[tilespmem:s28+$0x5770] =	vst v9  }
0x30b: {  	[tilespmem:s28+$0x57B0] =	vst v14  }
0x30c: {  	v9 =	vld [tilespmem:s25+$0xFFFFFEF0];
	_ =	sdelay $0x4  }
0x30d: {  	[tilespmem:s28+$0x57D0] =	vst v8;
	v15 =	vmul.f32 v9, v9  }
0x30e: {  	[tilespmem:s28+$0x5780] =	vst v9  }
0x30f: {  	[tilespmem:s28+$0x57C0] =	vst v15  }
0x310: {  	v9 =	vld [tilespmem:s25+$0xFFFFFF00];
	_ =	sdelay $0x4  }
0x311: {  	v16 =	vmul.f32 v9, v9  }
0x312: {  	[tilespmem:s28+$0x57E0] =	vst v9  }
0x313: {  	[tilespmem:s28+$0x5820] =	vst v16  }
0x314: {  	v9 =	vld [tilespmem:s25+$0xFFFFFF10];
	_ =	sdelay $0x4  }
0x315: {  	v17 =	vmul.f32 v9, v9  }
0x316: {  	[tilespmem:s28+$0x57F0] =	vst v9  }
0x317: {  	[tilespmem:s28+$0x5830] =	vst v17  }
0x318: {  	v9 =	vld [tilespmem:s25+$0xFFFFFF20];
	_ =	sdelay $0x4  }
0x319: {  	v18 =	vmul.f32 v9, v9  }
0x31a: {  	[tilespmem:s28+$0x5800] =	vst v9  }
0x31b: {  	[tilespmem:s28+$0x5840] =	vst v18  }
0x31c: {  	v9 =	vld [tilespmem:s25+$0xFFFFFF30];
	_ =	sdelay $0x4  }
0x31d: {  	[tilespmem:s28+$0x5860] =	vst v8;
	v19 =	vmul.f32 v9, v9  }
0x31e: {  	[tilespmem:s28+$0x5810] =	vst v9  }
0x31f: {  	[tilespmem:s28+$0x5850] =	vst v19  }
0x320: {  	v9 =	vld [tilespmem:s25+$0xFFFFFF40];
	_ =	sdelay $0x4  }
0x321: {  	v20 =	vmul.f32 v9, v9  }
0x322: {  	[tilespmem:s28+$0x5870] =	vst v9  }
0x323: {  	[tilespmem:s28+$0x58B0] =	vst v20  }
0x324: {  	v9 =	vld [tilespmem:s25+$0xFFFFFF50];
	_ =	sdelay $0x4  }
0x325: {  	v21 =	vmul.f32 v9, v9  }
0x326: {  	[tilespmem:s28+$0x5880] =	vst v9  }
0x327: {  	[tilespmem:s28+$0x58C0] =	vst v21  }
0x328: {  	v9 =	vld [tilespmem:s25+$0xFFFFFF60];
	_ =	sdelay $0x4  }
0x329: {  	v22 =	vmul.f32 v9, v9  }
0x32a: {  	[tilespmem:s28+$0x5890] =	vst v9  }
0x32b: {  	[tilespmem:s28+$0x58D0] =	vst v22  }
0x32c: {  	v9 =	vld [tilespmem:s25+$0xFFFFFF70];
	_ =	sdelay $0x4  }
0x32d: {  	[tilespmem:s28+$0x58F0] =	vst v8;
	v23 =	vmul.f32 v9, v9  }
0x32e: {  	[tilespmem:s28+$0x58A0] =	vst v9  }
0x32f: {  	[tilespmem:s28+$0x58E0] =	vst v23  }
0x330: {  	v9 =	vld [tilespmem:s25+$0xFFFFFF80];
	_ =	sdelay $0x4  }
0x331: {  	v24 =	vmul.f32 v9, v9  }
0x332: {  	[tilespmem:s28+$0x5900] =	vst v9  }
0x333: {  	[tilespmem:s28+$0x5940] =	vst v24  }
0x334: {  	v9 =	vld [tilespmem:s25+$0xFFFFFF90];
	_ =	sdelay $0x4  }
0x335: {  	v25 =	vmul.f32 v9, v9  }
0x336: {  	[tilespmem:s28+$0x5910] =	vst v9  }
0x337: {  	[tilespmem:s28+$0x5950] =	vst v25  }
0x338: {  	v9 =	vld [tilespmem:s25+$0xFFFFFFA0];
	_ =	sdelay $0x4  }
0x339: {  	v26 =	vmul.f32 v9, v9  }
0x33a: {  	[tilespmem:s28+$0x5920] =	vst v9  }
0x33b: {  	[tilespmem:s28+$0x5960] =	vst v26  }
0x33c: {  	v9 =	vld [tilespmem:s25+$0xFFFFFFB0];
	_ =	sdelay $0x4  }
0x33d: {  	[tilespmem:s28+$0x5980] =	vst v8;
	v27 =	vmul.f32 v9, v9  }
0x33e: {  	[tilespmem:s28+$0x5930] =	vst v9  }
0x33f: {  	[tilespmem:s28+$0x5970] =	vst v27  }
0x340: {  	v9 =	vld [tilespmem:s25+$0xFFFFFFC0];
	_ =	sdelay $0x4  }
0x341: {  	v28 =	vmul.f32 v9, v9  }
0x342: {  	[tilespmem:s28+$0x5990] =	vst v9  }
0x343: {  	[tilespmem:s28+$0x59D0] =	vst v28  }
0x344: {  	v9 =	vld [tilespmem:s25+$0xFFFFFFD0];
	_ =	sdelay $0x4  }
0x345: {  	v29 =	vmul.f32 v9, v9  }
0x346: {  	[tilespmem:s28+$0x59A0] =	vst v9  }
0x347: {  	[tilespmem:s28+$0x59E0] =	vst v29  }
0x348: {  	v9 =	vld [tilespmem:s25+$0xFFFFFFE0];
	_ =	sdelay $0x4  }
0x349: {  	v30 =	vmul.f32 v9, v9  }
0x34a: {  	[tilespmem:s28+$0x59B0] =	vst v9  }
0x34b: {  	[tilespmem:s28+$0x59F0] =	vst v30  }
0x34c: {  	v9 =	vld [tilespmem:s25+$0xFFFFFFF0];
	_ =	sdelay $0x4  }
0x34d: {  	[tilespmem:s28+$0x5A10] =	vst v8;
	v31 =	vmul.f32 v9, v9  }
0x34e: {  	[tilespmem:s28+$0x59C0] =	vst v9  }
0x34f: {  	[tilespmem:s28+$0x5A00] =	vst v31  }
0x350: {  	v9 =	vld [tilespmem:s25+$0x0];
	_ =	sdelay $0x4  }
0x351: {  	v32 =	vmul.f32 v9, v9  }
0x352: {  	[tilespmem:s28+$0x5A20] =	vst v9  }
0x353: {  	[tilespmem:s28+$0x5A60] =	vst v32  }
0x354: {  	v9 =	vld [tilespmem:s25+$0x10];
	_ =	sdelay $0x4  }
0x355: {  	v33 =	vmul.f32 v9, v9  }
0x356: {  	[tilespmem:s28+$0x5A30] =	vst v9  }
0x357: {  	[tilespmem:s28+$0x5A70] =	vst v33  }
0x358: {  	v9 =	vld [tilespmem:s25+$0x20];
	_ =	sdelay $0x4  }
0x359: {  	v34 =	vmul.f32 v9, v9  }
0x35a: {  	[tilespmem:s28+$0x5A40] =	vst v9  }
0x35b: {  	[tilespmem:s28+$0x5A80] =	vst v34  }
0x35c: {  	v9 =	vld [tilespmem:s25+$0x30];
	_ =	sdelay $0x4  }
0x35d: {  	[tilespmem:s28+$0x5AA0] =	vst v8;
	v35 =	vmul.f32 v9, v9  }
0x35e: {  	[tilespmem:s28+$0x5A50] =	vst v9  }
0x35f: {  	[tilespmem:s28+$0x5A90] =	vst v35  }
0x360: {  	v9 =	vld [tilespmem:s25+$0x40];
	_ =	sdelay $0x4  }
0x361: {  	v36 =	vmul.f32 v9, v9  }
0x362: {  	[tilespmem:s28+$0x5AB0] =	vst v9  }
0x363: {  	[tilespmem:s28+$0x5AF0] =	vst v36  }
0x364: {  	v9 =	vld [tilespmem:s25+$0x50];
	_ =	sdelay $0x4  }
0x365: {  	v37 =	vmul.f32 v9, v9  }
0x366: {  	[tilespmem:s28+$0x5AC0] =	vst v9  }
0x367: {  	[tilespmem:s28+$0x5B00] =	vst v37  }
0x368: {  	v9 =	vld [tilespmem:s25+$0x60];
	_ =	sdelay $0x4  }
0x369: {  	v38 =	vmul.f32 v9, v9  }
0x36a: {  	[tilespmem:s28+$0x5AD0] =	vst v9  }
0x36b: {  	[tilespmem:s28+$0x5B10] =	vst v38  }
0x36c: {  	v9 =	vld [tilespmem:s25+$0x70];
	_ =	sdelay $0x4  }
0x36d: {  	[tilespmem:s28+$0x5B30] =	vst v8;
	v39 =	vmul.f32 v9, v9  }
0x36e: {  	[tilespmem:s28+$0x5AE0] =	vst v9  }
0x36f: {  	[tilespmem:s28+$0x5B20] =	vst v39  }
0x370: {  	v9 =	vld [tilespmem:s25+$0x80];
	_ =	sdelay $0x4  }
0x371: {  	v40 =	vmul.f32 v9, v9  }
0x372: {  	[tilespmem:s28+$0x5B40] =	vst v9  }
0x373: {  	[tilespmem:s28+$0x5B80] =	vst v40  }
0x374: {  	v9 =	vld [tilespmem:s25+$0x90];
	_ =	sdelay $0x4  }
0x375: {  	v41 =	vmul.f32 v9, v9  }
0x376: {  	[tilespmem:s28+$0x5B50] =	vst v9  }
0x377: {  	[tilespmem:s28+$0x5B90] =	vst v41  }
0x378: {  	v9 =	vld [tilespmem:s25+$0xA0];
	_ =	sdelay $0x4  }
0x379: {  	v42 =	vmul.f32 v9, v9  }
0x37a: {  	[tilespmem:s28+$0x5B60] =	vst v9  }
0x37b: {  	[tilespmem:s28+$0x5BA0] =	vst v42  }
0x37c: {  	v9 =	vld [tilespmem:s25+$0xB0];
	_ =	sdelay $0x4  }
0x37d: {  	[tilespmem:s28+$0x5BC0] =	vst v8;
	v43 =	vmul.f32 v9, v9  }
0x37e: {  	[tilespmem:s28+$0x5B70] =	vst v9  }
0x37f: {  	[tilespmem:s28+$0x5BB0] =	vst v43  }
0x380: {  	v9 =	vld [tilespmem:s25+$0xC0];
	_ =	sdelay $0x4  }
0x381: {  	v44 =	vmul.f32 v9, v9  }
0x382: {  	[tilespmem:s28+$0x5BD0] =	vst v9  }
0x383: {  	[tilespmem:s28+$0x5C10] =	vst v44  }
0x384: {  	v9 =	vld [tilespmem:s25+$0xD0];
	_ =	sdelay $0x4  }
0x385: {  	v45 =	vmul.f32 v9, v9  }
0x386: {  	[tilespmem:s28+$0x5BE0] =	vst v9  }
0x387: {  	[tilespmem:s28+$0x5C20] =	vst v45  }
0x388: {  	v9 =	vld [tilespmem:s25+$0xE0];
	_ =	sdelay $0x4  }
0x389: {  	v46 =	vmul.f32 v9, v9  }
0x38a: {  	[tilespmem:s28+$0x5BF0] =	vst v9  }
0x38b: {  	[tilespmem:s28+$0x5C30] =	vst v46  }
0x38c: {  	v9 =	vld [tilespmem:s25+$0xF0];
	_ =	sdelay $0x4  }
0x38d: {  	[tilespmem:s28+$0x5C50] =	vst v8;
	v47 =	vmul.f32 v9, v9  }
0x38e: {  	[tilespmem:s28+$0x5C00] =	vst v9  }
0x38f: {  	[tilespmem:s28+$0x5C40] =	vst v47  }
0x390: {  	v9 =	vld [tilespmem:s25+$0x100];
	_ =	sdelay $0x4  }
0x391: {  	v48 =	vmul.f32 v9, v9  }
0x392: {  	[tilespmem:s28+$0x5C60] =	vst v9  }
0x393: {  	[tilespmem:s28+$0x5CA0] =	vst v48  }
0x394: {  	v9 =	vld [tilespmem:s25+$0x110];
	_ =	sdelay $0x4  }
0x395: {  	v49 =	vmul.f32 v9, v9  }
0x396: {  	[tilespmem:s28+$0x5C70] =	vst v9  }
0x397: {  	[tilespmem:s28+$0x5CB0] =	vst v49  }
0x398: {  	v9 =	vld [tilespmem:s25+$0x120];
	_ =	sdelay $0x4  }
0x399: {  	v50 =	vmul.f32 v9, v9  }
0x39a: {  	[tilespmem:s28+$0x5C80] =	vst v9  }
0x39b: {  	[tilespmem:s28+$0x5CC0] =	vst v50  }
0x39c: {  	v9 =	vld [tilespmem:s25+$0x130];
	_ =	sdelay $0x4  }
0x39d: {  	[tilespmem:s28+$0x5CE0] =	vst v8;
	v51 =	vmul.f32 v9, v9  }
0x39e: {  	[tilespmem:s28+$0x5C90] =	vst v9  }
0x39f: {  	[tilespmem:s28+$0x5CD0] =	vst v51  }
0x3a0: {  	v9 =	vld [tilespmem:s25+$0x140];
	_ =	sdelay $0x4  }
0x3a1: {  	v52 =	vmul.f32 v9, v9  }
0x3a2: {  	[tilespmem:s28+$0x5CF0] =	vst v9  }
0x3a3: {  	[tilespmem:s28+$0x5D30] =	vst v52  }
0x3a4: {  	v9 =	vld [tilespmem:s25+$0x150];
	_ =	sdelay $0x4  }
0x3a5: {  	v53 =	vmul.f32 v9, v9  }
0x3a6: {  	[tilespmem:s28+$0x5D00] =	vst v9  }
0x3a7: {  	[tilespmem:s28+$0x5D40] =	vst v53  }
0x3a8: {  	v9 =	vld [tilespmem:s25+$0x160];
	_ =	sdelay $0x4  }
0x3a9: {  	v54 =	vmul.f32 v9, v9  }
0x3aa: {  	[tilespmem:s28+$0x5D10] =	vst v9  }
0x3ab: {  	[tilespmem:s28+$0x5D50] =	vst v54  }
0x3ac: {  	v9 =	vld [tilespmem:s25+$0x170];
	_ =	sdelay $0x4  }
0x3ad: {  	[tilespmem:s28+$0x5D70] =	vst v8;
	v55 =	vmul.f32 v9, v9  }
0x3ae: {  	[tilespmem:s28+$0x5D20] =	vst v9  }
0x3af: {  	[tilespmem:s28+$0x5D60] =	vst v55  }
0x3b0: {  	v9 =	vld [tilespmem:s25+$0x180];
	_ =	sdelay $0x4  }
0x3b1: {  	v56 =	vmul.f32 v9, v9  }
0x3b2: {  	[tilespmem:s28+$0x5D80] =	vst v9  }
0x3b3: {  	[tilespmem:s28+$0x5DC0] =	vst v56  }
0x3b4: {  	v9 =	vld [tilespmem:s25+$0x190];
	_ =	sdelay $0x4  }
0x3b5: {  	v57 =	vmul.f32 v9, v9  }
0x3b6: {  	[tilespmem:s28+$0x5D90] =	vst v9  }
0x3b7: {  	[tilespmem:s28+$0x5DD0] =	vst v57  }
0x3b8: {  	v9 =	vld [tilespmem:s25+$0x1A0];
	_ =	sdelay $0x4  }
0x3b9: {  	v58 =	vmul.f32 v9, v9  }
0x3ba: {  	[tilespmem:s28+$0x5DA0] =	vst v9  }
0x3bb: {  	[tilespmem:s28+$0x5DE0] =	vst v58  }
0x3bc: {  	v9 =	vld [tilespmem:s25+$0x1B0];
	_ =	sdelay $0x4  }
0x3bd: {  	[tilespmem:s28+$0x5E00] =	vst v8;
	v59 =	vmul.f32 v9, v9  }
0x3be: {  	[tilespmem:s28+$0x5DB0] =	vst v9  }
0x3bf: {  	[tilespmem:s28+$0x5DF0] =	vst v59  }
0x3c0: {  	v9 =	vld [tilespmem:s25+$0x1C0];
	_ =	sdelay $0x4  }
0x3c1: {  	v60 =	vmul.f32 v9, v9  }
0x3c2: {  	[tilespmem:s28+$0x5E10] =	vst v9  }
0x3c3: {  	[tilespmem:s28+$0x5E50] =	vst v60  }
0x3c4: {  	v9 =	vld [tilespmem:s25+$0x1D0];
	_ =	sdelay $0x4  }
0x3c5: {  	v61 =	vmul.f32 v9, v9  }
0x3c6: {  	[tilespmem:s28+$0x5E20] =	vst v9  }
0x3c7: {  	[tilespmem:s28+$0x5E60] =	vst v61  }
0x3c8: {  	v9 =	vld [tilespmem:s25+$0x1E0];
	_ =	sdelay $0x4  }
0x3c9: {  	v62 =	vmul.f32 v9, v9  }
0x3ca: {  	[tilespmem:s28+$0x5E30] =	vst v9  }
0x3cb: {  	[tilespmem:s28+$0x5E70] =	vst v62  }
0x3cc: {  	v9 =	vld [tilespmem:s25+$0x1F0];
	_ =	sdelay $0x4  }
0x3cd: {  	[tilespmem:s28+$0x5E90] =	vst v8;
	v63 =	vmul.f32 v9, v9  }
0x3ce: {  	[tilespmem:s28+$0x5E40] =	vst v9  }
0x3cf: {  	[tilespmem:s28+$0x5E80] =	vst v63  }
0x3d0: {  	s28 =	simm.s32 $0x10;
	[tilespmem:s26+$0x82F0] =	vst v7  }
.LBB2_13:
0x3d1: {  	s24 =	sadd.s32 $0x40, s24  }
0x3d2: {  	p3 =	sne.s32 s24, $0x140  }
.Ltmp8:
0x3d3: {  	_ = 	snop;
	(pc) =	sbr.rel @!p3 .LBB2_14-.Ltmp8, $2  }
0x3d4: {  	_ =	sdelay $0x2  }
0x3d5: {  	s26 =	sadd.s32 s28, s26;
	s25 =	sadd.s32 $0x400, s25  }
.LBB2_10:
0x3d6: {  	s18 =	sshra.s32 s24, $0x2  }
0x3d7: {  	v7 =	vld [tilespmem:s18+$0x50];
	_ =	sdelay $0x4  }
0x3d8: {  	(v2sf) =	vpush v7, $0x0  }
0x3d9: {  	(v2sf) =	vpush v7, $0xF;
	_ =	sdelay $0xd  }
0x3da: {  	s18 =	spop (v2sf)  }
0x3db: {  	s28 =	spop (v2sf)  }
0x3dc: {  	p3 =	sne.s32 s18, s28  }
.Ltmp9:
0x3dd: {  	_ = 	snop;
	(pc) =	sbr.rel @p3 .LBB2_12-.Ltmp9, $2  }
0x3de: {  	_ = 	snop  }
0x3df: {  	v8 =	vld [tilespmem:s25+$0xFFFFFE00];
	_ =	sdelay $0x2  }
0x3e0: {  	v9 =	vld [tilespmem:s25+$0xFFFFFE40]  }
0x3e1: {  	v10 =	vld [tilespmem:s25+$0xFFFFFE80]  }
0x3e2: {  	v11 =	vld [tilespmem:s25+$0xFFFFFEC0]  }
0x3e3: {  	v12 =	vld [tilespmem:s25+$0xFFFFFF00]  }
0x3e4: {  	v13 =	vld [tilespmem:s25+$0xFFFFFF40]  }
0x3e5: {  	v14 =	vld [tilespmem:s25+$0xFFFFFF80]  }
0x3e6: {  	v15 =	vld [tilespmem:s25+$0xFFFFFFC0]  }
0x3e7: {  	v16 =	vld [tilespmem:s25+$0x0]  }
0x3e8: {  	v17 =	vld [tilespmem:s25+$0x40]  }
0x3e9: {  	v18 =	vld [tilespmem:s25+$0x80]  }
0x3ea: {  	v19 =	vld [tilespmem:s25+$0xC0]  }
0x3eb: {  	v20 =	vld [tilespmem:s25+$0x100]  }
0x3ec: {  	v21 =	vld [tilespmem:s25+$0x140];
	v22 =	vmul.f32 v8, v8;
	v23 =	vmul.f32 v9, v9  }
0x3ed: {  	v24 =	vld [tilespmem:s25+$0x180];
	v25 =	vmul.f32 v10, v10;
	v26 =	vmul.f32 v11, v11  }
0x3ee: {  	v27 =	vld [tilespmem:s25+$0x1C0];
	v28 =	vmul.f32 v12, v12;
	v29 =	vmul.f32 v13, v13  }
0x3ef: {  	v30 =	vmul.f32 v14, v14;
	v31 =	vmul.f32 v15, v15  }
0x3f0: {  	v32 =	vmul.f32 v16, v16;
	v8 =	vadd.f32 v9, v8;
	v48 =	vadd.f32 v11, v10  }
0x3f1: {  	v49 =	vmul.f32 v17, v17;
	v50 =	vadd.f32 v13, v12;
	v51 =	vadd.f32 v15, v14  }
0x3f2: {  	v52 =	vmul.f32 v18, v18;
	v53 =	vadd.f32 v17, v16;
	v54 =	vadd.f32 v19, v18  }
0x3f3: {  	v55 =	vmul.f32 v19, v19;
	v56 =	vadd.f32 v21, v20;
	v57 =	vadd.f32 v27, v24  }
0x3f4: {  	v58 =	vmul.f32 v20, v20;
	v8 =	vadd.f32 v48, v8;
	v59 =	vadd.f32 v51, v50  }
0x3f5: {  	v60 =	vmul.f32 v21, v21;
	v61 =	vadd.f32 v54, v53;
	v62 =	vadd.f32 v57, v56  }
0x3f6: {  	v63 =	vmul.f32 v24, v24;
	v24 =	vadd.f32 v23, v22;
	v26 =	vadd.f32 v26, v25  }
0x3f7: {  	v27 =	vmul.f32 v27, v27;
	v29 =	vadd.f32 v29, v28;
	v30 =	vadd.f32 v31, v30  }
0x3f8: {  	v10 =	vadd.f32 v49, v32;
	v13 =	vadd.f32 v55, v52  }
0x3f9: {  	v11 =	vadd.f32 v60, v58;
	v15 =	vadd.f32 v27, v63  }
0x3fa: {  	v31 =	vadd.f32 v26, v24;
	v32 =	vadd.f32 v30, v29  }
0x3fb: {  	v10 =	vadd.f32 v13, v10;
	v11 =	vadd.f32 v15, v11  }
0x3fc: {  	v8 =	vadd.f32 v59, v8;
	v33 =	vadd.f32 v62, v61  }
0x3fd: {  	s18 =	smul.u32 $0x240, s26;
	v34 =	vadd.f32 v32, v31;
	v10 =	vadd.f32 v11, v10  }
0x3fe: {  	v8 =	vadd.f32 v33, v8  }
0x3ff: {  	s28 =	sshra.s32 s18, $0x2;
	v35 =	vadd.f32 v10, v34  }
0x400: {  	[tilespmem:s28+$0x55A0] =	vst v8  }
0x401: {  	[tilespmem:s28+$0x55E0] =	vst v35  }
0x402: {  	v8 =	vld [tilespmem:s25+$0xFFFFFE10]  }
0x403: {  	v9 =	vld [tilespmem:s25+$0xFFFFFE50]  }
0x404: {  	v36 =	vld [tilespmem:s25+$0xFFFFFE90]  }
0x405: {  	v37 =	vld [tilespmem:s25+$0xFFFFFED0]  }
0x406: {  	v38 =	vld [tilespmem:s25+$0xFFFFFF10]  }
0x407: {  	v39 =	vld [tilespmem:s25+$0xFFFFFF50]  }
0x408: {  	v40 =	vld [tilespmem:s25+$0xFFFFFF90]  }
0x409: {  	v41 =	vld [tilespmem:s25+$0xFFFFFFD0]  }
0x40a: {  	v42 =	vld [tilespmem:s25+$0x10]  }
0x40b: {  	v43 =	vld [tilespmem:s25+$0x50]  }
0x40c: {  	v44 =	vld [tilespmem:s25+$0x90]  }
0x40d: {  	v45 =	vld [tilespmem:s25+$0xD0]  }
0x40e: {  	v46 =	vld [tilespmem:s25+$0x110]  }
0x40f: {  	v47 =	vld [tilespmem:s25+$0x150];
	v48 =	vmul.f32 v8, v8;
	v49 =	vmul.f32 v9, v9  }
0x410: {  	v50 =	vld [tilespmem:s25+$0x190];
	v51 =	vmul.f32 v36, v36;
	v52 =	vmul.f32 v37, v37  }
0x411: {  	v53 =	vld [tilespmem:s25+$0x1D0];
	v54 =	vmul.f32 v38, v38;
	v55 =	vmul.f32 v39, v39  }
0x412: {  	v56 =	vmul.f32 v40, v40;
	v57 =	vmul.f32 v41, v41  }
0x413: {  	v58 =	vmul.f32 v42, v42;
	v8 =	vadd.f32 v9, v8;
	v59 =	vadd.f32 v37, v36  }
0x414: {  	v60 =	vmul.f32 v43, v43;
	v61 =	vadd.f32 v39, v38;
	v62 =	vadd.f32 v41, v40  }
0x415: {  	v63 =	vmul.f32 v44, v44;
	v33 =	vadd.f32 v43, v42;
	v34 =	vadd.f32 v45, v44  }
0x416: {  	v35 =	vmul.f32 v45, v45;
	v36 =	vadd.f32 v47, v46;
	v37 =	vadd.f32 v53, v50  }
0x417: {  	v38 =	vmul.f32 v46, v46;
	v8 =	vadd.f32 v59, v8;
	v39 =	vadd.f32 v62, v61  }
0x418: {  	v40 =	vmul.f32 v47, v47;
	v41 =	vadd.f32 v34, v33;
	v42 =	vadd.f32 v37, v36  }
0x419: {  	v43 =	vmul.f32 v50, v50;
	v44 =	vadd.f32 v49, v48;
	v45 =	vadd.f32 v52, v51  }
0x41a: {  	v46 =	vmul.f32 v53, v53;
	v47 =	vadd.f32 v55, v54;
	v48 =	vadd.f32 v57, v56  }
0x41b: {  	v10 =	vadd.f32 v60, v58;
	v13 =	vadd.f32 v35, v63  }
0x41c: {  	v11 =	vadd.f32 v40, v38;
	v15 =	vadd.f32 v46, v43  }
0x41d: {  	v49 =	vadd.f32 v45, v44;
	v50 =	vadd.f32 v48, v47  }
0x41e: {  	v10 =	vadd.f32 v13, v10;
	v11 =	vadd.f32 v15, v11  }
0x41f: {  	v8 =	vadd.f32 v39, v8;
	v51 =	vadd.f32 v42, v41  }
0x420: {  	v52 =	vadd.f32 v50, v49;
	v10 =	vadd.f32 v11, v10  }
0x421: {  	v8 =	vadd.f32 v51, v8  }
0x422: {  	v53 =	vadd.f32 v10, v52  }
0x423: {  	[tilespmem:s28+$0x55B0] =	vst v8  }
0x424: {  	[tilespmem:s28+$0x55F0] =	vst v53  }
0x425: {  	v8 =	vld [tilespmem:s25+$0xFFFFFE20]  }
0x426: {  	v9 =	vld [tilespmem:s25+$0xFFFFFE60]  }
0x427: {  	v54 =	vld [tilespmem:s25+$0xFFFFFEA0]  }
0x428: {  	v55 =	vld [tilespmem:s25+$0xFFFFFEE0]  }
0x429: {  	v56 =	vld [tilespmem:s25+$0xFFFFFF20]  }
0x42a: {  	v57 =	vld [tilespmem:s25+$0xFFFFFF60]  }
0x42b: {  	v58 =	vld [tilespmem:s25+$0xFFFFFFA0]  }
0x42c: {  	v59 =	vld [tilespmem:s25+$0xFFFFFFE0]  }
0x42d: {  	v60 =	vld [tilespmem:s25+$0x20]  }
0x42e: {  	v61 =	vld [tilespmem:s25+$0x60]  }
0x42f: {  	v62 =	vld [tilespmem:s25+$0xA0]  }
0x430: {  	v63 =	vld [tilespmem:s25+$0xE0]  }
0x431: {  	v36 =	vld [tilespmem:s25+$0x120]  }
0x432: {  	v37 =	vld [tilespmem:s25+$0x160];
	v38 =	vmul.f32 v8, v8;
	v39 =	vmul.f32 v9, v9  }
0x433: {  	v40 =	vld [tilespmem:s25+$0x1A0];
	v41 =	vmul.f32 v54, v54;
	v42 =	vmul.f32 v55, v55  }
0x434: {  	v43 =	vld [tilespmem:s25+$0x1E0];
	v44 =	vmul.f32 v56, v56;
	v45 =	vmul.f32 v57, v57  }
0x435: {  	v46 =	vmul.f32 v58, v58;
	v47 =	vmul.f32 v59, v59  }
0x436: {  	v48 =	vmul.f32 v60, v60;
	v8 =	vadd.f32 v9, v8;
	v49 =	vadd.f32 v55, v54  }
0x437: {  	v50 =	vmul.f32 v61, v61;
	v51 =	vadd.f32 v57, v56;
	v52 =	vadd.f32 v59, v58  }
0x438: {  	v53 =	vmul.f32 v62, v62;
	v54 =	vadd.f32 v61, v60;
	v55 =	vadd.f32 v63, v62  }
0x439: {  	v56 =	vmul.f32 v63, v63;
	v57 =	vadd.f32 v37, v36;
	v58 =	vadd.f32 v43, v40  }
0x43a: {  	v59 =	vmul.f32 v36, v36;
	v8 =	vadd.f32 v49, v8;
	v60 =	vadd.f32 v52, v51  }
0x43b: {  	v61 =	vmul.f32 v37, v37;
	v62 =	vadd.f32 v55, v54;
	v63 =	vadd.f32 v58, v57  }
0x43c: {  	v24 =	vmul.f32 v40, v40;
	v33 =	vadd.f32 v39, v38;
	v34 =	vadd.f32 v42, v41  }
0x43d: {  	v35 =	vmul.f32 v43, v43;
	v36 =	vadd.f32 v45, v44;
	v37 =	vadd.f32 v47, v46  }
0x43e: {  	v10 =	vadd.f32 v50, v48;
	v13 =	vadd.f32 v56, v53  }
0x43f: {  	v11 =	vadd.f32 v61, v59;
	v15 =	vadd.f32 v35, v24  }
0x440: {  	v38 =	vadd.f32 v34, v33;
	v39 =	vadd.f32 v37, v36  }
0x441: {  	v10 =	vadd.f32 v13, v10;
	v11 =	vadd.f32 v15, v11  }
0x442: {  	v8 =	vadd.f32 v60, v8;
	v40 =	vadd.f32 v63, v62  }
0x443: {  	v41 =	vadd.f32 v39, v38;
	v10 =	vadd.f32 v11, v10  }
0x444: {  	v8 =	vadd.f32 v40, v8  }
0x445: {  	v42 =	vadd.f32 v10, v41  }
0x446: {  	[tilespmem:s28+$0x55C0] =	vst v8  }
0x447: {  	[tilespmem:s28+$0x5600] =	vst v42  }
0x448: {  	v8 =	vld [tilespmem:s25+$0xFFFFFE30]  }
0x449: {  	v9 =	vld [tilespmem:s25+$0xFFFFFE70]  }
0x44a: {  	v43 =	vld [tilespmem:s25+$0xFFFFFEB0]  }
0x44b: {  	v44 =	vld [tilespmem:s25+$0xFFFFFEF0]  }
0x44c: {  	v45 =	vld [tilespmem:s25+$0xFFFFFF30]  }
0x44d: {  	v46 =	vld [tilespmem:s25+$0xFFFFFF70]  }
0x44e: {  	v47 =	vld [tilespmem:s25+$0xFFFFFFB0]  }
0x44f: {  	v48 =	vld [tilespmem:s25+$0xFFFFFFF0]  }
0x450: {  	v49 =	vld [tilespmem:s25+$0x30]  }
0x451: {  	v50 =	vld [tilespmem:s25+$0x70]  }
0x452: {  	v51 =	vld [tilespmem:s25+$0xB0]  }
0x453: {  	v52 =	vld [tilespmem:s25+$0xF0]  }
0x454: {  	v53 =	vld [tilespmem:s25+$0x130]  }
0x455: {  	v54 =	vld [tilespmem:s25+$0x170];
	v55 =	vmul.f32 v8, v8;
	v56 =	vmul.f32 v9, v9  }
0x456: {  	v57 =	vld [tilespmem:s25+$0x1B0];
	v58 =	vmul.f32 v43, v43;
	v59 =	vmul.f32 v44, v44  }
0x457: {  	v60 =	vld [tilespmem:s25+$0x1F0];
	v61 =	vmul.f32 v45, v45;
	v62 =	vmul.f32 v46, v46  }
0x458: {  	v63 =	vmul.f32 v47, v47;
	v36 =	vmul.f32 v48, v48  }
0x459: {  	v37 =	vmul.f32 v49, v49;
	v8 =	vadd.f32 v9, v8;
	v38 =	vadd.f32 v44, v43  }
0x45a: {  	v39 =	vmul.f32 v50, v50;
	v40 =	vadd.f32 v46, v45;
	v41 =	vadd.f32 v48, v47  }
0x45b: {  	v42 =	vmul.f32 v51, v51;
	v43 =	vadd.f32 v50, v49;
	v44 =	vadd.f32 v52, v51  }
0x45c: {  	v45 =	vmul.f32 v52, v52;
	v46 =	vadd.f32 v54, v53;
	v47 =	vadd.f32 v60, v57  }
0x45d: {  	v48 =	vmul.f32 v53, v53;
	v8 =	vadd.f32 v38, v8;
	v49 =	vadd.f32 v41, v40  }
0x45e: {  	v50 =	vmul.f32 v54, v54;
	v51 =	vadd.f32 v44, v43;
	v52 =	vadd.f32 v47, v46  }
0x45f: {  	v53 =	vmul.f32 v57, v57;
	v54 =	vadd.f32 v56, v55;
	v55 =	vadd.f32 v59, v58  }
0x460: {  	v56 =	vmul.f32 v60, v60;
	v57 =	vadd.f32 v62, v61;
	v58 =	vadd.f32 v36, v63  }
0x461: {  	v10 =	vadd.f32 v39, v37;
	v13 =	vadd.f32 v45, v42  }
0x462: {  	v11 =	vadd.f32 v50, v48;
	v15 =	vadd.f32 v56, v53  }
0x463: {  	v59 =	vadd.f32 v55, v54;
	v60 =	vadd.f32 v58, v57  }
0x464: {  	v10 =	vadd.f32 v13, v10;
	v11 =	vadd.f32 v15, v11  }
0x465: {  	v8 =	vadd.f32 v49, v8;
	v61 =	vadd.f32 v52, v51  }
0x466: {  	v62 =	vadd.f32 v60, v59;
	v10 =	vadd.f32 v11, v10  }
0x467: {  	v8 =	vadd.f32 v61, v8  }
0x468: {  	[tilespmem:s28+$0x5620] =	vst v6;
	v63 =	vadd.f32 v10, v62  }
0x469: {  	[tilespmem:s28+$0x55D0] =	vst v8  }
0x46a: {  	[tilespmem:s28+$0x5610] =	vst v63  }
0x46b: {  	v8 =	vld [tilespmem:s26+$0x82F0];
	_ =	sdelay $0x1  }
.Ltmp10:
0x46c: {  	_ = 	snop;
	(pc) =	sbr.rel .LBB2_13-.Ltmp10, $3  }
0x46d: {  	_ =	sdelay $0x1  }
0x46e: {  	v7 =	vsel vm1, v7, v8  }
0x46f: {  	s28 =	simm.s32 $0x1;
	[tilespmem:s26+$0x82F0] =	vst v7  }
.LBB2_14:
.Ltmp11:
0x470: {  	(pc) =	sbr.rel @p2 .LBB2_16-.Ltmp11, $2  }
0x471: {  	_ =	sdelay $0x2  }
0x472: {  	[spmem:s3] =	stream.indirect.scatter.add.f32 [tilespmem:s7], [sflag:$0x6], $0x90, s2, s31, $0xb8;
	[tilespmem:$0x1E5A0] =	vst v63  }
0x473: {  	s18 =	smul.u32 $0xA0, s23;
	_ =	sdelay $0x1  }
0x474: {  	s18 =	sadd.s32 s18, s21  }
0x475: {  	s24 =	sshll.u32 s18, $0x7  }
0x476: {  	s24 =	sor.u32 s11, s24  }
.Ltmp12:
0x477: {  	s24 =	sshrl.u32 s24, $0x3;
	(pc) =	sbr.rel .LBB2_4-.Ltmp12, $4  }
0x478: {  	s18 =	sshrl.u32 s18, $0x3;
	s24 =	sadd.s32 s1, s24  }
0x479: {  	[tilespmem:s10], [sflag:$0x2] =	stream.strided.gather [hbm4b:s24+s8], $0x1400, s9, s8, $0x38;
	[tilespmem:$0x1E5A0] =	vst v63  }
0x47a: {  	s23 =	sadd.s32 $0x1, s23;
	s18 =	sadd.s32 s5, s18  }
0x47b: {  	[tilespmem:s31], [sflag:$0x4] =	stream.linear.gather [hbm4b:s18+s4], $0x50, $0x38;
	[tilespmem:$0x1E5A0] =	vst v63  }
.LBB2_17:
0x47c: {  	_ =	sfence.sel $0x180000  }
0x47d: {  	[bflag:$0x0] =	sbarrier.arrive $0xFFFF  }
0x47e: {  	_ =	strace $0x90000047  }
0x47f: {  	s0 =	stileid.u32;
	[bflag:$0x2] =	sbarrier.arrive $0xFFFF  }
0x480: {  	p0 =	sne.s32 s0, $0x0;
	s0 =	rddreg [dreg:$0x6]  }
0x481: {  	s0 =	sadd.s32 @!p0 $0x100000, s0  }
0x482: {  	[sflag:s0] =	ssyncadd.tile.s32 @!p0 $0x1;
	_ =	shalt  }
.Lfunc_end2:
_tile_overlayer_lowered:
.L_overlay_start_2:
0x483: {  	(tag) =	ssettag $0x2  }
0x484: {  	s0 =	rddreg [dreg:$0x0];
	s2 =	stileid.u32  }
0x485: {  	s1 =	rddreg [dreg:$0x1];
	p0 =	sne.s32 s2, $0x0  }
0x486: {  	s3 =	rddreg [dreg:$0x2];
	[bflag:$0x3] =	sbarrier.arrive $0xFFFF;
	s2 =	simm.s32 @!p0 $0x1C07  }
0x487: {  	[timem:s3], [sflag:s2] =	dma.local @!p0 [hbm:s0], s1  }
0x488: {  	s0 =	simm.s32 @!p0 $0x7  }
0x489: {  	_ =	swait.ge @!p0 [sflag:s0], s1  }
0x48a: {  	s1 =	ssub.s32 @!p0 $0x0, s1;
	[sflag:s0] =	ssyncset.done @!p0 $0x0  }
0x48b: {  	[sflag:s0] =	ssyncadd.s32 @!p0 s1  }
0x48c: {  	[bflag:$0x3] =	sbarrier.arrive $0xFFFF  }
0x48d: {  	_ =	shalt  }

</sc_bundles>
